<compile_context>
chip_gen: v7x
topology: tpu7x:2x2x1
jax: 0.10.2.dev20260603
libtpu: 0.0.44.dev20260713+nightly
codegen_flags: <defaults>
</compile_context>

<pallas_src>
import functools

import jax
import jax.numpy as jnp
from jax import lax
from jax.experimental import pallas as pl
from jax.experimental.pallas import tpu as pltpu
from jax.experimental.pallas import tpu_sc as plsc

NC = 2
NS = 16
NW = NC * NS
L = 16

B, T, H, W = 32, 21, 256, 256
HR = H // 2
HALF = HR * W
VPR = W // L
NACC = 2
UNROLL = 1


def _merge(va, ja, vb, jb):
    m = (vb > va) | ((vb == va) & (jb < ja))
    return jnp.where(m, vb, va), jnp.where(m, jb, ja)


def _scan_half(buf, joff):
    neg_inf = jnp.full((L,), -jnp.inf, dtype=jnp.float32)
    zeros = jnp.zeros((L,), dtype=jnp.int32)

    init = tuple((neg_inf, zeros) for _ in range(NACC))

    @pl.loop(0, HR, init_carry=init, unroll=UNROLL)
    def scan(r, carry):
        pairs = list(carry)
        jbase = joff + r * VPR
        for k in range(VPR):
            vacc, jacc = pairs[k % NACC]
            v = buf[r, pl.ds(k * L, L)]
            m = v > vacc
            vacc = jnp.where(m, v, vacc)
            jacc = jnp.where(m, jbase + k, jacc)
            pairs[k % NACC] = (vacc, jacc)
        return tuple(pairs)

    pairs = list(scan)
    while len(pairs) > 1:
        merged = []
        for i in range(0, len(pairs), 2):
            (va, ja), (vb, jb) = pairs[i], pairs[i + 1]
            merged.append(_merge(va, ja, vb, jb))
        pairs = merged
    return pairs[0]


def _lane_argmax(vacc, jacc):
    mval = vacc[0]
    for k in range(1, L):
        mval = jnp.maximum(mval, vacc[k])
    idx = jnp.int32(1 << 30)
    for k in range(L):
        lin = jacc[k] * L + k
        idx = jnp.where(vacc[k] == mval, jnp.minimum(idx, lin), idx)
    return idx


def _sc_argmax(data, t_lo, t_cnt):
    mesh = plsc.VectorSubcoreMesh(
        core_axis_name="c", subcore_axis_name="s", num_cores=NC, num_subcores=NS
    )

    @functools.partial(
        pl.kernel,
        out_type=jax.ShapeDtypeStruct((B, t_cnt, L), jnp.int32),
        mesh=mesh,
        scratch_types=[
            pltpu.VMEM((HR, W), jnp.float32),
            pltpu.VMEM((HR, W), jnp.float32),
            pltpu.VMEM((t_cnt, L), jnp.int32),
            pltpu.SemaphoreType.DMA,
            pltpu.SemaphoreType.DMA,
        ],
    )
    def kern(x_hbm, out_hbm, buf0, buf1, stage, sem0, sem1):
        wid = lax.axis_index("s") * NC + lax.axis_index("c")

        pltpu.async_copy(x_hbm.at[wid, t_lo, pl.ds(0, HR)], buf0, sem0)

        @pl.loop(0, t_cnt)
        def per_map(tt):
            t = t_lo + tt
            pltpu.async_copy(x_hbm.at[wid, t, pl.ds(HR, HR)], buf1, sem1)
            pltpu.make_async_copy(x_hbm.at[wid, t, pl.ds(0, HR)], buf0, sem0).wait()
            vacc0, jacc0 = _scan_half(buf0, 0)

            @pl.when(tt < t_cnt - 1)
            def _():
                pltpu.async_copy(x_hbm.at[wid, t + 1, pl.ds(0, HR)], buf0, sem0)

            pltpu.make_async_copy(x_hbm.at[wid, t, pl.ds(HR, HR)], buf1, sem1).wait()
            vacc1, jacc1 = _scan_half(buf1, HR * VPR)

            m = vacc1 > vacc0
            vacc = jnp.where(m, vacc1, vacc0)
            jacc = jnp.where(m, jacc1, jacc0)
            idx = _lane_argmax(vacc, jacc)
            xcoord = jnp.remainder(idx, W)
            ycoord = idx // W
            lanes = lax.iota(jnp.int32, L)
            row = jnp.where(
                lanes == 0, xcoord, jnp.where(lanes == 1, ycoord, 0)
            ).astype(jnp.int32)
            stage[tt, :] = row

        pltpu.sync_copy(stage, out_hbm.at[wid])

    return kern(data)


T_TC = 7


TC_RB = 8
TC_ILV = 4
TC_NCH = H // TC_RB


def _tc_block_body(x_ref, out_ref):
    pos = (
        lax.broadcasted_iota(jnp.int32, (TC_RB, W), 0) * W
        + lax.broadcasted_iota(jnp.int32, (TC_RB, W), 1)
    )
    big = jnp.full((TC_RB, W), jnp.int32(1 << 30))

    def run_maps(ts):
        accs = {}
        for t in ts:
            accs[t] = [
                [
                    x_ref[0, t, pl.ds(TC_RB * q, TC_RB), :],
                    jnp.full((TC_RB, W), jnp.int32(q)),
                ]
                for q in range(2)
            ]
        for i in range(2, TC_NCH):
            for t in ts:
                v = x_ref[0, t, pl.ds(TC_RB * i, TC_RB), :]
                vacc, iacc = accs[t][i % 2]
                m = v > vacc
                accs[t][i % 2] = [
                    jnp.where(m, v, vacc),
                    jnp.where(m, jnp.int32(i), iacc),
                ]
        for t in ts:
            (v0, i0), (v1, i1) = accs[t]
            mg = (v1 > v0) | ((v1 == v0) & (i1 < i0))
            vacc = jnp.where(mg, v1, v0)
            iacc = jnp.where(mg, i1, i0)
            mval = jnp.max(vacc)
            lin = iacc * (TC_RB * W) + pos
            cand = jnp.where(vacc == mval, lin, big)
            idx = jnp.min(cand)
            out_ref[0, t, 0, :] = jnp.stack([idx % W, idx // W]).reshape(2)

    for p in range(0, T_TC, TC_ILV):
        run_maps(list(range(p, min(p + TC_ILV, T_TC))))


def _tc_argmax(data):
    return pl.pallas_call(
        _tc_block_body,
        grid=(B,),
        in_specs=[pl.BlockSpec((1, T_TC, H, W), lambda b: (b, 0, 0, 0))],
        out_specs=pl.BlockSpec((1, T_TC, 1, 2), lambda b: (b, 0, 0, 0)),
        out_shape=jax.ShapeDtypeStruct((B, T_TC, 1, 2), jnp.int32),
    )(data)


@jax.jit
def kernel(data):
    sc_out = _sc_argmax(data, T_TC, T - T_TC)
    tc_out = _tc_argmax(data)
    coords = jnp.concatenate(
        [tc_out.reshape(B, T_TC, 2), sc_out[:, :, :2]], axis=1
    )
    return coords.astype(jnp.int64)

# --- scband reference (transcript-rebuilt; emitter-appended) ---
"""Pipeline reference for scband-inverse-transform-gt-classification2d-57303453663901 (READ-ONLY COPY).

The authoritative reference and input builder live on the scoring server;
editing this copy changes nothing except your own understanding.
"""

import jax, jax.numpy as jnp
import numpy as np

def setup_inputs(seed: int = 0) -> dict:
    key = jax.random.key(seed)
    data = jax.random.normal(key, (32, 21, 256, 256), dtype=jnp.float32)
    return {"data": data}

def reference(data):
    # torch: mask = (data == amax(data, (-2,-1), keepdims=True)); nonzero -> per-(b,t) max coords;
    # return coords as [..., (x, y)] i.e. (col, row). With continuous random data the max is unique,
    # so this is exactly the 2D argmax location per heatmap.
    b, t, H, W = data.shape
    flat = data.reshape(b, t, H * W)
    idx = jnp.argmax(flat, axis=-1)
    y = idx // W  # row
    x = idx % W   # col
    coords = jnp.stack([x, y], axis=-1).astype(jnp.int64)  # [..., [1, 0]] swap -> (x, y)
    return coords

if __name__ == "__main__":
    import jax
    _d = setup_inputs()
    print(jax.jit(kernel)(*tuple(_d.values())))

</pallas_src>

<mosaic_0001>
#map = affine_map<(d0, d1) -> (0, 0, 0, 0)>
#map1 = affine_map<(d0, d1) -> (0, 0, 0)>
module attributes {stable_mosaic.version = 14 : i64} {
  func.func @kern(%arg0: i32, %arg1: i32, %arg2: memref<32x21x256x256xf32, #tpu.memory_space<hbm>>, %arg3: memref<32x14x16xi32, #tpu.memory_space<hbm>>, %arg4: memref<128x256xf32, #tpu.memory_space<vmem>>, %arg5: memref<128x256xf32, #tpu.memory_space<vmem>>, %arg6: memref<14x16xi32, #tpu.memory_space<vmem>>, %arg7: memref<!tpu.dma_semaphore, #tpu.memory_space<semaphore_mem>>, %arg8: memref<!tpu.dma_semaphore, #tpu.memory_space<semaphore_mem>>) attributes {dimension_semantics = [#tpu.dimension_semantics<core_parallel>, #tpu.dimension_semantics<subcore_parallel>], iteration_bounds = array<i64: 2, 16>, scalar_prefetch = 0 : i64, scratch_operands = 5 : i64, tpu.core_type = #tpu.core_type<sc_vector_subcore>, window_params = [{transform_indices = #map}, {transform_indices = #map1}]} {
    %mul3A = arith.constant 2 : i32
    %mul3A_0 = arith.muli %arg1, %mul3A : i32
    %add3A = arith.addi %mul3A_0, %arg0 : i32
    %dma_start3A = arith.constant 7 : i32
    %dma_start3A_1 = arith.constant 0 : i32
    %dma_start3A_2 = arith.constant 0 : i32
    %dma_start3A_3 = tpu.memref_slice %arg2[%add3A, %dma_start3A, %dma_start3A_1, %dma_start3A_2] : memref<32x21x256x256xf32, #tpu.memory_space<hbm>> -> memref<1x1x128x256xf32, #tpu.memory_space<hbm>>
    %dma_start3A_4 = tpu.memref_squeeze %dma_start3A_3 : memref<1x1x128x256xf32, #tpu.memory_space<hbm>> -> memref<128x256xf32, #tpu.memory_space<hbm>>
    %dma_start3A_5 = arith.constant 0 : i32
    %dma_start3A_6 = arith.constant 0 : i32
    %dma_start3A_7 = tpu.memref_slice %arg2[%add3A, %dma_start3A, %dma_start3A_5, %dma_start3A_6] : memref<32x21x256x256xf32, #tpu.memory_space<hbm>> -> memref<1x1x128x256xf32, #tpu.memory_space<hbm>>
    %dma_start3A_8 = tpu.memref_squeeze %dma_start3A_7 : memref<1x1x128x256xf32, #tpu.memory_space<hbm>> -> memref<128x256xf32, #tpu.memory_space<hbm>>
    tpu.enqueue_dma source(%dma_start3A_8 : memref<128x256xf32, #tpu.memory_space<hbm>>) target(%arg4 : memref<128x256xf32, #tpu.memory_space<vmem>>) target_semaphore(%arg7 : memref<!tpu.dma_semaphore, #tpu.memory_space<semaphore_mem>>)
    %scan3A = arith.constant 0 : i32
    %scan3A_9 = arith.constant 14 : i32
    %scan3A_10 = arith.addi %scan3A, %scan3A_9 : i32
    %scan3A_11 = arith.constant 1 : i32
    scf.for %scan3A_13 = %scan3A to %scan3A_10 step %scan3A_11  : i32 {
      %mul3A_14 = arith.constant 1 : i32
      %mul3A_15 = arith.muli %scan3A_13, %mul3A_14 : i32
      %add3A_16 = arith.constant 0 : i32
      %add3A_17 = arith.addi %add3A_16, %mul3A_15 : i32
      %add3A_18 = arith.constant 7 : i32
      %add3A_19 = arith.addi %add3A_18, %add3A_17 : i32
      %dma_start3A_20 = arith.constant 128 : i32
      %dma_start3A_21 = arith.constant 0 : i32
      %dma_start3A_22 = tpu.memref_slice %arg2[%add3A, %add3A_19, %dma_start3A_20, %dma_start3A_21] : memref<32x21x256x256xf32, #tpu.memory_space<hbm>> -> memref<1x1x128x256xf32, #tpu.memory_space<hbm>>
      %dma_start3A_23 = tpu.memref_squeeze %dma_start3A_22 : memref<1x1x128x256xf32, #tpu.memory_space<hbm>> -> memref<128x256xf32, #tpu.memory_space<hbm>>
      %dma_start3A_24 = arith.constant 128 : i32
      %dma_start3A_25 = arith.constant 0 : i32
      %dma_start3A_26 = tpu.memref_slice %arg2[%add3A, %add3A_19, %dma_start3A_24, %dma_start3A_25] : memref<32x21x256x256xf32, #tpu.memory_space<hbm>> -> memref<1x1x128x256xf32, #tpu.memory_space<hbm>>
      %dma_start3A_27 = tpu.memref_squeeze %dma_start3A_26 : memref<1x1x128x256xf32, #tpu.memory_space<hbm>> -> memref<128x256xf32, #tpu.memory_space<hbm>>
      tpu.enqueue_dma source(%dma_start3A_27 : memref<128x256xf32, #tpu.memory_space<hbm>>) target(%arg5 : memref<128x256xf32, #tpu.memory_space<vmem>>) target_semaphore(%arg8 : memref<!tpu.dma_semaphore, #tpu.memory_space<semaphore_mem>>)
      %dma_wait3A = arith.constant 0 : i32
      %dma_wait3A_28 = arith.constant 0 : i32
      %dma_wait3A_29 = tpu.memref_slice %arg2[%add3A, %add3A_19, %dma_wait3A, %dma_wait3A_28] : memref<32x21x256x256xf32, #tpu.memory_space<hbm>> -> memref<1x1x128x256xf32, #tpu.memory_space<hbm>>
      %dma_wait3A_30 = tpu.memref_squeeze %dma_wait3A_29 : memref<1x1x128x256xf32, #tpu.memory_space<hbm>> -> memref<128x256xf32, #tpu.memory_space<hbm>>
      %dma_wait3A_31 = arith.constant 0 : i32
      %dma_wait3A_32 = arith.constant 0 : i32
      %dma_wait3A_33 = tpu.memref_slice %arg2[%add3A, %add3A_19, %dma_wait3A_31, %dma_wait3A_32] : memref<32x21x256x256xf32, #tpu.memory_space<hbm>> -> memref<1x1x128x256xf32, #tpu.memory_space<hbm>>
      %dma_wait3A_34 = tpu.memref_squeeze %dma_wait3A_33 : memref<1x1x128x256xf32, #tpu.memory_space<hbm>> -> memref<128x256xf32, #tpu.memory_space<hbm>>
      tpu.wait_dma2 semaphore(%arg7 : memref<!tpu.dma_semaphore, #tpu.memory_space<semaphore_mem>>) src(%dma_wait3A_34 : memref<128x256xf32, #tpu.memory_space<hbm>>) dst(%arg4 : memref<128x256xf32, #tpu.memory_space<vmem>>)
      %broadcast_in_dim3A = arith.constant 0xFF800000 : f32
      %broadcast_in_dim3A_35 = vector.broadcast %broadcast_in_dim3A : f32 to vector<16xf32>
      %broadcast_in_dim3A_36 = arith.constant 0 : i32
      %broadcast_in_dim3A_37 = vector.broadcast %broadcast_in_dim3A_36 : i32 to vector<16xi32>
      %scan3A_38 = arith.constant 0 : i32
      %scan3A_39 = arith.constant 128 : i32
      %scan3A_40 = arith.addi %scan3A_38, %scan3A_39 : i32
      %scan3A_41 = arith.constant 1 : i32
      %scan3A_42:4 = scf.for %scan3A_347 = %scan3A_38 to %scan3A_40 step %scan3A_41 iter_args(%scan3A_348 = %broadcast_in_dim3A_35, %scan3A_349 = %broadcast_in_dim3A_37, %scan3A_350 = %broadcast_in_dim3A_35, %scan3A_351 = %broadcast_in_dim3A_37) -> (vector<16xf32>, vector<16xi32>, vector<16xf32>, vector<16xi32>)  : i32 {
        %mul3A_352 = arith.constant 1 : i32
        %mul3A_353 = arith.muli %scan3A_347, %mul3A_352 : i32
        %add3A_354 = arith.constant 0 : i32
        %add3A_355 = arith.addi %add3A_354, %mul3A_353 : i32
        %mul3A_356 = arith.constant 16 : i32
        %mul3A_357 = arith.muli %add3A_355, %mul3A_356 : i32
        %add3A_358 = arith.constant 0 : i32
        %add3A_359 = arith.addi %add3A_358, %mul3A_357 : i32
        %get3A = arith.index_cast %add3A_355 : i32 to index
        %get3A_360 = arith.constant 0 : index
        %get3A_361 = tpu.vector_load %arg4[%get3A, %get3A_360] {strides = array<i32>} : memref<128x256xf32, #tpu.memory_space<vmem>>, vector<1x16xf32>,
        %get3A_362 = vector.shape_cast %get3A_361 : vector<1x16xf32> to vector<16xf32>
        %gt3A_363 = arith.cmpf ogt, %get3A_362, %scan3A_348 : vector<16xf32>
        %select_n3A_364 = arith.select %gt3A_363, %get3A_362, %scan3A_348 : vector<16xi1>, vector<16xf32>
        %add3A_365 = arith.constant 0 : i32
        %add3A_366 = arith.addi %add3A_359, %add3A_365 : i32
        %broadcast_in_dim3A_367 = vector.broadcast %add3A_366 : i32 to vector<16xi32>
        %select_n3A_368 = arith.select %gt3A_363, %broadcast_in_dim3A_367, %scan3A_349 : vector<16xi1>, vector<16xi32>
        %get3A_369 = arith.index_cast %add3A_355 : i32 to index
        %get3A_370 = arith.constant 16 : index
        %get3A_371 = tpu.vector_load %arg4[%get3A_369, %get3A_370] {strides = array<i32>} : memref<128x256xf32, #tpu.memory_space<vmem>>, vector<1x16xf32>,
        %get3A_372 = vector.shape_cast %get3A_371 : vector<1x16xf32> to vector<16xf32>
        %gt3A_373 = arith.cmpf ogt, %get3A_372, %scan3A_350 : vector<16xf32>
        %select_n3A_374 = arith.select %gt3A_373, %get3A_372, %scan3A_350 : vector<16xi1>, vector<16xf32>
        %add3A_375 = arith.constant 1 : i32
        %add3A_376 = arith.addi %add3A_359, %add3A_375 : i32
        %broadcast_in_dim3A_377 = vector.broadcast %add3A_376 : i32 to vector<16xi32>
        %select_n3A_378 = arith.select %gt3A_373, %broadcast_in_dim3A_377, %scan3A_351 : vector<16xi1>, vector<16xi32>
        %get3A_379 = arith.index_cast %add3A_355 : i32 to index
        %get3A_380 = arith.constant 32 : index
        %get3A_381 = tpu.vector_load %arg4[%get3A_379, %get3A_380] {strides = array<i32>} : memref<128x256xf32, #tpu.memory_space<vmem>>, vector<1x16xf32>,
        %get3A_382 = vector.shape_cast %get3A_381 : vector<1x16xf32> to vector<16xf32>
        %gt3A_383 = arith.cmpf ogt, %get3A_382, %select_n3A_364 : vector<16xf32>
        %select_n3A_384 = arith.select %gt3A_383, %get3A_382, %select_n3A_364 : vector<16xi1>, vector<16xf32>
        %add3A_385 = arith.constant 2 : i32
        %add3A_386 = arith.addi %add3A_359, %add3A_385 : i32
        %broadcast_in_dim3A_387 = vector.broadcast %add3A_386 : i32 to vector<16xi32>
        %select_n3A_388 = arith.select %gt3A_383, %broadcast_in_dim3A_387, %select_n3A_368 : vector<16xi1>, vector<16xi32>
        %get3A_389 = arith.index_cast %add3A_355 : i32 to index
        %get3A_390 = arith.constant 48 : index
        %get3A_391 = tpu.vector_load %arg4[%get3A_389, %get3A_390] {strides = array<i32>} : memref<128x256xf32, #tpu.memory_space<vmem>>, vector<1x16xf32>,
        %get3A_392 = vector.shape_cast %get3A_391 : vector<1x16xf32> to vector<16xf32>
        %gt3A_393 = arith.cmpf ogt, %get3A_392, %select_n3A_374 : vector<16xf32>
        %select_n3A_394 = arith.select %gt3A_393, %get3A_392, %select_n3A_374 : vector<16xi1>, vector<16xf32>
        %add3A_395 = arith.constant 3 : i32
        %add3A_396 = arith.addi %add3A_359, %add3A_395 : i32
        %broadcast_in_dim3A_397 = vector.broadcast %add3A_396 : i32 to vector<16xi32>
        %select_n3A_398 = arith.select %gt3A_393, %broadcast_in_dim3A_397, %select_n3A_378 : vector<16xi1>, vector<16xi32>
        %get3A_399 = arith.index_cast %add3A_355 : i32 to index
        %get3A_400 = arith.constant 64 : index
        %get3A_401 = tpu.vector_load %arg4[%get3A_399, %get3A_400] {strides = array<i32>} : memref<128x256xf32, #tpu.memory_space<vmem>>, vector<1x16xf32>,
        %get3A_402 = vector.shape_cast %get3A_401 : vector<1x16xf32> to vector<16xf32>
        %gt3A_403 = arith.cmpf ogt, %get3A_402, %select_n3A_384 : vector<16xf32>
        %select_n3A_404 = arith.select %gt3A_403, %get3A_402, %select_n3A_384 : vector<16xi1>, vector<16xf32>
        %add3A_405 = arith.constant 4 : i32
        %add3A_406 = arith.addi %add3A_359, %add3A_405 : i32
        %broadcast_in_dim3A_407 = vector.broadcast %add3A_406 : i32 to vector<16xi32>
        %select_n3A_408 = arith.select %gt3A_403, %broadcast_in_dim3A_407, %select_n3A_388 : vector<16xi1>, vector<16xi32>
        %get3A_409 = arith.index_cast %add3A_355 : i32 to index
        %get3A_410 = arith.constant 80 : index
        %get3A_411 = tpu.vector_load %arg4[%get3A_409, %get3A_410] {strides = array<i32>} : memref<128x256xf32, #tpu.memory_space<vmem>>, vector<1x16xf32>,
        %get3A_412 = vector.shape_cast %get3A_411 : vector<1x16xf32> to vector<16xf32>
        %gt3A_413 = arith.cmpf ogt, %get3A_412, %select_n3A_394 : vector<16xf32>
        %select_n3A_414 = arith.select %gt3A_413, %get3A_412, %select_n3A_394 : vector<16xi1>, vector<16xf32>
        %add3A_415 = arith.constant 5 : i32
        %add3A_416 = arith.addi %add3A_359, %add3A_415 : i32
        %broadcast_in_dim3A_417 = vector.broadcast %add3A_416 : i32 to vector<16xi32>
        %select_n3A_418 = arith.select %gt3A_413, %broadcast_in_dim3A_417, %select_n3A_398 : vector<16xi1>, vector<16xi32>
        %get3A_419 = arith.index_cast %add3A_355 : i32 to index
        %get3A_420 = arith.constant 96 : index
        %get3A_421 = tpu.vector_load %arg4[%get3A_419, %get3A_420] {strides = array<i32>} : memref<128x256xf32, #tpu.memory_space<vmem>>, vector<1x16xf32>,
        %get3A_422 = vector.shape_cast %get3A_421 : vector<1x16xf32> to vector<16xf32>
        %gt3A_423 = arith.cmpf ogt, %get3A_422, %select_n3A_404 : vector<16xf32>
        %select_n3A_424 = arith.select %gt3A_423, %get3A_422, %select_n3A_404 : vector<16xi1>, vector<16xf32>
        %add3A_425 = arith.constant 6 : i32
        %add3A_426 = arith.addi %add3A_359, %add3A_425 : i32
        %broadcast_in_dim3A_427 = vector.broadcast %add3A_426 : i32 to vector<16xi32>
        %select_n3A_428 = arith.select %gt3A_423, %broadcast_in_dim3A_427, %select_n3A_408 : vector<16xi1>, vector<16xi32>
        %get3A_429 = arith.index_cast %add3A_355 : i32 to index
        %get3A_430 = arith.constant 112 : index
        %get3A_431 = tpu.vector_load %arg4[%get3A_429, %get3A_430] {strides = array<i32>} : memref<128x256xf32, #tpu.memory_space<vmem>>, vector<1x16xf32>,
        %get3A_432 = vector.shape_cast %get3A_431 : vector<1x16xf32> to vector<16xf32>
        %gt3A_433 = arith.cmpf ogt, %get3A_432, %select_n3A_414 : vector<16xf32>
        %select_n3A_434 = arith.select %gt3A_433, %get3A_432, %select_n3A_414 : vector<16xi1>, vector<16xf32>
        %add3A_435 = arith.constant 7 : i32
        %add3A_436 = arith.addi %add3A_359, %add3A_435 : i32
        %broadcast_in_dim3A_437 = vector.broadcast %add3A_436 : i32 to vector<16xi32>
        %select_n3A_438 = arith.select %gt3A_433, %broadcast_in_dim3A_437, %select_n3A_418 : vector<16xi1>, vector<16xi32>
        %get3A_439 = arith.index_cast %add3A_355 : i32 to index
        %get3A_440 = arith.constant 128 : index
        %get3A_441 = tpu.vector_load %arg4[%get3A_439, %get3A_440] {strides = array<i32>} : memref<128x256xf32, #tpu.memory_space<vmem>>, vector<1x16xf32>,
        %get3A_442 = vector.shape_cast %get3A_441 : vector<1x16xf32> to vector<16xf32>
        %gt3A_443 = arith.cmpf ogt, %get3A_442, %select_n3A_424 : vector<16xf32>
        %select_n3A_444 = arith.select %gt3A_443, %get3A_442, %select_n3A_424 : vector<16xi1>, vector<16xf32>
        %add3A_445 = arith.constant 8 : i32
        %add3A_446 = arith.addi %add3A_359, %add3A_445 : i32
        %broadcast_in_dim3A_447 = vector.broadcast %add3A_446 : i32 to vector<16xi32>
        %select_n3A_448 = arith.select %gt3A_443, %broadcast_in_dim3A_447, %select_n3A_428 : vector<16xi1>, vector<16xi32>
        %get3A_449 = arith.index_cast %add3A_355 : i32 to index
        %get3A_450 = arith.constant 144 : index
        %get3A_451 = tpu.vector_load %arg4[%get3A_449, %get3A_450] {strides = array<i32>} : memref<128x256xf32, #tpu.memory_space<vmem>>, vector<1x16xf32>,
        %get3A_452 = vector.shape_cast %get3A_451 : vector<1x16xf32> to vector<16xf32>
        %gt3A_453 = arith.cmpf ogt, %get3A_452, %select_n3A_434 : vector<16xf32>
        %select_n3A_454 = arith.select %gt3A_453, %get3A_452, %select_n3A_434 : vector<16xi1>, vector<16xf32>
        %add3A_455 = arith.constant 9 : i32
        %add3A_456 = arith.addi %add3A_359, %add3A_455 : i32
        %broadcast_in_dim3A_457 = vector.broadcast %add3A_456 : i32 to vector<16xi32>
        %select_n3A_458 = arith.select %gt3A_453, %broadcast_in_dim3A_457, %select_n3A_438 : vector<16xi1>, vector<16xi32>
        %get3A_459 = arith.index_cast %add3A_355 : i32 to index
        %get3A_460 = arith.constant 160 : index
        %get3A_461 = tpu.vector_load %arg4[%get3A_459, %get3A_460] {strides = array<i32>} : memref<128x256xf32, #tpu.memory_space<vmem>>, vector<1x16xf32>,
        %get3A_462 = vector.shape_cast %get3A_461 : vector<1x16xf32> to vector<16xf32>
        %gt3A_463 = arith.cmpf ogt, %get3A_462, %select_n3A_444 : vector<16xf32>
        %select_n3A_464 = arith.select %gt3A_463, %get3A_462, %select_n3A_444 : vector<16xi1>, vector<16xf32>
        %add3A_465 = arith.constant 10 : i32
        %add3A_466 = arith.addi %add3A_359, %add3A_465 : i32
        %broadcast_in_dim3A_467 = vector.broadcast %add3A_466 : i32 to vector<16xi32>
        %select_n3A_468 = arith.select %gt3A_463, %broadcast_in_dim3A_467, %select_n3A_448 : vector<16xi1>, vector<16xi32>
        %get3A_469 = arith.index_cast %add3A_355 : i32 to index
        %get3A_470 = arith.constant 176 : index
        %get3A_471 = tpu.vector_load %arg4[%get3A_469, %get3A_470] {strides = array<i32>} : memref<128x256xf32, #tpu.memory_space<vmem>>, vector<1x16xf32>,
        %get3A_472 = vector.shape_cast %get3A_471 : vector<1x16xf32> to vector<16xf32>
        %gt3A_473 = arith.cmpf ogt, %get3A_472, %select_n3A_454 : vector<16xf32>
        %select_n3A_474 = arith.select %gt3A_473, %get3A_472, %select_n3A_454 : vector<16xi1>, vector<16xf32>
        %add3A_475 = arith.constant 11 : i32
        %add3A_476 = arith.addi %add3A_359, %add3A_475 : i32
        %broadcast_in_dim3A_477 = vector.broadcast %add3A_476 : i32 to vector<16xi32>
        %select_n3A_478 = arith.select %gt3A_473, %broadcast_in_dim3A_477, %select_n3A_458 : vector<16xi1>, vector<16xi32>
        %get3A_479 = arith.index_cast %add3A_355 : i32 to index
        %get3A_480 = arith.constant 192 : index
        %get3A_481 = tpu.vector_load %arg4[%get3A_479, %get3A_480] {strides = array<i32>} : memref<128x256xf32, #tpu.memory_space<vmem>>, vector<1x16xf32>,
        %get3A_482 = vector.shape_cast %get3A_481 : vector<1x16xf32> to vector<16xf32>
        %gt3A_483 = arith.cmpf ogt, %get3A_482, %select_n3A_464 : vector<16xf32>
        %select_n3A_484 = arith.select %gt3A_483, %get3A_482, %select_n3A_464 : vector<16xi1>, vector<16xf32>
        %add3A_485 = arith.constant 12 : i32
        %add3A_486 = arith.addi %add3A_359, %add3A_485 : i32
        %broadcast_in_dim3A_487 = vector.broadcast %add3A_486 : i32 to vector<16xi32>
        %select_n3A_488 = arith.select %gt3A_483, %broadcast_in_dim3A_487, %select_n3A_468 : vector<16xi1>, vector<16xi32>
        %get3A_489 = arith.index_cast %add3A_355 : i32 to index
        %get3A_490 = arith.constant 208 : index
        %get3A_491 = tpu.vector_load %arg4[%get3A_489, %get3A_490] {strides = array<i32>} : memref<128x256xf32, #tpu.memory_space<vmem>>, vector<1x16xf32>,
        %get3A_492 = vector.shape_cast %get3A_491 : vector<1x16xf32> to vector<16xf32>
        %gt3A_493 = arith.cmpf ogt, %get3A_492, %select_n3A_474 : vector<16xf32>
        %select_n3A_494 = arith.select %gt3A_493, %get3A_492, %select_n3A_474 : vector<16xi1>, vector<16xf32>
        %add3A_495 = arith.constant 13 : i32
        %add3A_496 = arith.addi %add3A_359, %add3A_495 : i32
        %broadcast_in_dim3A_497 = vector.broadcast %add3A_496 : i32 to vector<16xi32>
        %select_n3A_498 = arith.select %gt3A_493, %broadcast_in_dim3A_497, %select_n3A_478 : vector<16xi1>, vector<16xi32>
        %get3A_499 = arith.index_cast %add3A_355 : i32 to index
        %get3A_500 = arith.constant 224 : index
        %get3A_501 = tpu.vector_load %arg4[%get3A_499, %get3A_500] {strides = array<i32>} : memref<128x256xf32, #tpu.memory_space<vmem>>, vector<1x16xf32>,
        %get3A_502 = vector.shape_cast %get3A_501 : vector<1x16xf32> to vector<16xf32>
        %gt3A_503 = arith.cmpf ogt, %get3A_502, %select_n3A_484 : vector<16xf32>
        %select_n3A_504 = arith.select %gt3A_503, %get3A_502, %select_n3A_484 : vector<16xi1>, vector<16xf32>
        %add3A_505 = arith.constant 14 : i32
        %add3A_506 = arith.addi %add3A_359, %add3A_505 : i32
        %broadcast_in_dim3A_507 = vector.broadcast %add3A_506 : i32 to vector<16xi32>
        %select_n3A_508 = arith.select %gt3A_503, %broadcast_in_dim3A_507, %select_n3A_488 : vector<16xi1>, vector<16xi32>
        %get3A_509 = arith.index_cast %add3A_355 : i32 to index
        %get3A_510 = arith.constant 240 : index
        %get3A_511 = tpu.vector_load %arg4[%get3A_509, %get3A_510] {strides = array<i32>} : memref<128x256xf32, #tpu.memory_space<vmem>>, vector<1x16xf32>,
        %get3A_512 = vector.shape_cast %get3A_511 : vector<1x16xf32> to vector<16xf32>
        %gt3A_513 = arith.cmpf ogt, %get3A_512, %select_n3A_494 : vector<16xf32>
        %select_n3A_514 = arith.select %gt3A_513, %get3A_512, %select_n3A_494 : vector<16xi1>, vector<16xf32>
        %add3A_515 = arith.constant 15 : i32
        %add3A_516 = arith.addi %add3A_359, %add3A_515 : i32
        %broadcast_in_dim3A_517 = vector.broadcast %add3A_516 : i32 to vector<16xi32>
        %select_n3A_518 = arith.select %gt3A_513, %broadcast_in_dim3A_517, %select_n3A_498 : vector<16xi1>, vector<16xi32>
        scf.yield %select_n3A_504, %select_n3A_508, %select_n3A_514, %select_n3A_518 : vector<16xf32>, vector<16xi32>, vector<16xf32>, vector<16xi32>
      }
      %scan3A_43 = arith.constant 128 : i32
      %gt3A = arith.cmpf ogt, %scan3A_42#2, %scan3A_42#0 : vector<16xf32>
      %eq3A = arith.cmpf oeq, %scan3A_42#2, %scan3A_42#0 : vector<16xf32>
      %lt3A = arith.cmpi slt, %scan3A_42#3, %scan3A_42#1 : vector<16xi32>
      %and3A = arith.andi %eq3A, %lt3A : vector<16xi1>
      %or3A = arith.ori %gt3A, %and3A : vector<16xi1>
      %select_n3A = arith.select %or3A, %scan3A_42#2, %scan3A_42#0 : vector<16xi1>, vector<16xf32>
      %select_n3A_44 = arith.select %or3A, %scan3A_42#3, %scan3A_42#1 : vector<16xi1>, vector<16xi32>
      %lt3A_45 = arith.constant 13 : i32
      %lt3A_46 = arith.cmpi slt, %add3A_17, %lt3A_45 : i32
      %convert_element_type3A = arith.extui %lt3A_46 : i1 to i32
      %cond3A = arith.constant 0 : i32
      %cond3A_47 = arith.cmpi ne, %convert_element_type3A, %cond3A : i32
      scf.if %cond3A_47 {
        %add3A_347 = arith.constant 1 : i32
        %add3A_348 = arith.addi %add3A_19, %add3A_347 : i32
        %dma_start3A_349 = arith.constant 0 : i32
        %dma_start3A_350 = arith.constant 0 : i32
        %dma_start3A_351 = tpu.memref_slice %arg2[%add3A, %add3A_348, %dma_start3A_349, %dma_start3A_350] : memref<32x21x256x256xf32, #tpu.memory_space<hbm>> -> memref<1x1x128x256xf32, #tpu.memory_space<hbm>>
        %dma_start3A_352 = tpu.memref_squeeze %dma_start3A_351 : memref<1x1x128x256xf32, #tpu.memory_space<hbm>> -> memref<128x256xf32, #tpu.memory_space<hbm>>
        %dma_start3A_353 = arith.constant 0 : i32
        %dma_start3A_354 = arith.constant 0 : i32
        %dma_start3A_355 = tpu.memref_slice %arg2[%add3A, %add3A_348, %dma_start3A_353, %dma_start3A_354] : memref<32x21x256x256xf32, #tpu.memory_space<hbm>> -> memref<1x1x128x256xf32, #tpu.memory_space<hbm>>
        %dma_start3A_356 = tpu.memref_squeeze %dma_start3A_355 : memref<1x1x128x256xf32, #tpu.memory_space<hbm>> -> memref<128x256xf32, #tpu.memory_space<hbm>>
        tpu.enqueue_dma source(%dma_start3A_356 : memref<128x256xf32, #tpu.memory_space<hbm>>) target(%arg4 : memref<128x256xf32, #tpu.memory_space<vmem>>) target_semaphore(%arg7 : memref<!tpu.dma_semaphore, #tpu.memory_space<semaphore_mem>>)
      } else {
      }
      %dma_wait3A_48 = arith.constant 128 : i32
      %dma_wait3A_49 = arith.constant 0 : i32
      %dma_wait3A_50 = tpu.memref_slice %arg2[%add3A, %add3A_19, %dma_wait3A_48, %dma_wait3A_49] : memref<32x21x256x256xf32, #tpu.memory_space<hbm>> -> memref<1x1x128x256xf32, #tpu.memory_space<hbm>>
      %dma_wait3A_51 = tpu.memref_squeeze %dma_wait3A_50 : memref<1x1x128x256xf32, #tpu.memory_space<hbm>> -> memref<128x256xf32, #tpu.memory_space<hbm>>
      %dma_wait3A_52 = arith.constant 128 : i32
      %dma_wait3A_53 = arith.constant 0 : i32
      %dma_wait3A_54 = tpu.memref_slice %arg2[%add3A, %add3A_19, %dma_wait3A_52, %dma_wait3A_53] : memref<32x21x256x256xf32, #tpu.memory_space<hbm>> -> memref<1x1x128x256xf32, #tpu.memory_space<hbm>>
      %dma_wait3A_55 = tpu.memref_squeeze %dma_wait3A_54 : memref<1x1x128x256xf32, #tpu.memory_space<hbm>> -> memref<128x256xf32, #tpu.memory_space<hbm>>
      tpu.wait_dma2 semaphore(%arg8 : memref<!tpu.dma_semaphore, #tpu.memory_space<semaphore_mem>>) src(%dma_wait3A_55 : memref<128x256xf32, #tpu.memory_space<hbm>>) dst(%arg5 : memref<128x256xf32, #tpu.memory_space<vmem>>)
      %broadcast_in_dim3A_56 = arith.constant 0xFF800000 : f32
      %broadcast_in_dim3A_57 = vector.broadcast %broadcast_in_dim3A_56 : f32 to vector<16xf32>
      %broadcast_in_dim3A_58 = arith.constant 0 : i32
      %broadcast_in_dim3A_59 = vector.broadcast %broadcast_in_dim3A_58 : i32 to vector<16xi32>
      %scan3A_60 = arith.constant 0 : i32
      %scan3A_61 = arith.constant 128 : i32
      %scan3A_62 = arith.addi %scan3A_60, %scan3A_61 : i32
      %scan3A_63 = arith.constant 1 : i32
      %scan3A_64:4 = scf.for %scan3A_347 = %scan3A_60 to %scan3A_62 step %scan3A_63 iter_args(%scan3A_348 = %broadcast_in_dim3A_57, %scan3A_349 = %broadcast_in_dim3A_59, %scan3A_350 = %broadcast_in_dim3A_57, %scan3A_351 = %broadcast_in_dim3A_59) -> (vector<16xf32>, vector<16xi32>, vector<16xf32>, vector<16xi32>)  : i32 {
        %mul3A_352 = arith.constant 1 : i32
        %mul3A_353 = arith.muli %scan3A_347, %mul3A_352 : i32
        %add3A_354 = arith.constant 0 : i32
        %add3A_355 = arith.addi %add3A_354, %mul3A_353 : i32
        %mul3A_356 = arith.constant 16 : i32
        %mul3A_357 = arith.muli %add3A_355, %mul3A_356 : i32
        %add3A_358 = arith.constant 2048 : i32
        %add3A_359 = arith.addi %add3A_358, %mul3A_357 : i32
        %get3A = arith.index_cast %add3A_355 : i32 to index
        %get3A_360 = arith.constant 0 : index
        %get3A_361 = tpu.vector_load %arg5[%get3A, %get3A_360] {strides = array<i32>} : memref<128x256xf32, #tpu.memory_space<vmem>>, vector<1x16xf32>,
        %get3A_362 = vector.shape_cast %get3A_361 : vector<1x16xf32> to vector<16xf32>
        %gt3A_363 = arith.cmpf ogt, %get3A_362, %scan3A_348 : vector<16xf32>
        %select_n3A_364 = arith.select %gt3A_363, %get3A_362, %scan3A_348 : vector<16xi1>, vector<16xf32>
        %add3A_365 = arith.constant 0 : i32
        %add3A_366 = arith.addi %add3A_359, %add3A_365 : i32
        %broadcast_in_dim3A_367 = vector.broadcast %add3A_366 : i32 to vector<16xi32>
        %select_n3A_368 = arith.select %gt3A_363, %broadcast_in_dim3A_367, %scan3A_349 : vector<16xi1>, vector<16xi32>
        %get3A_369 = arith.index_cast %add3A_355 : i32 to index
        %get3A_370 = arith.constant 16 : index
        %get3A_371 = tpu.vector_load %arg5[%get3A_369, %get3A_370] {strides = array<i32>} : memref<128x256xf32, #tpu.memory_space<vmem>>, vector<1x16xf32>,
        %get3A_372 = vector.shape_cast %get3A_371 : vector<1x16xf32> to vector<16xf32>
        %gt3A_373 = arith.cmpf ogt, %get3A_372, %scan3A_350 : vector<16xf32>
        %select_n3A_374 = arith.select %gt3A_373, %get3A_372, %scan3A_350 : vector<16xi1>, vector<16xf32>
        %add3A_375 = arith.constant 1 : i32
        %add3A_376 = arith.addi %add3A_359, %add3A_375 : i32
        %broadcast_in_dim3A_377 = vector.broadcast %add3A_376 : i32 to vector<16xi32>
        %select_n3A_378 = arith.select %gt3A_373, %broadcast_in_dim3A_377, %scan3A_351 : vector<16xi1>, vector<16xi32>
        %get3A_379 = arith.index_cast %add3A_355 : i32 to index
        %get3A_380 = arith.constant 32 : index
        %get3A_381 = tpu.vector_load %arg5[%get3A_379, %get3A_380] {strides = array<i32>} : memref<128x256xf32, #tpu.memory_space<vmem>>, vector<1x16xf32>,
        %get3A_382 = vector.shape_cast %get3A_381 : vector<1x16xf32> to vector<16xf32>
        %gt3A_383 = arith.cmpf ogt, %get3A_382, %select_n3A_364 : vector<16xf32>
        %select_n3A_384 = arith.select %gt3A_383, %get3A_382, %select_n3A_364 : vector<16xi1>, vector<16xf32>
        %add3A_385 = arith.constant 2 : i32
        %add3A_386 = arith.addi %add3A_359, %add3A_385 : i32
        %broadcast_in_dim3A_387 = vector.broadcast %add3A_386 : i32 to vector<16xi32>
        %select_n3A_388 = arith.select %gt3A_383, %broadcast_in_dim3A_387, %select_n3A_368 : vector<16xi1>, vector<16xi32>
        %get3A_389 = arith.index_cast %add3A_355 : i32 to index
        %get3A_390 = arith.constant 48 : index
        %get3A_391 = tpu.vector_load %arg5[%get3A_389, %get3A_390] {strides = array<i32>} : memref<128x256xf32, #tpu.memory_space<vmem>>, vector<1x16xf32>,
        %get3A_392 = vector.shape_cast %get3A_391 : vector<1x16xf32> to vector<16xf32>
        %gt3A_393 = arith.cmpf ogt, %get3A_392, %select_n3A_374 : vector<16xf32>
        %select_n3A_394 = arith.select %gt3A_393, %get3A_392, %select_n3A_374 : vector<16xi1>, vector<16xf32>
        %add3A_395 = arith.constant 3 : i32
        %add3A_396 = arith.addi %add3A_359, %add3A_395 : i32
        %broadcast_in_dim3A_397 = vector.broadcast %add3A_396 : i32 to vector<16xi32>
        %select_n3A_398 = arith.select %gt3A_393, %broadcast_in_dim3A_397, %select_n3A_378 : vector<16xi1>, vector<16xi32>
        %get3A_399 = arith.index_cast %add3A_355 : i32 to index
        %get3A_400 = arith.constant 64 : index
        %get3A_401 = tpu.vector_load %arg5[%get3A_399, %get3A_400] {strides = array<i32>} : memref<128x256xf32, #tpu.memory_space<vmem>>, vector<1x16xf32>,
        %get3A_402 = vector.shape_cast %get3A_401 : vector<1x16xf32> to vector<16xf32>
        %gt3A_403 = arith.cmpf ogt, %get3A_402, %select_n3A_384 : vector<16xf32>
        %select_n3A_404 = arith.select %gt3A_403, %get3A_402, %select_n3A_384 : vector<16xi1>, vector<16xf32>
        %add3A_405 = arith.constant 4 : i32
        %add3A_406 = arith.addi %add3A_359, %add3A_405 : i32
        %broadcast_in_dim3A_407 = vector.broadcast %add3A_406 : i32 to vector<16xi32>
        %select_n3A_408 = arith.select %gt3A_403, %broadcast_in_dim3A_407, %select_n3A_388 : vector<16xi1>, vector<16xi32>
        %get3A_409 = arith.index_cast %add3A_355 : i32 to index
        %get3A_410 = arith.constant 80 : index
        %get3A_411 = tpu.vector_load %arg5[%get3A_409, %get3A_410] {strides = array<i32>} : memref<128x256xf32, #tpu.memory_space<vmem>>, vector<1x16xf32>,
        %get3A_412 = vector.shape_cast %get3A_411 : vector<1x16xf32> to vector<16xf32>
        %gt3A_413 = arith.cmpf ogt, %get3A_412, %select_n3A_394 : vector<16xf32>
        %select_n3A_414 = arith.select %gt3A_413, %get3A_412, %select_n3A_394 : vector<16xi1>, vector<16xf32>
        %add3A_415 = arith.constant 5 : i32
        %add3A_416 = arith.addi %add3A_359, %add3A_415 : i32
        %broadcast_in_dim3A_417 = vector.broadcast %add3A_416 : i32 to vector<16xi32>
        %select_n3A_418 = arith.select %gt3A_413, %broadcast_in_dim3A_417, %select_n3A_398 : vector<16xi1>, vector<16xi32>
        %get3A_419 = arith.index_cast %add3A_355 : i32 to index
        %get3A_420 = arith.constant 96 : index
        %get3A_421 = tpu.vector_load %arg5[%get3A_419, %get3A_420] {strides = array<i32>} : memref<128x256xf32, #tpu.memory_space<vmem>>, vector<1x16xf32>,
        %get3A_422 = vector.shape_cast %get3A_421 : vector<1x16xf32> to vector<16xf32>
        %gt3A_423 = arith.cmpf ogt, %get3A_422, %select_n3A_404 : vector<16xf32>
        %select_n3A_424 = arith.select %gt3A_423, %get3A_422, %select_n3A_404 : vector<16xi1>, vector<16xf32>
        %add3A_425 = arith.constant 6 : i32
        %add3A_426 = arith.addi %add3A_359, %add3A_425 : i32
        %broadcast_in_dim3A_427 = vector.broadcast %add3A_426 : i32 to vector<16xi32>
        %select_n3A_428 = arith.select %gt3A_423, %broadcast_in_dim3A_427, %select_n3A_408 : vector<16xi1>, vector<16xi32>
        %get3A_429 = arith.index_cast %add3A_355 : i32 to index
        %get3A_430 = arith.constant 112 : index
        %get3A_431 = tpu.vector_load %arg5[%get3A_429, %get3A_430] {strides = array<i32>} : memref<128x256xf32, #tpu.memory_space<vmem>>, vector<1x16xf32>,
        %get3A_432 = vector.shape_cast %get3A_431 : vector<1x16xf32> to vector<16xf32>
        %gt3A_433 = arith.cmpf ogt, %get3A_432, %select_n3A_414 : vector<16xf32>
        %select_n3A_434 = arith.select %gt3A_433, %get3A_432, %select_n3A_414 : vector<16xi1>, vector<16xf32>
        %add3A_435 = arith.constant 7 : i32
        %add3A_436 = arith.addi %add3A_359, %add3A_435 : i32
        %broadcast_in_dim3A_437 = vector.broadcast %add3A_436 : i32 to vector<16xi32>
        %select_n3A_438 = arith.select %gt3A_433, %broadcast_in_dim3A_437, %select_n3A_418 : vector<16xi1>, vector<16xi32>
        %get3A_439 = arith.index_cast %add3A_355 : i32 to index
        %get3A_440 = arith.constant 128 : index
        %get3A_441 = tpu.vector_load %arg5[%get3A_439, %get3A_440] {strides = array<i32>} : memref<128x256xf32, #tpu.memory_space<vmem>>, vector<1x16xf32>,
        %get3A_442 = vector.shape_cast %get3A_441 : vector<1x16xf32> to vector<16xf32>
        %gt3A_443 = arith.cmpf ogt, %get3A_442, %select_n3A_424 : vector<16xf32>
        %select_n3A_444 = arith.select %gt3A_443, %get3A_442, %select_n3A_424 : vector<16xi1>, vector<16xf32>
        %add3A_445 = arith.constant 8 : i32
        %add3A_446 = arith.addi %add3A_359, %add3A_445 : i32
        %broadcast_in_dim3A_447 = vector.broadcast %add3A_446 : i32 to vector<16xi32>
        %select_n3A_448 = arith.select %gt3A_443, %broadcast_in_dim3A_447, %select_n3A_428 : vector<16xi1>, vector<16xi32>
        %get3A_449 = arith.index_cast %add3A_355 : i32 to index
        %get3A_450 = arith.constant 144 : index
        %get3A_451 = tpu.vector_load %arg5[%get3A_449, %get3A_450] {strides = array<i32>} : memref<128x256xf32, #tpu.memory_space<vmem>>, vector<1x16xf32>,
        %get3A_452 = vector.shape_cast %get3A_451 : vector<1x16xf32> to vector<16xf32>
        %gt3A_453 = arith.cmpf ogt, %get3A_452, %select_n3A_434 : vector<16xf32>
        %select_n3A_454 = arith.select %gt3A_453, %get3A_452, %select_n3A_434 : vector<16xi1>, vector<16xf32>
        %add3A_455 = arith.constant 9 : i32
        %add3A_456 = arith.addi %add3A_359, %add3A_455 : i32
        %broadcast_in_dim3A_457 = vector.broadcast %add3A_456 : i32 to vector<16xi32>
        %select_n3A_458 = arith.select %gt3A_453, %broadcast_in_dim3A_457, %select_n3A_438 : vector<16xi1>, vector<16xi32>
        %get3A_459 = arith.index_cast %add3A_355 : i32 to index
        %get3A_460 = arith.constant 160 : index
        %get3A_461 = tpu.vector_load %arg5[%get3A_459, %get3A_460] {strides = array<i32>} : memref<128x256xf32, #tpu.memory_space<vmem>>, vector<1x16xf32>,
        %get3A_462 = vector.shape_cast %get3A_461 : vector<1x16xf32> to vector<16xf32>
        %gt3A_463 = arith.cmpf ogt, %get3A_462, %select_n3A_444 : vector<16xf32>
        %select_n3A_464 = arith.select %gt3A_463, %get3A_462, %select_n3A_444 : vector<16xi1>, vector<16xf32>
        %add3A_465 = arith.constant 10 : i32
        %add3A_466 = arith.addi %add3A_359, %add3A_465 : i32
        %broadcast_in_dim3A_467 = vector.broadcast %add3A_466 : i32 to vector<16xi32>
        %select_n3A_468 = arith.select %gt3A_463, %broadcast_in_dim3A_467, %select_n3A_448 : vector<16xi1>, vector<16xi32>
        %get3A_469 = arith.index_cast %add3A_355 : i32 to index
        %get3A_470 = arith.constant 176 : index
        %get3A_471 = tpu.vector_load %arg5[%get3A_469, %get3A_470] {strides = array<i32>} : memref<128x256xf32, #tpu.memory_space<vmem>>, vector<1x16xf32>,
        %get3A_472 = vector.shape_cast %get3A_471 : vector<1x16xf32> to vector<16xf32>
        %gt3A_473 = arith.cmpf ogt, %get3A_472, %select_n3A_454 : vector<16xf32>
        %select_n3A_474 = arith.select %gt3A_473, %get3A_472, %select_n3A_454 : vector<16xi1>, vector<16xf32>
        %add3A_475 = arith.constant 11 : i32
        %add3A_476 = arith.addi %add3A_359, %add3A_475 : i32
        %broadcast_in_dim3A_477 = vector.broadcast %add3A_476 : i32 to vector<16xi32>
        %select_n3A_478 = arith.select %gt3A_473, %broadcast_in_dim3A_477, %select_n3A_458 : vector<16xi1>, vector<16xi32>
        %get3A_479 = arith.index_cast %add3A_355 : i32 to index
        %get3A_480 = arith.constant 192 : index
        %get3A_481 = tpu.vector_load %arg5[%get3A_479, %get3A_480] {strides = array<i32>} : memref<128x256xf32, #tpu.memory_space<vmem>>, vector<1x16xf32>,
        %get3A_482 = vector.shape_cast %get3A_481 : vector<1x16xf32> to vector<16xf32>
        %gt3A_483 = arith.cmpf ogt, %get3A_482, %select_n3A_464 : vector<16xf32>
        %select_n3A_484 = arith.select %gt3A_483, %get3A_482, %select_n3A_464 : vector<16xi1>, vector<16xf32>
        %add3A_485 = arith.constant 12 : i32
        %add3A_486 = arith.addi %add3A_359, %add3A_485 : i32
        %broadcast_in_dim3A_487 = vector.broadcast %add3A_486 : i32 to vector<16xi32>
        %select_n3A_488 = arith.select %gt3A_483, %broadcast_in_dim3A_487, %select_n3A_468 : vector<16xi1>, vector<16xi32>
        %get3A_489 = arith.index_cast %add3A_355 : i32 to index
        %get3A_490 = arith.constant 208 : index
        %get3A_491 = tpu.vector_load %arg5[%get3A_489, %get3A_490] {strides = array<i32>} : memref<128x256xf32, #tpu.memory_space<vmem>>, vector<1x16xf32>,
        %get3A_492 = vector.shape_cast %get3A_491 : vector<1x16xf32> to vector<16xf32>
        %gt3A_493 = arith.cmpf ogt, %get3A_492, %select_n3A_474 : vector<16xf32>
        %select_n3A_494 = arith.select %gt3A_493, %get3A_492, %select_n3A_474 : vector<16xi1>, vector<16xf32>
        %add3A_495 = arith.constant 13 : i32
        %add3A_496 = arith.addi %add3A_359, %add3A_495 : i32
        %broadcast_in_dim3A_497 = vector.broadcast %add3A_496 : i32 to vector<16xi32>
        %select_n3A_498 = arith.select %gt3A_493, %broadcast_in_dim3A_497, %select_n3A_478 : vector<16xi1>, vector<16xi32>
        %get3A_499 = arith.index_cast %add3A_355 : i32 to index
        %get3A_500 = arith.constant 224 : index
        %get3A_501 = tpu.vector_load %arg5[%get3A_499, %get3A_500] {strides = array<i32>} : memref<128x256xf32, #tpu.memory_space<vmem>>, vector<1x16xf32>,
        %get3A_502 = vector.shape_cast %get3A_501 : vector<1x16xf32> to vector<16xf32>
        %gt3A_503 = arith.cmpf ogt, %get3A_502, %select_n3A_484 : vector<16xf32>
        %select_n3A_504 = arith.select %gt3A_503, %get3A_502, %select_n3A_484 : vector<16xi1>, vector<16xf32>
        %add3A_505 = arith.constant 14 : i32
        %add3A_506 = arith.addi %add3A_359, %add3A_505 : i32
        %broadcast_in_dim3A_507 = vector.broadcast %add3A_506 : i32 to vector<16xi32>
        %select_n3A_508 = arith.select %gt3A_503, %broadcast_in_dim3A_507, %select_n3A_488 : vector<16xi1>, vector<16xi32>
        %get3A_509 = arith.index_cast %add3A_355 : i32 to index
        %get3A_510 = arith.constant 240 : index
        %get3A_511 = tpu.vector_load %arg5[%get3A_509, %get3A_510] {strides = array<i32>} : memref<128x256xf32, #tpu.memory_space<vmem>>, vector<1x16xf32>,
        %get3A_512 = vector.shape_cast %get3A_511 : vector<1x16xf32> to vector<16xf32>
        %gt3A_513 = arith.cmpf ogt, %get3A_512, %select_n3A_494 : vector<16xf32>
        %select_n3A_514 = arith.select %gt3A_513, %get3A_512, %select_n3A_494 : vector<16xi1>, vector<16xf32>
        %add3A_515 = arith.constant 15 : i32
        %add3A_516 = arith.addi %add3A_359, %add3A_515 : i32
        %broadcast_in_dim3A_517 = vector.broadcast %add3A_516 : i32 to vector<16xi32>
        %select_n3A_518 = arith.select %gt3A_513, %broadcast_in_dim3A_517, %select_n3A_498 : vector<16xi1>, vector<16xi32>
        scf.yield %select_n3A_504, %select_n3A_508, %select_n3A_514, %select_n3A_518 : vector<16xf32>, vector<16xi32>, vector<16xf32>, vector<16xi32>
      }
      %scan3A_65 = arith.constant 128 : i32
      %gt3A_66 = arith.cmpf ogt, %scan3A_64#2, %scan3A_64#0 : vector<16xf32>
      %eq3A_67 = arith.cmpf oeq, %scan3A_64#2, %scan3A_64#0 : vector<16xf32>
      %lt3A_68 = arith.cmpi slt, %scan3A_64#3, %scan3A_64#1 : vector<16xi32>
      %and3A_69 = arith.andi %eq3A_67, %lt3A_68 : vector<16xi1>
      %or3A_70 = arith.ori %gt3A_66, %and3A_69 : vector<16xi1>
      %select_n3A_71 = arith.select %or3A_70, %scan3A_64#2, %scan3A_64#0 : vector<16xi1>, vector<16xf32>
      %select_n3A_72 = arith.select %or3A_70, %scan3A_64#3, %scan3A_64#1 : vector<16xi1>, vector<16xi32>
      %gt3A_73 = arith.cmpf ogt, %select_n3A_71, %select_n3A : vector<16xf32>
      %select_n3A_74 = arith.select %gt3A_73, %select_n3A_71, %select_n3A : vector<16xi1>, vector<16xf32>
      %select_n3A_75 = arith.select %gt3A_73, %select_n3A_72, %select_n3A_44 : vector<16xi1>, vector<16xi32>
      %slice3A = vector.extract_strided_slice %select_n3A_74 {offsets = [0], sizes = [1], strides = [1]} : vector<16xf32> to vector<1xf32>
      %squeeze3A = vector.extract %slice3A[0] : f32 from vector<1xf32>
      %slice3A_76 = vector.extract_strided_slice %select_n3A_74 {offsets = [1], sizes = [1], strides = [1]} : vector<16xf32> to vector<1xf32>
      %squeeze3A_77 = vector.extract %slice3A_76[0] : f32 from vector<1xf32>
      %max3A = arith.maximumf %squeeze3A, %squeeze3A_77 : f32
      %slice3A_78 = vector.extract_strided_slice %select_n3A_74 {offsets = [2], sizes = [1], strides = [1]} : vector<16xf32> to vector<1xf32>
      %squeeze3A_79 = vector.extract %slice3A_78[0] : f32 from vector<1xf32>
      %max3A_80 = arith.maximumf %max3A, %squeeze3A_79 : f32
      %slice3A_81 = vector.extract_strided_slice %select_n3A_74 {offsets = [3], sizes = [1], strides = [1]} : vector<16xf32> to vector<1xf32>
      %squeeze3A_82 = vector.extract %slice3A_81[0] : f32 from vector<1xf32>
      %max3A_83 = arith.maximumf %max3A_80, %squeeze3A_82 : f32
      %slice3A_84 = vector.extract_strided_slice %select_n3A_74 {offsets = [4], sizes = [1], strides = [1]} : vector<16xf32> to vector<1xf32>
      %squeeze3A_85 = vector.extract %slice3A_84[0] : f32 from vector<1xf32>
      %max3A_86 = arith.maximumf %max3A_83, %squeeze3A_85 : f32
      %slice3A_87 = vector.extract_strided_slice %select_n3A_74 {offsets = [5], sizes = [1], strides = [1]} : vector<16xf32> to vector<1xf32>
      %squeeze3A_88 = vector.extract %slice3A_87[0] : f32 from vector<1xf32>
      %max3A_89 = arith.maximumf %max3A_86, %squeeze3A_88 : f32
      %slice3A_90 = vector.extract_strided_slice %select_n3A_74 {offsets = [6], sizes = [1], strides = [1]} : vector<16xf32> to vector<1xf32>
      %squeeze3A_91 = vector.extract %slice3A_90[0] : f32 from vector<1xf32>
      %max3A_92 = arith.maximumf %max3A_89, %squeeze3A_91 : f32
      %slice3A_93 = vector.extract_strided_slice %select_n3A_74 {offsets = [7], sizes = [1], strides = [1]} : vector<16xf32> to vector<1xf32>
      %squeeze3A_94 = vector.extract %slice3A_93[0] : f32 from vector<1xf32>
      %max3A_95 = arith.maximumf %max3A_92, %squeeze3A_94 : f32
      %slice3A_96 = vector.extract_strided_slice %select_n3A_74 {offsets = [8], sizes = [1], strides = [1]} : vector<16xf32> to vector<1xf32>
      %squeeze3A_97 = vector.extract %slice3A_96[0] : f32 from vector<1xf32>
      %max3A_98 = arith.maximumf %max3A_95, %squeeze3A_97 : f32
      %slice3A_99 = vector.extract_strided_slice %select_n3A_74 {offsets = [9], sizes = [1], strides = [1]} : vector<16xf32> to vector<1xf32>
      %squeeze3A_100 = vector.extract %slice3A_99[0] : f32 from vector<1xf32>
      %max3A_101 = arith.maximumf %max3A_98, %squeeze3A_100 : f32
      %slice3A_102 = vector.extract_strided_slice %select_n3A_74 {offsets = [10], sizes = [1], strides = [1]} : vector<16xf32> to vector<1xf32>
      %squeeze3A_103 = vector.extract %slice3A_102[0] : f32 from vector<1xf32>
      %max3A_104 = arith.maximumf %max3A_101, %squeeze3A_103 : f32
      %slice3A_105 = vector.extract_strided_slice %select_n3A_74 {offsets = [11], sizes = [1], strides = [1]} : vector<16xf32> to vector<1xf32>
      %squeeze3A_106 = vector.extract %slice3A_105[0] : f32 from vector<1xf32>
      %max3A_107 = arith.maximumf %max3A_104, %squeeze3A_106 : f32
      %slice3A_108 = vector.extract_strided_slice %select_n3A_74 {offsets = [12], sizes = [1], strides = [1]} : vector<16xf32> to vector<1xf32>
      %squeeze3A_109 = vector.extract %slice3A_108[0] : f32 from vector<1xf32>
      %max3A_110 = arith.maximumf %max3A_107, %squeeze3A_109 : f32
      %slice3A_111 = vector.extract_strided_slice %select_n3A_74 {offsets = [13], sizes = [1], strides = [1]} : vector<16xf32> to vector<1xf32>
      %squeeze3A_112 = vector.extract %slice3A_111[0] : f32 from vector<1xf32>
      %max3A_113 = arith.maximumf %max3A_110, %squeeze3A_112 : f32
      %slice3A_114 = vector.extract_strided_slice %select_n3A_74 {offsets = [14], sizes = [1], strides = [1]} : vector<16xf32> to vector<1xf32>
      %squeeze3A_115 = vector.extract %slice3A_114[0] : f32 from vector<1xf32>
      %max3A_116 = arith.maximumf %max3A_113, %squeeze3A_115 : f32
      %slice3A_117 = vector.extract_strided_slice %select_n3A_74 {offsets = [15], sizes = [1], strides = [1]} : vector<16xf32> to vector<1xf32>
      %squeeze3A_118 = vector.extract %slice3A_117[0] : f32 from vector<1xf32>
      %max3A_119 = arith.maximumf %max3A_116, %squeeze3A_118 : f32
      %slice3A_120 = vector.extract_strided_slice %select_n3A_75 {offsets = [0], sizes = [1], strides = [1]} : vector<16xi32> to vector<1xi32>
      %squeeze3A_121 = vector.extract %slice3A_120[0] : i32 from vector<1xi32>
      %mul3A_122 = arith.constant 16 : i32
      %mul3A_123 = arith.muli %squeeze3A_121, %mul3A_122 : i32
      %add3A_124 = arith.constant 0 : i32
      %add3A_125 = arith.addi %mul3A_123, %add3A_124 : i32
      %slice3A_126 = vector.extract_strided_slice %select_n3A_74 {offsets = [0], sizes = [1], strides = [1]} : vector<16xf32> to vector<1xf32>
      %squeeze3A_127 = vector.extract %slice3A_126[0] : f32 from vector<1xf32>
      %eq3A_128 = arith.cmpf oeq, %squeeze3A_127, %max3A_119 : f32
      %min3A = arith.constant 1073741824 : i32
      %min3A_129 = arith.minsi %min3A, %add3A_125 : i32
      %jit3A = arith.constant 1073741824 : i32
      %select_n3A_130 = arith.select %eq3A_128, %min3A_129, %jit3A : i32
      %slice3A_131 = vector.extract_strided_slice %select_n3A_75 {offsets = [1], sizes = [1], strides = [1]} : vector<16xi32> to vector<1xi32>
      %squeeze3A_132 = vector.extract %slice3A_131[0] : i32 from vector<1xi32>
      %mul3A_133 = arith.constant 16 : i32
      %mul3A_134 = arith.muli %squeeze3A_132, %mul3A_133 : i32
      %add3A_135 = arith.constant 1 : i32
      %add3A_136 = arith.addi %mul3A_134, %add3A_135 : i32
      %slice3A_137 = vector.extract_strided_slice %select_n3A_74 {offsets = [1], sizes = [1], strides = [1]} : vector<16xf32> to vector<1xf32>
      %squeeze3A_138 = vector.extract %slice3A_137[0] : f32 from vector<1xf32>
      %eq3A_139 = arith.cmpf oeq, %squeeze3A_138, %max3A_119 : f32
      %min3A_140 = arith.minsi %select_n3A_130, %add3A_136 : i32
      %select_n3A_141 = arith.select %eq3A_139, %min3A_140, %select_n3A_130 : i32
      %slice3A_142 = vector.extract_strided_slice %select_n3A_75 {offsets = [2], sizes = [1], strides = [1]} : vector<16xi32> to vector<1xi32>
      %squeeze3A_143 = vector.extract %slice3A_142[0] : i32 from vector<1xi32>
      %mul3A_144 = arith.constant 16 : i32
      %mul3A_145 = arith.muli %squeeze3A_143, %mul3A_144 : i32
      %add3A_146 = arith.constant 2 : i32
      %add3A_147 = arith.addi %mul3A_145, %add3A_146 : i32
      %slice3A_148 = vector.extract_strided_slice %select_n3A_74 {offsets = [2], sizes = [1], strides = [1]} : vector<16xf32> to vector<1xf32>
      %squeeze3A_149 = vector.extract %slice3A_148[0] : f32 from vector<1xf32>
      %eq3A_150 = arith.cmpf oeq, %squeeze3A_149, %max3A_119 : f32
      %min3A_151 = arith.minsi %select_n3A_141, %add3A_147 : i32
      %select_n3A_152 = arith.select %eq3A_150, %min3A_151, %select_n3A_141 : i32
      %slice3A_153 = vector.extract_strided_slice %select_n3A_75 {offsets = [3], sizes = [1], strides = [1]} : vector<16xi32> to vector<1xi32>
      %squeeze3A_154 = vector.extract %slice3A_153[0] : i32 from vector<1xi32>
      %mul3A_155 = arith.constant 16 : i32
      %mul3A_156 = arith.muli %squeeze3A_154, %mul3A_155 : i32
      %add3A_157 = arith.constant 3 : i32
      %add3A_158 = arith.addi %mul3A_156, %add3A_157 : i32
      %slice3A_159 = vector.extract_strided_slice %select_n3A_74 {offsets = [3], sizes = [1], strides = [1]} : vector<16xf32> to vector<1xf32>
      %squeeze3A_160 = vector.extract %slice3A_159[0] : f32 from vector<1xf32>
      %eq3A_161 = arith.cmpf oeq, %squeeze3A_160, %max3A_119 : f32
      %min3A_162 = arith.minsi %select_n3A_152, %add3A_158 : i32
      %select_n3A_163 = arith.select %eq3A_161, %min3A_162, %select_n3A_152 : i32
      %slice3A_164 = vector.extract_strided_slice %select_n3A_75 {offsets = [4], sizes = [1], strides = [1]} : vector<16xi32> to vector<1xi32>
      %squeeze3A_165 = vector.extract %slice3A_164[0] : i32 from vector<1xi32>
      %mul3A_166 = arith.constant 16 : i32
      %mul3A_167 = arith.muli %squeeze3A_165, %mul3A_166 : i32
      %add3A_168 = arith.constant 4 : i32
      %add3A_169 = arith.addi %mul3A_167, %add3A_168 : i32
      %slice3A_170 = vector.extract_strided_slice %select_n3A_74 {offsets = [4], sizes = [1], strides = [1]} : vector<16xf32> to vector<1xf32>
      %squeeze3A_171 = vector.extract %slice3A_170[0] : f32 from vector<1xf32>
      %eq3A_172 = arith.cmpf oeq, %squeeze3A_171, %max3A_119 : f32
      %min3A_173 = arith.minsi %select_n3A_163, %add3A_169 : i32
      %select_n3A_174 = arith.select %eq3A_172, %min3A_173, %select_n3A_163 : i32
      %slice3A_175 = vector.extract_strided_slice %select_n3A_75 {offsets = [5], sizes = [1], strides = [1]} : vector<16xi32> to vector<1xi32>
      %squeeze3A_176 = vector.extract %slice3A_175[0] : i32 from vector<1xi32>
      %mul3A_177 = arith.constant 16 : i32
      %mul3A_178 = arith.muli %squeeze3A_176, %mul3A_177 : i32
      %add3A_179 = arith.constant 5 : i32
      %add3A_180 = arith.addi %mul3A_178, %add3A_179 : i32
      %slice3A_181 = vector.extract_strided_slice %select_n3A_74 {offsets = [5], sizes = [1], strides = [1]} : vector<16xf32> to vector<1xf32>
      %squeeze3A_182 = vector.extract %slice3A_181[0] : f32 from vector<1xf32>
      %eq3A_183 = arith.cmpf oeq, %squeeze3A_182, %max3A_119 : f32
      %min3A_184 = arith.minsi %select_n3A_174, %add3A_180 : i32
      %select_n3A_185 = arith.select %eq3A_183, %min3A_184, %select_n3A_174 : i32
      %slice3A_186 = vector.extract_strided_slice %select_n3A_75 {offsets = [6], sizes = [1], strides = [1]} : vector<16xi32> to vector<1xi32>
      %squeeze3A_187 = vector.extract %slice3A_186[0] : i32 from vector<1xi32>
      %mul3A_188 = arith.constant 16 : i32
      %mul3A_189 = arith.muli %squeeze3A_187, %mul3A_188 : i32
      %add3A_190 = arith.constant 6 : i32
      %add3A_191 = arith.addi %mul3A_189, %add3A_190 : i32
      %slice3A_192 = vector.extract_strided_slice %select_n3A_74 {offsets = [6], sizes = [1], strides = [1]} : vector<16xf32> to vector<1xf32>
      %squeeze3A_193 = vector.extract %slice3A_192[0] : f32 from vector<1xf32>
      %eq3A_194 = arith.cmpf oeq, %squeeze3A_193, %max3A_119 : f32
      %min3A_195 = arith.minsi %select_n3A_185, %add3A_191 : i32
      %select_n3A_196 = arith.select %eq3A_194, %min3A_195, %select_n3A_185 : i32
      %slice3A_197 = vector.extract_strided_slice %select_n3A_75 {offsets = [7], sizes = [1], strides = [1]} : vector<16xi32> to vector<1xi32>
      %squeeze3A_198 = vector.extract %slice3A_197[0] : i32 from vector<1xi32>
      %mul3A_199 = arith.constant 16 : i32
      %mul3A_200 = arith.muli %squeeze3A_198, %mul3A_199 : i32
      %add3A_201 = arith.constant 7 : i32
      %add3A_202 = arith.addi %mul3A_200, %add3A_201 : i32
      %slice3A_203 = vector.extract_strided_slice %select_n3A_74 {offsets = [7], sizes = [1], strides = [1]} : vector<16xf32> to vector<1xf32>
      %squeeze3A_204 = vector.extract %slice3A_203[0] : f32 from vector<1xf32>
      %eq3A_205 = arith.cmpf oeq, %squeeze3A_204, %max3A_119 : f32
      %min3A_206 = arith.minsi %select_n3A_196, %add3A_202 : i32
      %select_n3A_207 = arith.select %eq3A_205, %min3A_206, %select_n3A_196 : i32
      %slice3A_208 = vector.extract_strided_slice %select_n3A_75 {offsets = [8], sizes = [1], strides = [1]} : vector<16xi32> to vector<1xi32>
      %squeeze3A_209 = vector.extract %slice3A_208[0] : i32 from vector<1xi32>
      %mul3A_210 = arith.constant 16 : i32
      %mul3A_211 = arith.muli %squeeze3A_209, %mul3A_210 : i32
      %add3A_212 = arith.constant 8 : i32
      %add3A_213 = arith.addi %mul3A_211, %add3A_212 : i32
      %slice3A_214 = vector.extract_strided_slice %select_n3A_74 {offsets = [8], sizes = [1], strides = [1]} : vector<16xf32> to vector<1xf32>
      %squeeze3A_215 = vector.extract %slice3A_214[0] : f32 from vector<1xf32>
      %eq3A_216 = arith.cmpf oeq, %squeeze3A_215, %max3A_119 : f32
      %min3A_217 = arith.minsi %select_n3A_207, %add3A_213 : i32
      %select_n3A_218 = arith.select %eq3A_216, %min3A_217, %select_n3A_207 : i32
      %slice3A_219 = vector.extract_strided_slice %select_n3A_75 {offsets = [9], sizes = [1], strides = [1]} : vector<16xi32> to vector<1xi32>
      %squeeze3A_220 = vector.extract %slice3A_219[0] : i32 from vector<1xi32>
      %mul3A_221 = arith.constant 16 : i32
      %mul3A_222 = arith.muli %squeeze3A_220, %mul3A_221 : i32
      %add3A_223 = arith.constant 9 : i32
      %add3A_224 = arith.addi %mul3A_222, %add3A_223 : i32
      %slice3A_225 = vector.extract_strided_slice %select_n3A_74 {offsets = [9], sizes = [1], strides = [1]} : vector<16xf32> to vector<1xf32>
      %squeeze3A_226 = vector.extract %slice3A_225[0] : f32 from vector<1xf32>
      %eq3A_227 = arith.cmpf oeq, %squeeze3A_226, %max3A_119 : f32
      %min3A_228 = arith.minsi %select_n3A_218, %add3A_224 : i32
      %select_n3A_229 = arith.select %eq3A_227, %min3A_228, %select_n3A_218 : i32
      %slice3A_230 = vector.extract_strided_slice %select_n3A_75 {offsets = [10], sizes = [1], strides = [1]} : vector<16xi32> to vector<1xi32>
      %squeeze3A_231 = vector.extract %slice3A_230[0] : i32 from vector<1xi32>
      %mul3A_232 = arith.constant 16 : i32
      %mul3A_233 = arith.muli %squeeze3A_231, %mul3A_232 : i32
      %add3A_234 = arith.constant 10 : i32
      %add3A_235 = arith.addi %mul3A_233, %add3A_234 : i32
      %slice3A_236 = vector.extract_strided_slice %select_n3A_74 {offsets = [10], sizes = [1], strides = [1]} : vector<16xf32> to vector<1xf32>
      %squeeze3A_237 = vector.extract %slice3A_236[0] : f32 from vector<1xf32>
      %eq3A_238 = arith.cmpf oeq, %squeeze3A_237, %max3A_119 : f32
      %min3A_239 = arith.minsi %select_n3A_229, %add3A_235 : i32
      %select_n3A_240 = arith.select %eq3A_238, %min3A_239, %select_n3A_229 : i32
      %slice3A_241 = vector.extract_strided_slice %select_n3A_75 {offsets = [11], sizes = [1], strides = [1]} : vector<16xi32> to vector<1xi32>
      %squeeze3A_242 = vector.extract %slice3A_241[0] : i32 from vector<1xi32>
      %mul3A_243 = arith.constant 16 : i32
      %mul3A_244 = arith.muli %squeeze3A_242, %mul3A_243 : i32
      %add3A_245 = arith.constant 11 : i32
      %add3A_246 = arith.addi %mul3A_244, %add3A_245 : i32
      %slice3A_247 = vector.extract_strided_slice %select_n3A_74 {offsets = [11], sizes = [1], strides = [1]} : vector<16xf32> to vector<1xf32>
      %squeeze3A_248 = vector.extract %slice3A_247[0] : f32 from vector<1xf32>
      %eq3A_249 = arith.cmpf oeq, %squeeze3A_248, %max3A_119 : f32
      %min3A_250 = arith.minsi %select_n3A_240, %add3A_246 : i32
      %select_n3A_251 = arith.select %eq3A_249, %min3A_250, %select_n3A_240 : i32
      %slice3A_252 = vector.extract_strided_slice %select_n3A_75 {offsets = [12], sizes = [1], strides = [1]} : vector<16xi32> to vector<1xi32>
      %squeeze3A_253 = vector.extract %slice3A_252[0] : i32 from vector<1xi32>
      %mul3A_254 = arith.constant 16 : i32
      %mul3A_255 = arith.muli %squeeze3A_253, %mul3A_254 : i32
      %add3A_256 = arith.constant 12 : i32
      %add3A_257 = arith.addi %mul3A_255, %add3A_256 : i32
      %slice3A_258 = vector.extract_strided_slice %select_n3A_74 {offsets = [12], sizes = [1], strides = [1]} : vector<16xf32> to vector<1xf32>
      %squeeze3A_259 = vector.extract %slice3A_258[0] : f32 from vector<1xf32>
      %eq3A_260 = arith.cmpf oeq, %squeeze3A_259, %max3A_119 : f32
      %min3A_261 = arith.minsi %select_n3A_251, %add3A_257 : i32
      %select_n3A_262 = arith.select %eq3A_260, %min3A_261, %select_n3A_251 : i32
      %slice3A_263 = vector.extract_strided_slice %select_n3A_75 {offsets = [13], sizes = [1], strides = [1]} : vector<16xi32> to vector<1xi32>
      %squeeze3A_264 = vector.extract %slice3A_263[0] : i32 from vector<1xi32>
      %mul3A_265 = arith.constant 16 : i32
      %mul3A_266 = arith.muli %squeeze3A_264, %mul3A_265 : i32
      %add3A_267 = arith.constant 13 : i32
      %add3A_268 = arith.addi %mul3A_266, %add3A_267 : i32
      %slice3A_269 = vector.extract_strided_slice %select_n3A_74 {offsets = [13], sizes = [1], strides = [1]} : vector<16xf32> to vector<1xf32>
      %squeeze3A_270 = vector.extract %slice3A_269[0] : f32 from vector<1xf32>
      %eq3A_271 = arith.cmpf oeq, %squeeze3A_270, %max3A_119 : f32
      %min3A_272 = arith.minsi %select_n3A_262, %add3A_268 : i32
      %select_n3A_273 = arith.select %eq3A_271, %min3A_272, %select_n3A_262 : i32
      %slice3A_274 = vector.extract_strided_slice %select_n3A_75 {offsets = [14], sizes = [1], strides = [1]} : vector<16xi32> to vector<1xi32>
      %squeeze3A_275 = vector.extract %slice3A_274[0] : i32 from vector<1xi32>
      %mul3A_276 = arith.constant 16 : i32
      %mul3A_277 = arith.muli %squeeze3A_275, %mul3A_276 : i32
      %add3A_278 = arith.constant 14 : i32
      %add3A_279 = arith.addi %mul3A_277, %add3A_278 : i32
      %slice3A_280 = vector.extract_strided_slice %select_n3A_74 {offsets = [14], sizes = [1], strides = [1]} : vector<16xf32> to vector<1xf32>
      %squeeze3A_281 = vector.extract %slice3A_280[0] : f32 from vector<1xf32>
      %eq3A_282 = arith.cmpf oeq, %squeeze3A_281, %max3A_119 : f32
      %min3A_283 = arith.minsi %select_n3A_273, %add3A_279 : i32
      %select_n3A_284 = arith.select %eq3A_282, %min3A_283, %select_n3A_273 : i32
      %slice3A_285 = vector.extract_strided_slice %select_n3A_75 {offsets = [15], sizes = [1], strides = [1]} : vector<16xi32> to vector<1xi32>
      %squeeze3A_286 = vector.extract %slice3A_285[0] : i32 from vector<1xi32>
      %mul3A_287 = arith.constant 16 : i32
      %mul3A_288 = arith.muli %squeeze3A_286, %mul3A_287 : i32
      %add3A_289 = arith.constant 15 : i32
      %add3A_290 = arith.addi %mul3A_288, %add3A_289 : i32
      %slice3A_291 = vector.extract_strided_slice %select_n3A_74 {offsets = [15], sizes = [1], strides = [1]} : vector<16xf32> to vector<1xf32>
      %squeeze3A_292 = vector.extract %slice3A_291[0] : f32 from vector<1xf32>
      %eq3A_293 = arith.cmpf oeq, %squeeze3A_292, %max3A_119 : f32
      %min3A_294 = arith.minsi %select_n3A_284, %add3A_290 : i32
      %select_n3A_295 = arith.select %eq3A_293, %min3A_294, %select_n3A_284 : i32
      %jit3A_296 = arith.constant 256 : i32
      %eq3A_297 = arith.constant 0 : i32
      %eq3A_298 = arith.cmpi eq, %jit3A_296, %eq3A_297 : i32
      %jit3A_299 = arith.constant 1 : i32
      %select_n3A_300 = arith.select %eq3A_298, %jit3A_299, %jit3A_296 : i32
      %rem3A = arith.remsi %select_n3A_295, %select_n3A_300 : i32
      %ne3A = arith.constant 0 : i32
      %ne3A_301 = arith.cmpi ne, %rem3A, %ne3A : i32
      %lt3A_302 = arith.constant 0 : i32
      %lt3A_303 = arith.cmpi slt, %rem3A, %lt3A_302 : i32
      %lt3A_304 = arith.constant 0 : i32
      %lt3A_305 = arith.cmpi slt, %select_n3A_300, %lt3A_304 : i32
      %ne3A_306 = arith.xori %lt3A_303, %lt3A_305 : i1
      %and3A_307 = arith.andi %ne3A_306, %ne3A_301 : i1
      %add3A_308 = arith.addi %rem3A, %select_n3A_300 : i32
      %select_n3A_309 = arith.select %and3A_307, %add3A_308, %rem3A : i32
      %jit3A_310 = arith.constant 256 : i32
      %div3A = arith.divsi %select_n3A_295, %jit3A_310 : i32
      %sign3A = arith.constant 0 : i32
      %sign3A_311 = arith.cmpi sgt, %select_n3A_295, %sign3A : i32
      %sign3A_312 = arith.extui %sign3A_311 : i1 to i32
      %sign3A_313 = arith.constant 0 : i32
      %sign3A_314 = arith.cmpi slt, %select_n3A_295, %sign3A_313 : i32
      %sign3A_315 = arith.extui %sign3A_314 : i1 to i32
      %sign3A_316 = arith.subi %sign3A_312, %sign3A_315 : i32
      %sign3A_317 = arith.constant 0 : i32
      %sign3A_318 = arith.cmpi sgt, %jit3A_310, %sign3A_317 : i32
      %sign3A_319 = arith.extui %sign3A_318 : i1 to i32
      %sign3A_320 = arith.constant 0 : i32
      %sign3A_321 = arith.cmpi slt, %jit3A_310, %sign3A_320 : i32
      %sign3A_322 = arith.extui %sign3A_321 : i1 to i32
      %sign3A_323 = arith.subi %sign3A_319, %sign3A_322 : i32
      %ne3A_324 = arith.cmpi ne, %sign3A_316, %sign3A_323 : i32
      %rem3A_325 = arith.remsi %select_n3A_295, %jit3A_310 : i32
      %ne3A_326 = arith.constant 0 : i32
      %ne3A_327 = arith.cmpi ne, %rem3A_325, %ne3A_326 : i32
      %and3A_328 = arith.andi %ne3A_324, %ne3A_327 : i1
      %sub3A = arith.constant 1 : i32
      %sub3A_329 = arith.subi %div3A, %sub3A : i32
      %select_n3A_330 = arith.select %and3A_328, %sub3A_329, %div3A : i32
      %iota3A = tpu.iota {dimensions = array<i32: 0>} : vector<16xi32>
      %eq3A_331 = arith.constant 0 : i32
      %eq3A_332 = vector.broadcast %eq3A_331 : i32 to vector<16xi32>
      %eq3A_333 = arith.cmpi eq, %iota3A, %eq3A_332 : vector<16xi32>
      %eq3A_334 = arith.constant 1 : i32
      %eq3A_335 = vector.broadcast %eq3A_334 : i32 to vector<16xi32>
      %eq3A_336 = arith.cmpi eq, %iota3A, %eq3A_335 : vector<16xi32>
      %jit3A_337 = arith.constant 0 : i32
      %broadcast_in_dim3A_338 = vector.broadcast %select_n3A_330 : i32 to vector<16xi32>
      %broadcast_in_dim3A_339 = vector.broadcast %jit3A_337 : i32 to vector<16xi32>
      %select_n3A_340 = arith.select %eq3A_336, %broadcast_in_dim3A_338, %broadcast_in_dim3A_339 : vector<16xi1>, vector<16xi32>
      %broadcast_in_dim3A_341 = vector.broadcast %select_n3A_309 : i32 to vector<16xi32>
      %select_n3A_342 = arith.select %eq3A_333, %broadcast_in_dim3A_341, %select_n3A_340 : vector<16xi1>, vector<16xi32>
      %swap3A = arith.index_cast %add3A_17 : i32 to index
      %swap3A_343 = arith.constant 0 : index
      %swap3A_344 = tpu.vector_load %arg6[%swap3A, %swap3A_343] {strides = array<i32>} : memref<14x16xi32, #tpu.memory_space<vmem>>, vector<1x16xi32>,
      %swap3A_345 = vector.shape_cast %swap3A_344 : vector<1x16xi32> to vector<16xi32>
      %swap3A_346 = vector.shape_cast %select_n3A_342 : vector<16xi32> to vector<1x16xi32>
      tpu.vector_store %arg6[%swap3A, %swap3A_343], %swap3A_346 {strides = array<i32>} : memref<14x16xi32, #tpu.memory_space<vmem>>, vector<1x16xi32>,
    }
    %scan3A_12 = arith.constant 14 : i32
    "tpu.region"() ({
      %run_scoped3A = tpu.sem_alloc : memref<!tpu.dma_semaphore, #tpu.memory_space<semaphore_mem>>
      %dma_start3A_13 = arith.constant 0 : i32
      %dma_start3A_14 = arith.constant 0 : i32
      %dma_start3A_15 = tpu.memref_slice %arg3[%add3A, %dma_start3A_13, %dma_start3A_14] : memref<32x14x16xi32, #tpu.memory_space<hbm>> -> memref<1x14x16xi32, #tpu.memory_space<hbm>>
      %dma_start3A_16 = tpu.memref_squeeze %dma_start3A_15 : memref<1x14x16xi32, #tpu.memory_space<hbm>> -> memref<14x16xi32, #tpu.memory_space<hbm>>
      %dma_start3A_17 = arith.constant 0 : i32
      %dma_start3A_18 = arith.constant 0 : i32
      %dma_start3A_19 = tpu.memref_slice %arg3[%add3A, %dma_start3A_17, %dma_start3A_18] : memref<32x14x16xi32, #tpu.memory_space<hbm>> -> memref<1x14x16xi32, #tpu.memory_space<hbm>>
      %dma_start3A_20 = tpu.memref_squeeze %dma_start3A_19 : memref<1x14x16xi32, #tpu.memory_space<hbm>> -> memref<14x16xi32, #tpu.memory_space<hbm>>
      tpu.enqueue_dma source(%arg6 : memref<14x16xi32, #tpu.memory_space<vmem>>) target(%dma_start3A_20 : memref<14x16xi32, #tpu.memory_space<hbm>>) target_semaphore(%run_scoped3A : memref<!tpu.dma_semaphore, #tpu.memory_space<semaphore_mem>>)
      %dma_wait3A = arith.constant 0 : i32
      %dma_wait3A_21 = arith.constant 0 : i32
      %dma_wait3A_22 = tpu.memref_slice %arg3[%add3A, %dma_wait3A, %dma_wait3A_21] : memref<32x14x16xi32, #tpu.memory_space<hbm>> -> memref<1x14x16xi32, #tpu.memory_space<hbm>>
      %dma_wait3A_23 = tpu.memref_squeeze %dma_wait3A_22 : memref<1x14x16xi32, #tpu.memory_space<hbm>> -> memref<14x16xi32, #tpu.memory_space<hbm>>
      %dma_wait3A_24 = arith.constant 0 : i32
      %dma_wait3A_25 = arith.constant 0 : i32
      %dma_wait3A_26 = tpu.memref_slice %arg3[%add3A, %dma_wait3A_24, %dma_wait3A_25] : memref<32x14x16xi32, #tpu.memory_space<hbm>> -> memref<1x14x16xi32, #tpu.memory_space<hbm>>
      %dma_wait3A_27 = tpu.memref_squeeze %dma_wait3A_26 : memref<1x14x16xi32, #tpu.memory_space<hbm>> -> memref<14x16xi32, #tpu.memory_space<hbm>>
      tpu.wait_dma2 semaphore(%run_scoped3A : memref<!tpu.dma_semaphore, #tpu.memory_space<semaphore_mem>>) src(%arg6 : memref<14x16xi32, #tpu.memory_space<vmem>>) dst(%dma_wait3A_27 : memref<14x16xi32, #tpu.memory_space<hbm>>)
      tpu.yield
    }) : () -> ()
    return
  }
}

module attributes {stable_mosaic.version = 14 : i64} {
  func.func @_tc_block_body(%arg0: i32, %arg1: memref<1x7x256x256xf32, #tpu.memory_space<vmem>>, %arg2: memref<1x7x1x2xi32, #tpu.memory_space<vmem>>) attributes {dimension_semantics = [#tpu.dimension_semantics<arbitrary>], iteration_bounds = array<i64: 32>, scalar_prefetch = 0 : i64, scratch_operands = 0 : i64, tpu.core_type = #tpu.core_type<tc>, window_params = [{transform_indices = @transform_0, window_bounds = array<i64: 1, 7, 256, 256>}, {transform_indices = @transform_1, window_bounds = array<i64: 1, 7, 1, 2>}]} {
    %iota3A = tpu.iota {dimensions = array<i32: 0>} : vector<8x256xi32>
    %mul3A = arith.constant 256 : i32
    %mul3A_0 = vector.broadcast %mul3A : i32 to vector<8x256xi32>
    %mul3A_1 = arith.muli %iota3A, %mul3A_0 : vector<8x256xi32>
    %iota3A_2 = tpu.iota {dimensions = array<i32: 1>} : vector<8x256xi32>
    %add3A = arith.addi %mul3A_1, %iota3A_2 : vector<8x256xi32>
    %broadcast_in_dim3A = arith.constant 1073741824 : i32
    %broadcast_in_dim3A_3 = vector.broadcast %broadcast_in_dim3A : i32 to vector<8x256xi32>
    %get3A = arith.constant 0 : index
    %get3A_4 = arith.constant 0 : index
    %get3A_5 = arith.constant 0 : index
    %get3A_6 = arith.constant 0 : index
    %get3A_7 = vector.load %arg1[%get3A, %get3A_4, %get3A_5, %get3A_6] : memref<1x7x256x256xf32, #tpu.memory_space<vmem>>, vector<1x1x8x256xf32>
    %get3A_8 = vector.shape_cast %get3A_7 : vector<1x1x8x256xf32> to vector<8x256xf32>
    %broadcast_in_dim3A_9 = arith.constant 0 : i32
    %broadcast_in_dim3A_10 = vector.broadcast %broadcast_in_dim3A_9 : i32 to vector<8x256xi32>
    %get3A_11 = arith.constant 0 : index
    %get3A_12 = arith.constant 0 : index
    %get3A_13 = arith.constant 8 : index
    %get3A_14 = arith.constant 0 : index
    %get3A_15 = vector.load %arg1[%get3A_11, %get3A_12, %get3A_13, %get3A_14] : memref<1x7x256x256xf32, #tpu.memory_space<vmem>>, vector<1x1x8x256xf32>
    %get3A_16 = vector.shape_cast %get3A_15 : vector<1x1x8x256xf32> to vector<8x256xf32>
    %broadcast_in_dim3A_17 = arith.constant 1 : i32
    %broadcast_in_dim3A_18 = vector.broadcast %broadcast_in_dim3A_17 : i32 to vector<8x256xi32>
    %get3A_19 = arith.constant 0 : index
    %get3A_20 = arith.constant 1 : index
    %get3A_21 = arith.constant 0 : index
    %get3A_22 = arith.constant 0 : index
    %get3A_23 = vector.load %arg1[%get3A_19, %get3A_20, %get3A_21, %get3A_22] : memref<1x7x256x256xf32, #tpu.memory_space<vmem>>, vector<1x1x8x256xf32>
    %get3A_24 = vector.shape_cast %get3A_23 : vector<1x1x8x256xf32> to vector<8x256xf32>
    %broadcast_in_dim3A_25 = arith.constant 0 : i32
    %broadcast_in_dim3A_26 = vector.broadcast %broadcast_in_dim3A_25 : i32 to vector<8x256xi32>
    %get3A_27 = arith.constant 0 : index
    %get3A_28 = arith.constant 1 : index
    %get3A_29 = arith.constant 8 : index
    %get3A_30 = arith.constant 0 : index
    %get3A_31 = vector.load %arg1[%get3A_27, %get3A_28, %get3A_29, %get3A_30] : memref<1x7x256x256xf32, #tpu.memory_space<vmem>>, vector<1x1x8x256xf32>
    %get3A_32 = vector.shape_cast %get3A_31 : vector<1x1x8x256xf32> to vector<8x256xf32>
    %broadcast_in_dim3A_33 = arith.constant 1 : i32
    %broadcast_in_dim3A_34 = vector.broadcast %broadcast_in_dim3A_33 : i32 to vector<8x256xi32>
    %get3A_35 = arith.constant 0 : index
    %get3A_36 = arith.constant 2 : index
    %get3A_37 = arith.constant 0 : index
    %get3A_38 = arith.constant 0 : index
    %get3A_39 = vector.load %arg1[%get3A_35, %get3A_36, %get3A_37, %get3A_38] : memref<1x7x256x256xf32, #tpu.memory_space<vmem>>, vector<1x1x8x256xf32>
    %get3A_40 = vector.shape_cast %get3A_39 : vector<1x1x8x256xf32> to vector<8x256xf32>
    %broadcast_in_dim3A_41 = arith.constant 0 : i32
    %broadcast_in_dim3A_42 = vector.broadcast %broadcast_in_dim3A_41 : i32 to vector<8x256xi32>
    %get3A_43 = arith.constant 0 : index
    %get3A_44 = arith.constant 2 : index
    %get3A_45 = arith.constant 8 : index
    %get3A_46 = arith.constant 0 : index
    %get3A_47 = vector.load %arg1[%get3A_43, %get3A_44, %get3A_45, %get3A_46] : memref<1x7x256x256xf32, #tpu.memory_space<vmem>>, vector<1x1x8x256xf32>
    %get3A_48 = vector.shape_cast %get3A_47 : vector<1x1x8x256xf32> to vector<8x256xf32>
    %broadcast_in_dim3A_49 = arith.constant 1 : i32
    %broadcast_in_dim3A_50 = vector.broadcast %broadcast_in_dim3A_49 : i32 to vector<8x256xi32>
    %get3A_51 = arith.constant 0 : index
    %get3A_52 = arith.constant 3 : index
    %get3A_53 = arith.constant 0 : index
    %get3A_54 = arith.constant 0 : index
    %get3A_55 = vector.load %arg1[%get3A_51, %get3A_52, %get3A_53, %get3A_54] : memref<1x7x256x256xf32, #tpu.memory_space<vmem>>, vector<1x1x8x256xf32>
    %get3A_56 = vector.shape_cast %get3A_55 : vector<1x1x8x256xf32> to vector<8x256xf32>
    %broadcast_in_dim3A_57 = arith.constant 0 : i32
    %broadcast_in_dim3A_58 = vector.broadcast %broadcast_in_dim3A_57 : i32 to vector<8x256xi32>
    %get3A_59 = arith.constant 0 : index
    %get3A_60 = arith.constant 3 : index
    %get3A_61 = arith.constant 8 : index
    %get3A_62 = arith.constant 0 : index
    %get3A_63 = vector.load %arg1[%get3A_59, %get3A_60, %get3A_61, %get3A_62] : memref<1x7x256x256xf32, #tpu.memory_space<vmem>>, vector<1x1x8x256xf32>
    %get3A_64 = vector.shape_cast %get3A_63 : vector<1x1x8x256xf32> to vector<8x256xf32>
    %broadcast_in_dim3A_65 = arith.constant 1 : i32
    %broadcast_in_dim3A_66 = vector.broadcast %broadcast_in_dim3A_65 : i32 to vector<8x256xi32>
    %get3A_67 = arith.constant 0 : index
    %get3A_68 = arith.constant 0 : index
    %get3A_69 = arith.constant 16 : index
    %get3A_70 = arith.constant 0 : index
    %get3A_71 = vector.load %arg1[%get3A_67, %get3A_68, %get3A_69, %get3A_70] : memref<1x7x256x256xf32, #tpu.memory_space<vmem>>, vector<1x1x8x256xf32>
    %get3A_72 = vector.shape_cast %get3A_71 : vector<1x1x8x256xf32> to vector<8x256xf32>
    %gt3A = arith.cmpf ogt, %get3A_72, %get3A_8 : vector<8x256xf32>
    %select_n3A = arith.select %gt3A, %get3A_72, %get3A_8 : vector<8x256xi1>, vector<8x256xf32>
    %jit3A = arith.constant 2 : i32
    %broadcast_in_dim3A_73 = vector.broadcast %jit3A : i32 to vector<8x256xi32>
    %select_n3A_74 = arith.select %gt3A, %broadcast_in_dim3A_73, %broadcast_in_dim3A_10 : vector<8x256xi1>, vector<8x256xi32>
    %get3A_75 = arith.constant 0 : index
    %get3A_76 = arith.constant 1 : index
    %get3A_77 = arith.constant 16 : index
    %get3A_78 = arith.constant 0 : index
    %get3A_79 = vector.load %arg1[%get3A_75, %get3A_76, %get3A_77, %get3A_78] : memref<1x7x256x256xf32, #tpu.memory_space<vmem>>, vector<1x1x8x256xf32>
    %get3A_80 = vector.shape_cast %get3A_79 : vector<1x1x8x256xf32> to vector<8x256xf32>
    %gt3A_81 = arith.cmpf ogt, %get3A_80, %get3A_24 : vector<8x256xf32>
    %select_n3A_82 = arith.select %gt3A_81, %get3A_80, %get3A_24 : vector<8x256xi1>, vector<8x256xf32>
    %jit3A_83 = arith.constant 2 : i32
    %broadcast_in_dim3A_84 = vector.broadcast %jit3A_83 : i32 to vector<8x256xi32>
    %select_n3A_85 = arith.select %gt3A_81, %broadcast_in_dim3A_84, %broadcast_in_dim3A_26 : vector<8x256xi1>, vector<8x256xi32>
    %get3A_86 = arith.constant 0 : index
    %get3A_87 = arith.constant 2 : index
    %get3A_88 = arith.constant 16 : index
    %get3A_89 = arith.constant 0 : index
    %get3A_90 = vector.load %arg1[%get3A_86, %get3A_87, %get3A_88, %get3A_89] : memref<1x7x256x256xf32, #tpu.memory_space<vmem>>, vector<1x1x8x256xf32>
    %get3A_91 = vector.shape_cast %get3A_90 : vector<1x1x8x256xf32> to vector<8x256xf32>
    %gt3A_92 = arith.cmpf ogt, %get3A_91, %get3A_40 : vector<8x256xf32>
    %select_n3A_93 = arith.select %gt3A_92, %get3A_91, %get3A_40 : vector<8x256xi1>, vector<8x256xf32>
    %jit3A_94 = arith.constant 2 : i32
    %broadcast_in_dim3A_95 = vector.broadcast %jit3A_94 : i32 to vector<8x256xi32>
    %select_n3A_96 = arith.select %gt3A_92, %broadcast_in_dim3A_95, %broadcast_in_dim3A_42 : vector<8x256xi1>, vector<8x256xi32>
    %get3A_97 = arith.constant 0 : index
    %get3A_98 = arith.constant 3 : index
    %get3A_99 = arith.constant 16 : index
    %get3A_100 = arith.constant 0 : index
    %get3A_101 = vector.load %arg1[%get3A_97, %get3A_98, %get3A_99, %get3A_100] : memref<1x7x256x256xf32, #tpu.memory_space<vmem>>, vector<1x1x8x256xf32>
    %get3A_102 = vector.shape_cast %get3A_101 : vector<1x1x8x256xf32> to vector<8x256xf32>
    %gt3A_103 = arith.cmpf ogt, %get3A_102, %get3A_56 : vector<8x256xf32>
    %select_n3A_104 = arith.select %gt3A_103, %get3A_102, %get3A_56 : vector<8x256xi1>, vector<8x256xf32>
    %jit3A_105 = arith.constant 2 : i32
    %broadcast_in_dim3A_106 = vector.broadcast %jit3A_105 : i32 to vector<8x256xi32>
    %select_n3A_107 = arith.select %gt3A_103, %broadcast_in_dim3A_106, %broadcast_in_dim3A_58 : vector<8x256xi1>, vector<8x256xi32>
    %get3A_108 = arith.constant 0 : index
    %get3A_109 = arith.constant 0 : index
    %get3A_110 = arith.constant 24 : index
    %get3A_111 = arith.constant 0 : index
    %get3A_112 = vector.load %arg1[%get3A_108, %get3A_109, %get3A_110, %get3A_111] : memref<1x7x256x256xf32, #tpu.memory_space<vmem>>, vector<1x1x8x256xf32>
    %get3A_113 = vector.shape_cast %get3A_112 : vector<1x1x8x256xf32> to vector<8x256xf32>
    %gt3A_114 = arith.cmpf ogt, %get3A_113, %get3A_16 : vector<8x256xf32>
    %select_n3A_115 = arith.select %gt3A_114, %get3A_113, %get3A_16 : vector<8x256xi1>, vector<8x256xf32>
    %jit3A_116 = arith.constant 3 : i32
    %broadcast_in_dim3A_117 = vector.broadcast %jit3A_116 : i32 to vector<8x256xi32>
    %select_n3A_118 = arith.select %gt3A_114, %broadcast_in_dim3A_117, %broadcast_in_dim3A_18 : vector<8x256xi1>, vector<8x256xi32>
    %get3A_119 = arith.constant 0 : index
    %get3A_120 = arith.constant 1 : index
    %get3A_121 = arith.constant 24 : index
    %get3A_122 = arith.constant 0 : index
    %get3A_123 = vector.load %arg1[%get3A_119, %get3A_120, %get3A_121, %get3A_122] : memref<1x7x256x256xf32, #tpu.memory_space<vmem>>, vector<1x1x8x256xf32>
    %get3A_124 = vector.shape_cast %get3A_123 : vector<1x1x8x256xf32> to vector<8x256xf32>
    %gt3A_125 = arith.cmpf ogt, %get3A_124, %get3A_32 : vector<8x256xf32>
    %select_n3A_126 = arith.select %gt3A_125, %get3A_124, %get3A_32 : vector<8x256xi1>, vector<8x256xf32>
    %jit3A_127 = arith.constant 3 : i32
    %broadcast_in_dim3A_128 = vector.broadcast %jit3A_127 : i32 to vector<8x256xi32>
    %select_n3A_129 = arith.select %gt3A_125, %broadcast_in_dim3A_128, %broadcast_in_dim3A_34 : vector<8x256xi1>, vector<8x256xi32>
    %get3A_130 = arith.constant 0 : index
    %get3A_131 = arith.constant 2 : index
    %get3A_132 = arith.constant 24 : index
    %get3A_133 = arith.constant 0 : index
    %get3A_134 = vector.load %arg1[%get3A_130, %get3A_131, %get3A_132, %get3A_133] : memref<1x7x256x256xf32, #tpu.memory_space<vmem>>, vector<1x1x8x256xf32>
    %get3A_135 = vector.shape_cast %get3A_134 : vector<1x1x8x256xf32> to vector<8x256xf32>
    %gt3A_136 = arith.cmpf ogt, %get3A_135, %get3A_48 : vector<8x256xf32>
    %select_n3A_137 = arith.select %gt3A_136, %get3A_135, %get3A_48 : vector<8x256xi1>, vector<8x256xf32>
    %jit3A_138 = arith.constant 3 : i32
    %broadcast_in_dim3A_139 = vector.broadcast %jit3A_138 : i32 to vector<8x256xi32>
    %select_n3A_140 = arith.select %gt3A_136, %broadcast_in_dim3A_139, %broadcast_in_dim3A_50 : vector<8x256xi1>, vector<8x256xi32>
    %get3A_141 = arith.constant 0 : index
    %get3A_142 = arith.constant 3 : index
    %get3A_143 = arith.constant 24 : index
    %get3A_144 = arith.constant 0 : index
    %get3A_145 = vector.load %arg1[%get3A_141, %get3A_142, %get3A_143, %get3A_144] : memref<1x7x256x256xf32, #tpu.memory_space<vmem>>, vector<1x1x8x256xf32>
    %get3A_146 = vector.shape_cast %get3A_145 : vector<1x1x8x256xf32> to vector<8x256xf32>
    %gt3A_147 = arith.cmpf ogt, %get3A_146, %get3A_64 : vector<8x256xf32>
    %select_n3A_148 = arith.select %gt3A_147, %get3A_146, %get3A_64 : vector<8x256xi1>, vector<8x256xf32>
    %jit3A_149 = arith.constant 3 : i32
    %broadcast_in_dim3A_150 = vector.broadcast %jit3A_149 : i32 to vector<8x256xi32>
    %select_n3A_151 = arith.select %gt3A_147, %broadcast_in_dim3A_150, %broadcast_in_dim3A_66 : vector<8x256xi1>, vector<8x256xi32>
    %get3A_152 = arith.constant 0 : index
    %get3A_153 = arith.constant 0 : index
    %get3A_154 = arith.constant 32 : index
    %get3A_155 = arith.constant 0 : index
    %get3A_156 = vector.load %arg1[%get3A_152, %get3A_153, %get3A_154, %get3A_155] : memref<1x7x256x256xf32, #tpu.memory_space<vmem>>, vector<1x1x8x256xf32>
    %get3A_157 = vector.shape_cast %get3A_156 : vector<1x1x8x256xf32> to vector<8x256xf32>
    %gt3A_158 = arith.cmpf ogt, %get3A_157, %select_n3A : vector<8x256xf32>
    %select_n3A_159 = arith.select %gt3A_158, %get3A_157, %select_n3A : vector<8x256xi1>, vector<8x256xf32>
    %jit3A_160 = arith.constant 4 : i32
    %broadcast_in_dim3A_161 = vector.broadcast %jit3A_160 : i32 to vector<8x256xi32>
    %select_n3A_162 = arith.select %gt3A_158, %broadcast_in_dim3A_161, %select_n3A_74 : vector<8x256xi1>, vector<8x256xi32>
    %get3A_163 = arith.constant 0 : index
    %get3A_164 = arith.constant 1 : index
    %get3A_165 = arith.constant 32 : index
    %get3A_166 = arith.constant 0 : index
    %get3A_167 = vector.load %arg1[%get3A_163, %get3A_164, %get3A_165, %get3A_166] : memref<1x7x256x256xf32, #tpu.memory_space<vmem>>, vector<1x1x8x256xf32>
    %get3A_168 = vector.shape_cast %get3A_167 : vector<1x1x8x256xf32> to vector<8x256xf32>
    %gt3A_169 = arith.cmpf ogt, %get3A_168, %select_n3A_82 : vector<8x256xf32>
    %select_n3A_170 = arith.select %gt3A_169, %get3A_168, %select_n3A_82 : vector<8x256xi1>, vector<8x256xf32>
    %jit3A_171 = arith.constant 4 : i32
    %broadcast_in_dim3A_172 = vector.broadcast %jit3A_171 : i32 to vector<8x256xi32>
    %select_n3A_173 = arith.select %gt3A_169, %broadcast_in_dim3A_172, %select_n3A_85 : vector<8x256xi1>, vector<8x256xi32>
    %get3A_174 = arith.constant 0 : index
    %get3A_175 = arith.constant 2 : index
    %get3A_176 = arith.constant 32 : index
    %get3A_177 = arith.constant 0 : index
    %get3A_178 = vector.load %arg1[%get3A_174, %get3A_175, %get3A_176, %get3A_177] : memref<1x7x256x256xf32, #tpu.memory_space<vmem>>, vector<1x1x8x256xf32>
    %get3A_179 = vector.shape_cast %get3A_178 : vector<1x1x8x256xf32> to vector<8x256xf32>
    %gt3A_180 = arith.cmpf ogt, %get3A_179, %select_n3A_93 : vector<8x256xf32>
    %select_n3A_181 = arith.select %gt3A_180, %get3A_179, %select_n3A_93 : vector<8x256xi1>, vector<8x256xf32>
    %jit3A_182 = arith.constant 4 : i32
    %broadcast_in_dim3A_183 = vector.broadcast %jit3A_182 : i32 to vector<8x256xi32>
    %select_n3A_184 = arith.select %gt3A_180, %broadcast_in_dim3A_183, %select_n3A_96 : vector<8x256xi1>, vector<8x256xi32>
    %get3A_185 = arith.constant 0 : index
    %get3A_186 = arith.constant 3 : index
    %get3A_187 = arith.constant 32 : index
    %get3A_188 = arith.constant 0 : index
    %get3A_189 = vector.load %arg1[%get3A_185, %get3A_186, %get3A_187, %get3A_188] : memref<1x7x256x256xf32, #tpu.memory_space<vmem>>, vector<1x1x8x256xf32>
    %get3A_190 = vector.shape_cast %get3A_189 : vector<1x1x8x256xf32> to vector<8x256xf32>
    %gt3A_191 = arith.cmpf ogt, %get3A_190, %select_n3A_104 : vector<8x256xf32>
    %select_n3A_192 = arith.select %gt3A_191, %get3A_190, %select_n3A_104 : vector<8x256xi1>, vector<8x256xf32>
    %jit3A_193 = arith.constant 4 : i32
    %broadcast_in_dim3A_194 = vector.broadcast %jit3A_193 : i32 to vector<8x256xi32>
    %select_n3A_195 = arith.select %gt3A_191, %broadcast_in_dim3A_194, %select_n3A_107 : vector<8x256xi1>, vector<8x256xi32>
    %get3A_196 = arith.constant 0 : index
    %get3A_197 = arith.constant 0 : index
    %get3A_198 = arith.constant 40 : index
    %get3A_199 = arith.constant 0 : index
    %get3A_200 = vector.load %arg1[%get3A_196, %get3A_197, %get3A_198, %get3A_199] : memref<1x7x256x256xf32, #tpu.memory_space<vmem>>, vector<1x1x8x256xf32>
    %get3A_201 = vector.shape_cast %get3A_200 : vector<1x1x8x256xf32> to vector<8x256xf32>
    %gt3A_202 = arith.cmpf ogt, %get3A_201, %select_n3A_115 : vector<8x256xf32>
    %select_n3A_203 = arith.select %gt3A_202, %get3A_201, %select_n3A_115 : vector<8x256xi1>, vector<8x256xf32>
    %jit3A_204 = arith.constant 5 : i32
    %broadcast_in_dim3A_205 = vector.broadcast %jit3A_204 : i32 to vector<8x256xi32>
    %select_n3A_206 = arith.select %gt3A_202, %broadcast_in_dim3A_205, %select_n3A_118 : vector<8x256xi1>, vector<8x256xi32>
    %get3A_207 = arith.constant 0 : index
    %get3A_208 = arith.constant 1 : index
    %get3A_209 = arith.constant 40 : index
    %get3A_210 = arith.constant 0 : index
    %get3A_211 = vector.load %arg1[%get3A_207, %get3A_208, %get3A_209, %get3A_210] : memref<1x7x256x256xf32, #tpu.memory_space<vmem>>, vector<1x1x8x256xf32>
    %get3A_212 = vector.shape_cast %get3A_211 : vector<1x1x8x256xf32> to vector<8x256xf32>
    %gt3A_213 = arith.cmpf ogt, %get3A_212, %select_n3A_126 : vector<8x256xf32>
    %select_n3A_214 = arith.select %gt3A_213, %get3A_212, %select_n3A_126 : vector<8x256xi1>, vector<8x256xf32>
    %jit3A_215 = arith.constant 5 : i32
    %broadcast_in_dim3A_216 = vector.broadcast %jit3A_215 : i32 to vector<8x256xi32>
    %select_n3A_217 = arith.select %gt3A_213, %broadcast_in_dim3A_216, %select_n3A_129 : vector<8x256xi1>, vector<8x256xi32>
    %get3A_218 = arith.constant 0 : index
    %get3A_219 = arith.constant 2 : index
    %get3A_220 = arith.constant 40 : index
    %get3A_221 = arith.constant 0 : index
    %get3A_222 = vector.load %arg1[%get3A_218, %get3A_219, %get3A_220, %get3A_221] : memref<1x7x256x256xf32, #tpu.memory_space<vmem>>, vector<1x1x8x256xf32>
    %get3A_223 = vector.shape_cast %get3A_222 : vector<1x1x8x256xf32> to vector<8x256xf32>
    %gt3A_224 = arith.cmpf ogt, %get3A_223, %select_n3A_137 : vector<8x256xf32>
    %select_n3A_225 = arith.select %gt3A_224, %get3A_223, %select_n3A_137 : vector<8x256xi1>, vector<8x256xf32>
    %jit3A_226 = arith.constant 5 : i32
    %broadcast_in_dim3A_227 = vector.broadcast %jit3A_226 : i32 to vector<8x256xi32>
    %select_n3A_228 = arith.select %gt3A_224, %broadcast_in_dim3A_227, %select_n3A_140 : vector<8x256xi1>, vector<8x256xi32>
    %get3A_229 = arith.constant 0 : index
    %get3A_230 = arith.constant 3 : index
    %get3A_231 = arith.constant 40 : index
    %get3A_232 = arith.constant 0 : index
    %get3A_233 = vector.load %arg1[%get3A_229, %get3A_230, %get3A_231, %get3A_232] : memref<1x7x256x256xf32, #tpu.memory_space<vmem>>, vector<1x1x8x256xf32>
    %get3A_234 = vector.shape_cast %get3A_233 : vector<1x1x8x256xf32> to vector<8x256xf32>
    %gt3A_235 = arith.cmpf ogt, %get3A_234, %select_n3A_148 : vector<8x256xf32>
    %select_n3A_236 = arith.select %gt3A_235, %get3A_234, %select_n3A_148 : vector<8x256xi1>, vector<8x256xf32>
    %jit3A_237 = arith.constant 5 : i32
    %broadcast_in_dim3A_238 = vector.broadcast %jit3A_237 : i32 to vector<8x256xi32>
    %select_n3A_239 = arith.select %gt3A_235, %broadcast_in_dim3A_238, %select_n3A_151 : vector<8x256xi1>, vector<8x256xi32>
    %get3A_240 = arith.constant 0 : index
    %get3A_241 = arith.constant 0 : index
    %get3A_242 = arith.constant 48 : index
    %get3A_243 = arith.constant 0 : index
    %get3A_244 = vector.load %arg1[%get3A_240, %get3A_241, %get3A_242, %get3A_243] : memref<1x7x256x256xf32, #tpu.memory_space<vmem>>, vector<1x1x8x256xf32>
    %get3A_245 = vector.shape_cast %get3A_244 : vector<1x1x8x256xf32> to vector<8x256xf32>
    %gt3A_246 = arith.cmpf ogt, %get3A_245, %select_n3A_159 : vector<8x256xf32>
    %select_n3A_247 = arith.select %gt3A_246, %get3A_245, %select_n3A_159 : vector<8x256xi1>, vector<8x256xf32>
    %jit3A_248 = arith.constant 6 : i32
    %broadcast_in_dim3A_249 = vector.broadcast %jit3A_248 : i32 to vector<8x256xi32>
    %select_n3A_250 = arith.select %gt3A_246, %broadcast_in_dim3A_249, %select_n3A_162 : vector<8x256xi1>, vector<8x256xi32>
    %get3A_251 = arith.constant 0 : index
    %get3A_252 = arith.constant 1 : index
    %get3A_253 = arith.constant 48 : index
    %get3A_254 = arith.constant 0 : index
    %get3A_255 = vector.load %arg1[%get3A_251, %get3A_252, %get3A_253, %get3A_254] : memref<1x7x256x256xf32, #tpu.memory_space<vmem>>, vector<1x1x8x256xf32>
    %get3A_256 = vector.shape_cast %get3A_255 : vector<1x1x8x256xf32> to vector<8x256xf32>
    %gt3A_257 = arith.cmpf ogt, %get3A_256, %select_n3A_170 : vector<8x256xf32>
    %select_n3A_258 = arith.select %gt3A_257, %get3A_256, %select_n3A_170 : vector<8x256xi1>, vector<8x256xf32>
    %jit3A_259 = arith.constant 6 : i32
    %broadcast_in_dim3A_260 = vector.broadcast %jit3A_259 : i32 to vector<8x256xi32>
    %select_n3A_261 = arith.select %gt3A_257, %broadcast_in_dim3A_260, %select_n3A_173 : vector<8x256xi1>, vector<8x256xi32>
    %get3A_262 = arith.constant 0 : index
    %get3A_263 = arith.constant 2 : index
    %get3A_264 = arith.constant 48 : index
    %get3A_265 = arith.constant 0 : index
    %get3A_266 = vector.load %arg1[%get3A_262, %get3A_263, %get3A_264, %get3A_265] : memref<1x7x256x256xf32, #tpu.memory_space<vmem>>, vector<1x1x8x256xf32>
    %get3A_267 = vector.shape_cast %get3A_266 : vector<1x1x8x256xf32> to vector<8x256xf32>
    %gt3A_268 = arith.cmpf ogt, %get3A_267, %select_n3A_181 : vector<8x256xf32>
    %select_n3A_269 = arith.select %gt3A_268, %get3A_267, %select_n3A_181 : vector<8x256xi1>, vector<8x256xf32>
    %jit3A_270 = arith.constant 6 : i32
    %broadcast_in_dim3A_271 = vector.broadcast %jit3A_270 : i32 to vector<8x256xi32>
    %select_n3A_272 = arith.select %gt3A_268, %broadcast_in_dim3A_271, %select_n3A_184 : vector<8x256xi1>, vector<8x256xi32>
    %get3A_273 = arith.constant 0 : index
    %get3A_274 = arith.constant 3 : index
    %get3A_275 = arith.constant 48 : index
    %get3A_276 = arith.constant 0 : index
    %get3A_277 = vector.load %arg1[%get3A_273, %get3A_274, %get3A_275, %get3A_276] : memref<1x7x256x256xf32, #tpu.memory_space<vmem>>, vector<1x1x8x256xf32>
    %get3A_278 = vector.shape_cast %get3A_277 : vector<1x1x8x256xf32> to vector<8x256xf32>
    %gt3A_279 = arith.cmpf ogt, %get3A_278, %select_n3A_192 : vector<8x256xf32>
    %select_n3A_280 = arith.select %gt3A_279, %get3A_278, %select_n3A_192 : vector<8x256xi1>, vector<8x256xf32>
    %jit3A_281 = arith.constant 6 : i32
    %broadcast_in_dim3A_282 = vector.broadcast %jit3A_281 : i32 to vector<8x256xi32>
    %select_n3A_283 = arith.select %gt3A_279, %broadcast_in_dim3A_282, %select_n3A_195 : vector<8x256xi1>, vector<8x256xi32>
    %get3A_284 = arith.constant 0 : index
    %get3A_285 = arith.constant 0 : index
    %get3A_286 = arith.constant 56 : index
    %get3A_287 = arith.constant 0 : index
    %get3A_288 = vector.load %arg1[%get3A_284, %get3A_285, %get3A_286, %get3A_287] : memref<1x7x256x256xf32, #tpu.memory_space<vmem>>, vector<1x1x8x256xf32>
    %get3A_289 = vector.shape_cast %get3A_288 : vector<1x1x8x256xf32> to vector<8x256xf32>
    %gt3A_290 = arith.cmpf ogt, %get3A_289, %select_n3A_203 : vector<8x256xf32>
    %select_n3A_291 = arith.select %gt3A_290, %get3A_289, %select_n3A_203 : vector<8x256xi1>, vector<8x256xf32>
    %jit3A_292 = arith.constant 7 : i32
    %broadcast_in_dim3A_293 = vector.broadcast %jit3A_292 : i32 to vector<8x256xi32>
    %select_n3A_294 = arith.select %gt3A_290, %broadcast_in_dim3A_293, %select_n3A_206 : vector<8x256xi1>, vector<8x256xi32>
    %get3A_295 = arith.constant 0 : index
    %get3A_296 = arith.constant 1 : index
    %get3A_297 = arith.constant 56 : index
    %get3A_298 = arith.constant 0 : index
    %get3A_299 = vector.load %arg1[%get3A_295, %get3A_296, %get3A_297, %get3A_298] : memref<1x7x256x256xf32, #tpu.memory_space<vmem>>, vector<1x1x8x256xf32>
    %get3A_300 = vector.shape_cast %get3A_299 : vector<1x1x8x256xf32> to vector<8x256xf32>
    %gt3A_301 = arith.cmpf ogt, %get3A_300, %select_n3A_214 : vector<8x256xf32>
    %select_n3A_302 = arith.select %gt3A_301, %get3A_300, %select_n3A_214 : vector<8x256xi1>, vector<8x256xf32>
    %jit3A_303 = arith.constant 7 : i32
    %broadcast_in_dim3A_304 = vector.broadcast %jit3A_303 : i32 to vector<8x256xi32>
    %select_n3A_305 = arith.select %gt3A_301, %broadcast_in_dim3A_304, %select_n3A_217 : vector<8x256xi1>, vector<8x256xi32>
    %get3A_306 = arith.constant 0 : index
    %get3A_307 = arith.constant 2 : index
    %get3A_308 = arith.constant 56 : index
    %get3A_309 = arith.constant 0 : index
    %get3A_310 = vector.load %arg1[%get3A_306, %get3A_307, %get3A_308, %get3A_309] : memref<1x7x256x256xf32, #tpu.memory_space<vmem>>, vector<1x1x8x256xf32>
    %get3A_311 = vector.shape_cast %get3A_310 : vector<1x1x8x256xf32> to vector<8x256xf32>
    %gt3A_312 = arith.cmpf ogt, %get3A_311, %select_n3A_225 : vector<8x256xf32>
    %select_n3A_313 = arith.select %gt3A_312, %get3A_311, %select_n3A_225 : vector<8x256xi1>, vector<8x256xf32>
    %jit3A_314 = arith.constant 7 : i32
    %broadcast_in_dim3A_315 = vector.broadcast %jit3A_314 : i32 to vector<8x256xi32>
    %select_n3A_316 = arith.select %gt3A_312, %broadcast_in_dim3A_315, %select_n3A_228 : vector<8x256xi1>, vector<8x256xi32>
    %get3A_317 = arith.constant 0 : index
    %get3A_318 = arith.constant 3 : index
    %get3A_319 = arith.constant 56 : index
    %get3A_320 = arith.constant 0 : index
    %get3A_321 = vector.load %arg1[%get3A_317, %get3A_318, %get3A_319, %get3A_320] : memref<1x7x256x256xf32, #tpu.memory_space<vmem>>, vector<1x1x8x256xf32>
    %get3A_322 = vector.shape_cast %get3A_321 : vector<1x1x8x256xf32> to vector<8x256xf32>
    %gt3A_323 = arith.cmpf ogt, %get3A_322, %select_n3A_236 : vector<8x256xf32>
    %select_n3A_324 = arith.select %gt3A_323, %get3A_322, %select_n3A_236 : vector<8x256xi1>, vector<8x256xf32>
    %jit3A_325 = arith.constant 7 : i32
    %broadcast_in_dim3A_326 = vector.broadcast %jit3A_325 : i32 to vector<8x256xi32>
    %select_n3A_327 = arith.select %gt3A_323, %broadcast_in_dim3A_326, %select_n3A_239 : vector<8x256xi1>, vector<8x256xi32>
    %get3A_328 = arith.constant 0 : index
    %get3A_329 = arith.constant 0 : index
    %get3A_330 = arith.constant 64 : index
    %get3A_331 = arith.constant 0 : index
    %get3A_332 = vector.load %arg1[%get3A_328, %get3A_329, %get3A_330, %get3A_331] : memref<1x7x256x256xf32, #tpu.memory_space<vmem>>, vector<1x1x8x256xf32>
    %get3A_333 = vector.shape_cast %get3A_332 : vector<1x1x8x256xf32> to vector<8x256xf32>
    %gt3A_334 = arith.cmpf ogt, %get3A_333, %select_n3A_247 : vector<8x256xf32>
    %select_n3A_335 = arith.select %gt3A_334, %get3A_333, %select_n3A_247 : vector<8x256xi1>, vector<8x256xf32>
    %jit3A_336 = arith.constant 8 : i32
    %broadcast_in_dim3A_337 = vector.broadcast %jit3A_336 : i32 to vector<8x256xi32>
    %select_n3A_338 = arith.select %gt3A_334, %broadcast_in_dim3A_337, %select_n3A_250 : vector<8x256xi1>, vector<8x256xi32>
    %get3A_339 = arith.constant 0 : index
    %get3A_340 = arith.constant 1 : index
    %get3A_341 = arith.constant 64 : index
    %get3A_342 = arith.constant 0 : index
    %get3A_343 = vector.load %arg1[%get3A_339, %get3A_340, %get3A_341, %get3A_342] : memref<1x7x256x256xf32, #tpu.memory_space<vmem>>, vector<1x1x8x256xf32>
    %get3A_344 = vector.shape_cast %get3A_343 : vector<1x1x8x256xf32> to vector<8x256xf32>
    %gt3A_345 = arith.cmpf ogt, %get3A_344, %select_n3A_258 : vector<8x256xf32>
    %select_n3A_346 = arith.select %gt3A_345, %get3A_344, %select_n3A_258 : vector<8x256xi1>, vector<8x256xf32>
    %jit3A_347 = arith.constant 8 : i32
    %broadcast_in_dim3A_348 = vector.broadcast %jit3A_347 : i32 to vector<8x256xi32>
    %select_n3A_349 = arith.select %gt3A_345, %broadcast_in_dim3A_348, %select_n3A_261 : vector<8x256xi1>, vector<8x256xi32>
    %get3A_350 = arith.constant 0 : index
    %get3A_351 = arith.constant 2 : index
    %get3A_352 = arith.constant 64 : index
    %get3A_353 = arith.constant 0 : index
    %get3A_354 = vector.load %arg1[%get3A_350, %get3A_351, %get3A_352, %get3A_353] : memref<1x7x256x256xf32, #tpu.memory_space<vmem>>, vector<1x1x8x256xf32>
    %get3A_355 = vector.shape_cast %get3A_354 : vector<1x1x8x256xf32> to vector<8x256xf32>
    %gt3A_356 = arith.cmpf ogt, %get3A_355, %select_n3A_269 : vector<8x256xf32>
    %select_n3A_357 = arith.select %gt3A_356, %get3A_355, %select_n3A_269 : vector<8x256xi1>, vector<8x256xf32>
    %jit3A_358 = arith.constant 8 : i32
    %broadcast_in_dim3A_359 = vector.broadcast %jit3A_358 : i32 to vector<8x256xi32>
    %select_n3A_360 = arith.select %gt3A_356, %broadcast_in_dim3A_359, %select_n3A_272 : vector<8x256xi1>, vector<8x256xi32>
    %get3A_361 = arith.constant 0 : index
    %get3A_362 = arith.constant 3 : index
    %get3A_363 = arith.constant 64 : index
    %get3A_364 = arith.constant 0 : index
    %get3A_365 = vector.load %arg1[%get3A_361, %get3A_362, %get3A_363, %get3A_364] : memref<1x7x256x256xf32, #tpu.memory_space<vmem>>, vector<1x1x8x256xf32>
    %get3A_366 = vector.shape_cast %get3A_365 : vector<1x1x8x256xf32> to vector<8x256xf32>
    %gt3A_367 = arith.cmpf ogt, %get3A_366, %select_n3A_280 : vector<8x256xf32>
    %select_n3A_368 = arith.select %gt3A_367, %get3A_366, %select_n3A_280 : vector<8x256xi1>, vector<8x256xf32>
    %jit3A_369 = arith.constant 8 : i32
    %broadcast_in_dim3A_370 = vector.broadcast %jit3A_369 : i32 to vector<8x256xi32>
    %select_n3A_371 = arith.select %gt3A_367, %broadcast_in_dim3A_370, %select_n3A_283 : vector<8x256xi1>, vector<8x256xi32>
    %get3A_372 = arith.constant 0 : index
    %get3A_373 = arith.constant 0 : index
    %get3A_374 = arith.constant 72 : index
    %get3A_375 = arith.constant 0 : index
    %get3A_376 = vector.load %arg1[%get3A_372, %get3A_373, %get3A_374, %get3A_375] : memref<1x7x256x256xf32, #tpu.memory_space<vmem>>, vector<1x1x8x256xf32>
    %get3A_377 = vector.shape_cast %get3A_376 : vector<1x1x8x256xf32> to vector<8x256xf32>
    %gt3A_378 = arith.cmpf ogt, %get3A_377, %select_n3A_291 : vector<8x256xf32>
    %select_n3A_379 = arith.select %gt3A_378, %get3A_377, %select_n3A_291 : vector<8x256xi1>, vector<8x256xf32>
    %jit3A_380 = arith.constant 9 : i32
    %broadcast_in_dim3A_381 = vector.broadcast %jit3A_380 : i32 to vector<8x256xi32>
    %select_n3A_382 = arith.select %gt3A_378, %broadcast_in_dim3A_381, %select_n3A_294 : vector<8x256xi1>, vector<8x256xi32>
    %get3A_383 = arith.constant 0 : index
    %get3A_384 = arith.constant 1 : index
    %get3A_385 = arith.constant 72 : index
    %get3A_386 = arith.constant 0 : index
    %get3A_387 = vector.load %arg1[%get3A_383, %get3A_384, %get3A_385, %get3A_386] : memref<1x7x256x256xf32, #tpu.memory_space<vmem>>, vector<1x1x8x256xf32>
    %get3A_388 = vector.shape_cast %get3A_387 : vector<1x1x8x256xf32> to vector<8x256xf32>
    %gt3A_389 = arith.cmpf ogt, %get3A_388, %select_n3A_302 : vector<8x256xf32>
    %select_n3A_390 = arith.select %gt3A_389, %get3A_388, %select_n3A_302 : vector<8x256xi1>, vector<8x256xf32>
    %jit3A_391 = arith.constant 9 : i32
    %broadcast_in_dim3A_392 = vector.broadcast %jit3A_391 : i32 to vector<8x256xi32>
    %select_n3A_393 = arith.select %gt3A_389, %broadcast_in_dim3A_392, %select_n3A_305 : vector<8x256xi1>, vector<8x256xi32>
    %get3A_394 = arith.constant 0 : index
    %get3A_395 = arith.constant 2 : index
    %get3A_396 = arith.constant 72 : index
    %get3A_397 = arith.constant 0 : index
    %get3A_398 = vector.load %arg1[%get3A_394, %get3A_395, %get3A_396, %get3A_397] : memref<1x7x256x256xf32, #tpu.memory_space<vmem>>, vector<1x1x8x256xf32>
    %get3A_399 = vector.shape_cast %get3A_398 : vector<1x1x8x256xf32> to vector<8x256xf32>
    %gt3A_400 = arith.cmpf ogt, %get3A_399, %select_n3A_313 : vector<8x256xf32>
    %select_n3A_401 = arith.select %gt3A_400, %get3A_399, %select_n3A_313 : vector<8x256xi1>, vector<8x256xf32>
    %jit3A_402 = arith.constant 9 : i32
    %broadcast_in_dim3A_403 = vector.broadcast %jit3A_402 : i32 to vector<8x256xi32>
    %select_n3A_404 = arith.select %gt3A_400, %broadcast_in_dim3A_403, %select_n3A_316 : vector<8x256xi1>, vector<8x256xi32>
    %get3A_405 = arith.constant 0 : index
    %get3A_406 = arith.constant 3 : index
    %get3A_407 = arith.constant 72 : index
    %get3A_408 = arith.constant 0 : index
    %get3A_409 = vector.load %arg1[%get3A_405, %get3A_406, %get3A_407, %get3A_408] : memref<1x7x256x256xf32, #tpu.memory_space<vmem>>, vector<1x1x8x256xf32>
    %get3A_410 = vector.shape_cast %get3A_409 : vector<1x1x8x256xf32> to vector<8x256xf32>
    %gt3A_411 = arith.cmpf ogt, %get3A_410, %select_n3A_324 : vector<8x256xf32>
    %select_n3A_412 = arith.select %gt3A_411, %get3A_410, %select_n3A_324 : vector<8x256xi1>, vector<8x256xf32>
    %jit3A_413 = arith.constant 9 : i32
    %broadcast_in_dim3A_414 = vector.broadcast %jit3A_413 : i32 to vector<8x256xi32>
    %select_n3A_415 = arith.select %gt3A_411, %broadcast_in_dim3A_414, %select_n3A_327 : vector<8x256xi1>, vector<8x256xi32>
    %get3A_416 = arith.constant 0 : index
    %get3A_417 = arith.constant 0 : index
    %get3A_418 = arith.constant 80 : index
    %get3A_419 = arith.constant 0 : index
    %get3A_420 = vector.load %arg1[%get3A_416, %get3A_417, %get3A_418, %get3A_419] : memref<1x7x256x256xf32, #tpu.memory_space<vmem>>, vector<1x1x8x256xf32>
    %get3A_421 = vector.shape_cast %get3A_420 : vector<1x1x8x256xf32> to vector<8x256xf32>
    %gt3A_422 = arith.cmpf ogt, %get3A_421, %select_n3A_335 : vector<8x256xf32>
    %select_n3A_423 = arith.select %gt3A_422, %get3A_421, %select_n3A_335 : vector<8x256xi1>, vector<8x256xf32>
    %jit3A_424 = arith.constant 10 : i32
    %broadcast_in_dim3A_425 = vector.broadcast %jit3A_424 : i32 to vector<8x256xi32>
    %select_n3A_426 = arith.select %gt3A_422, %broadcast_in_dim3A_425, %select_n3A_338 : vector<8x256xi1>, vector<8x256xi32>
    %get3A_427 = arith.constant 0 : index
    %get3A_428 = arith.constant 1 : index
    %get3A_429 = arith.constant 80 : index
    %get3A_430 = arith.constant 0 : index
    %get3A_431 = vector.load %arg1[%get3A_427, %get3A_428, %get3A_429, %get3A_430] : memref<1x7x256x256xf32, #tpu.memory_space<vmem>>, vector<1x1x8x256xf32>
    %get3A_432 = vector.shape_cast %get3A_431 : vector<1x1x8x256xf32> to vector<8x256xf32>
    %gt3A_433 = arith.cmpf ogt, %get3A_432, %select_n3A_346 : vector<8x256xf32>
    %select_n3A_434 = arith.select %gt3A_433, %get3A_432, %select_n3A_346 : vector<8x256xi1>, vector<8x256xf32>
    %jit3A_435 = arith.constant 10 : i32
    %broadcast_in_dim3A_436 = vector.broadcast %jit3A_435 : i32 to vector<8x256xi32>
    %select_n3A_437 = arith.select %gt3A_433, %broadcast_in_dim3A_436, %select_n3A_349 : vector<8x256xi1>, vector<8x256xi32>
    %get3A_438 = arith.constant 0 : index
    %get3A_439 = arith.constant 2 : index
    %get3A_440 = arith.constant 80 : index
    %get3A_441 = arith.constant 0 : index
    %get3A_442 = vector.load %arg1[%get3A_438, %get3A_439, %get3A_440, %get3A_441] : memref<1x7x256x256xf32, #tpu.memory_space<vmem>>, vector<1x1x8x256xf32>
    %get3A_443 = vector.shape_cast %get3A_442 : vector<1x1x8x256xf32> to vector<8x256xf32>
    %gt3A_444 = arith.cmpf ogt, %get3A_443, %select_n3A_357 : vector<8x256xf32>
    %select_n3A_445 = arith.select %gt3A_444, %get3A_443, %select_n3A_357 : vector<8x256xi1>, vector<8x256xf32>
    %jit3A_446 = arith.constant 10 : i32
    %broadcast_in_dim3A_447 = vector.broadcast %jit3A_446 : i32 to vector<8x256xi32>
    %select_n3A_448 = arith.select %gt3A_444, %broadcast_in_dim3A_447, %select_n3A_360 : vector<8x256xi1>, vector<8x256xi32>
    %get3A_449 = arith.constant 0 : index
    %get3A_450 = arith.constant 3 : index
    %get3A_451 = arith.constant 80 : index
    %get3A_452 = arith.constant 0 : index
    %get3A_453 = vector.load %arg1[%get3A_449, %get3A_450, %get3A_451, %get3A_452] : memref<1x7x256x256xf32, #tpu.memory_space<vmem>>, vector<1x1x8x256xf32>
    %get3A_454 = vector.shape_cast %get3A_453 : vector<1x1x8x256xf32> to vector<8x256xf32>
    %gt3A_455 = arith.cmpf ogt, %get3A_454, %select_n3A_368 : vector<8x256xf32>
    %select_n3A_456 = arith.select %gt3A_455, %get3A_454, %select_n3A_368 : vector<8x256xi1>, vector<8x256xf32>
    %jit3A_457 = arith.constant 10 : i32
    %broadcast_in_dim3A_458 = vector.broadcast %jit3A_457 : i32 to vector<8x256xi32>
    %select_n3A_459 = arith.select %gt3A_455, %broadcast_in_dim3A_458, %select_n3A_371 : vector<8x256xi1>, vector<8x256xi32>
    %get3A_460 = arith.constant 0 : index
    %get3A_461 = arith.constant 0 : index
    %get3A_462 = arith.constant 88 : index
    %get3A_463 = arith.constant 0 : index
    %get3A_464 = vector.load %arg1[%get3A_460, %get3A_461, %get3A_462, %get3A_463] : memref<1x7x256x256xf32, #tpu.memory_space<vmem>>, vector<1x1x8x256xf32>
    %get3A_465 = vector.shape_cast %get3A_464 : vector<1x1x8x256xf32> to vector<8x256xf32>
    %gt3A_466 = arith.cmpf ogt, %get3A_465, %select_n3A_379 : vector<8x256xf32>
    %select_n3A_467 = arith.select %gt3A_466, %get3A_465, %select_n3A_379 : vector<8x256xi1>, vector<8x256xf32>
    %jit3A_468 = arith.constant 11 : i32
    %broadcast_in_dim3A_469 = vector.broadcast %jit3A_468 : i32 to vector<8x256xi32>
    %select_n3A_470 = arith.select %gt3A_466, %broadcast_in_dim3A_469, %select_n3A_382 : vector<8x256xi1>, vector<8x256xi32>
    %get3A_471 = arith.constant 0 : index
    %get3A_472 = arith.constant 1 : index
    %get3A_473 = arith.constant 88 : index
    %get3A_474 = arith.constant 0 : index
    %get3A_475 = vector.load %arg1[%get3A_471, %get3A_472, %get3A_473, %get3A_474] : memref<1x7x256x256xf32, #tpu.memory_space<vmem>>, vector<1x1x8x256xf32>
    %get3A_476 = vector.shape_cast %get3A_475 : vector<1x1x8x256xf32> to vector<8x256xf32>
    %gt3A_477 = arith.cmpf ogt, %get3A_476, %select_n3A_390 : vector<8x256xf32>
    %select_n3A_478 = arith.select %gt3A_477, %get3A_476, %select_n3A_390 : vector<8x256xi1>, vector<8x256xf32>
    %jit3A_479 = arith.constant 11 : i32
    %broadcast_in_dim3A_480 = vector.broadcast %jit3A_479 : i32 to vector<8x256xi32>
    %select_n3A_481 = arith.select %gt3A_477, %broadcast_in_dim3A_480, %select_n3A_393 : vector<8x256xi1>, vector<8x256xi32>
    %get3A_482 = arith.constant 0 : index
    %get3A_483 = arith.constant 2 : index
    %get3A_484 = arith.constant 88 : index
    %get3A_485 = arith.constant 0 : index
    %get3A_486 = vector.load %arg1[%get3A_482, %get3A_483, %get3A_484, %get3A_485] : memref<1x7x256x256xf32, #tpu.memory_space<vmem>>, vector<1x1x8x256xf32>
    %get3A_487 = vector.shape_cast %get3A_486 : vector<1x1x8x256xf32> to vector<8x256xf32>
    %gt3A_488 = arith.cmpf ogt, %get3A_487, %select_n3A_401 : vector<8x256xf32>
    %select_n3A_489 = arith.select %gt3A_488, %get3A_487, %select_n3A_401 : vector<8x256xi1>, vector<8x256xf32>
    %jit3A_490 = arith.constant 11 : i32
    %broadcast_in_dim3A_491 = vector.broadcast %jit3A_490 : i32 to vector<8x256xi32>
    %select_n3A_492 = arith.select %gt3A_488, %broadcast_in_dim3A_491, %select_n3A_404 : vector<8x256xi1>, vector<8x256xi32>
    %get3A_493 = arith.constant 0 : index
    %get3A_494 = arith.constant 3 : index
    %get3A_495 = arith.constant 88 : index
    %get3A_496 = arith.constant 0 : index
    %get3A_497 = vector.load %arg1[%get3A_493, %get3A_494, %get3A_495, %get3A_496] : memref<1x7x256x256xf32, #tpu.memory_space<vmem>>, vector<1x1x8x256xf32>
    %get3A_498 = vector.shape_cast %get3A_497 : vector<1x1x8x256xf32> to vector<8x256xf32>
    %gt3A_499 = arith.cmpf ogt, %get3A_498, %select_n3A_412 : vector<8x256xf32>
    %select_n3A_500 = arith.select %gt3A_499, %get3A_498, %select_n3A_412 : vector<8x256xi1>, vector<8x256xf32>
    %jit3A_501 = arith.constant 11 : i32
    %broadcast_in_dim3A_502 = vector.broadcast %jit3A_501 : i32 to vector<8x256xi32>
    %select_n3A_503 = arith.select %gt3A_499, %broadcast_in_dim3A_502, %select_n3A_415 : vector<8x256xi1>, vector<8x256xi32>
    %get3A_504 = arith.constant 0 : index
    %get3A_505 = arith.constant 0 : index
    %get3A_506 = arith.constant 96 : index
    %get3A_507 = arith.constant 0 : index
    %get3A_508 = vector.load %arg1[%get3A_504, %get3A_505, %get3A_506, %get3A_507] : memref<1x7x256x256xf32, #tpu.memory_space<vmem>>, vector<1x1x8x256xf32>
    %get3A_509 = vector.shape_cast %get3A_508 : vector<1x1x8x256xf32> to vector<8x256xf32>
    %gt3A_510 = arith.cmpf ogt, %get3A_509, %select_n3A_423 : vector<8x256xf32>
    %select_n3A_511 = arith.select %gt3A_510, %get3A_509, %select_n3A_423 : vector<8x256xi1>, vector<8x256xf32>
    %jit3A_512 = arith.constant 12 : i32
    %broadcast_in_dim3A_513 = vector.broadcast %jit3A_512 : i32 to vector<8x256xi32>
    %select_n3A_514 = arith.select %gt3A_510, %broadcast_in_dim3A_513, %select_n3A_426 : vector<8x256xi1>, vector<8x256xi32>
    %get3A_515 = arith.constant 0 : index
    %get3A_516 = arith.constant 1 : index
    %get3A_517 = arith.constant 96 : index
    %get3A_518 = arith.constant 0 : index
    %get3A_519 = vector.load %arg1[%get3A_515, %get3A_516, %get3A_517, %get3A_518] : memref<1x7x256x256xf32, #tpu.memory_space<vmem>>, vector<1x1x8x256xf32>
    %get3A_520 = vector.shape_cast %get3A_519 : vector<1x1x8x256xf32> to vector<8x256xf32>
    %gt3A_521 = arith.cmpf ogt, %get3A_520, %select_n3A_434 : vector<8x256xf32>
    %select_n3A_522 = arith.select %gt3A_521, %get3A_520, %select_n3A_434 : vector<8x256xi1>, vector<8x256xf32>
    %jit3A_523 = arith.constant 12 : i32
    %broadcast_in_dim3A_524 = vector.broadcast %jit3A_523 : i32 to vector<8x256xi32>
    %select_n3A_525 = arith.select %gt3A_521, %broadcast_in_dim3A_524, %select_n3A_437 : vector<8x256xi1>, vector<8x256xi32>
    %get3A_526 = arith.constant 0 : index
    %get3A_527 = arith.constant 2 : index
    %get3A_528 = arith.constant 96 : index
    %get3A_529 = arith.constant 0 : index
    %get3A_530 = vector.load %arg1[%get3A_526, %get3A_527, %get3A_528, %get3A_529] : memref<1x7x256x256xf32, #tpu.memory_space<vmem>>, vector<1x1x8x256xf32>
    %get3A_531 = vector.shape_cast %get3A_530 : vector<1x1x8x256xf32> to vector<8x256xf32>
    %gt3A_532 = arith.cmpf ogt, %get3A_531, %select_n3A_445 : vector<8x256xf32>
    %select_n3A_533 = arith.select %gt3A_532, %get3A_531, %select_n3A_445 : vector<8x256xi1>, vector<8x256xf32>
    %jit3A_534 = arith.constant 12 : i32
    %broadcast_in_dim3A_535 = vector.broadcast %jit3A_534 : i32 to vector<8x256xi32>
    %select_n3A_536 = arith.select %gt3A_532, %broadcast_in_dim3A_535, %select_n3A_448 : vector<8x256xi1>, vector<8x256xi32>
    %get3A_537 = arith.constant 0 : index
    %get3A_538 = arith.constant 3 : index
    %get3A_539 = arith.constant 96 : index
    %get3A_540 = arith.constant 0 : index
    %get3A_541 = vector.load %arg1[%get3A_537, %get3A_538, %get3A_539, %get3A_540] : memref<1x7x256x256xf32, #tpu.memory_space<vmem>>, vector<1x1x8x256xf32>
    %get3A_542 = vector.shape_cast %get3A_541 : vector<1x1x8x256xf32> to vector<8x256xf32>
    %gt3A_543 = arith.cmpf ogt, %get3A_542, %select_n3A_456 : vector<8x256xf32>
    %select_n3A_544 = arith.select %gt3A_543, %get3A_542, %select_n3A_456 : vector<8x256xi1>, vector<8x256xf32>
    %jit3A_545 = arith.constant 12 : i32
    %broadcast_in_dim3A_546 = vector.broadcast %jit3A_545 : i32 to vector<8x256xi32>
    %select_n3A_547 = arith.select %gt3A_543, %broadcast_in_dim3A_546, %select_n3A_459 : vector<8x256xi1>, vector<8x256xi32>
    %get3A_548 = arith.constant 0 : index
    %get3A_549 = arith.constant 0 : index
    %get3A_550 = arith.constant 104 : index
    %get3A_551 = arith.constant 0 : index
    %get3A_552 = vector.load %arg1[%get3A_548, %get3A_549, %get3A_550, %get3A_551] : memref<1x7x256x256xf32, #tpu.memory_space<vmem>>, vector<1x1x8x256xf32>
    %get3A_553 = vector.shape_cast %get3A_552 : vector<1x1x8x256xf32> to vector<8x256xf32>
    %gt3A_554 = arith.cmpf ogt, %get3A_553, %select_n3A_467 : vector<8x256xf32>
    %select_n3A_555 = arith.select %gt3A_554, %get3A_553, %select_n3A_467 : vector<8x256xi1>, vector<8x256xf32>
    %jit3A_556 = arith.constant 13 : i32
    %broadcast_in_dim3A_557 = vector.broadcast %jit3A_556 : i32 to vector<8x256xi32>
    %select_n3A_558 = arith.select %gt3A_554, %broadcast_in_dim3A_557, %select_n3A_470 : vector<8x256xi1>, vector<8x256xi32>
    %get3A_559 = arith.constant 0 : index
    %get3A_560 = arith.constant 1 : index
    %get3A_561 = arith.constant 104 : index
    %get3A_562 = arith.constant 0 : index
    %get3A_563 = vector.load %arg1[%get3A_559, %get3A_560, %get3A_561, %get3A_562] : memref<1x7x256x256xf32, #tpu.memory_space<vmem>>, vector<1x1x8x256xf32>
    %get3A_564 = vector.shape_cast %get3A_563 : vector<1x1x8x256xf32> to vector<8x256xf32>
    %gt3A_565 = arith.cmpf ogt, %get3A_564, %select_n3A_478 : vector<8x256xf32>
    %select_n3A_566 = arith.select %gt3A_565, %get3A_564, %select_n3A_478 : vector<8x256xi1>, vector<8x256xf32>
    %jit3A_567 = arith.constant 13 : i32
    %broadcast_in_dim3A_568 = vector.broadcast %jit3A_567 : i32 to vector<8x256xi32>
    %select_n3A_569 = arith.select %gt3A_565, %broadcast_in_dim3A_568, %select_n3A_481 : vector<8x256xi1>, vector<8x256xi32>
    %get3A_570 = arith.constant 0 : index
    %get3A_571 = arith.constant 2 : index
    %get3A_572 = arith.constant 104 : index
    %get3A_573 = arith.constant 0 : index
    %get3A_574 = vector.load %arg1[%get3A_570, %get3A_571, %get3A_572, %get3A_573] : memref<1x7x256x256xf32, #tpu.memory_space<vmem>>, vector<1x1x8x256xf32>
    %get3A_575 = vector.shape_cast %get3A_574 : vector<1x1x8x256xf32> to vector<8x256xf32>
    %gt3A_576 = arith.cmpf ogt, %get3A_575, %select_n3A_489 : vector<8x256xf32>
    %select_n3A_577 = arith.select %gt3A_576, %get3A_575, %select_n3A_489 : vector<8x256xi1>, vector<8x256xf32>
    %jit3A_578 = arith.constant 13 : i32
    %broadcast_in_dim3A_579 = vector.broadcast %jit3A_578 : i32 to vector<8x256xi32>
    %select_n3A_580 = arith.select %gt3A_576, %broadcast_in_dim3A_579, %select_n3A_492 : vector<8x256xi1>, vector<8x256xi32>
    %get3A_581 = arith.constant 0 : index
    %get3A_582 = arith.constant 3 : index
    %get3A_583 = arith.constant 104 : index
    %get3A_584 = arith.constant 0 : index
    %get3A_585 = vector.load %arg1[%get3A_581, %get3A_582, %get3A_583, %get3A_584] : memref<1x7x256x256xf32, #tpu.memory_space<vmem>>, vector<1x1x8x256xf32>
    %get3A_586 = vector.shape_cast %get3A_585 : vector<1x1x8x256xf32> to vector<8x256xf32>
    %gt3A_587 = arith.cmpf ogt, %get3A_586, %select_n3A_500 : vector<8x256xf32>
    %select_n3A_588 = arith.select %gt3A_587, %get3A_586, %select_n3A_500 : vector<8x256xi1>, vector<8x256xf32>
    %jit3A_589 = arith.constant 13 : i32
    %broadcast_in_dim3A_590 = vector.broadcast %jit3A_589 : i32 to vector<8x256xi32>
    %select_n3A_591 = arith.select %gt3A_587, %broadcast_in_dim3A_590, %select_n3A_503 : vector<8x256xi1>, vector<8x256xi32>
    %get3A_592 = arith.constant 0 : index
    %get3A_593 = arith.constant 0 : index
    %get3A_594 = arith.constant 112 : index
    %get3A_595 = arith.constant 0 : index
    %get3A_596 = vector.load %arg1[%get3A_592, %get3A_593, %get3A_594, %get3A_595] : memref<1x7x256x256xf32, #tpu.memory_space<vmem>>, vector<1x1x8x256xf32>
    %get3A_597 = vector.shape_cast %get3A_596 : vector<1x1x8x256xf32> to vector<8x256xf32>
    %gt3A_598 = arith.cmpf ogt, %get3A_597, %select_n3A_511 : vector<8x256xf32>
    %select_n3A_599 = arith.select %gt3A_598, %get3A_597, %select_n3A_511 : vector<8x256xi1>, vector<8x256xf32>
    %jit3A_600 = arith.constant 14 : i32
    %broadcast_in_dim3A_601 = vector.broadcast %jit3A_600 : i32 to vector<8x256xi32>
    %select_n3A_602 = arith.select %gt3A_598, %broadcast_in_dim3A_601, %select_n3A_514 : vector<8x256xi1>, vector<8x256xi32>
    %get3A_603 = arith.constant 0 : index
    %get3A_604 = arith.constant 1 : index
    %get3A_605 = arith.constant 112 : index
    %get3A_606 = arith.constant 0 : index
    %get3A_607 = vector.load %arg1[%get3A_603, %get3A_604, %get3A_605, %get3A_606] : memref<1x7x256x256xf32, #tpu.memory_space<vmem>>, vector<1x1x8x256xf32>
    %get3A_608 = vector.shape_cast %get3A_607 : vector<1x1x8x256xf32> to vector<8x256xf32>
    %gt3A_609 = arith.cmpf ogt, %get3A_608, %select_n3A_522 : vector<8x256xf32>
    %select_n3A_610 = arith.select %gt3A_609, %get3A_608, %select_n3A_522 : vector<8x256xi1>, vector<8x256xf32>
    %jit3A_611 = arith.constant 14 : i32
    %broadcast_in_dim3A_612 = vector.broadcast %jit3A_611 : i32 to vector<8x256xi32>
    %select_n3A_613 = arith.select %gt3A_609, %broadcast_in_dim3A_612, %select_n3A_525 : vector<8x256xi1>, vector<8x256xi32>
    %get3A_614 = arith.constant 0 : index
    %get3A_615 = arith.constant 2 : index
    %get3A_616 = arith.constant 112 : index
    %get3A_617 = arith.constant 0 : index
    %get3A_618 = vector.load %arg1[%get3A_614, %get3A_615, %get3A_616, %get3A_617] : memref<1x7x256x256xf32, #tpu.memory_space<vmem>>, vector<1x1x8x256xf32>
    %get3A_619 = vector.shape_cast %get3A_618 : vector<1x1x8x256xf32> to vector<8x256xf32>
    %gt3A_620 = arith.cmpf ogt, %get3A_619, %select_n3A_533 : vector<8x256xf32>
    %select_n3A_621 = arith.select %gt3A_620, %get3A_619, %select_n3A_533 : vector<8x256xi1>, vector<8x256xf32>
    %jit3A_622 = arith.constant 14 : i32
    %broadcast_in_dim3A_623 = vector.broadcast %jit3A_622 : i32 to vector<8x256xi32>
    %select_n3A_624 = arith.select %gt3A_620, %broadcast_in_dim3A_623, %select_n3A_536 : vector<8x256xi1>, vector<8x256xi32>
    %get3A_625 = arith.constant 0 : index
    %get3A_626 = arith.constant 3 : index
    %get3A_627 = arith.constant 112 : index
    %get3A_628 = arith.constant 0 : index
    %get3A_629 = vector.load %arg1[%get3A_625, %get3A_626, %get3A_627, %get3A_628] : memref<1x7x256x256xf32, #tpu.memory_space<vmem>>, vector<1x1x8x256xf32>
    %get3A_630 = vector.shape_cast %get3A_629 : vector<1x1x8x256xf32> to vector<8x256xf32>
    %gt3A_631 = arith.cmpf ogt, %get3A_630, %select_n3A_544 : vector<8x256xf32>
    %select_n3A_632 = arith.select %gt3A_631, %get3A_630, %select_n3A_544 : vector<8x256xi1>, vector<8x256xf32>
    %jit3A_633 = arith.constant 14 : i32
    %broadcast_in_dim3A_634 = vector.broadcast %jit3A_633 : i32 to vector<8x256xi32>
    %select_n3A_635 = arith.select %gt3A_631, %broadcast_in_dim3A_634, %select_n3A_547 : vector<8x256xi1>, vector<8x256xi32>
    %get3A_636 = arith.constant 0 : index
    %get3A_637 = arith.constant 0 : index
    %get3A_638 = arith.constant 120 : index
    %get3A_639 = arith.constant 0 : index
    %get3A_640 = vector.load %arg1[%get3A_636, %get3A_637, %get3A_638, %get3A_639] : memref<1x7x256x256xf32, #tpu.memory_space<vmem>>, vector<1x1x8x256xf32>
    %get3A_641 = vector.shape_cast %get3A_640 : vector<1x1x8x256xf32> to vector<8x256xf32>
    %gt3A_642 = arith.cmpf ogt, %get3A_641, %select_n3A_555 : vector<8x256xf32>
    %select_n3A_643 = arith.select %gt3A_642, %get3A_641, %select_n3A_555 : vector<8x256xi1>, vector<8x256xf32>
    %jit3A_644 = arith.constant 15 : i32
    %broadcast_in_dim3A_645 = vector.broadcast %jit3A_644 : i32 to vector<8x256xi32>
    %select_n3A_646 = arith.select %gt3A_642, %broadcast_in_dim3A_645, %select_n3A_558 : vector<8x256xi1>, vector<8x256xi32>
    %get3A_647 = arith.constant 0 : index
    %get3A_648 = arith.constant 1 : index
    %get3A_649 = arith.constant 120 : index
    %get3A_650 = arith.constant 0 : index
    %get3A_651 = vector.load %arg1[%get3A_647, %get3A_648, %get3A_649, %get3A_650] : memref<1x7x256x256xf32, #tpu.memory_space<vmem>>, vector<1x1x8x256xf32>
    %get3A_652 = vector.shape_cast %get3A_651 : vector<1x1x8x256xf32> to vector<8x256xf32>
    %gt3A_653 = arith.cmpf ogt, %get3A_652, %select_n3A_566 : vector<8x256xf32>
    %select_n3A_654 = arith.select %gt3A_653, %get3A_652, %select_n3A_566 : vector<8x256xi1>, vector<8x256xf32>
    %jit3A_655 = arith.constant 15 : i32
    %broadcast_in_dim3A_656 = vector.broadcast %jit3A_655 : i32 to vector<8x256xi32>
    %select_n3A_657 = arith.select %gt3A_653, %broadcast_in_dim3A_656, %select_n3A_569 : vector<8x256xi1>, vector<8x256xi32>
    %get3A_658 = arith.constant 0 : index
    %get3A_659 = arith.constant 2 : index
    %get3A_660 = arith.constant 120 : index
    %get3A_661 = arith.constant 0 : index
    %get3A_662 = vector.load %arg1[%get3A_658, %get3A_659, %get3A_660, %get3A_661] : memref<1x7x256x256xf32, #tpu.memory_space<vmem>>, vector<1x1x8x256xf32>
    %get3A_663 = vector.shape_cast %get3A_662 : vector<1x1x8x256xf32> to vector<8x256xf32>
    %gt3A_664 = arith.cmpf ogt, %get3A_663, %select_n3A_577 : vector<8x256xf32>
    %select_n3A_665 = arith.select %gt3A_664, %get3A_663, %select_n3A_577 : vector<8x256xi1>, vector<8x256xf32>
    %jit3A_666 = arith.constant 15 : i32
    %broadcast_in_dim3A_667 = vector.broadcast %jit3A_666 : i32 to vector<8x256xi32>
    %select_n3A_668 = arith.select %gt3A_664, %broadcast_in_dim3A_667, %select_n3A_580 : vector<8x256xi1>, vector<8x256xi32>
    %get3A_669 = arith.constant 0 : index
    %get3A_670 = arith.constant 3 : index
    %get3A_671 = arith.constant 120 : index
    %get3A_672 = arith.constant 0 : index
    %get3A_673 = vector.load %arg1[%get3A_669, %get3A_670, %get3A_671, %get3A_672] : memref<1x7x256x256xf32, #tpu.memory_space<vmem>>, vector<1x1x8x256xf32>
    %get3A_674 = vector.shape_cast %get3A_673 : vector<1x1x8x256xf32> to vector<8x256xf32>
    %gt3A_675 = arith.cmpf ogt, %get3A_674, %select_n3A_588 : vector<8x256xf32>
    %select_n3A_676 = arith.select %gt3A_675, %get3A_674, %select_n3A_588 : vector<8x256xi1>, vector<8x256xf32>
    %jit3A_677 = arith.constant 15 : i32
    %broadcast_in_dim3A_678 = vector.broadcast %jit3A_677 : i32 to vector<8x256xi32>
    %select_n3A_679 = arith.select %gt3A_675, %broadcast_in_dim3A_678, %select_n3A_591 : vector<8x256xi1>, vector<8x256xi32>
    %get3A_680 = arith.constant 0 : index
    %get3A_681 = arith.constant 0 : index
    %get3A_682 = arith.constant 128 : index
    %get3A_683 = arith.constant 0 : index
    %get3A_684 = vector.load %arg1[%get3A_680, %get3A_681, %get3A_682, %get3A_683] : memref<1x7x256x256xf32, #tpu.memory_space<vmem>>, vector<1x1x8x256xf32>
    %get3A_685 = vector.shape_cast %get3A_684 : vector<1x1x8x256xf32> to vector<8x256xf32>
    %gt3A_686 = arith.cmpf ogt, %get3A_685, %select_n3A_599 : vector<8x256xf32>
    %select_n3A_687 = arith.select %gt3A_686, %get3A_685, %select_n3A_599 : vector<8x256xi1>, vector<8x256xf32>
    %jit3A_688 = arith.constant 16 : i32
    %broadcast_in_dim3A_689 = vector.broadcast %jit3A_688 : i32 to vector<8x256xi32>
    %select_n3A_690 = arith.select %gt3A_686, %broadcast_in_dim3A_689, %select_n3A_602 : vector<8x256xi1>, vector<8x256xi32>
    %get3A_691 = arith.constant 0 : index
    %get3A_692 = arith.constant 1 : index
    %get3A_693 = arith.constant 128 : index
    %get3A_694 = arith.constant 0 : index
    %get3A_695 = vector.load %arg1[%get3A_691, %get3A_692, %get3A_693, %get3A_694] : memref<1x7x256x256xf32, #tpu.memory_space<vmem>>, vector<1x1x8x256xf32>
    %get3A_696 = vector.shape_cast %get3A_695 : vector<1x1x8x256xf32> to vector<8x256xf32>
    %gt3A_697 = arith.cmpf ogt, %get3A_696, %select_n3A_610 : vector<8x256xf32>
    %select_n3A_698 = arith.select %gt3A_697, %get3A_696, %select_n3A_610 : vector<8x256xi1>, vector<8x256xf32>
    %jit3A_699 = arith.constant 16 : i32
    %broadcast_in_dim3A_700 = vector.broadcast %jit3A_699 : i32 to vector<8x256xi32>
    %select_n3A_701 = arith.select %gt3A_697, %broadcast_in_dim3A_700, %select_n3A_613 : vector<8x256xi1>, vector<8x256xi32>
    %get3A_702 = arith.constant 0 : index
    %get3A_703 = arith.constant 2 : index
    %get3A_704 = arith.constant 128 : index
    %get3A_705 = arith.constant 0 : index
    %get3A_706 = vector.load %arg1[%get3A_702, %get3A_703, %get3A_704, %get3A_705] : memref<1x7x256x256xf32, #tpu.memory_space<vmem>>, vector<1x1x8x256xf32>
    %get3A_707 = vector.shape_cast %get3A_706 : vector<1x1x8x256xf32> to vector<8x256xf32>
    %gt3A_708 = arith.cmpf ogt, %get3A_707, %select_n3A_621 : vector<8x256xf32>
    %select_n3A_709 = arith.select %gt3A_708, %get3A_707, %select_n3A_621 : vector<8x256xi1>, vector<8x256xf32>
    %jit3A_710 = arith.constant 16 : i32
    %broadcast_in_dim3A_711 = vector.broadcast %jit3A_710 : i32 to vector<8x256xi32>
    %select_n3A_712 = arith.select %gt3A_708, %broadcast_in_dim3A_711, %select_n3A_624 : vector<8x256xi1>, vector<8x256xi32>
    %get3A_713 = arith.constant 0 : index
    %get3A_714 = arith.constant 3 : index
    %get3A_715 = arith.constant 128 : index
    %get3A_716 = arith.constant 0 : index
    %get3A_717 = vector.load %arg1[%get3A_713, %get3A_714, %get3A_715, %get3A_716] : memref<1x7x256x256xf32, #tpu.memory_space<vmem>>, vector<1x1x8x256xf32>
    %get3A_718 = vector.shape_cast %get3A_717 : vector<1x1x8x256xf32> to vector<8x256xf32>
    %gt3A_719 = arith.cmpf ogt, %get3A_718, %select_n3A_632 : vector<8x256xf32>
    %select_n3A_720 = arith.select %gt3A_719, %get3A_718, %select_n3A_632 : vector<8x256xi1>, vector<8x256xf32>
    %jit3A_721 = arith.constant 16 : i32
    %broadcast_in_dim3A_722 = vector.broadcast %jit3A_721 : i32 to vector<8x256xi32>
    %select_n3A_723 = arith.select %gt3A_719, %broadcast_in_dim3A_722, %select_n3A_635 : vector<8x256xi1>, vector<8x256xi32>
    %get3A_724 = arith.constant 0 : index
    %get3A_725 = arith.constant 0 : index
    %get3A_726 = arith.constant 136 : index
    %get3A_727 = arith.constant 0 : index
    %get3A_728 = vector.load %arg1[%get3A_724, %get3A_725, %get3A_726, %get3A_727] : memref<1x7x256x256xf32, #tpu.memory_space<vmem>>, vector<1x1x8x256xf32>
    %get3A_729 = vector.shape_cast %get3A_728 : vector<1x1x8x256xf32> to vector<8x256xf32>
    %gt3A_730 = arith.cmpf ogt, %get3A_729, %select_n3A_643 : vector<8x256xf32>
    %select_n3A_731 = arith.select %gt3A_730, %get3A_729, %select_n3A_643 : vector<8x256xi1>, vector<8x256xf32>
    %jit3A_732 = arith.constant 17 : i32
    %broadcast_in_dim3A_733 = vector.broadcast %jit3A_732 : i32 to vector<8x256xi32>
    %select_n3A_734 = arith.select %gt3A_730, %broadcast_in_dim3A_733, %select_n3A_646 : vector<8x256xi1>, vector<8x256xi32>
    %get3A_735 = arith.constant 0 : index
    %get3A_736 = arith.constant 1 : index
    %get3A_737 = arith.constant 136 : index
    %get3A_738 = arith.constant 0 : index
    %get3A_739 = vector.load %arg1[%get3A_735, %get3A_736, %get3A_737, %get3A_738] : memref<1x7x256x256xf32, #tpu.memory_space<vmem>>, vector<1x1x8x256xf32>
    %get3A_740 = vector.shape_cast %get3A_739 : vector<1x1x8x256xf32> to vector<8x256xf32>
    %gt3A_741 = arith.cmpf ogt, %get3A_740, %select_n3A_654 : vector<8x256xf32>
    %select_n3A_742 = arith.select %gt3A_741, %get3A_740, %select_n3A_654 : vector<8x256xi1>, vector<8x256xf32>
    %jit3A_743 = arith.constant 17 : i32
    %broadcast_in_dim3A_744 = vector.broadcast %jit3A_743 : i32 to vector<8x256xi32>
    %select_n3A_745 = arith.select %gt3A_741, %broadcast_in_dim3A_744, %select_n3A_657 : vector<8x256xi1>, vector<8x256xi32>
    %get3A_746 = arith.constant 0 : index
    %get3A_747 = arith.constant 2 : index
    %get3A_748 = arith.constant 136 : index
    %get3A_749 = arith.constant 0 : index
    %get3A_750 = vector.load %arg1[%get3A_746, %get3A_747, %get3A_748, %get3A_749] : memref<1x7x256x256xf32, #tpu.memory_space<vmem>>, vector<1x1x8x256xf32>
    %get3A_751 = vector.shape_cast %get3A_750 : vector<1x1x8x256xf32> to vector<8x256xf32>
    %gt3A_752 = arith.cmpf ogt, %get3A_751, %select_n3A_665 : vector<8x256xf32>
    %select_n3A_753 = arith.select %gt3A_752, %get3A_751, %select_n3A_665 : vector<8x256xi1>, vector<8x256xf32>
    %jit3A_754 = arith.constant 17 : i32
    %broadcast_in_dim3A_755 = vector.broadcast %jit3A_754 : i32 to vector<8x256xi32>
    %select_n3A_756 = arith.select %gt3A_752, %broadcast_in_dim3A_755, %select_n3A_668 : vector<8x256xi1>, vector<8x256xi32>
    %get3A_757 = arith.constant 0 : index
    %get3A_758 = arith.constant 3 : index
    %get3A_759 = arith.constant 136 : index
    %get3A_760 = arith.constant 0 : index
    %get3A_761 = vector.load %arg1[%get3A_757, %get3A_758, %get3A_759, %get3A_760] : memref<1x7x256x256xf32, #tpu.memory_space<vmem>>, vector<1x1x8x256xf32>
    %get3A_762 = vector.shape_cast %get3A_761 : vector<1x1x8x256xf32> to vector<8x256xf32>
    %gt3A_763 = arith.cmpf ogt, %get3A_762, %select_n3A_676 : vector<8x256xf32>
    %select_n3A_764 = arith.select %gt3A_763, %get3A_762, %select_n3A_676 : vector<8x256xi1>, vector<8x256xf32>
    %jit3A_765 = arith.constant 17 : i32
    %broadcast_in_dim3A_766 = vector.broadcast %jit3A_765 : i32 to vector<8x256xi32>
    %select_n3A_767 = arith.select %gt3A_763, %broadcast_in_dim3A_766, %select_n3A_679 : vector<8x256xi1>, vector<8x256xi32>
    %get3A_768 = arith.constant 0 : index
    %get3A_769 = arith.constant 0 : index
    %get3A_770 = arith.constant 144 : index
    %get3A_771 = arith.constant 0 : index
    %get3A_772 = vector.load %arg1[%get3A_768, %get3A_769, %get3A_770, %get3A_771] : memref<1x7x256x256xf32, #tpu.memory_space<vmem>>, vector<1x1x8x256xf32>
    %get3A_773 = vector.shape_cast %get3A_772 : vector<1x1x8x256xf32> to vector<8x256xf32>
    %gt3A_774 = arith.cmpf ogt, %get3A_773, %select_n3A_687 : vector<8x256xf32>
    %select_n3A_775 = arith.select %gt3A_774, %get3A_773, %select_n3A_687 : vector<8x256xi1>, vector<8x256xf32>
    %jit3A_776 = arith.constant 18 : i32
    %broadcast_in_dim3A_777 = vector.broadcast %jit3A_776 : i32 to vector<8x256xi32>
    %select_n3A_778 = arith.select %gt3A_774, %broadcast_in_dim3A_777, %select_n3A_690 : vector<8x256xi1>, vector<8x256xi32>
    %get3A_779 = arith.constant 0 : index
    %get3A_780 = arith.constant 1 : index
    %get3A_781 = arith.constant 144 : index
    %get3A_782 = arith.constant 0 : index
    %get3A_783 = vector.load %arg1[%get3A_779, %get3A_780, %get3A_781, %get3A_782] : memref<1x7x256x256xf32, #tpu.memory_space<vmem>>, vector<1x1x8x256xf32>
    %get3A_784 = vector.shape_cast %get3A_783 : vector<1x1x8x256xf32> to vector<8x256xf32>
    %gt3A_785 = arith.cmpf ogt, %get3A_784, %select_n3A_698 : vector<8x256xf32>
    %select_n3A_786 = arith.select %gt3A_785, %get3A_784, %select_n3A_698 : vector<8x256xi1>, vector<8x256xf32>
    %jit3A_787 = arith.constant 18 : i32
    %broadcast_in_dim3A_788 = vector.broadcast %jit3A_787 : i32 to vector<8x256xi32>
    %select_n3A_789 = arith.select %gt3A_785, %broadcast_in_dim3A_788, %select_n3A_701 : vector<8x256xi1>, vector<8x256xi32>
    %get3A_790 = arith.constant 0 : index
    %get3A_791 = arith.constant 2 : index
    %get3A_792 = arith.constant 144 : index
    %get3A_793 = arith.constant 0 : index
    %get3A_794 = vector.load %arg1[%get3A_790, %get3A_791, %get3A_792, %get3A_793] : memref<1x7x256x256xf32, #tpu.memory_space<vmem>>, vector<1x1x8x256xf32>
    %get3A_795 = vector.shape_cast %get3A_794 : vector<1x1x8x256xf32> to vector<8x256xf32>
    %gt3A_796 = arith.cmpf ogt, %get3A_795, %select_n3A_709 : vector<8x256xf32>
    %select_n3A_797 = arith.select %gt3A_796, %get3A_795, %select_n3A_709 : vector<8x256xi1>, vector<8x256xf32>
    %jit3A_798 = arith.constant 18 : i32
    %broadcast_in_dim3A_799 = vector.broadcast %jit3A_798 : i32 to vector<8x256xi32>
    %select_n3A_800 = arith.select %gt3A_796, %broadcast_in_dim3A_799, %select_n3A_712 : vector<8x256xi1>, vector<8x256xi32>
    %get3A_801 = arith.constant 0 : index
    %get3A_802 = arith.constant 3 : index
    %get3A_803 = arith.constant 144 : index
    %get3A_804 = arith.constant 0 : index
    %get3A_805 = vector.load %arg1[%get3A_801, %get3A_802, %get3A_803, %get3A_804] : memref<1x7x256x256xf32, #tpu.memory_space<vmem>>, vector<1x1x8x256xf32>
    %get3A_806 = vector.shape_cast %get3A_805 : vector<1x1x8x256xf32> to vector<8x256xf32>
    %gt3A_807 = arith.cmpf ogt, %get3A_806, %select_n3A_720 : vector<8x256xf32>
    %select_n3A_808 = arith.select %gt3A_807, %get3A_806, %select_n3A_720 : vector<8x256xi1>, vector<8x256xf32>
    %jit3A_809 = arith.constant 18 : i32
    %broadcast_in_dim3A_810 = vector.broadcast %jit3A_809 : i32 to vector<8x256xi32>
    %select_n3A_811 = arith.select %gt3A_807, %broadcast_in_dim3A_810, %select_n3A_723 : vector<8x256xi1>, vector<8x256xi32>
    %get3A_812 = arith.constant 0 : index
    %get3A_813 = arith.constant 0 : index
    %get3A_814 = arith.constant 152 : index
    %get3A_815 = arith.constant 0 : index
    %get3A_816 = vector.load %arg1[%get3A_812, %get3A_813, %get3A_814, %get3A_815] : memref<1x7x256x256xf32, #tpu.memory_space<vmem>>, vector<1x1x8x256xf32>
    %get3A_817 = vector.shape_cast %get3A_816 : vector<1x1x8x256xf32> to vector<8x256xf32>
    %gt3A_818 = arith.cmpf ogt, %get3A_817, %select_n3A_731 : vector<8x256xf32>
    %select_n3A_819 = arith.select %gt3A_818, %get3A_817, %select_n3A_731 : vector<8x256xi1>, vector<8x256xf32>
    %jit3A_820 = arith.constant 19 : i32
    %broadcast_in_dim3A_821 = vector.broadcast %jit3A_820 : i32 to vector<8x256xi32>
    %select_n3A_822 = arith.select %gt3A_818, %broadcast_in_dim3A_821, %select_n3A_734 : vector<8x256xi1>, vector<8x256xi32>
    %get3A_823 = arith.constant 0 : index
    %get3A_824 = arith.constant 1 : index
    %get3A_825 = arith.constant 152 : index
    %get3A_826 = arith.constant 0 : index
    %get3A_827 = vector.load %arg1[%get3A_823, %get3A_824, %get3A_825, %get3A_826] : memref<1x7x256x256xf32, #tpu.memory_space<vmem>>, vector<1x1x8x256xf32>
    %get3A_828 = vector.shape_cast %get3A_827 : vector<1x1x8x256xf32> to vector<8x256xf32>
    %gt3A_829 = arith.cmpf ogt, %get3A_828, %select_n3A_742 : vector<8x256xf32>
    %select_n3A_830 = arith.select %gt3A_829, %get3A_828, %select_n3A_742 : vector<8x256xi1>, vector<8x256xf32>
    %jit3A_831 = arith.constant 19 : i32
    %broadcast_in_dim3A_832 = vector.broadcast %jit3A_831 : i32 to vector<8x256xi32>
    %select_n3A_833 = arith.select %gt3A_829, %broadcast_in_dim3A_832, %select_n3A_745 : vector<8x256xi1>, vector<8x256xi32>
    %get3A_834 = arith.constant 0 : index
    %get3A_835 = arith.constant 2 : index
    %get3A_836 = arith.constant 152 : index
    %get3A_837 = arith.constant 0 : index
    %get3A_838 = vector.load %arg1[%get3A_834, %get3A_835, %get3A_836, %get3A_837] : memref<1x7x256x256xf32, #tpu.memory_space<vmem>>, vector<1x1x8x256xf32>
    %get3A_839 = vector.shape_cast %get3A_838 : vector<1x1x8x256xf32> to vector<8x256xf32>
    %gt3A_840 = arith.cmpf ogt, %get3A_839, %select_n3A_753 : vector<8x256xf32>
    %select_n3A_841 = arith.select %gt3A_840, %get3A_839, %select_n3A_753 : vector<8x256xi1>, vector<8x256xf32>
    %jit3A_842 = arith.constant 19 : i32
    %broadcast_in_dim3A_843 = vector.broadcast %jit3A_842 : i32 to vector<8x256xi32>
    %select_n3A_844 = arith.select %gt3A_840, %broadcast_in_dim3A_843, %select_n3A_756 : vector<8x256xi1>, vector<8x256xi32>
    %get3A_845 = arith.constant 0 : index
    %get3A_846 = arith.constant 3 : index
    %get3A_847 = arith.constant 152 : index
    %get3A_848 = arith.constant 0 : index
    %get3A_849 = vector.load %arg1[%get3A_845, %get3A_846, %get3A_847, %get3A_848] : memref<1x7x256x256xf32, #tpu.memory_space<vmem>>, vector<1x1x8x256xf32>
    %get3A_850 = vector.shape_cast %get3A_849 : vector<1x1x8x256xf32> to vector<8x256xf32>
    %gt3A_851 = arith.cmpf ogt, %get3A_850, %select_n3A_764 : vector<8x256xf32>
    %select_n3A_852 = arith.select %gt3A_851, %get3A_850, %select_n3A_764 : vector<8x256xi1>, vector<8x256xf32>
    %jit3A_853 = arith.constant 19 : i32
    %broadcast_in_dim3A_854 = vector.broadcast %jit3A_853 : i32 to vector<8x256xi32>
    %select_n3A_855 = arith.select %gt3A_851, %broadcast_in_dim3A_854, %select_n3A_767 : vector<8x256xi1>, vector<8x256xi32>
    %get3A_856 = arith.constant 0 : index
    %get3A_857 = arith.constant 0 : index
    %get3A_858 = arith.constant 160 : index
    %get3A_859 = arith.constant 0 : index
    %get3A_860 = vector.load %arg1[%get3A_856, %get3A_857, %get3A_858, %get3A_859] : memref<1x7x256x256xf32, #tpu.memory_space<vmem>>, vector<1x1x8x256xf32>
    %get3A_861 = vector.shape_cast %get3A_860 : vector<1x1x8x256xf32> to vector<8x256xf32>
    %gt3A_862 = arith.cmpf ogt, %get3A_861, %select_n3A_775 : vector<8x256xf32>
    %select_n3A_863 = arith.select %gt3A_862, %get3A_861, %select_n3A_775 : vector<8x256xi1>, vector<8x256xf32>
    %jit3A_864 = arith.constant 20 : i32
    %broadcast_in_dim3A_865 = vector.broadcast %jit3A_864 : i32 to vector<8x256xi32>
    %select_n3A_866 = arith.select %gt3A_862, %broadcast_in_dim3A_865, %select_n3A_778 : vector<8x256xi1>, vector<8x256xi32>
    %get3A_867 = arith.constant 0 : index
    %get3A_868 = arith.constant 1 : index
    %get3A_869 = arith.constant 160 : index
    %get3A_870 = arith.constant 0 : index
    %get3A_871 = vector.load %arg1[%get3A_867, %get3A_868, %get3A_869, %get3A_870] : memref<1x7x256x256xf32, #tpu.memory_space<vmem>>, vector<1x1x8x256xf32>
    %get3A_872 = vector.shape_cast %get3A_871 : vector<1x1x8x256xf32> to vector<8x256xf32>
    %gt3A_873 = arith.cmpf ogt, %get3A_872, %select_n3A_786 : vector<8x256xf32>
    %select_n3A_874 = arith.select %gt3A_873, %get3A_872, %select_n3A_786 : vector<8x256xi1>, vector<8x256xf32>
    %jit3A_875 = arith.constant 20 : i32
    %broadcast_in_dim3A_876 = vector.broadcast %jit3A_875 : i32 to vector<8x256xi32>
    %select_n3A_877 = arith.select %gt3A_873, %broadcast_in_dim3A_876, %select_n3A_789 : vector<8x256xi1>, vector<8x256xi32>
    %get3A_878 = arith.constant 0 : index
    %get3A_879 = arith.constant 2 : index
    %get3A_880 = arith.constant 160 : index
    %get3A_881 = arith.constant 0 : index
    %get3A_882 = vector.load %arg1[%get3A_878, %get3A_879, %get3A_880, %get3A_881] : memref<1x7x256x256xf32, #tpu.memory_space<vmem>>, vector<1x1x8x256xf32>
    %get3A_883 = vector.shape_cast %get3A_882 : vector<1x1x8x256xf32> to vector<8x256xf32>
    %gt3A_884 = arith.cmpf ogt, %get3A_883, %select_n3A_797 : vector<8x256xf32>
    %select_n3A_885 = arith.select %gt3A_884, %get3A_883, %select_n3A_797 : vector<8x256xi1>, vector<8x256xf32>
    %jit3A_886 = arith.constant 20 : i32
    %broadcast_in_dim3A_887 = vector.broadcast %jit3A_886 : i32 to vector<8x256xi32>
    %select_n3A_888 = arith.select %gt3A_884, %broadcast_in_dim3A_887, %select_n3A_800 : vector<8x256xi1>, vector<8x256xi32>
    %get3A_889 = arith.constant 0 : index
    %get3A_890 = arith.constant 3 : index
    %get3A_891 = arith.constant 160 : index
    %get3A_892 = arith.constant 0 : index
    %get3A_893 = vector.load %arg1[%get3A_889, %get3A_890, %get3A_891, %get3A_892] : memref<1x7x256x256xf32, #tpu.memory_space<vmem>>, vector<1x1x8x256xf32>
    %get3A_894 = vector.shape_cast %get3A_893 : vector<1x1x8x256xf32> to vector<8x256xf32>
    %gt3A_895 = arith.cmpf ogt, %get3A_894, %select_n3A_808 : vector<8x256xf32>
    %select_n3A_896 = arith.select %gt3A_895, %get3A_894, %select_n3A_808 : vector<8x256xi1>, vector<8x256xf32>
    %jit3A_897 = arith.constant 20 : i32
    %broadcast_in_dim3A_898 = vector.broadcast %jit3A_897 : i32 to vector<8x256xi32>
    %select_n3A_899 = arith.select %gt3A_895, %broadcast_in_dim3A_898, %select_n3A_811 : vector<8x256xi1>, vector<8x256xi32>
    %get3A_900 = arith.constant 0 : index
    %get3A_901 = arith.constant 0 : index
    %get3A_902 = arith.constant 168 : index
    %get3A_903 = arith.constant 0 : index
    %get3A_904 = vector.load %arg1[%get3A_900, %get3A_901, %get3A_902, %get3A_903] : memref<1x7x256x256xf32, #tpu.memory_space<vmem>>, vector<1x1x8x256xf32>
    %get3A_905 = vector.shape_cast %get3A_904 : vector<1x1x8x256xf32> to vector<8x256xf32>
    %gt3A_906 = arith.cmpf ogt, %get3A_905, %select_n3A_819 : vector<8x256xf32>
    %select_n3A_907 = arith.select %gt3A_906, %get3A_905, %select_n3A_819 : vector<8x256xi1>, vector<8x256xf32>
    %jit3A_908 = arith.constant 21 : i32
    %broadcast_in_dim3A_909 = vector.broadcast %jit3A_908 : i32 to vector<8x256xi32>
    %select_n3A_910 = arith.select %gt3A_906, %broadcast_in_dim3A_909, %select_n3A_822 : vector<8x256xi1>, vector<8x256xi32>
    %get3A_911 = arith.constant 0 : index
    %get3A_912 = arith.constant 1 : index
    %get3A_913 = arith.constant 168 : index
    %get3A_914 = arith.constant 0 : index
    %get3A_915 = vector.load %arg1[%get3A_911, %get3A_912, %get3A_913, %get3A_914] : memref<1x7x256x256xf32, #tpu.memory_space<vmem>>, vector<1x1x8x256xf32>
    %get3A_916 = vector.shape_cast %get3A_915 : vector<1x1x8x256xf32> to vector<8x256xf32>
    %gt3A_917 = arith.cmpf ogt, %get3A_916, %select_n3A_830 : vector<8x256xf32>
    %select_n3A_918 = arith.select %gt3A_917, %get3A_916, %select_n3A_830 : vector<8x256xi1>, vector<8x256xf32>
    %jit3A_919 = arith.constant 21 : i32
    %broadcast_in_dim3A_920 = vector.broadcast %jit3A_919 : i32 to vector<8x256xi32>
    %select_n3A_921 = arith.select %gt3A_917, %broadcast_in_dim3A_920, %select_n3A_833 : vector<8x256xi1>, vector<8x256xi32>
    %get3A_922 = arith.constant 0 : index
    %get3A_923 = arith.constant 2 : index
    %get3A_924 = arith.constant 168 : index
    %get3A_925 = arith.constant 0 : index
    %get3A_926 = vector.load %arg1[%get3A_922, %get3A_923, %get3A_924, %get3A_925] : memref<1x7x256x256xf32, #tpu.memory_space<vmem>>, vector<1x1x8x256xf32>
    %get3A_927 = vector.shape_cast %get3A_926 : vector<1x1x8x256xf32> to vector<8x256xf32>
    %gt3A_928 = arith.cmpf ogt, %get3A_927, %select_n3A_841 : vector<8x256xf32>
    %select_n3A_929 = arith.select %gt3A_928, %get3A_927, %select_n3A_841 : vector<8x256xi1>, vector<8x256xf32>
    %jit3A_930 = arith.constant 21 : i32
    %broadcast_in_dim3A_931 = vector.broadcast %jit3A_930 : i32 to vector<8x256xi32>
    %select_n3A_932 = arith.select %gt3A_928, %broadcast_in_dim3A_931, %select_n3A_844 : vector<8x256xi1>, vector<8x256xi32>
    %get3A_933 = arith.constant 0 : index
    %get3A_934 = arith.constant 3 : index
    %get3A_935 = arith.constant 168 : index
    %get3A_936 = arith.constant 0 : index
    %get3A_937 = vector.load %arg1[%get3A_933, %get3A_934, %get3A_935, %get3A_936] : memref<1x7x256x256xf32, #tpu.memory_space<vmem>>, vector<1x1x8x256xf32>
    %get3A_938 = vector.shape_cast %get3A_937 : vector<1x1x8x256xf32> to vector<8x256xf32>
    %gt3A_939 = arith.cmpf ogt, %get3A_938, %select_n3A_852 : vector<8x256xf32>
    %select_n3A_940 = arith.select %gt3A_939, %get3A_938, %select_n3A_852 : vector<8x256xi1>, vector<8x256xf32>
    %jit3A_941 = arith.constant 21 : i32
    %broadcast_in_dim3A_942 = vector.broadcast %jit3A_941 : i32 to vector<8x256xi32>
    %select_n3A_943 = arith.select %gt3A_939, %broadcast_in_dim3A_942, %select_n3A_855 : vector<8x256xi1>, vector<8x256xi32>
    %get3A_944 = arith.constant 0 : index
    %get3A_945 = arith.constant 0 : index
    %get3A_946 = arith.constant 176 : index
    %get3A_947 = arith.constant 0 : index
    %get3A_948 = vector.load %arg1[%get3A_944, %get3A_945, %get3A_946, %get3A_947] : memref<1x7x256x256xf32, #tpu.memory_space<vmem>>, vector<1x1x8x256xf32>
    %get3A_949 = vector.shape_cast %get3A_948 : vector<1x1x8x256xf32> to vector<8x256xf32>
    %gt3A_950 = arith.cmpf ogt, %get3A_949, %select_n3A_863 : vector<8x256xf32>
    %select_n3A_951 = arith.select %gt3A_950, %get3A_949, %select_n3A_863 : vector<8x256xi1>, vector<8x256xf32>
    %jit3A_952 = arith.constant 22 : i32
    %broadcast_in_dim3A_953 = vector.broadcast %jit3A_952 : i32 to vector<8x256xi32>
    %select_n3A_954 = arith.select %gt3A_950, %broadcast_in_dim3A_953, %select_n3A_866 : vector<8x256xi1>, vector<8x256xi32>
    %get3A_955 = arith.constant 0 : index
    %get3A_956 = arith.constant 1 : index
    %get3A_957 = arith.constant 176 : index
    %get3A_958 = arith.constant 0 : index
    %get3A_959 = vector.load %arg1[%get3A_955, %get3A_956, %get3A_957, %get3A_958] : memref<1x7x256x256xf32, #tpu.memory_space<vmem>>, vector<1x1x8x256xf32>
    %get3A_960 = vector.shape_cast %get3A_959 : vector<1x1x8x256xf32> to vector<8x256xf32>
    %gt3A_961 = arith.cmpf ogt, %get3A_960, %select_n3A_874 : vector<8x256xf32>
    %select_n3A_962 = arith.select %gt3A_961, %get3A_960, %select_n3A_874 : vector<8x256xi1>, vector<8x256xf32>
    %jit3A_963 = arith.constant 22 : i32
    %broadcast_in_dim3A_964 = vector.broadcast %jit3A_963 : i32 to vector<8x256xi32>
    %select_n3A_965 = arith.select %gt3A_961, %broadcast_in_dim3A_964, %select_n3A_877 : vector<8x256xi1>, vector<8x256xi32>
    %get3A_966 = arith.constant 0 : index
    %get3A_967 = arith.constant 2 : index
    %get3A_968 = arith.constant 176 : index
    %get3A_969 = arith.constant 0 : index
    %get3A_970 = vector.load %arg1[%get3A_966, %get3A_967, %get3A_968, %get3A_969] : memref<1x7x256x256xf32, #tpu.memory_space<vmem>>, vector<1x1x8x256xf32>
    %get3A_971 = vector.shape_cast %get3A_970 : vector<1x1x8x256xf32> to vector<8x256xf32>
    %gt3A_972 = arith.cmpf ogt, %get3A_971, %select_n3A_885 : vector<8x256xf32>
    %select_n3A_973 = arith.select %gt3A_972, %get3A_971, %select_n3A_885 : vector<8x256xi1>, vector<8x256xf32>
    %jit3A_974 = arith.constant 22 : i32
    %broadcast_in_dim3A_975 = vector.broadcast %jit3A_974 : i32 to vector<8x256xi32>
    %select_n3A_976 = arith.select %gt3A_972, %broadcast_in_dim3A_975, %select_n3A_888 : vector<8x256xi1>, vector<8x256xi32>
    %get3A_977 = arith.constant 0 : index
    %get3A_978 = arith.constant 3 : index
    %get3A_979 = arith.constant 176 : index
    %get3A_980 = arith.constant 0 : index
    %get3A_981 = vector.load %arg1[%get3A_977, %get3A_978, %get3A_979, %get3A_980] : memref<1x7x256x256xf32, #tpu.memory_space<vmem>>, vector<1x1x8x256xf32>
    %get3A_982 = vector.shape_cast %get3A_981 : vector<1x1x8x256xf32> to vector<8x256xf32>
    %gt3A_983 = arith.cmpf ogt, %get3A_982, %select_n3A_896 : vector<8x256xf32>
    %select_n3A_984 = arith.select %gt3A_983, %get3A_982, %select_n3A_896 : vector<8x256xi1>, vector<8x256xf32>
    %jit3A_985 = arith.constant 22 : i32
    %broadcast_in_dim3A_986 = vector.broadcast %jit3A_985 : i32 to vector<8x256xi32>
    %select_n3A_987 = arith.select %gt3A_983, %broadcast_in_dim3A_986, %select_n3A_899 : vector<8x256xi1>, vector<8x256xi32>
    %get3A_988 = arith.constant 0 : index
    %get3A_989 = arith.constant 0 : index
    %get3A_990 = arith.constant 184 : index
    %get3A_991 = arith.constant 0 : index
    %get3A_992 = vector.load %arg1[%get3A_988, %get3A_989, %get3A_990, %get3A_991] : memref<1x7x256x256xf32, #tpu.memory_space<vmem>>, vector<1x1x8x256xf32>
    %get3A_993 = vector.shape_cast %get3A_992 : vector<1x1x8x256xf32> to vector<8x256xf32>
    %gt3A_994 = arith.cmpf ogt, %get3A_993, %select_n3A_907 : vector<8x256xf32>
    %select_n3A_995 = arith.select %gt3A_994, %get3A_993, %select_n3A_907 : vector<8x256xi1>, vector<8x256xf32>
    %jit3A_996 = arith.constant 23 : i32
    %broadcast_in_dim3A_997 = vector.broadcast %jit3A_996 : i32 to vector<8x256xi32>
    %select_n3A_998 = arith.select %gt3A_994, %broadcast_in_dim3A_997, %select_n3A_910 : vector<8x256xi1>, vector<8x256xi32>
    %get3A_999 = arith.constant 0 : index
    %get3A_1000 = arith.constant 1 : index
    %get3A_1001 = arith.constant 184 : index
    %get3A_1002 = arith.constant 0 : index
    %get3A_1003 = vector.load %arg1[%get3A_999, %get3A_1000, %get3A_1001, %get3A_1002] : memref<1x7x256x256xf32, #tpu.memory_space<vmem>>, vector<1x1x8x256xf32>
    %get3A_1004 = vector.shape_cast %get3A_1003 : vector<1x1x8x256xf32> to vector<8x256xf32>
    %gt3A_1005 = arith.cmpf ogt, %get3A_1004, %select_n3A_918 : vector<8x256xf32>
    %select_n3A_1006 = arith.select %gt3A_1005, %get3A_1004, %select_n3A_918 : vector<8x256xi1>, vector<8x256xf32>
    %jit3A_1007 = arith.constant 23 : i32
    %broadcast_in_dim3A_1008 = vector.broadcast %jit3A_1007 : i32 to vector<8x256xi32>
    %select_n3A_1009 = arith.select %gt3A_1005, %broadcast_in_dim3A_1008, %select_n3A_921 : vector<8x256xi1>, vector<8x256xi32>
    %get3A_1010 = arith.constant 0 : index
    %get3A_1011 = arith.constant 2 : index
    %get3A_1012 = arith.constant 184 : index
    %get3A_1013 = arith.constant 0 : index
    %get3A_1014 = vector.load %arg1[%get3A_1010, %get3A_1011, %get3A_1012, %get3A_1013] : memref<1x7x256x256xf32, #tpu.memory_space<vmem>>, vector<1x1x8x256xf32>
    %get3A_1015 = vector.shape_cast %get3A_1014 : vector<1x1x8x256xf32> to vector<8x256xf32>
    %gt3A_1016 = arith.cmpf ogt, %get3A_1015, %select_n3A_929 : vector<8x256xf32>
    %select_n3A_1017 = arith.select %gt3A_1016, %get3A_1015, %select_n3A_929 : vector<8x256xi1>, vector<8x256xf32>
    %jit3A_1018 = arith.constant 23 : i32
    %broadcast_in_dim3A_1019 = vector.broadcast %jit3A_1018 : i32 to vector<8x256xi32>
    %select_n3A_1020 = arith.select %gt3A_1016, %broadcast_in_dim3A_1019, %select_n3A_932 : vector<8x256xi1>, vector<8x256xi32>
    %get3A_1021 = arith.constant 0 : index
    %get3A_1022 = arith.constant 3 : index
    %get3A_1023 = arith.constant 184 : index
    %get3A_1024 = arith.constant 0 : index
    %get3A_1025 = vector.load %arg1[%get3A_1021, %get3A_1022, %get3A_1023, %get3A_1024] : memref<1x7x256x256xf32, #tpu.memory_space<vmem>>, vector<1x1x8x256xf32>
    %get3A_1026 = vector.shape_cast %get3A_1025 : vector<1x1x8x256xf32> to vector<8x256xf32>
    %gt3A_1027 = arith.cmpf ogt, %get3A_1026, %select_n3A_940 : vector<8x256xf32>
    %select_n3A_1028 = arith.select %gt3A_1027, %get3A_1026, %select_n3A_940 : vector<8x256xi1>, vector<8x256xf32>
    %jit3A_1029 = arith.constant 23 : i32
    %broadcast_in_dim3A_1030 = vector.broadcast %jit3A_1029 : i32 to vector<8x256xi32>
    %select_n3A_1031 = arith.select %gt3A_1027, %broadcast_in_dim3A_1030, %select_n3A_943 : vector<8x256xi1>, vector<8x256xi32>
    %get3A_1032 = arith.constant 0 : index
    %get3A_1033 = arith.constant 0 : index
    %get3A_1034 = arith.constant 192 : index
    %get3A_1035 = arith.constant 0 : index
    %get3A_1036 = vector.load %arg1[%get3A_1032, %get3A_1033, %get3A_1034, %get3A_1035] : memref<1x7x256x256xf32, #tpu.memory_space<vmem>>, vector<1x1x8x256xf32>
    %get3A_1037 = vector.shape_cast %get3A_1036 : vector<1x1x8x256xf32> to vector<8x256xf32>
    %gt3A_1038 = arith.cmpf ogt, %get3A_1037, %select_n3A_951 : vector<8x256xf32>
    %select_n3A_1039 = arith.select %gt3A_1038, %get3A_1037, %select_n3A_951 : vector<8x256xi1>, vector<8x256xf32>
    %jit3A_1040 = arith.constant 24 : i32
    %broadcast_in_dim3A_1041 = vector.broadcast %jit3A_1040 : i32 to vector<8x256xi32>
    %select_n3A_1042 = arith.select %gt3A_1038, %broadcast_in_dim3A_1041, %select_n3A_954 : vector<8x256xi1>, vector<8x256xi32>
    %get3A_1043 = arith.constant 0 : index
    %get3A_1044 = arith.constant 1 : index
    %get3A_1045 = arith.constant 192 : index
    %get3A_1046 = arith.constant 0 : index
    %get3A_1047 = vector.load %arg1[%get3A_1043, %get3A_1044, %get3A_1045, %get3A_1046] : memref<1x7x256x256xf32, #tpu.memory_space<vmem>>, vector<1x1x8x256xf32>
    %get3A_1048 = vector.shape_cast %get3A_1047 : vector<1x1x8x256xf32> to vector<8x256xf32>
    %gt3A_1049 = arith.cmpf ogt, %get3A_1048, %select_n3A_962 : vector<8x256xf32>
    %select_n3A_1050 = arith.select %gt3A_1049, %get3A_1048, %select_n3A_962 : vector<8x256xi1>, vector<8x256xf32>
    %jit3A_1051 = arith.constant 24 : i32
    %broadcast_in_dim3A_1052 = vector.broadcast %jit3A_1051 : i32 to vector<8x256xi32>
    %select_n3A_1053 = arith.select %gt3A_1049, %broadcast_in_dim3A_1052, %select_n3A_965 : vector<8x256xi1>, vector<8x256xi32>
    %get3A_1054 = arith.constant 0 : index
    %get3A_1055 = arith.constant 2 : index
    %get3A_1056 = arith.constant 192 : index
    %get3A_1057 = arith.constant 0 : index
    %get3A_1058 = vector.load %arg1[%get3A_1054, %get3A_1055, %get3A_1056, %get3A_1057] : memref<1x7x256x256xf32, #tpu.memory_space<vmem>>, vector<1x1x8x256xf32>
    %get3A_1059 = vector.shape_cast %get3A_1058 : vector<1x1x8x256xf32> to vector<8x256xf32>
    %gt3A_1060 = arith.cmpf ogt, %get3A_1059, %select_n3A_973 : vector<8x256xf32>
    %select_n3A_1061 = arith.select %gt3A_1060, %get3A_1059, %select_n3A_973 : vector<8x256xi1>, vector<8x256xf32>
    %jit3A_1062 = arith.constant 24 : i32
    %broadcast_in_dim3A_1063 = vector.broadcast %jit3A_1062 : i32 to vector<8x256xi32>
    %select_n3A_1064 = arith.select %gt3A_1060, %broadcast_in_dim3A_1063, %select_n3A_976 : vector<8x256xi1>, vector<8x256xi32>
    %get3A_1065 = arith.constant 0 : index
    %get3A_1066 = arith.constant 3 : index
    %get3A_1067 = arith.constant 192 : index
    %get3A_1068 = arith.constant 0 : index
    %get3A_1069 = vector.load %arg1[%get3A_1065, %get3A_1066, %get3A_1067, %get3A_1068] : memref<1x7x256x256xf32, #tpu.memory_space<vmem>>, vector<1x1x8x256xf32>
    %get3A_1070 = vector.shape_cast %get3A_1069 : vector<1x1x8x256xf32> to vector<8x256xf32>
    %gt3A_1071 = arith.cmpf ogt, %get3A_1070, %select_n3A_984 : vector<8x256xf32>
    %select_n3A_1072 = arith.select %gt3A_1071, %get3A_1070, %select_n3A_984 : vector<8x256xi1>, vector<8x256xf32>
    %jit3A_1073 = arith.constant 24 : i32
    %broadcast_in_dim3A_1074 = vector.broadcast %jit3A_1073 : i32 to vector<8x256xi32>
    %select_n3A_1075 = arith.select %gt3A_1071, %broadcast_in_dim3A_1074, %select_n3A_987 : vector<8x256xi1>, vector<8x256xi32>
    %get3A_1076 = arith.constant 0 : index
    %get3A_1077 = arith.constant 0 : index
    %get3A_1078 = arith.constant 200 : index
    %get3A_1079 = arith.constant 0 : index
    %get3A_1080 = vector.load %arg1[%get3A_1076, %get3A_1077, %get3A_1078, %get3A_1079] : memref<1x7x256x256xf32, #tpu.memory_space<vmem>>, vector<1x1x8x256xf32>
    %get3A_1081 = vector.shape_cast %get3A_1080 : vector<1x1x8x256xf32> to vector<8x256xf32>
    %gt3A_1082 = arith.cmpf ogt, %get3A_1081, %select_n3A_995 : vector<8x256xf32>
    %select_n3A_1083 = arith.select %gt3A_1082, %get3A_1081, %select_n3A_995 : vector<8x256xi1>, vector<8x256xf32>
    %jit3A_1084 = arith.constant 25 : i32
    %broadcast_in_dim3A_1085 = vector.broadcast %jit3A_1084 : i32 to vector<8x256xi32>
    %select_n3A_1086 = arith.select %gt3A_1082, %broadcast_in_dim3A_1085, %select_n3A_998 : vector<8x256xi1>, vector<8x256xi32>
    %get3A_1087 = arith.constant 0 : index
    %get3A_1088 = arith.constant 1 : index
    %get3A_1089 = arith.constant 200 : index
    %get3A_1090 = arith.constant 0 : index
    %get3A_1091 = vector.load %arg1[%get3A_1087, %get3A_1088, %get3A_1089, %get3A_1090] : memref<1x7x256x256xf32, #tpu.memory_space<vmem>>, vector<1x1x8x256xf32>
    %get3A_1092 = vector.shape_cast %get3A_1091 : vector<1x1x8x256xf32> to vector<8x256xf32>
    %gt3A_1093 = arith.cmpf ogt, %get3A_1092, %select_n3A_1006 : vector<8x256xf32>
    %select_n3A_1094 = arith.select %gt3A_1093, %get3A_1092, %select_n3A_1006 : vector<8x256xi1>, vector<8x256xf32>
    %jit3A_1095 = arith.constant 25 : i32
    %broadcast_in_dim3A_1096 = vector.broadcast %jit3A_1095 : i32 to vector<8x256xi32>
    %select_n3A_1097 = arith.select %gt3A_1093, %broadcast_in_dim3A_1096, %select_n3A_1009 : vector<8x256xi1>, vector<8x256xi32>
    %get3A_1098 = arith.constant 0 : index
    %get3A_1099 = arith.constant 2 : index
    %get3A_1100 = arith.constant 200 : index
    %get3A_1101 = arith.constant 0 : index
    %get3A_1102 = vector.load %arg1[%get3A_1098, %get3A_1099, %get3A_1100, %get3A_1101] : memref<1x7x256x256xf32, #tpu.memory_space<vmem>>, vector<1x1x8x256xf32>
    %get3A_1103 = vector.shape_cast %get3A_1102 : vector<1x1x8x256xf32> to vector<8x256xf32>
    %gt3A_1104 = arith.cmpf ogt, %get3A_1103, %select_n3A_1017 : vector<8x256xf32>
    %select_n3A_1105 = arith.select %gt3A_1104, %get3A_1103, %select_n3A_1017 : vector<8x256xi1>, vector<8x256xf32>
    %jit3A_1106 = arith.constant 25 : i32
    %broadcast_in_dim3A_1107 = vector.broadcast %jit3A_1106 : i32 to vector<8x256xi32>
    %select_n3A_1108 = arith.select %gt3A_1104, %broadcast_in_dim3A_1107, %select_n3A_1020 : vector<8x256xi1>, vector<8x256xi32>
    %get3A_1109 = arith.constant 0 : index
    %get3A_1110 = arith.constant 3 : index
    %get3A_1111 = arith.constant 200 : index
    %get3A_1112 = arith.constant 0 : index
    %get3A_1113 = vector.load %arg1[%get3A_1109, %get3A_1110, %get3A_1111, %get3A_1112] : memref<1x7x256x256xf32, #tpu.memory_space<vmem>>, vector<1x1x8x256xf32>
    %get3A_1114 = vector.shape_cast %get3A_1113 : vector<1x1x8x256xf32> to vector<8x256xf32>
    %gt3A_1115 = arith.cmpf ogt, %get3A_1114, %select_n3A_1028 : vector<8x256xf32>
    %select_n3A_1116 = arith.select %gt3A_1115, %get3A_1114, %select_n3A_1028 : vector<8x256xi1>, vector<8x256xf32>
    %jit3A_1117 = arith.constant 25 : i32
    %broadcast_in_dim3A_1118 = vector.broadcast %jit3A_1117 : i32 to vector<8x256xi32>
    %select_n3A_1119 = arith.select %gt3A_1115, %broadcast_in_dim3A_1118, %select_n3A_1031 : vector<8x256xi1>, vector<8x256xi32>
    %get3A_1120 = arith.constant 0 : index
    %get3A_1121 = arith.constant 0 : index
    %get3A_1122 = arith.constant 208 : index
    %get3A_1123 = arith.constant 0 : index
    %get3A_1124 = vector.load %arg1[%get3A_1120, %get3A_1121, %get3A_1122, %get3A_1123] : memref<1x7x256x256xf32, #tpu.memory_space<vmem>>, vector<1x1x8x256xf32>
    %get3A_1125 = vector.shape_cast %get3A_1124 : vector<1x1x8x256xf32> to vector<8x256xf32>
    %gt3A_1126 = arith.cmpf ogt, %get3A_1125, %select_n3A_1039 : vector<8x256xf32>
    %select_n3A_1127 = arith.select %gt3A_1126, %get3A_1125, %select_n3A_1039 : vector<8x256xi1>, vector<8x256xf32>
    %jit3A_1128 = arith.constant 26 : i32
    %broadcast_in_dim3A_1129 = vector.broadcast %jit3A_1128 : i32 to vector<8x256xi32>
    %select_n3A_1130 = arith.select %gt3A_1126, %broadcast_in_dim3A_1129, %select_n3A_1042 : vector<8x256xi1>, vector<8x256xi32>
    %get3A_1131 = arith.constant 0 : index
    %get3A_1132 = arith.constant 1 : index
    %get3A_1133 = arith.constant 208 : index
    %get3A_1134 = arith.constant 0 : index
    %get3A_1135 = vector.load %arg1[%get3A_1131, %get3A_1132, %get3A_1133, %get3A_1134] : memref<1x7x256x256xf32, #tpu.memory_space<vmem>>, vector<1x1x8x256xf32>
    %get3A_1136 = vector.shape_cast %get3A_1135 : vector<1x1x8x256xf32> to vector<8x256xf32>
    %gt3A_1137 = arith.cmpf ogt, %get3A_1136, %select_n3A_1050 : vector<8x256xf32>
    %select_n3A_1138 = arith.select %gt3A_1137, %get3A_1136, %select_n3A_1050 : vector<8x256xi1>, vector<8x256xf32>
    %jit3A_1139 = arith.constant 26 : i32
    %broadcast_in_dim3A_1140 = vector.broadcast %jit3A_1139 : i32 to vector<8x256xi32>
    %select_n3A_1141 = arith.select %gt3A_1137, %broadcast_in_dim3A_1140, %select_n3A_1053 : vector<8x256xi1>, vector<8x256xi32>
    %get3A_1142 = arith.constant 0 : index
    %get3A_1143 = arith.constant 2 : index
    %get3A_1144 = arith.constant 208 : index
    %get3A_1145 = arith.constant 0 : index
    %get3A_1146 = vector.load %arg1[%get3A_1142, %get3A_1143, %get3A_1144, %get3A_1145] : memref<1x7x256x256xf32, #tpu.memory_space<vmem>>, vector<1x1x8x256xf32>
    %get3A_1147 = vector.shape_cast %get3A_1146 : vector<1x1x8x256xf32> to vector<8x256xf32>
    %gt3A_1148 = arith.cmpf ogt, %get3A_1147, %select_n3A_1061 : vector<8x256xf32>
    %select_n3A_1149 = arith.select %gt3A_1148, %get3A_1147, %select_n3A_1061 : vector<8x256xi1>, vector<8x256xf32>
    %jit3A_1150 = arith.constant 26 : i32
    %broadcast_in_dim3A_1151 = vector.broadcast %jit3A_1150 : i32 to vector<8x256xi32>
    %select_n3A_1152 = arith.select %gt3A_1148, %broadcast_in_dim3A_1151, %select_n3A_1064 : vector<8x256xi1>, vector<8x256xi32>
    %get3A_1153 = arith.constant 0 : index
    %get3A_1154 = arith.constant 3 : index
    %get3A_1155 = arith.constant 208 : index
    %get3A_1156 = arith.constant 0 : index
    %get3A_1157 = vector.load %arg1[%get3A_1153, %get3A_1154, %get3A_1155, %get3A_1156] : memref<1x7x256x256xf32, #tpu.memory_space<vmem>>, vector<1x1x8x256xf32>
    %get3A_1158 = vector.shape_cast %get3A_1157 : vector<1x1x8x256xf32> to vector<8x256xf32>
    %gt3A_1159 = arith.cmpf ogt, %get3A_1158, %select_n3A_1072 : vector<8x256xf32>
    %select_n3A_1160 = arith.select %gt3A_1159, %get3A_1158, %select_n3A_1072 : vector<8x256xi1>, vector<8x256xf32>
    %jit3A_1161 = arith.constant 26 : i32
    %broadcast_in_dim3A_1162 = vector.broadcast %jit3A_1161 : i32 to vector<8x256xi32>
    %select_n3A_1163 = arith.select %gt3A_1159, %broadcast_in_dim3A_1162, %select_n3A_1075 : vector<8x256xi1>, vector<8x256xi32>
    %get3A_1164 = arith.constant 0 : index
    %get3A_1165 = arith.constant 0 : index
    %get3A_1166 = arith.constant 216 : index
    %get3A_1167 = arith.constant 0 : index
    %get3A_1168 = vector.load %arg1[%get3A_1164, %get3A_1165, %get3A_1166, %get3A_1167] : memref<1x7x256x256xf32, #tpu.memory_space<vmem>>, vector<1x1x8x256xf32>
    %get3A_1169 = vector.shape_cast %get3A_1168 : vector<1x1x8x256xf32> to vector<8x256xf32>
    %gt3A_1170 = arith.cmpf ogt, %get3A_1169, %select_n3A_1083 : vector<8x256xf32>
    %select_n3A_1171 = arith.select %gt3A_1170, %get3A_1169, %select_n3A_1083 : vector<8x256xi1>, vector<8x256xf32>
    %jit3A_1172 = arith.constant 27 : i32
    %broadcast_in_dim3A_1173 = vector.broadcast %jit3A_1172 : i32 to vector<8x256xi32>
    %select_n3A_1174 = arith.select %gt3A_1170, %broadcast_in_dim3A_1173, %select_n3A_1086 : vector<8x256xi1>, vector<8x256xi32>
    %get3A_1175 = arith.constant 0 : index
    %get3A_1176 = arith.constant 1 : index
    %get3A_1177 = arith.constant 216 : index
    %get3A_1178 = arith.constant 0 : index
    %get3A_1179 = vector.load %arg1[%get3A_1175, %get3A_1176, %get3A_1177, %get3A_1178] : memref<1x7x256x256xf32, #tpu.memory_space<vmem>>, vector<1x1x8x256xf32>
    %get3A_1180 = vector.shape_cast %get3A_1179 : vector<1x1x8x256xf32> to vector<8x256xf32>
    %gt3A_1181 = arith.cmpf ogt, %get3A_1180, %select_n3A_1094 : vector<8x256xf32>
    %select_n3A_1182 = arith.select %gt3A_1181, %get3A_1180, %select_n3A_1094 : vector<8x256xi1>, vector<8x256xf32>
    %jit3A_1183 = arith.constant 27 : i32
    %broadcast_in_dim3A_1184 = vector.broadcast %jit3A_1183 : i32 to vector<8x256xi32>
    %select_n3A_1185 = arith.select %gt3A_1181, %broadcast_in_dim3A_1184, %select_n3A_1097 : vector<8x256xi1>, vector<8x256xi32>
    %get3A_1186 = arith.constant 0 : index
    %get3A_1187 = arith.constant 2 : index
    %get3A_1188 = arith.constant 216 : index
    %get3A_1189 = arith.constant 0 : index
    %get3A_1190 = vector.load %arg1[%get3A_1186, %get3A_1187, %get3A_1188, %get3A_1189] : memref<1x7x256x256xf32, #tpu.memory_space<vmem>>, vector<1x1x8x256xf32>
    %get3A_1191 = vector.shape_cast %get3A_1190 : vector<1x1x8x256xf32> to vector<8x256xf32>
    %gt3A_1192 = arith.cmpf ogt, %get3A_1191, %select_n3A_1105 : vector<8x256xf32>
    %select_n3A_1193 = arith.select %gt3A_1192, %get3A_1191, %select_n3A_1105 : vector<8x256xi1>, vector<8x256xf32>
    %jit3A_1194 = arith.constant 27 : i32
    %broadcast_in_dim3A_1195 = vector.broadcast %jit3A_1194 : i32 to vector<8x256xi32>
    %select_n3A_1196 = arith.select %gt3A_1192, %broadcast_in_dim3A_1195, %select_n3A_1108 : vector<8x256xi1>, vector<8x256xi32>
    %get3A_1197 = arith.constant 0 : index
    %get3A_1198 = arith.constant 3 : index
    %get3A_1199 = arith.constant 216 : index
    %get3A_1200 = arith.constant 0 : index
    %get3A_1201 = vector.load %arg1[%get3A_1197, %get3A_1198, %get3A_1199, %get3A_1200] : memref<1x7x256x256xf32, #tpu.memory_space<vmem>>, vector<1x1x8x256xf32>
    %get3A_1202 = vector.shape_cast %get3A_1201 : vector<1x1x8x256xf32> to vector<8x256xf32>
    %gt3A_1203 = arith.cmpf ogt, %get3A_1202, %select_n3A_1116 : vector<8x256xf32>
    %select_n3A_1204 = arith.select %gt3A_1203, %get3A_1202, %select_n3A_1116 : vector<8x256xi1>, vector<8x256xf32>
    %jit3A_1205 = arith.constant 27 : i32
    %broadcast_in_dim3A_1206 = vector.broadcast %jit3A_1205 : i32 to vector<8x256xi32>
    %select_n3A_1207 = arith.select %gt3A_1203, %broadcast_in_dim3A_1206, %select_n3A_1119 : vector<8x256xi1>, vector<8x256xi32>
    %get3A_1208 = arith.constant 0 : index
    %get3A_1209 = arith.constant 0 : index
    %get3A_1210 = arith.constant 224 : index
    %get3A_1211 = arith.constant 0 : index
    %get3A_1212 = vector.load %arg1[%get3A_1208, %get3A_1209, %get3A_1210, %get3A_1211] : memref<1x7x256x256xf32, #tpu.memory_space<vmem>>, vector<1x1x8x256xf32>
    %get3A_1213 = vector.shape_cast %get3A_1212 : vector<1x1x8x256xf32> to vector<8x256xf32>
    %gt3A_1214 = arith.cmpf ogt, %get3A_1213, %select_n3A_1127 : vector<8x256xf32>
    %select_n3A_1215 = arith.select %gt3A_1214, %get3A_1213, %select_n3A_1127 : vector<8x256xi1>, vector<8x256xf32>
    %jit3A_1216 = arith.constant 28 : i32
    %broadcast_in_dim3A_1217 = vector.broadcast %jit3A_1216 : i32 to vector<8x256xi32>
    %select_n3A_1218 = arith.select %gt3A_1214, %broadcast_in_dim3A_1217, %select_n3A_1130 : vector<8x256xi1>, vector<8x256xi32>
    %get3A_1219 = arith.constant 0 : index
    %get3A_1220 = arith.constant 1 : index
    %get3A_1221 = arith.constant 224 : index
    %get3A_1222 = arith.constant 0 : index
    %get3A_1223 = vector.load %arg1[%get3A_1219, %get3A_1220, %get3A_1221, %get3A_1222] : memref<1x7x256x256xf32, #tpu.memory_space<vmem>>, vector<1x1x8x256xf32>
    %get3A_1224 = vector.shape_cast %get3A_1223 : vector<1x1x8x256xf32> to vector<8x256xf32>
    %gt3A_1225 = arith.cmpf ogt, %get3A_1224, %select_n3A_1138 : vector<8x256xf32>
    %select_n3A_1226 = arith.select %gt3A_1225, %get3A_1224, %select_n3A_1138 : vector<8x256xi1>, vector<8x256xf32>
    %jit3A_1227 = arith.constant 28 : i32
    %broadcast_in_dim3A_1228 = vector.broadcast %jit3A_1227 : i32 to vector<8x256xi32>
    %select_n3A_1229 = arith.select %gt3A_1225, %broadcast_in_dim3A_1228, %select_n3A_1141 : vector<8x256xi1>, vector<8x256xi32>
    %get3A_1230 = arith.constant 0 : index
    %get3A_1231 = arith.constant 2 : index
    %get3A_1232 = arith.constant 224 : index
    %get3A_1233 = arith.constant 0 : index
    %get3A_1234 = vector.load %arg1[%get3A_1230, %get3A_1231, %get3A_1232, %get3A_1233] : memref<1x7x256x256xf32, #tpu.memory_space<vmem>>, vector<1x1x8x256xf32>
    %get3A_1235 = vector.shape_cast %get3A_1234 : vector<1x1x8x256xf32> to vector<8x256xf32>
    %gt3A_1236 = arith.cmpf ogt, %get3A_1235, %select_n3A_1149 : vector<8x256xf32>
    %select_n3A_1237 = arith.select %gt3A_1236, %get3A_1235, %select_n3A_1149 : vector<8x256xi1>, vector<8x256xf32>
    %jit3A_1238 = arith.constant 28 : i32
    %broadcast_in_dim3A_1239 = vector.broadcast %jit3A_1238 : i32 to vector<8x256xi32>
    %select_n3A_1240 = arith.select %gt3A_1236, %broadcast_in_dim3A_1239, %select_n3A_1152 : vector<8x256xi1>, vector<8x256xi32>
    %get3A_1241 = arith.constant 0 : index
    %get3A_1242 = arith.constant 3 : index
    %get3A_1243 = arith.constant 224 : index
    %get3A_1244 = arith.constant 0 : index
    %get3A_1245 = vector.load %arg1[%get3A_1241, %get3A_1242, %get3A_1243, %get3A_1244] : memref<1x7x256x256xf32, #tpu.memory_space<vmem>>, vector<1x1x8x256xf32>
    %get3A_1246 = vector.shape_cast %get3A_1245 : vector<1x1x8x256xf32> to vector<8x256xf32>
    %gt3A_1247 = arith.cmpf ogt, %get3A_1246, %select_n3A_1160 : vector<8x256xf32>
    %select_n3A_1248 = arith.select %gt3A_1247, %get3A_1246, %select_n3A_1160 : vector<8x256xi1>, vector<8x256xf32>
    %jit3A_1249 = arith.constant 28 : i32
    %broadcast_in_dim3A_1250 = vector.broadcast %jit3A_1249 : i32 to vector<8x256xi32>
    %select_n3A_1251 = arith.select %gt3A_1247, %broadcast_in_dim3A_1250, %select_n3A_1163 : vector<8x256xi1>, vector<8x256xi32>
    %get3A_1252 = arith.constant 0 : index
    %get3A_1253 = arith.constant 0 : index
    %get3A_1254 = arith.constant 232 : index
    %get3A_1255 = arith.constant 0 : index
    %get3A_1256 = vector.load %arg1[%get3A_1252, %get3A_1253, %get3A_1254, %get3A_1255] : memref<1x7x256x256xf32, #tpu.memory_space<vmem>>, vector<1x1x8x256xf32>
    %get3A_1257 = vector.shape_cast %get3A_1256 : vector<1x1x8x256xf32> to vector<8x256xf32>
    %gt3A_1258 = arith.cmpf ogt, %get3A_1257, %select_n3A_1171 : vector<8x256xf32>
    %select_n3A_1259 = arith.select %gt3A_1258, %get3A_1257, %select_n3A_1171 : vector<8x256xi1>, vector<8x256xf32>
    %jit3A_1260 = arith.constant 29 : i32
    %broadcast_in_dim3A_1261 = vector.broadcast %jit3A_1260 : i32 to vector<8x256xi32>
    %select_n3A_1262 = arith.select %gt3A_1258, %broadcast_in_dim3A_1261, %select_n3A_1174 : vector<8x256xi1>, vector<8x256xi32>
    %get3A_1263 = arith.constant 0 : index
    %get3A_1264 = arith.constant 1 : index
    %get3A_1265 = arith.constant 232 : index
    %get3A_1266 = arith.constant 0 : index
    %get3A_1267 = vector.load %arg1[%get3A_1263, %get3A_1264, %get3A_1265, %get3A_1266] : memref<1x7x256x256xf32, #tpu.memory_space<vmem>>, vector<1x1x8x256xf32>
    %get3A_1268 = vector.shape_cast %get3A_1267 : vector<1x1x8x256xf32> to vector<8x256xf32>
    %gt3A_1269 = arith.cmpf ogt, %get3A_1268, %select_n3A_1182 : vector<8x256xf32>
    %select_n3A_1270 = arith.select %gt3A_1269, %get3A_1268, %select_n3A_1182 : vector<8x256xi1>, vector<8x256xf32>
    %jit3A_1271 = arith.constant 29 : i32
    %broadcast_in_dim3A_1272 = vector.broadcast %jit3A_1271 : i32 to vector<8x256xi32>
    %select_n3A_1273 = arith.select %gt3A_1269, %broadcast_in_dim3A_1272, %select_n3A_1185 : vector<8x256xi1>, vector<8x256xi32>
    %get3A_1274 = arith.constant 0 : index
    %get3A_1275 = arith.constant 2 : index
    %get3A_1276 = arith.constant 232 : index
    %get3A_1277 = arith.constant 0 : index
    %get3A_1278 = vector.load %arg1[%get3A_1274, %get3A_1275, %get3A_1276, %get3A_1277] : memref<1x7x256x256xf32, #tpu.memory_space<vmem>>, vector<1x1x8x256xf32>
    %get3A_1279 = vector.shape_cast %get3A_1278 : vector<1x1x8x256xf32> to vector<8x256xf32>
    %gt3A_1280 = arith.cmpf ogt, %get3A_1279, %select_n3A_1193 : vector<8x256xf32>
    %select_n3A_1281 = arith.select %gt3A_1280, %get3A_1279, %select_n3A_1193 : vector<8x256xi1>, vector<8x256xf32>
    %jit3A_1282 = arith.constant 29 : i32
    %broadcast_in_dim3A_1283 = vector.broadcast %jit3A_1282 : i32 to vector<8x256xi32>
    %select_n3A_1284 = arith.select %gt3A_1280, %broadcast_in_dim3A_1283, %select_n3A_1196 : vector<8x256xi1>, vector<8x256xi32>
    %get3A_1285 = arith.constant 0 : index
    %get3A_1286 = arith.constant 3 : index
    %get3A_1287 = arith.constant 232 : index
    %get3A_1288 = arith.constant 0 : index
    %get3A_1289 = vector.load %arg1[%get3A_1285, %get3A_1286, %get3A_1287, %get3A_1288] : memref<1x7x256x256xf32, #tpu.memory_space<vmem>>, vector<1x1x8x256xf32>
    %get3A_1290 = vector.shape_cast %get3A_1289 : vector<1x1x8x256xf32> to vector<8x256xf32>
    %gt3A_1291 = arith.cmpf ogt, %get3A_1290, %select_n3A_1204 : vector<8x256xf32>
    %select_n3A_1292 = arith.select %gt3A_1291, %get3A_1290, %select_n3A_1204 : vector<8x256xi1>, vector<8x256xf32>
    %jit3A_1293 = arith.constant 29 : i32
    %broadcast_in_dim3A_1294 = vector.broadcast %jit3A_1293 : i32 to vector<8x256xi32>
    %select_n3A_1295 = arith.select %gt3A_1291, %broadcast_in_dim3A_1294, %select_n3A_1207 : vector<8x256xi1>, vector<8x256xi32>
    %get3A_1296 = arith.constant 0 : index
    %get3A_1297 = arith.constant 0 : index
    %get3A_1298 = arith.constant 240 : index
    %get3A_1299 = arith.constant 0 : index
    %get3A_1300 = vector.load %arg1[%get3A_1296, %get3A_1297, %get3A_1298, %get3A_1299] : memref<1x7x256x256xf32, #tpu.memory_space<vmem>>, vector<1x1x8x256xf32>
    %get3A_1301 = vector.shape_cast %get3A_1300 : vector<1x1x8x256xf32> to vector<8x256xf32>
    %gt3A_1302 = arith.cmpf ogt, %get3A_1301, %select_n3A_1215 : vector<8x256xf32>
    %select_n3A_1303 = arith.select %gt3A_1302, %get3A_1301, %select_n3A_1215 : vector<8x256xi1>, vector<8x256xf32>
    %jit3A_1304 = arith.constant 30 : i32
    %broadcast_in_dim3A_1305 = vector.broadcast %jit3A_1304 : i32 to vector<8x256xi32>
    %select_n3A_1306 = arith.select %gt3A_1302, %broadcast_in_dim3A_1305, %select_n3A_1218 : vector<8x256xi1>, vector<8x256xi32>
    %get3A_1307 = arith.constant 0 : index
    %get3A_1308 = arith.constant 1 : index
    %get3A_1309 = arith.constant 240 : index
    %get3A_1310 = arith.constant 0 : index
    %get3A_1311 = vector.load %arg1[%get3A_1307, %get3A_1308, %get3A_1309, %get3A_1310] : memref<1x7x256x256xf32, #tpu.memory_space<vmem>>, vector<1x1x8x256xf32>
    %get3A_1312 = vector.shape_cast %get3A_1311 : vector<1x1x8x256xf32> to vector<8x256xf32>
    %gt3A_1313 = arith.cmpf ogt, %get3A_1312, %select_n3A_1226 : vector<8x256xf32>
    %select_n3A_1314 = arith.select %gt3A_1313, %get3A_1312, %select_n3A_1226 : vector<8x256xi1>, vector<8x256xf32>
    %jit3A_1315 = arith.constant 30 : i32
    %broadcast_in_dim3A_1316 = vector.broadcast %jit3A_1315 : i32 to vector<8x256xi32>
    %select_n3A_1317 = arith.select %gt3A_1313, %broadcast_in_dim3A_1316, %select_n3A_1229 : vector<8x256xi1>, vector<8x256xi32>
    %get3A_1318 = arith.constant 0 : index
    %get3A_1319 = arith.constant 2 : index
    %get3A_1320 = arith.constant 240 : index
    %get3A_1321 = arith.constant 0 : index
    %get3A_1322 = vector.load %arg1[%get3A_1318, %get3A_1319, %get3A_1320, %get3A_1321] : memref<1x7x256x256xf32, #tpu.memory_space<vmem>>, vector<1x1x8x256xf32>
    %get3A_1323 = vector.shape_cast %get3A_1322 : vector<1x1x8x256xf32> to vector<8x256xf32>
    %gt3A_1324 = arith.cmpf ogt, %get3A_1323, %select_n3A_1237 : vector<8x256xf32>
    %select_n3A_1325 = arith.select %gt3A_1324, %get3A_1323, %select_n3A_1237 : vector<8x256xi1>, vector<8x256xf32>
    %jit3A_1326 = arith.constant 30 : i32
    %broadcast_in_dim3A_1327 = vector.broadcast %jit3A_1326 : i32 to vector<8x256xi32>
    %select_n3A_1328 = arith.select %gt3A_1324, %broadcast_in_dim3A_1327, %select_n3A_1240 : vector<8x256xi1>, vector<8x256xi32>
    %get3A_1329 = arith.constant 0 : index
    %get3A_1330 = arith.constant 3 : index
    %get3A_1331 = arith.constant 240 : index
    %get3A_1332 = arith.constant 0 : index
    %get3A_1333 = vector.load %arg1[%get3A_1329, %get3A_1330, %get3A_1331, %get3A_1332] : memref<1x7x256x256xf32, #tpu.memory_space<vmem>>, vector<1x1x8x256xf32>
    %get3A_1334 = vector.shape_cast %get3A_1333 : vector<1x1x8x256xf32> to vector<8x256xf32>
    %gt3A_1335 = arith.cmpf ogt, %get3A_1334, %select_n3A_1248 : vector<8x256xf32>
    %select_n3A_1336 = arith.select %gt3A_1335, %get3A_1334, %select_n3A_1248 : vector<8x256xi1>, vector<8x256xf32>
    %jit3A_1337 = arith.constant 30 : i32
    %broadcast_in_dim3A_1338 = vector.broadcast %jit3A_1337 : i32 to vector<8x256xi32>
    %select_n3A_1339 = arith.select %gt3A_1335, %broadcast_in_dim3A_1338, %select_n3A_1251 : vector<8x256xi1>, vector<8x256xi32>
    %get3A_1340 = arith.constant 0 : index
    %get3A_1341 = arith.constant 0 : index
    %get3A_1342 = arith.constant 248 : index
    %get3A_1343 = arith.constant 0 : index
    %get3A_1344 = vector.load %arg1[%get3A_1340, %get3A_1341, %get3A_1342, %get3A_1343] : memref<1x7x256x256xf32, #tpu.memory_space<vmem>>, vector<1x1x8x256xf32>
    %get3A_1345 = vector.shape_cast %get3A_1344 : vector<1x1x8x256xf32> to vector<8x256xf32>
    %gt3A_1346 = arith.cmpf ogt, %get3A_1345, %select_n3A_1259 : vector<8x256xf32>
    %select_n3A_1347 = arith.select %gt3A_1346, %get3A_1345, %select_n3A_1259 : vector<8x256xi1>, vector<8x256xf32>
    %jit3A_1348 = arith.constant 31 : i32
    %broadcast_in_dim3A_1349 = vector.broadcast %jit3A_1348 : i32 to vector<8x256xi32>
    %select_n3A_1350 = arith.select %gt3A_1346, %broadcast_in_dim3A_1349, %select_n3A_1262 : vector<8x256xi1>, vector<8x256xi32>
    %get3A_1351 = arith.constant 0 : index
    %get3A_1352 = arith.constant 1 : index
    %get3A_1353 = arith.constant 248 : index
    %get3A_1354 = arith.constant 0 : index
    %get3A_1355 = vector.load %arg1[%get3A_1351, %get3A_1352, %get3A_1353, %get3A_1354] : memref<1x7x256x256xf32, #tpu.memory_space<vmem>>, vector<1x1x8x256xf32>
    %get3A_1356 = vector.shape_cast %get3A_1355 : vector<1x1x8x256xf32> to vector<8x256xf32>
    %gt3A_1357 = arith.cmpf ogt, %get3A_1356, %select_n3A_1270 : vector<8x256xf32>
    %select_n3A_1358 = arith.select %gt3A_1357, %get3A_1356, %select_n3A_1270 : vector<8x256xi1>, vector<8x256xf32>
    %jit3A_1359 = arith.constant 31 : i32
    %broadcast_in_dim3A_1360 = vector.broadcast %jit3A_1359 : i32 to vector<8x256xi32>
    %select_n3A_1361 = arith.select %gt3A_1357, %broadcast_in_dim3A_1360, %select_n3A_1273 : vector<8x256xi1>, vector<8x256xi32>
    %get3A_1362 = arith.constant 0 : index
    %get3A_1363 = arith.constant 2 : index
    %get3A_1364 = arith.constant 248 : index
    %get3A_1365 = arith.constant 0 : index
    %get3A_1366 = vector.load %arg1[%get3A_1362, %get3A_1363, %get3A_1364, %get3A_1365] : memref<1x7x256x256xf32, #tpu.memory_space<vmem>>, vector<1x1x8x256xf32>
    %get3A_1367 = vector.shape_cast %get3A_1366 : vector<1x1x8x256xf32> to vector<8x256xf32>
    %gt3A_1368 = arith.cmpf ogt, %get3A_1367, %select_n3A_1281 : vector<8x256xf32>
    %select_n3A_1369 = arith.select %gt3A_1368, %get3A_1367, %select_n3A_1281 : vector<8x256xi1>, vector<8x256xf32>
    %jit3A_1370 = arith.constant 31 : i32
    %broadcast_in_dim3A_1371 = vector.broadcast %jit3A_1370 : i32 to vector<8x256xi32>
    %select_n3A_1372 = arith.select %gt3A_1368, %broadcast_in_dim3A_1371, %select_n3A_1284 : vector<8x256xi1>, vector<8x256xi32>
    %get3A_1373 = arith.constant 0 : index
    %get3A_1374 = arith.constant 3 : index
    %get3A_1375 = arith.constant 248 : index
    %get3A_1376 = arith.constant 0 : index
    %get3A_1377 = vector.load %arg1[%get3A_1373, %get3A_1374, %get3A_1375, %get3A_1376] : memref<1x7x256x256xf32, #tpu.memory_space<vmem>>, vector<1x1x8x256xf32>
    %get3A_1378 = vector.shape_cast %get3A_1377 : vector<1x1x8x256xf32> to vector<8x256xf32>
    %gt3A_1379 = arith.cmpf ogt, %get3A_1378, %select_n3A_1292 : vector<8x256xf32>
    %select_n3A_1380 = arith.select %gt3A_1379, %get3A_1378, %select_n3A_1292 : vector<8x256xi1>, vector<8x256xf32>
    %jit3A_1381 = arith.constant 31 : i32
    %broadcast_in_dim3A_1382 = vector.broadcast %jit3A_1381 : i32 to vector<8x256xi32>
    %select_n3A_1383 = arith.select %gt3A_1379, %broadcast_in_dim3A_1382, %select_n3A_1295 : vector<8x256xi1>, vector<8x256xi32>
    %gt3A_1384 = arith.cmpf ogt, %select_n3A_1347, %select_n3A_1303 : vector<8x256xf32>
    %eq3A = arith.cmpf oeq, %select_n3A_1347, %select_n3A_1303 : vector<8x256xf32>
    %lt3A = arith.cmpi slt, %select_n3A_1350, %select_n3A_1306 : vector<8x256xi32>
    %and3A = arith.andi %eq3A, %lt3A : vector<8x256xi1>
    %or3A = arith.ori %gt3A_1384, %and3A : vector<8x256xi1>
    %select_n3A_1385 = arith.select %or3A, %select_n3A_1347, %select_n3A_1303 : vector<8x256xi1>, vector<8x256xf32>
    %select_n3A_1386 = arith.select %or3A, %select_n3A_1350, %select_n3A_1306 : vector<8x256xi1>, vector<8x256xi32>
    %reduce_max3A = vector.shape_cast %select_n3A_1385 : vector<8x256xf32> to vector<1x8x256xf32>
    %reduce_max3A_1387 = arith.constant dense<0xFF800000> : vector<1xf32>
    %reduce_max3A_1388 = vector.multi_reduction <maximumf>, %reduce_max3A, %reduce_max3A_1387 [1, 2] : vector<1x8x256xf32> to vector<1xf32>
    %reduce_max3A_1389 = vector.shape_cast %reduce_max3A_1388 : vector<1xf32> to vector<1x1x1xf32>
    %reduce_max3A_1390 = vector.extract %reduce_max3A_1389[0, 0, 0] : f32 from vector<1x1x1xf32>
    %mul3A_1391 = arith.constant 2048 : i32
    %mul3A_1392 = vector.broadcast %mul3A_1391 : i32 to vector<8x256xi32>
    %mul3A_1393 = arith.muli %select_n3A_1386, %mul3A_1392 : vector<8x256xi32>
    %add3A_1394 = arith.addi %mul3A_1393, %add3A : vector<8x256xi32>
    %eq3A_1395 = vector.broadcast %reduce_max3A_1390 : f32 to vector<8x256xf32>
    %eq3A_1396 = arith.cmpf oeq, %select_n3A_1385, %eq3A_1395 : vector<8x256xf32>
    %select_n3A_1397 = arith.select %eq3A_1396, %add3A_1394, %broadcast_in_dim3A_3 : vector<8x256xi1>, vector<8x256xi32>
    %reduce_min3A = vector.shape_cast %select_n3A_1397 : vector<8x256xi32> to vector<1x8x256xi32>
    %reduce_min3A_1398 = arith.constant dense<2147483647> : vector<1xi32>
    %reduce_min3A_1399 = vector.multi_reduction <minsi>, %reduce_min3A, %reduce_min3A_1398 [1, 2] : vector<1x8x256xi32> to vector<1xi32>
    %reduce_min3A_1400 = vector.shape_cast %reduce_min3A_1399 : vector<1xi32> to vector<1x1x1xi32>
    %reduce_min3A_1401 = vector.extract %reduce_min3A_1400[0, 0, 0] : i32 from vector<1x1x1xi32>
    %jit3A_1402 = arith.constant 256 : i32
    %eq3A_1403 = arith.constant 0 : i32
    %eq3A_1404 = arith.cmpi eq, %jit3A_1402, %eq3A_1403 : i32
    %jit3A_1405 = arith.constant 1 : i32
    %select_n3A_1406 = arith.select %eq3A_1404, %jit3A_1405, %jit3A_1402 : i32
    %rem3A = arith.remsi %reduce_min3A_1401, %select_n3A_1406 : i32
    %ne3A = arith.constant 0 : i32
    %ne3A_1407 = arith.cmpi ne, %rem3A, %ne3A : i32
    %lt3A_1408 = arith.constant 0 : i32
    %lt3A_1409 = arith.cmpi slt, %rem3A, %lt3A_1408 : i32
    %lt3A_1410 = arith.constant 0 : i32
    %lt3A_1411 = arith.cmpi slt, %select_n3A_1406, %lt3A_1410 : i32
    %ne3A_1412 = arith.xori %lt3A_1409, %lt3A_1411 : i1
    %and3A_1413 = arith.andi %ne3A_1412, %ne3A_1407 : i1
    %add3A_1414 = arith.addi %rem3A, %select_n3A_1406 : i32
    %select_n3A_1415 = arith.select %and3A_1413, %add3A_1414, %rem3A : i32
    %jit3A_1416 = arith.constant 256 : i32
    %div3A = arith.divsi %reduce_min3A_1401, %jit3A_1416 : i32
    %sign3A = arith.constant 0 : i32
    %sign3A_1417 = arith.cmpi sgt, %reduce_min3A_1401, %sign3A : i32
    %sign3A_1418 = arith.extui %sign3A_1417 : i1 to i32
    %sign3A_1419 = arith.constant 0 : i32
    %sign3A_1420 = arith.cmpi slt, %reduce_min3A_1401, %sign3A_1419 : i32
    %sign3A_1421 = arith.extui %sign3A_1420 : i1 to i32
    %sign3A_1422 = arith.subi %sign3A_1418, %sign3A_1421 : i32
    %sign3A_1423 = arith.constant 0 : i32
    %sign3A_1424 = arith.cmpi sgt, %jit3A_1416, %sign3A_1423 : i32
    %sign3A_1425 = arith.extui %sign3A_1424 : i1 to i32
    %sign3A_1426 = arith.constant 0 : i32
    %sign3A_1427 = arith.cmpi slt, %jit3A_1416, %sign3A_1426 : i32
    %sign3A_1428 = arith.extui %sign3A_1427 : i1 to i32
    %sign3A_1429 = arith.subi %sign3A_1425, %sign3A_1428 : i32
    %ne3A_1430 = arith.cmpi ne, %sign3A_1422, %sign3A_1429 : i32
    %rem3A_1431 = arith.remsi %reduce_min3A_1401, %jit3A_1416 : i32
    %ne3A_1432 = arith.constant 0 : i32
    %ne3A_1433 = arith.cmpi ne, %rem3A_1431, %ne3A_1432 : i32
    %and3A_1434 = arith.andi %ne3A_1430, %ne3A_1433 : i1
    %sub3A = arith.constant 1 : i32
    %sub3A_1435 = arith.subi %div3A, %sub3A : i32
    %select_n3A_1436 = arith.select %and3A_1434, %sub3A_1435, %div3A : i32
    %stack3A = vector.broadcast %select_n3A_1415 : i32 to vector<1xi32>
    %stack3A_1437 = vector.broadcast %select_n3A_1436 : i32 to vector<1xi32>
    %stack3A_1438 = tpu.concatenate %stack3A, %stack3A_1437 in 0 : vector<1xi32>, vector<1xi32> -> vector<2xi32>
    %swap3A = arith.constant 0 : index
    %swap3A_1439 = arith.constant 0 : index
    %swap3A_1440 = arith.constant 0 : index
    %swap3A_1441 = arith.constant 0 : index
    %swap3A_1442 = vector.load %arg2[%swap3A, %swap3A_1439, %swap3A_1440, %swap3A_1441] : memref<1x7x1x2xi32, #tpu.memory_space<vmem>>, vector<1x1x1x2xi32>
    %swap3A_1443 = vector.shape_cast %swap3A_1442 : vector<1x1x1x2xi32> to vector<2xi32>
    %swap3A_1444 = vector.shape_cast %stack3A_1438 : vector<2xi32> to vector<1x1x1x2xi32>
    tpu.vector_store %arg2[%swap3A, %swap3A_1439, %swap3A_1440, %swap3A_1441], %swap3A_1444 {strides = array<i32>} : memref<1x7x1x2xi32, #tpu.memory_space<vmem>>, vector<1x1x1x2xi32>,
    %gt3A_1445 = arith.cmpf ogt, %select_n3A_1358, %select_n3A_1314 : vector<8x256xf32>
    %eq3A_1446 = arith.cmpf oeq, %select_n3A_1358, %select_n3A_1314 : vector<8x256xf32>
    %lt3A_1447 = arith.cmpi slt, %select_n3A_1361, %select_n3A_1317 : vector<8x256xi32>
    %and3A_1448 = arith.andi %eq3A_1446, %lt3A_1447 : vector<8x256xi1>
    %or3A_1449 = arith.ori %gt3A_1445, %and3A_1448 : vector<8x256xi1>
    %select_n3A_1450 = arith.select %or3A_1449, %select_n3A_1358, %select_n3A_1314 : vector<8x256xi1>, vector<8x256xf32>
    %select_n3A_1451 = arith.select %or3A_1449, %select_n3A_1361, %select_n3A_1317 : vector<8x256xi1>, vector<8x256xi32>
    %reduce_max3A_1452 = vector.shape_cast %select_n3A_1450 : vector<8x256xf32> to vector<1x8x256xf32>
    %reduce_max3A_1453 = arith.constant dense<0xFF800000> : vector<1xf32>
    %reduce_max3A_1454 = vector.multi_reduction <maximumf>, %reduce_max3A_1452, %reduce_max3A_1453 [1, 2] : vector<1x8x256xf32> to vector<1xf32>
    %reduce_max3A_1455 = vector.shape_cast %reduce_max3A_1454 : vector<1xf32> to vector<1x1x1xf32>
    %reduce_max3A_1456 = vector.extract %reduce_max3A_1455[0, 0, 0] : f32 from vector<1x1x1xf32>
    %mul3A_1457 = arith.constant 2048 : i32
    %mul3A_1458 = vector.broadcast %mul3A_1457 : i32 to vector<8x256xi32>
    %mul3A_1459 = arith.muli %select_n3A_1451, %mul3A_1458 : vector<8x256xi32>
    %add3A_1460 = arith.addi %mul3A_1459, %add3A : vector<8x256xi32>
    %eq3A_1461 = vector.broadcast %reduce_max3A_1456 : f32 to vector<8x256xf32>
    %eq3A_1462 = arith.cmpf oeq, %select_n3A_1450, %eq3A_1461 : vector<8x256xf32>
    %select_n3A_1463 = arith.select %eq3A_1462, %add3A_1460, %broadcast_in_dim3A_3 : vector<8x256xi1>, vector<8x256xi32>
    %reduce_min3A_1464 = vector.shape_cast %select_n3A_1463 : vector<8x256xi32> to vector<1x8x256xi32>
    %reduce_min3A_1465 = arith.constant dense<2147483647> : vector<1xi32>
    %reduce_min3A_1466 = vector.multi_reduction <minsi>, %reduce_min3A_1464, %reduce_min3A_1465 [1, 2] : vector<1x8x256xi32> to vector<1xi32>
    %reduce_min3A_1467 = vector.shape_cast %reduce_min3A_1466 : vector<1xi32> to vector<1x1x1xi32>
    %reduce_min3A_1468 = vector.extract %reduce_min3A_1467[0, 0, 0] : i32 from vector<1x1x1xi32>
    %jit3A_1469 = arith.constant 256 : i32
    %eq3A_1470 = arith.constant 0 : i32
    %eq3A_1471 = arith.cmpi eq, %jit3A_1469, %eq3A_1470 : i32
    %jit3A_1472 = arith.constant 1 : i32
    %select_n3A_1473 = arith.select %eq3A_1471, %jit3A_1472, %jit3A_1469 : i32
    %rem3A_1474 = arith.remsi %reduce_min3A_1468, %select_n3A_1473 : i32
    %ne3A_1475 = arith.constant 0 : i32
    %ne3A_1476 = arith.cmpi ne, %rem3A_1474, %ne3A_1475 : i32
    %lt3A_1477 = arith.constant 0 : i32
    %lt3A_1478 = arith.cmpi slt, %rem3A_1474, %lt3A_1477 : i32
    %lt3A_1479 = arith.constant 0 : i32
    %lt3A_1480 = arith.cmpi slt, %select_n3A_1473, %lt3A_1479 : i32
    %ne3A_1481 = arith.xori %lt3A_1478, %lt3A_1480 : i1
    %and3A_1482 = arith.andi %ne3A_1481, %ne3A_1476 : i1
    %add3A_1483 = arith.addi %rem3A_1474, %select_n3A_1473 : i32
    %select_n3A_1484 = arith.select %and3A_1482, %add3A_1483, %rem3A_1474 : i32
    %jit3A_1485 = arith.constant 256 : i32
    %div3A_1486 = arith.divsi %reduce_min3A_1468, %jit3A_1485 : i32
    %sign3A_1487 = arith.constant 0 : i32
    %sign3A_1488 = arith.cmpi sgt, %reduce_min3A_1468, %sign3A_1487 : i32
    %sign3A_1489 = arith.extui %sign3A_1488 : i1 to i32
    %sign3A_1490 = arith.constant 0 : i32
    %sign3A_1491 = arith.cmpi slt, %reduce_min3A_1468, %sign3A_1490 : i32
    %sign3A_1492 = arith.extui %sign3A_1491 : i1 to i32
    %sign3A_1493 = arith.subi %sign3A_1489, %sign3A_1492 : i32
    %sign3A_1494 = arith.constant 0 : i32
    %sign3A_1495 = arith.cmpi sgt, %jit3A_1485, %sign3A_1494 : i32
    %sign3A_1496 = arith.extui %sign3A_1495 : i1 to i32
    %sign3A_1497 = arith.constant 0 : i32
    %sign3A_1498 = arith.cmpi slt, %jit3A_1485, %sign3A_1497 : i32
    %sign3A_1499 = arith.extui %sign3A_1498 : i1 to i32
    %sign3A_1500 = arith.subi %sign3A_1496, %sign3A_1499 : i32
    %ne3A_1501 = arith.cmpi ne, %sign3A_1493, %sign3A_1500 : i32
    %rem3A_1502 = arith.remsi %reduce_min3A_1468, %jit3A_1485 : i32
    %ne3A_1503 = arith.constant 0 : i32
    %ne3A_1504 = arith.cmpi ne, %rem3A_1502, %ne3A_1503 : i32
    %and3A_1505 = arith.andi %ne3A_1501, %ne3A_1504 : i1
    %sub3A_1506 = arith.constant 1 : i32
    %sub3A_1507 = arith.subi %div3A_1486, %sub3A_1506 : i32
    %select_n3A_1508 = arith.select %and3A_1505, %sub3A_1507, %div3A_1486 : i32
    %stack3A_1509 = vector.broadcast %select_n3A_1484 : i32 to vector<1xi32>
    %stack3A_1510 = vector.broadcast %select_n3A_1508 : i32 to vector<1xi32>
    %stack3A_1511 = tpu.concatenate %stack3A_1509, %stack3A_1510 in 0 : vector<1xi32>, vector<1xi32> -> vector<2xi32>
    %swap3A_1512 = arith.constant 0 : index
    %swap3A_1513 = arith.constant 1 : index
    %swap3A_1514 = arith.constant 0 : index
    %swap3A_1515 = arith.constant 0 : index
    %swap3A_1516 = vector.load %arg2[%swap3A_1512, %swap3A_1513, %swap3A_1514, %swap3A_1515] : memref<1x7x1x2xi32, #tpu.memory_space<vmem>>, vector<1x1x1x2xi32>
    %swap3A_1517 = vector.shape_cast %swap3A_1516 : vector<1x1x1x2xi32> to vector<2xi32>
    %swap3A_1518 = vector.shape_cast %stack3A_1511 : vector<2xi32> to vector<1x1x1x2xi32>
    tpu.vector_store %arg2[%swap3A_1512, %swap3A_1513, %swap3A_1514, %swap3A_1515], %swap3A_1518 {strides = array<i32>} : memref<1x7x1x2xi32, #tpu.memory_space<vmem>>, vector<1x1x1x2xi32>,
    %gt3A_1519 = arith.cmpf ogt, %select_n3A_1369, %select_n3A_1325 : vector<8x256xf32>
    %eq3A_1520 = arith.cmpf oeq, %select_n3A_1369, %select_n3A_1325 : vector<8x256xf32>
    %lt3A_1521 = arith.cmpi slt, %select_n3A_1372, %select_n3A_1328 : vector<8x256xi32>
    %and3A_1522 = arith.andi %eq3A_1520, %lt3A_1521 : vector<8x256xi1>
    %or3A_1523 = arith.ori %gt3A_1519, %and3A_1522 : vector<8x256xi1>
    %select_n3A_1524 = arith.select %or3A_1523, %select_n3A_1369, %select_n3A_1325 : vector<8x256xi1>, vector<8x256xf32>
    %select_n3A_1525 = arith.select %or3A_1523, %select_n3A_1372, %select_n3A_1328 : vector<8x256xi1>, vector<8x256xi32>
    %reduce_max3A_1526 = vector.shape_cast %select_n3A_1524 : vector<8x256xf32> to vector<1x8x256xf32>
    %reduce_max3A_1527 = arith.constant dense<0xFF800000> : vector<1xf32>
    %reduce_max3A_1528 = vector.multi_reduction <maximumf>, %reduce_max3A_1526, %reduce_max3A_1527 [1, 2] : vector<1x8x256xf32> to vector<1xf32>
    %reduce_max3A_1529 = vector.shape_cast %reduce_max3A_1528 : vector<1xf32> to vector<1x1x1xf32>
    %reduce_max3A_1530 = vector.extract %reduce_max3A_1529[0, 0, 0] : f32 from vector<1x1x1xf32>
    %mul3A_1531 = arith.constant 2048 : i32
    %mul3A_1532 = vector.broadcast %mul3A_1531 : i32 to vector<8x256xi32>
    %mul3A_1533 = arith.muli %select_n3A_1525, %mul3A_1532 : vector<8x256xi32>
    %add3A_1534 = arith.addi %mul3A_1533, %add3A : vector<8x256xi32>
    %eq3A_1535 = vector.broadcast %reduce_max3A_1530 : f32 to vector<8x256xf32>
    %eq3A_1536 = arith.cmpf oeq, %select_n3A_1524, %eq3A_1535 : vector<8x256xf32>
    %select_n3A_1537 = arith.select %eq3A_1536, %add3A_1534, %broadcast_in_dim3A_3 : vector<8x256xi1>, vector<8x256xi32>
    %reduce_min3A_1538 = vector.shape_cast %select_n3A_1537 : vector<8x256xi32> to vector<1x8x256xi32>
    %reduce_min3A_1539 = arith.constant dense<2147483647> : vector<1xi32>
    %reduce_min3A_1540 = vector.multi_reduction <minsi>, %reduce_min3A_1538, %reduce_min3A_1539 [1, 2] : vector<1x8x256xi32> to vector<1xi32>
    %reduce_min3A_1541 = vector.shape_cast %reduce_min3A_1540 : vector<1xi32> to vector<1x1x1xi32>
    %reduce_min3A_1542 = vector.extract %reduce_min3A_1541[0, 0, 0] : i32 from vector<1x1x1xi32>
    %jit3A_1543 = arith.constant 256 : i32
    %eq3A_1544 = arith.constant 0 : i32
    %eq3A_1545 = arith.cmpi eq, %jit3A_1543, %eq3A_1544 : i32
    %jit3A_1546 = arith.constant 1 : i32
    %select_n3A_1547 = arith.select %eq3A_1545, %jit3A_1546, %jit3A_1543 : i32
    %rem3A_1548 = arith.remsi %reduce_min3A_1542, %select_n3A_1547 : i32
    %ne3A_1549 = arith.constant 0 : i32
    %ne3A_1550 = arith.cmpi ne, %rem3A_1548, %ne3A_1549 : i32
    %lt3A_1551 = arith.constant 0 : i32
    %lt3A_1552 = arith.cmpi slt, %rem3A_1548, %lt3A_1551 : i32
    %lt3A_1553 = arith.constant 0 : i32
    %lt3A_1554 = arith.cmpi slt, %select_n3A_1547, %lt3A_1553 : i32
    %ne3A_1555 = arith.xori %lt3A_1552, %lt3A_1554 : i1
    %and3A_1556 = arith.andi %ne3A_1555, %ne3A_1550 : i1
    %add3A_1557 = arith.addi %rem3A_1548, %select_n3A_1547 : i32
    %select_n3A_1558 = arith.select %and3A_1556, %add3A_1557, %rem3A_1548 : i32
    %jit3A_1559 = arith.constant 256 : i32
    %div3A_1560 = arith.divsi %reduce_min3A_1542, %jit3A_1559 : i32
    %sign3A_1561 = arith.constant 0 : i32
    %sign3A_1562 = arith.cmpi sgt, %reduce_min3A_1542, %sign3A_1561 : i32
    %sign3A_1563 = arith.extui %sign3A_1562 : i1 to i32
    %sign3A_1564 = arith.constant 0 : i32
    %sign3A_1565 = arith.cmpi slt, %reduce_min3A_1542, %sign3A_1564 : i32
    %sign3A_1566 = arith.extui %sign3A_1565 : i1 to i32
    %sign3A_1567 = arith.subi %sign3A_1563, %sign3A_1566 : i32
    %sign3A_1568 = arith.constant 0 : i32
    %sign3A_1569 = arith.cmpi sgt, %jit3A_1559, %sign3A_1568 : i32
    %sign3A_1570 = arith.extui %sign3A_1569 : i1 to i32
    %sign3A_1571 = arith.constant 0 : i32
    %sign3A_1572 = arith.cmpi slt, %jit3A_1559, %sign3A_1571 : i32
    %sign3A_1573 = arith.extui %sign3A_1572 : i1 to i32
    %sign3A_1574 = arith.subi %sign3A_1570, %sign3A_1573 : i32
    %ne3A_1575 = arith.cmpi ne, %sign3A_1567, %sign3A_1574 : i32
    %rem3A_1576 = arith.remsi %reduce_min3A_1542, %jit3A_1559 : i32
    %ne3A_1577 = arith.constant 0 : i32
    %ne3A_1578 = arith.cmpi ne, %rem3A_1576, %ne3A_1577 : i32
    %and3A_1579 = arith.andi %ne3A_1575, %ne3A_1578 : i1
    %sub3A_1580 = arith.constant 1 : i32
    %sub3A_1581 = arith.subi %div3A_1560, %sub3A_1580 : i32
    %select_n3A_1582 = arith.select %and3A_1579, %sub3A_1581, %div3A_1560 : i32
    %stack3A_1583 = vector.broadcast %select_n3A_1558 : i32 to vector<1xi32>
    %stack3A_1584 = vector.broadcast %select_n3A_1582 : i32 to vector<1xi32>
    %stack3A_1585 = tpu.concatenate %stack3A_1583, %stack3A_1584 in 0 : vector<1xi32>, vector<1xi32> -> vector<2xi32>
    %swap3A_1586 = arith.constant 0 : index
    %swap3A_1587 = arith.constant 2 : index
    %swap3A_1588 = arith.constant 0 : index
    %swap3A_1589 = arith.constant 0 : index
    %swap3A_1590 = vector.load %arg2[%swap3A_1586, %swap3A_1587, %swap3A_1588, %swap3A_1589] : memref<1x7x1x2xi32, #tpu.memory_space<vmem>>, vector<1x1x1x2xi32>
    %swap3A_1591 = vector.shape_cast %swap3A_1590 : vector<1x1x1x2xi32> to vector<2xi32>
    %swap3A_1592 = vector.shape_cast %stack3A_1585 : vector<2xi32> to vector<1x1x1x2xi32>
    tpu.vector_store %arg2[%swap3A_1586, %swap3A_1587, %swap3A_1588, %swap3A_1589], %swap3A_1592 {strides = array<i32>} : memref<1x7x1x2xi32, #tpu.memory_space<vmem>>, vector<1x1x1x2xi32>,
    %gt3A_1593 = arith.cmpf ogt, %select_n3A_1380, %select_n3A_1336 : vector<8x256xf32>
    %eq3A_1594 = arith.cmpf oeq, %select_n3A_1380, %select_n3A_1336 : vector<8x256xf32>
    %lt3A_1595 = arith.cmpi slt, %select_n3A_1383, %select_n3A_1339 : vector<8x256xi32>
    %and3A_1596 = arith.andi %eq3A_1594, %lt3A_1595 : vector<8x256xi1>
    %or3A_1597 = arith.ori %gt3A_1593, %and3A_1596 : vector<8x256xi1>
    %select_n3A_1598 = arith.select %or3A_1597, %select_n3A_1380, %select_n3A_1336 : vector<8x256xi1>, vector<8x256xf32>
    %select_n3A_1599 = arith.select %or3A_1597, %select_n3A_1383, %select_n3A_1339 : vector<8x256xi1>, vector<8x256xi32>
    %reduce_max3A_1600 = vector.shape_cast %select_n3A_1598 : vector<8x256xf32> to vector<1x8x256xf32>
    %reduce_max3A_1601 = arith.constant dense<0xFF800000> : vector<1xf32>
    %reduce_max3A_1602 = vector.multi_reduction <maximumf>, %reduce_max3A_1600, %reduce_max3A_1601 [1, 2] : vector<1x8x256xf32> to vector<1xf32>
    %reduce_max3A_1603 = vector.shape_cast %reduce_max3A_1602 : vector<1xf32> to vector<1x1x1xf32>
    %reduce_max3A_1604 = vector.extract %reduce_max3A_1603[0, 0, 0] : f32 from vector<1x1x1xf32>
    %mul3A_1605 = arith.constant 2048 : i32
    %mul3A_1606 = vector.broadcast %mul3A_1605 : i32 to vector<8x256xi32>
    %mul3A_1607 = arith.muli %select_n3A_1599, %mul3A_1606 : vector<8x256xi32>
    %add3A_1608 = arith.addi %mul3A_1607, %add3A : vector<8x256xi32>
    %eq3A_1609 = vector.broadcast %reduce_max3A_1604 : f32 to vector<8x256xf32>
    %eq3A_1610 = arith.cmpf oeq, %select_n3A_1598, %eq3A_1609 : vector<8x256xf32>
    %select_n3A_1611 = arith.select %eq3A_1610, %add3A_1608, %broadcast_in_dim3A_3 : vector<8x256xi1>, vector<8x256xi32>
    %reduce_min3A_1612 = vector.shape_cast %select_n3A_1611 : vector<8x256xi32> to vector<1x8x256xi32>
    %reduce_min3A_1613 = arith.constant dense<2147483647> : vector<1xi32>
    %reduce_min3A_1614 = vector.multi_reduction <minsi>, %reduce_min3A_1612, %reduce_min3A_1613 [1, 2] : vector<1x8x256xi32> to vector<1xi32>
    %reduce_min3A_1615 = vector.shape_cast %reduce_min3A_1614 : vector<1xi32> to vector<1x1x1xi32>
    %reduce_min3A_1616 = vector.extract %reduce_min3A_1615[0, 0, 0] : i32 from vector<1x1x1xi32>
    %jit3A_1617 = arith.constant 256 : i32
    %eq3A_1618 = arith.constant 0 : i32
    %eq3A_1619 = arith.cmpi eq, %jit3A_1617, %eq3A_1618 : i32
    %jit3A_1620 = arith.constant 1 : i32
    %select_n3A_1621 = arith.select %eq3A_1619, %jit3A_1620, %jit3A_1617 : i32
    %rem3A_1622 = arith.remsi %reduce_min3A_1616, %select_n3A_1621 : i32
    %ne3A_1623 = arith.constant 0 : i32
    %ne3A_1624 = arith.cmpi ne, %rem3A_1622, %ne3A_1623 : i32
    %lt3A_1625 = arith.constant 0 : i32
    %lt3A_1626 = arith.cmpi slt, %rem3A_1622, %lt3A_1625 : i32
    %lt3A_1627 = arith.constant 0 : i32
    %lt3A_1628 = arith.cmpi slt, %select_n3A_1621, %lt3A_1627 : i32
    %ne3A_1629 = arith.xori %lt3A_1626, %lt3A_1628 : i1
    %and3A_1630 = arith.andi %ne3A_1629, %ne3A_1624 : i1
    %add3A_1631 = arith.addi %rem3A_1622, %select_n3A_1621 : i32
    %select_n3A_1632 = arith.select %and3A_1630, %add3A_1631, %rem3A_1622 : i32
    %jit3A_1633 = arith.constant 256 : i32
    %div3A_1634 = arith.divsi %reduce_min3A_1616, %jit3A_1633 : i32
    %sign3A_1635 = arith.constant 0 : i32
    %sign3A_1636 = arith.cmpi sgt, %reduce_min3A_1616, %sign3A_1635 : i32
    %sign3A_1637 = arith.extui %sign3A_1636 : i1 to i32
    %sign3A_1638 = arith.constant 0 : i32
    %sign3A_1639 = arith.cmpi slt, %reduce_min3A_1616, %sign3A_1638 : i32
    %sign3A_1640 = arith.extui %sign3A_1639 : i1 to i32
    %sign3A_1641 = arith.subi %sign3A_1637, %sign3A_1640 : i32
    %sign3A_1642 = arith.constant 0 : i32
    %sign3A_1643 = arith.cmpi sgt, %jit3A_1633, %sign3A_1642 : i32
    %sign3A_1644 = arith.extui %sign3A_1643 : i1 to i32
    %sign3A_1645 = arith.constant 0 : i32
    %sign3A_1646 = arith.cmpi slt, %jit3A_1633, %sign3A_1645 : i32
    %sign3A_1647 = arith.extui %sign3A_1646 : i1 to i32
    %sign3A_1648 = arith.subi %sign3A_1644, %sign3A_1647 : i32
    %ne3A_1649 = arith.cmpi ne, %sign3A_1641, %sign3A_1648 : i32
    %rem3A_1650 = arith.remsi %reduce_min3A_1616, %jit3A_1633 : i32
    %ne3A_1651 = arith.constant 0 : i32
    %ne3A_1652 = arith.cmpi ne, %rem3A_1650, %ne3A_1651 : i32
    %and3A_1653 = arith.andi %ne3A_1649, %ne3A_1652 : i1
    %sub3A_1654 = arith.constant 1 : i32
    %sub3A_1655 = arith.subi %div3A_1634, %sub3A_1654 : i32
    %select_n3A_1656 = arith.select %and3A_1653, %sub3A_1655, %div3A_1634 : i32
    %stack3A_1657 = vector.broadcast %select_n3A_1632 : i32 to vector<1xi32>
    %stack3A_1658 = vector.broadcast %select_n3A_1656 : i32 to vector<1xi32>
    %stack3A_1659 = tpu.concatenate %stack3A_1657, %stack3A_1658 in 0 : vector<1xi32>, vector<1xi32> -> vector<2xi32>
    %swap3A_1660 = arith.constant 0 : index
    %swap3A_1661 = arith.constant 3 : index
    %swap3A_1662 = arith.constant 0 : index
    %swap3A_1663 = arith.constant 0 : index
    %swap3A_1664 = vector.load %arg2[%swap3A_1660, %swap3A_1661, %swap3A_1662, %swap3A_1663] : memref<1x7x1x2xi32, #tpu.memory_space<vmem>>, vector<1x1x1x2xi32>
    %swap3A_1665 = vector.shape_cast %swap3A_1664 : vector<1x1x1x2xi32> to vector<2xi32>
    %swap3A_1666 = vector.shape_cast %stack3A_1659 : vector<2xi32> to vector<1x1x1x2xi32>
    tpu.vector_store %arg2[%swap3A_1660, %swap3A_1661, %swap3A_1662, %swap3A_1663], %swap3A_1666 {strides = array<i32>} : memref<1x7x1x2xi32, #tpu.memory_space<vmem>>, vector<1x1x1x2xi32>,
    %get3A_1667 = arith.constant 0 : index
    %get3A_1668 = arith.constant 4 : index
    %get3A_1669 = arith.constant 0 : index
    %get3A_1670 = arith.constant 0 : index
    %get3A_1671 = vector.load %arg1[%get3A_1667, %get3A_1668, %get3A_1669, %get3A_1670] : memref<1x7x256x256xf32, #tpu.memory_space<vmem>>, vector<1x1x8x256xf32>
    %get3A_1672 = vector.shape_cast %get3A_1671 : vector<1x1x8x256xf32> to vector<8x256xf32>
    %broadcast_in_dim3A_1673 = arith.constant 0 : i32
    %broadcast_in_dim3A_1674 = vector.broadcast %broadcast_in_dim3A_1673 : i32 to vector<8x256xi32>
    %get3A_1675 = arith.constant 0 : index
    %get3A_1676 = arith.constant 4 : index
    %get3A_1677 = arith.constant 8 : index
    %get3A_1678 = arith.constant 0 : index
    %get3A_1679 = vector.load %arg1[%get3A_1675, %get3A_1676, %get3A_1677, %get3A_1678] : memref<1x7x256x256xf32, #tpu.memory_space<vmem>>, vector<1x1x8x256xf32>
    %get3A_1680 = vector.shape_cast %get3A_1679 : vector<1x1x8x256xf32> to vector<8x256xf32>
    %broadcast_in_dim3A_1681 = arith.constant 1 : i32
    %broadcast_in_dim3A_1682 = vector.broadcast %broadcast_in_dim3A_1681 : i32 to vector<8x256xi32>
    %get3A_1683 = arith.constant 0 : index
    %get3A_1684 = arith.constant 5 : index
    %get3A_1685 = arith.constant 0 : index
    %get3A_1686 = arith.constant 0 : index
    %get3A_1687 = vector.load %arg1[%get3A_1683, %get3A_1684, %get3A_1685, %get3A_1686] : memref<1x7x256x256xf32, #tpu.memory_space<vmem>>, vector<1x1x8x256xf32>
    %get3A_1688 = vector.shape_cast %get3A_1687 : vector<1x1x8x256xf32> to vector<8x256xf32>
    %broadcast_in_dim3A_1689 = arith.constant 0 : i32
    %broadcast_in_dim3A_1690 = vector.broadcast %broadcast_in_dim3A_1689 : i32 to vector<8x256xi32>
    %get3A_1691 = arith.constant 0 : index
    %get3A_1692 = arith.constant 5 : index
    %get3A_1693 = arith.constant 8 : index
    %get3A_1694 = arith.constant 0 : index
    %get3A_1695 = vector.load %arg1[%get3A_1691, %get3A_1692, %get3A_1693, %get3A_1694] : memref<1x7x256x256xf32, #tpu.memory_space<vmem>>, vector<1x1x8x256xf32>
    %get3A_1696 = vector.shape_cast %get3A_1695 : vector<1x1x8x256xf32> to vector<8x256xf32>
    %broadcast_in_dim3A_1697 = arith.constant 1 : i32
    %broadcast_in_dim3A_1698 = vector.broadcast %broadcast_in_dim3A_1697 : i32 to vector<8x256xi32>
    %get3A_1699 = arith.constant 0 : index
    %get3A_1700 = arith.constant 6 : index
    %get3A_1701 = arith.constant 0 : index
    %get3A_1702 = arith.constant 0 : index
    %get3A_1703 = vector.load %arg1[%get3A_1699, %get3A_1700, %get3A_1701, %get3A_1702] : memref<1x7x256x256xf32, #tpu.memory_space<vmem>>, vector<1x1x8x256xf32>
    %get3A_1704 = vector.shape_cast %get3A_1703 : vector<1x1x8x256xf32> to vector<8x256xf32>
    %broadcast_in_dim3A_1705 = arith.constant 0 : i32
    %broadcast_in_dim3A_1706 = vector.broadcast %broadcast_in_dim3A_1705 : i32 to vector<8x256xi32>
    %get3A_1707 = arith.constant 0 : index
    %get3A_1708 = arith.constant 6 : index
    %get3A_1709 = arith.constant 8 : index
    %get3A_1710 = arith.constant 0 : index
    %get3A_1711 = vector.load %arg1[%get3A_1707, %get3A_1708, %get3A_1709, %get3A_1710] : memref<1x7x256x256xf32, #tpu.memory_space<vmem>>, vector<1x1x8x256xf32>
    %get3A_1712 = vector.shape_cast %get3A_1711 : vector<1x1x8x256xf32> to vector<8x256xf32>
    %broadcast_in_dim3A_1713 = arith.constant 1 : i32
    %broadcast_in_dim3A_1714 = vector.broadcast %broadcast_in_dim3A_1713 : i32 to vector<8x256xi32>
    %get3A_1715 = arith.constant 0 : index
    %get3A_1716 = arith.constant 4 : index
    %get3A_1717 = arith.constant 16 : index
    %get3A_1718 = arith.constant 0 : index
    %get3A_1719 = vector.load %arg1[%get3A_1715, %get3A_1716, %get3A_1717, %get3A_1718] : memref<1x7x256x256xf32, #tpu.memory_space<vmem>>, vector<1x1x8x256xf32>
    %get3A_1720 = vector.shape_cast %get3A_1719 : vector<1x1x8x256xf32> to vector<8x256xf32>
    %gt3A_1721 = arith.cmpf ogt, %get3A_1720, %get3A_1672 : vector<8x256xf32>
    %select_n3A_1722 = arith.select %gt3A_1721, %get3A_1720, %get3A_1672 : vector<8x256xi1>, vector<8x256xf32>
    %jit3A_1723 = arith.constant 2 : i32
    %broadcast_in_dim3A_1724 = vector.broadcast %jit3A_1723 : i32 to vector<8x256xi32>
    %select_n3A_1725 = arith.select %gt3A_1721, %broadcast_in_dim3A_1724, %broadcast_in_dim3A_1674 : vector<8x256xi1>, vector<8x256xi32>
    %get3A_1726 = arith.constant 0 : index
    %get3A_1727 = arith.constant 5 : index
    %get3A_1728 = arith.constant 16 : index
    %get3A_1729 = arith.constant 0 : index
    %get3A_1730 = vector.load %arg1[%get3A_1726, %get3A_1727, %get3A_1728, %get3A_1729] : memref<1x7x256x256xf32, #tpu.memory_space<vmem>>, vector<1x1x8x256xf32>
    %get3A_1731 = vector.shape_cast %get3A_1730 : vector<1x1x8x256xf32> to vector<8x256xf32>
    %gt3A_1732 = arith.cmpf ogt, %get3A_1731, %get3A_1688 : vector<8x256xf32>
    %select_n3A_1733 = arith.select %gt3A_1732, %get3A_1731, %get3A_1688 : vector<8x256xi1>, vector<8x256xf32>
    %jit3A_1734 = arith.constant 2 : i32
    %broadcast_in_dim3A_1735 = vector.broadcast %jit3A_1734 : i32 to vector<8x256xi32>
    %select_n3A_1736 = arith.select %gt3A_1732, %broadcast_in_dim3A_1735, %broadcast_in_dim3A_1690 : vector<8x256xi1>, vector<8x256xi32>
    %get3A_1737 = arith.constant 0 : index
    %get3A_1738 = arith.constant 6 : index
    %get3A_1739 = arith.constant 16 : index
    %get3A_1740 = arith.constant 0 : index
    %get3A_1741 = vector.load %arg1[%get3A_1737, %get3A_1738, %get3A_1739, %get3A_1740] : memref<1x7x256x256xf32, #tpu.memory_space<vmem>>, vector<1x1x8x256xf32>
    %get3A_1742 = vector.shape_cast %get3A_1741 : vector<1x1x8x256xf32> to vector<8x256xf32>
    %gt3A_1743 = arith.cmpf ogt, %get3A_1742, %get3A_1704 : vector<8x256xf32>
    %select_n3A_1744 = arith.select %gt3A_1743, %get3A_1742, %get3A_1704 : vector<8x256xi1>, vector<8x256xf32>
    %jit3A_1745 = arith.constant 2 : i32
    %broadcast_in_dim3A_1746 = vector.broadcast %jit3A_1745 : i32 to vector<8x256xi32>
    %select_n3A_1747 = arith.select %gt3A_1743, %broadcast_in_dim3A_1746, %broadcast_in_dim3A_1706 : vector<8x256xi1>, vector<8x256xi32>
    %get3A_1748 = arith.constant 0 : index
    %get3A_1749 = arith.constant 4 : index
    %get3A_1750 = arith.constant 24 : index
    %get3A_1751 = arith.constant 0 : index
    %get3A_1752 = vector.load %arg1[%get3A_1748, %get3A_1749, %get3A_1750, %get3A_1751] : memref<1x7x256x256xf32, #tpu.memory_space<vmem>>, vector<1x1x8x256xf32>
    %get3A_1753 = vector.shape_cast %get3A_1752 : vector<1x1x8x256xf32> to vector<8x256xf32>
    %gt3A_1754 = arith.cmpf ogt, %get3A_1753, %get3A_1680 : vector<8x256xf32>
    %select_n3A_1755 = arith.select %gt3A_1754, %get3A_1753, %get3A_1680 : vector<8x256xi1>, vector<8x256xf32>
    %jit3A_1756 = arith.constant 3 : i32
    %broadcast_in_dim3A_1757 = vector.broadcast %jit3A_1756 : i32 to vector<8x256xi32>
    %select_n3A_1758 = arith.select %gt3A_1754, %broadcast_in_dim3A_1757, %broadcast_in_dim3A_1682 : vector<8x256xi1>, vector<8x256xi32>
    %get3A_1759 = arith.constant 0 : index
    %get3A_1760 = arith.constant 5 : index
    %get3A_1761 = arith.constant 24 : index
    %get3A_1762 = arith.constant 0 : index
    %get3A_1763 = vector.load %arg1[%get3A_1759, %get3A_1760, %get3A_1761, %get3A_1762] : memref<1x7x256x256xf32, #tpu.memory_space<vmem>>, vector<1x1x8x256xf32>
    %get3A_1764 = vector.shape_cast %get3A_1763 : vector<1x1x8x256xf32> to vector<8x256xf32>
    %gt3A_1765 = arith.cmpf ogt, %get3A_1764, %get3A_1696 : vector<8x256xf32>
    %select_n3A_1766 = arith.select %gt3A_1765, %get3A_1764, %get3A_1696 : vector<8x256xi1>, vector<8x256xf32>
    %jit3A_1767 = arith.constant 3 : i32
    %broadcast_in_dim3A_1768 = vector.broadcast %jit3A_1767 : i32 to vector<8x256xi32>
    %select_n3A_1769 = arith.select %gt3A_1765, %broadcast_in_dim3A_1768, %broadcast_in_dim3A_1698 : vector<8x256xi1>, vector<8x256xi32>
    %get3A_1770 = arith.constant 0 : index
    %get3A_1771 = arith.constant 6 : index
    %get3A_1772 = arith.constant 24 : index
    %get3A_1773 = arith.constant 0 : index
    %get3A_1774 = vector.load %arg1[%get3A_1770, %get3A_1771, %get3A_1772, %get3A_1773] : memref<1x7x256x256xf32, #tpu.memory_space<vmem>>, vector<1x1x8x256xf32>
    %get3A_1775 = vector.shape_cast %get3A_1774 : vector<1x1x8x256xf32> to vector<8x256xf32>
    %gt3A_1776 = arith.cmpf ogt, %get3A_1775, %get3A_1712 : vector<8x256xf32>
    %select_n3A_1777 = arith.select %gt3A_1776, %get3A_1775, %get3A_1712 : vector<8x256xi1>, vector<8x256xf32>
    %jit3A_1778 = arith.constant 3 : i32
    %broadcast_in_dim3A_1779 = vector.broadcast %jit3A_1778 : i32 to vector<8x256xi32>
    %select_n3A_1780 = arith.select %gt3A_1776, %broadcast_in_dim3A_1779, %broadcast_in_dim3A_1714 : vector<8x256xi1>, vector<8x256xi32>
    %get3A_1781 = arith.constant 0 : index
    %get3A_1782 = arith.constant 4 : index
    %get3A_1783 = arith.constant 32 : index
    %get3A_1784 = arith.constant 0 : index
    %get3A_1785 = vector.load %arg1[%get3A_1781, %get3A_1782, %get3A_1783, %get3A_1784] : memref<1x7x256x256xf32, #tpu.memory_space<vmem>>, vector<1x1x8x256xf32>
    %get3A_1786 = vector.shape_cast %get3A_1785 : vector<1x1x8x256xf32> to vector<8x256xf32>
    %gt3A_1787 = arith.cmpf ogt, %get3A_1786, %select_n3A_1722 : vector<8x256xf32>
    %select_n3A_1788 = arith.select %gt3A_1787, %get3A_1786, %select_n3A_1722 : vector<8x256xi1>, vector<8x256xf32>
    %jit3A_1789 = arith.constant 4 : i32
    %broadcast_in_dim3A_1790 = vector.broadcast %jit3A_1789 : i32 to vector<8x256xi32>
    %select_n3A_1791 = arith.select %gt3A_1787, %broadcast_in_dim3A_1790, %select_n3A_1725 : vector<8x256xi1>, vector<8x256xi32>
    %get3A_1792 = arith.constant 0 : index
    %get3A_1793 = arith.constant 5 : index
    %get3A_1794 = arith.constant 32 : index
    %get3A_1795 = arith.constant 0 : index
    %get3A_1796 = vector.load %arg1[%get3A_1792, %get3A_1793, %get3A_1794, %get3A_1795] : memref<1x7x256x256xf32, #tpu.memory_space<vmem>>, vector<1x1x8x256xf32>
    %get3A_1797 = vector.shape_cast %get3A_1796 : vector<1x1x8x256xf32> to vector<8x256xf32>
    %gt3A_1798 = arith.cmpf ogt, %get3A_1797, %select_n3A_1733 : vector<8x256xf32>
    %select_n3A_1799 = arith.select %gt3A_1798, %get3A_1797, %select_n3A_1733 : vector<8x256xi1>, vector<8x256xf32>
    %jit3A_1800 = arith.constant 4 : i32
    %broadcast_in_dim3A_1801 = vector.broadcast %jit3A_1800 : i32 to vector<8x256xi32>
    %select_n3A_1802 = arith.select %gt3A_1798, %broadcast_in_dim3A_1801, %select_n3A_1736 : vector<8x256xi1>, vector<8x256xi32>
    %get3A_1803 = arith.constant 0 : index
    %get3A_1804 = arith.constant 6 : index
    %get3A_1805 = arith.constant 32 : index
    %get3A_1806 = arith.constant 0 : index
    %get3A_1807 = vector.load %arg1[%get3A_1803, %get3A_1804, %get3A_1805, %get3A_1806] : memref<1x7x256x256xf32, #tpu.memory_space<vmem>>, vector<1x1x8x256xf32>
    %get3A_1808 = vector.shape_cast %get3A_1807 : vector<1x1x8x256xf32> to vector<8x256xf32>
    %gt3A_1809 = arith.cmpf ogt, %get3A_1808, %select_n3A_1744 : vector<8x256xf32>
    %select_n3A_1810 = arith.select %gt3A_1809, %get3A_1808, %select_n3A_1744 : vector<8x256xi1>, vector<8x256xf32>
    %jit3A_1811 = arith.constant 4 : i32
    %broadcast_in_dim3A_1812 = vector.broadcast %jit3A_1811 : i32 to vector<8x256xi32>
    %select_n3A_1813 = arith.select %gt3A_1809, %broadcast_in_dim3A_1812, %select_n3A_1747 : vector<8x256xi1>, vector<8x256xi32>
    %get3A_1814 = arith.constant 0 : index
    %get3A_1815 = arith.constant 4 : index
    %get3A_1816 = arith.constant 40 : index
    %get3A_1817 = arith.constant 0 : index
    %get3A_1818 = vector.load %arg1[%get3A_1814, %get3A_1815, %get3A_1816, %get3A_1817] : memref<1x7x256x256xf32, #tpu.memory_space<vmem>>, vector<1x1x8x256xf32>
    %get3A_1819 = vector.shape_cast %get3A_1818 : vector<1x1x8x256xf32> to vector<8x256xf32>
    %gt3A_1820 = arith.cmpf ogt, %get3A_1819, %select_n3A_1755 : vector<8x256xf32>
    %select_n3A_1821 = arith.select %gt3A_1820, %get3A_1819, %select_n3A_1755 : vector<8x256xi1>, vector<8x256xf32>
    %jit3A_1822 = arith.constant 5 : i32
    %broadcast_in_dim3A_1823 = vector.broadcast %jit3A_1822 : i32 to vector<8x256xi32>
    %select_n3A_1824 = arith.select %gt3A_1820, %broadcast_in_dim3A_1823, %select_n3A_1758 : vector<8x256xi1>, vector<8x256xi32>
    %get3A_1825 = arith.constant 0 : index
    %get3A_1826 = arith.constant 5 : index
    %get3A_1827 = arith.constant 40 : index
    %get3A_1828 = arith.constant 0 : index
    %get3A_1829 = vector.load %arg1[%get3A_1825, %get3A_1826, %get3A_1827, %get3A_1828] : memref<1x7x256x256xf32, #tpu.memory_space<vmem>>, vector<1x1x8x256xf32>
    %get3A_1830 = vector.shape_cast %get3A_1829 : vector<1x1x8x256xf32> to vector<8x256xf32>
    %gt3A_1831 = arith.cmpf ogt, %get3A_1830, %select_n3A_1766 : vector<8x256xf32>
    %select_n3A_1832 = arith.select %gt3A_1831, %get3A_1830, %select_n3A_1766 : vector<8x256xi1>, vector<8x256xf32>
    %jit3A_1833 = arith.constant 5 : i32
    %broadcast_in_dim3A_1834 = vector.broadcast %jit3A_1833 : i32 to vector<8x256xi32>
    %select_n3A_1835 = arith.select %gt3A_1831, %broadcast_in_dim3A_1834, %select_n3A_1769 : vector<8x256xi1>, vector<8x256xi32>
    %get3A_1836 = arith.constant 0 : index
    %get3A_1837 = arith.constant 6 : index
    %get3A_1838 = arith.constant 40 : index
    %get3A_1839 = arith.constant 0 : index
    %get3A_1840 = vector.load %arg1[%get3A_1836, %get3A_1837, %get3A_1838, %get3A_1839] : memref<1x7x256x256xf32, #tpu.memory_space<vmem>>, vector<1x1x8x256xf32>
    %get3A_1841 = vector.shape_cast %get3A_1840 : vector<1x1x8x256xf32> to vector<8x256xf32>
    %gt3A_1842 = arith.cmpf ogt, %get3A_1841, %select_n3A_1777 : vector<8x256xf32>
    %select_n3A_1843 = arith.select %gt3A_1842, %get3A_1841, %select_n3A_1777 : vector<8x256xi1>, vector<8x256xf32>
    %jit3A_1844 = arith.constant 5 : i32
    %broadcast_in_dim3A_1845 = vector.broadcast %jit3A_1844 : i32 to vector<8x256xi32>
    %select_n3A_1846 = arith.select %gt3A_1842, %broadcast_in_dim3A_1845, %select_n3A_1780 : vector<8x256xi1>, vector<8x256xi32>
    %get3A_1847 = arith.constant 0 : index
    %get3A_1848 = arith.constant 4 : index
    %get3A_1849 = arith.constant 48 : index
    %get3A_1850 = arith.constant 0 : index
    %get3A_1851 = vector.load %arg1[%get3A_1847, %get3A_1848, %get3A_1849, %get3A_1850] : memref<1x7x256x256xf32, #tpu.memory_space<vmem>>, vector<1x1x8x256xf32>
    %get3A_1852 = vector.shape_cast %get3A_1851 : vector<1x1x8x256xf32> to vector<8x256xf32>
    %gt3A_1853 = arith.cmpf ogt, %get3A_1852, %select_n3A_1788 : vector<8x256xf32>
    %select_n3A_1854 = arith.select %gt3A_1853, %get3A_1852, %select_n3A_1788 : vector<8x256xi1>, vector<8x256xf32>
    %jit3A_1855 = arith.constant 6 : i32
    %broadcast_in_dim3A_1856 = vector.broadcast %jit3A_1855 : i32 to vector<8x256xi32>
    %select_n3A_1857 = arith.select %gt3A_1853, %broadcast_in_dim3A_1856, %select_n3A_1791 : vector<8x256xi1>, vector<8x256xi32>
    %get3A_1858 = arith.constant 0 : index
    %get3A_1859 = arith.constant 5 : index
    %get3A_1860 = arith.constant 48 : index
    %get3A_1861 = arith.constant 0 : index
    %get3A_1862 = vector.load %arg1[%get3A_1858, %get3A_1859, %get3A_1860, %get3A_1861] : memref<1x7x256x256xf32, #tpu.memory_space<vmem>>, vector<1x1x8x256xf32>
    %get3A_1863 = vector.shape_cast %get3A_1862 : vector<1x1x8x256xf32> to vector<8x256xf32>
    %gt3A_1864 = arith.cmpf ogt, %get3A_1863, %select_n3A_1799 : vector<8x256xf32>
    %select_n3A_1865 = arith.select %gt3A_1864, %get3A_1863, %select_n3A_1799 : vector<8x256xi1>, vector<8x256xf32>
    %jit3A_1866 = arith.constant 6 : i32
    %broadcast_in_dim3A_1867 = vector.broadcast %jit3A_1866 : i32 to vector<8x256xi32>
    %select_n3A_1868 = arith.select %gt3A_1864, %broadcast_in_dim3A_1867, %select_n3A_1802 : vector<8x256xi1>, vector<8x256xi32>
    %get3A_1869 = arith.constant 0 : index
    %get3A_1870 = arith.constant 6 : index
    %get3A_1871 = arith.constant 48 : index
    %get3A_1872 = arith.constant 0 : index
    %get3A_1873 = vector.load %arg1[%get3A_1869, %get3A_1870, %get3A_1871, %get3A_1872] : memref<1x7x256x256xf32, #tpu.memory_space<vmem>>, vector<1x1x8x256xf32>
    %get3A_1874 = vector.shape_cast %get3A_1873 : vector<1x1x8x256xf32> to vector<8x256xf32>
    %gt3A_1875 = arith.cmpf ogt, %get3A_1874, %select_n3A_1810 : vector<8x256xf32>
    %select_n3A_1876 = arith.select %gt3A_1875, %get3A_1874, %select_n3A_1810 : vector<8x256xi1>, vector<8x256xf32>
    %jit3A_1877 = arith.constant 6 : i32
    %broadcast_in_dim3A_1878 = vector.broadcast %jit3A_1877 : i32 to vector<8x256xi32>
    %select_n3A_1879 = arith.select %gt3A_1875, %broadcast_in_dim3A_1878, %select_n3A_1813 : vector<8x256xi1>, vector<8x256xi32>
    %get3A_1880 = arith.constant 0 : index
    %get3A_1881 = arith.constant 4 : index
    %get3A_1882 = arith.constant 56 : index
    %get3A_1883 = arith.constant 0 : index
    %get3A_1884 = vector.load %arg1[%get3A_1880, %get3A_1881, %get3A_1882, %get3A_1883] : memref<1x7x256x256xf32, #tpu.memory_space<vmem>>, vector<1x1x8x256xf32>
    %get3A_1885 = vector.shape_cast %get3A_1884 : vector<1x1x8x256xf32> to vector<8x256xf32>
    %gt3A_1886 = arith.cmpf ogt, %get3A_1885, %select_n3A_1821 : vector<8x256xf32>
    %select_n3A_1887 = arith.select %gt3A_1886, %get3A_1885, %select_n3A_1821 : vector<8x256xi1>, vector<8x256xf32>
    %jit3A_1888 = arith.constant 7 : i32
    %broadcast_in_dim3A_1889 = vector.broadcast %jit3A_1888 : i32 to vector<8x256xi32>
    %select_n3A_1890 = arith.select %gt3A_1886, %broadcast_in_dim3A_1889, %select_n3A_1824 : vector<8x256xi1>, vector<8x256xi32>
    %get3A_1891 = arith.constant 0 : index
    %get3A_1892 = arith.constant 5 : index
    %get3A_1893 = arith.constant 56 : index
    %get3A_1894 = arith.constant 0 : index
    %get3A_1895 = vector.load %arg1[%get3A_1891, %get3A_1892, %get3A_1893, %get3A_1894] : memref<1x7x256x256xf32, #tpu.memory_space<vmem>>, vector<1x1x8x256xf32>
    %get3A_1896 = vector.shape_cast %get3A_1895 : vector<1x1x8x256xf32> to vector<8x256xf32>
    %gt3A_1897 = arith.cmpf ogt, %get3A_1896, %select_n3A_1832 : vector<8x256xf32>
    %select_n3A_1898 = arith.select %gt3A_1897, %get3A_1896, %select_n3A_1832 : vector<8x256xi1>, vector<8x256xf32>
    %jit3A_1899 = arith.constant 7 : i32
    %broadcast_in_dim3A_1900 = vector.broadcast %jit3A_1899 : i32 to vector<8x256xi32>
    %select_n3A_1901 = arith.select %gt3A_1897, %broadcast_in_dim3A_1900, %select_n3A_1835 : vector<8x256xi1>, vector<8x256xi32>
    %get3A_1902 = arith.constant 0 : index
    %get3A_1903 = arith.constant 6 : index
    %get3A_1904 = arith.constant 56 : index
    %get3A_1905 = arith.constant 0 : index
    %get3A_1906 = vector.load %arg1[%get3A_1902, %get3A_1903, %get3A_1904, %get3A_1905] : memref<1x7x256x256xf32, #tpu.memory_space<vmem>>, vector<1x1x8x256xf32>
    %get3A_1907 = vector.shape_cast %get3A_1906 : vector<1x1x8x256xf32> to vector<8x256xf32>
    %gt3A_1908 = arith.cmpf ogt, %get3A_1907, %select_n3A_1843 : vector<8x256xf32>
    %select_n3A_1909 = arith.select %gt3A_1908, %get3A_1907, %select_n3A_1843 : vector<8x256xi1>, vector<8x256xf32>
    %jit3A_1910 = arith.constant 7 : i32
    %broadcast_in_dim3A_1911 = vector.broadcast %jit3A_1910 : i32 to vector<8x256xi32>
    %select_n3A_1912 = arith.select %gt3A_1908, %broadcast_in_dim3A_1911, %select_n3A_1846 : vector<8x256xi1>, vector<8x256xi32>
    %get3A_1913 = arith.constant 0 : index
    %get3A_1914 = arith.constant 4 : index
    %get3A_1915 = arith.constant 64 : index
    %get3A_1916 = arith.constant 0 : index
    %get3A_1917 = vector.load %arg1[%get3A_1913, %get3A_1914, %get3A_1915, %get3A_1916] : memref<1x7x256x256xf32, #tpu.memory_space<vmem>>, vector<1x1x8x256xf32>
    %get3A_1918 = vector.shape_cast %get3A_1917 : vector<1x1x8x256xf32> to vector<8x256xf32>
    %gt3A_1919 = arith.cmpf ogt, %get3A_1918, %select_n3A_1854 : vector<8x256xf32>
    %select_n3A_1920 = arith.select %gt3A_1919, %get3A_1918, %select_n3A_1854 : vector<8x256xi1>, vector<8x256xf32>
    %jit3A_1921 = arith.constant 8 : i32
    %broadcast_in_dim3A_1922 = vector.broadcast %jit3A_1921 : i32 to vector<8x256xi32>
    %select_n3A_1923 = arith.select %gt3A_1919, %broadcast_in_dim3A_1922, %select_n3A_1857 : vector<8x256xi1>, vector<8x256xi32>
    %get3A_1924 = arith.constant 0 : index
    %get3A_1925 = arith.constant 5 : index
    %get3A_1926 = arith.constant 64 : index
    %get3A_1927 = arith.constant 0 : index
    %get3A_1928 = vector.load %arg1[%get3A_1924, %get3A_1925, %get3A_1926, %get3A_1927] : memref<1x7x256x256xf32, #tpu.memory_space<vmem>>, vector<1x1x8x256xf32>
    %get3A_1929 = vector.shape_cast %get3A_1928 : vector<1x1x8x256xf32> to vector<8x256xf32>
    %gt3A_1930 = arith.cmpf ogt, %get3A_1929, %select_n3A_1865 : vector<8x256xf32>
    %select_n3A_1931 = arith.select %gt3A_1930, %get3A_1929, %select_n3A_1865 : vector<8x256xi1>, vector<8x256xf32>
    %jit3A_1932 = arith.constant 8 : i32
    %broadcast_in_dim3A_1933 = vector.broadcast %jit3A_1932 : i32 to vector<8x256xi32>
    %select_n3A_1934 = arith.select %gt3A_1930, %broadcast_in_dim3A_1933, %select_n3A_1868 : vector<8x256xi1>, vector<8x256xi32>
    %get3A_1935 = arith.constant 0 : index
    %get3A_1936 = arith.constant 6 : index
    %get3A_1937 = arith.constant 64 : index
    %get3A_1938 = arith.constant 0 : index
    %get3A_1939 = vector.load %arg1[%get3A_1935, %get3A_1936, %get3A_1937, %get3A_1938] : memref<1x7x256x256xf32, #tpu.memory_space<vmem>>, vector<1x1x8x256xf32>
    %get3A_1940 = vector.shape_cast %get3A_1939 : vector<1x1x8x256xf32> to vector<8x256xf32>
    %gt3A_1941 = arith.cmpf ogt, %get3A_1940, %select_n3A_1876 : vector<8x256xf32>
    %select_n3A_1942 = arith.select %gt3A_1941, %get3A_1940, %select_n3A_1876 : vector<8x256xi1>, vector<8x256xf32>
    %jit3A_1943 = arith.constant 8 : i32
    %broadcast_in_dim3A_1944 = vector.broadcast %jit3A_1943 : i32 to vector<8x256xi32>
    %select_n3A_1945 = arith.select %gt3A_1941, %broadcast_in_dim3A_1944, %select_n3A_1879 : vector<8x256xi1>, vector<8x256xi32>
    %get3A_1946 = arith.constant 0 : index
    %get3A_1947 = arith.constant 4 : index
    %get3A_1948 = arith.constant 72 : index
    %get3A_1949 = arith.constant 0 : index
    %get3A_1950 = vector.load %arg1[%get3A_1946, %get3A_1947, %get3A_1948, %get3A_1949] : memref<1x7x256x256xf32, #tpu.memory_space<vmem>>, vector<1x1x8x256xf32>
    %get3A_1951 = vector.shape_cast %get3A_1950 : vector<1x1x8x256xf32> to vector<8x256xf32>
    %gt3A_1952 = arith.cmpf ogt, %get3A_1951, %select_n3A_1887 : vector<8x256xf32>
    %select_n3A_1953 = arith.select %gt3A_1952, %get3A_1951, %select_n3A_1887 : vector<8x256xi1>, vector<8x256xf32>
    %jit3A_1954 = arith.constant 9 : i32
    %broadcast_in_dim3A_1955 = vector.broadcast %jit3A_1954 : i32 to vector<8x256xi32>
    %select_n3A_1956 = arith.select %gt3A_1952, %broadcast_in_dim3A_1955, %select_n3A_1890 : vector<8x256xi1>, vector<8x256xi32>
    %get3A_1957 = arith.constant 0 : index
    %get3A_1958 = arith.constant 5 : index
    %get3A_1959 = arith.constant 72 : index
    %get3A_1960 = arith.constant 0 : index
    %get3A_1961 = vector.load %arg1[%get3A_1957, %get3A_1958, %get3A_1959, %get3A_1960] : memref<1x7x256x256xf32, #tpu.memory_space<vmem>>, vector<1x1x8x256xf32>
    %get3A_1962 = vector.shape_cast %get3A_1961 : vector<1x1x8x256xf32> to vector<8x256xf32>
    %gt3A_1963 = arith.cmpf ogt, %get3A_1962, %select_n3A_1898 : vector<8x256xf32>
    %select_n3A_1964 = arith.select %gt3A_1963, %get3A_1962, %select_n3A_1898 : vector<8x256xi1>, vector<8x256xf32>
    %jit3A_1965 = arith.constant 9 : i32
    %broadcast_in_dim3A_1966 = vector.broadcast %jit3A_1965 : i32 to vector<8x256xi32>
    %select_n3A_1967 = arith.select %gt3A_1963, %broadcast_in_dim3A_1966, %select_n3A_1901 : vector<8x256xi1>, vector<8x256xi32>
    %get3A_1968 = arith.constant 0 : index
    %get3A_1969 = arith.constant 6 : index
    %get3A_1970 = arith.constant 72 : index
    %get3A_1971 = arith.constant 0 : index
    %get3A_1972 = vector.load %arg1[%get3A_1968, %get3A_1969, %get3A_1970, %get3A_1971] : memref<1x7x256x256xf32, #tpu.memory_space<vmem>>, vector<1x1x8x256xf32>
    %get3A_1973 = vector.shape_cast %get3A_1972 : vector<1x1x8x256xf32> to vector<8x256xf32>
    %gt3A_1974 = arith.cmpf ogt, %get3A_1973, %select_n3A_1909 : vector<8x256xf32>
    %select_n3A_1975 = arith.select %gt3A_1974, %get3A_1973, %select_n3A_1909 : vector<8x256xi1>, vector<8x256xf32>
    %jit3A_1976 = arith.constant 9 : i32
    %broadcast_in_dim3A_1977 = vector.broadcast %jit3A_1976 : i32 to vector<8x256xi32>
    %select_n3A_1978 = arith.select %gt3A_1974, %broadcast_in_dim3A_1977, %select_n3A_1912 : vector<8x256xi1>, vector<8x256xi32>
    %get3A_1979 = arith.constant 0 : index
    %get3A_1980 = arith.constant 4 : index
    %get3A_1981 = arith.constant 80 : index
    %get3A_1982 = arith.constant 0 : index
    %get3A_1983 = vector.load %arg1[%get3A_1979, %get3A_1980, %get3A_1981, %get3A_1982] : memref<1x7x256x256xf32, #tpu.memory_space<vmem>>, vector<1x1x8x256xf32>
    %get3A_1984 = vector.shape_cast %get3A_1983 : vector<1x1x8x256xf32> to vector<8x256xf32>
    %gt3A_1985 = arith.cmpf ogt, %get3A_1984, %select_n3A_1920 : vector<8x256xf32>
    %select_n3A_1986 = arith.select %gt3A_1985, %get3A_1984, %select_n3A_1920 : vector<8x256xi1>, vector<8x256xf32>
    %jit3A_1987 = arith.constant 10 : i32
    %broadcast_in_dim3A_1988 = vector.broadcast %jit3A_1987 : i32 to vector<8x256xi32>
    %select_n3A_1989 = arith.select %gt3A_1985, %broadcast_in_dim3A_1988, %select_n3A_1923 : vector<8x256xi1>, vector<8x256xi32>
    %get3A_1990 = arith.constant 0 : index
    %get3A_1991 = arith.constant 5 : index
    %get3A_1992 = arith.constant 80 : index
    %get3A_1993 = arith.constant 0 : index
    %get3A_1994 = vector.load %arg1[%get3A_1990, %get3A_1991, %get3A_1992, %get3A_1993] : memref<1x7x256x256xf32, #tpu.memory_space<vmem>>, vector<1x1x8x256xf32>
    %get3A_1995 = vector.shape_cast %get3A_1994 : vector<1x1x8x256xf32> to vector<8x256xf32>
    %gt3A_1996 = arith.cmpf ogt, %get3A_1995, %select_n3A_1931 : vector<8x256xf32>
    %select_n3A_1997 = arith.select %gt3A_1996, %get3A_1995, %select_n3A_1931 : vector<8x256xi1>, vector<8x256xf32>
    %jit3A_1998 = arith.constant 10 : i32
    %broadcast_in_dim3A_1999 = vector.broadcast %jit3A_1998 : i32 to vector<8x256xi32>
    %select_n3A_2000 = arith.select %gt3A_1996, %broadcast_in_dim3A_1999, %select_n3A_1934 : vector<8x256xi1>, vector<8x256xi32>
    %get3A_2001 = arith.constant 0 : index
    %get3A_2002 = arith.constant 6 : index
    %get3A_2003 = arith.constant 80 : index
    %get3A_2004 = arith.constant 0 : index
    %get3A_2005 = vector.load %arg1[%get3A_2001, %get3A_2002, %get3A_2003, %get3A_2004] : memref<1x7x256x256xf32, #tpu.memory_space<vmem>>, vector<1x1x8x256xf32>
    %get3A_2006 = vector.shape_cast %get3A_2005 : vector<1x1x8x256xf32> to vector<8x256xf32>
    %gt3A_2007 = arith.cmpf ogt, %get3A_2006, %select_n3A_1942 : vector<8x256xf32>
    %select_n3A_2008 = arith.select %gt3A_2007, %get3A_2006, %select_n3A_1942 : vector<8x256xi1>, vector<8x256xf32>
    %jit3A_2009 = arith.constant 10 : i32
    %broadcast_in_dim3A_2010 = vector.broadcast %jit3A_2009 : i32 to vector<8x256xi32>
    %select_n3A_2011 = arith.select %gt3A_2007, %broadcast_in_dim3A_2010, %select_n3A_1945 : vector<8x256xi1>, vector<8x256xi32>
    %get3A_2012 = arith.constant 0 : index
    %get3A_2013 = arith.constant 4 : index
    %get3A_2014 = arith.constant 88 : index
    %get3A_2015 = arith.constant 0 : index
    %get3A_2016 = vector.load %arg1[%get3A_2012, %get3A_2013, %get3A_2014, %get3A_2015] : memref<1x7x256x256xf32, #tpu.memory_space<vmem>>, vector<1x1x8x256xf32>
    %get3A_2017 = vector.shape_cast %get3A_2016 : vector<1x1x8x256xf32> to vector<8x256xf32>
    %gt3A_2018 = arith.cmpf ogt, %get3A_2017, %select_n3A_1953 : vector<8x256xf32>
    %select_n3A_2019 = arith.select %gt3A_2018, %get3A_2017, %select_n3A_1953 : vector<8x256xi1>, vector<8x256xf32>
    %jit3A_2020 = arith.constant 11 : i32
    %broadcast_in_dim3A_2021 = vector.broadcast %jit3A_2020 : i32 to vector<8x256xi32>
    %select_n3A_2022 = arith.select %gt3A_2018, %broadcast_in_dim3A_2021, %select_n3A_1956 : vector<8x256xi1>, vector<8x256xi32>
    %get3A_2023 = arith.constant 0 : index
    %get3A_2024 = arith.constant 5 : index
    %get3A_2025 = arith.constant 88 : index
    %get3A_2026 = arith.constant 0 : index
    %get3A_2027 = vector.load %arg1[%get3A_2023, %get3A_2024, %get3A_2025, %get3A_2026] : memref<1x7x256x256xf32, #tpu.memory_space<vmem>>, vector<1x1x8x256xf32>
    %get3A_2028 = vector.shape_cast %get3A_2027 : vector<1x1x8x256xf32> to vector<8x256xf32>
    %gt3A_2029 = arith.cmpf ogt, %get3A_2028, %select_n3A_1964 : vector<8x256xf32>
    %select_n3A_2030 = arith.select %gt3A_2029, %get3A_2028, %select_n3A_1964 : vector<8x256xi1>, vector<8x256xf32>
    %jit3A_2031 = arith.constant 11 : i32
    %broadcast_in_dim3A_2032 = vector.broadcast %jit3A_2031 : i32 to vector<8x256xi32>
    %select_n3A_2033 = arith.select %gt3A_2029, %broadcast_in_dim3A_2032, %select_n3A_1967 : vector<8x256xi1>, vector<8x256xi32>
    %get3A_2034 = arith.constant 0 : index
    %get3A_2035 = arith.constant 6 : index
    %get3A_2036 = arith.constant 88 : index
    %get3A_2037 = arith.constant 0 : index
    %get3A_2038 = vector.load %arg1[%get3A_2034, %get3A_2035, %get3A_2036, %get3A_2037] : memref<1x7x256x256xf32, #tpu.memory_space<vmem>>, vector<1x1x8x256xf32>
    %get3A_2039 = vector.shape_cast %get3A_2038 : vector<1x1x8x256xf32> to vector<8x256xf32>
    %gt3A_2040 = arith.cmpf ogt, %get3A_2039, %select_n3A_1975 : vector<8x256xf32>
    %select_n3A_2041 = arith.select %gt3A_2040, %get3A_2039, %select_n3A_1975 : vector<8x256xi1>, vector<8x256xf32>
    %jit3A_2042 = arith.constant 11 : i32
    %broadcast_in_dim3A_2043 = vector.broadcast %jit3A_2042 : i32 to vector<8x256xi32>
    %select_n3A_2044 = arith.select %gt3A_2040, %broadcast_in_dim3A_2043, %select_n3A_1978 : vector<8x256xi1>, vector<8x256xi32>
    %get3A_2045 = arith.constant 0 : index
    %get3A_2046 = arith.constant 4 : index
    %get3A_2047 = arith.constant 96 : index
    %get3A_2048 = arith.constant 0 : index
    %get3A_2049 = vector.load %arg1[%get3A_2045, %get3A_2046, %get3A_2047, %get3A_2048] : memref<1x7x256x256xf32, #tpu.memory_space<vmem>>, vector<1x1x8x256xf32>
    %get3A_2050 = vector.shape_cast %get3A_2049 : vector<1x1x8x256xf32> to vector<8x256xf32>
    %gt3A_2051 = arith.cmpf ogt, %get3A_2050, %select_n3A_1986 : vector<8x256xf32>
    %select_n3A_2052 = arith.select %gt3A_2051, %get3A_2050, %select_n3A_1986 : vector<8x256xi1>, vector<8x256xf32>
    %jit3A_2053 = arith.constant 12 : i32
    %broadcast_in_dim3A_2054 = vector.broadcast %jit3A_2053 : i32 to vector<8x256xi32>
    %select_n3A_2055 = arith.select %gt3A_2051, %broadcast_in_dim3A_2054, %select_n3A_1989 : vector<8x256xi1>, vector<8x256xi32>
    %get3A_2056 = arith.constant 0 : index
    %get3A_2057 = arith.constant 5 : index
    %get3A_2058 = arith.constant 96 : index
    %get3A_2059 = arith.constant 0 : index
    %get3A_2060 = vector.load %arg1[%get3A_2056, %get3A_2057, %get3A_2058, %get3A_2059] : memref<1x7x256x256xf32, #tpu.memory_space<vmem>>, vector<1x1x8x256xf32>
    %get3A_2061 = vector.shape_cast %get3A_2060 : vector<1x1x8x256xf32> to vector<8x256xf32>
    %gt3A_2062 = arith.cmpf ogt, %get3A_2061, %select_n3A_1997 : vector<8x256xf32>
    %select_n3A_2063 = arith.select %gt3A_2062, %get3A_2061, %select_n3A_1997 : vector<8x256xi1>, vector<8x256xf32>
    %jit3A_2064 = arith.constant 12 : i32
    %broadcast_in_dim3A_2065 = vector.broadcast %jit3A_2064 : i32 to vector<8x256xi32>
    %select_n3A_2066 = arith.select %gt3A_2062, %broadcast_in_dim3A_2065, %select_n3A_2000 : vector<8x256xi1>, vector<8x256xi32>
    %get3A_2067 = arith.constant 0 : index
    %get3A_2068 = arith.constant 6 : index
    %get3A_2069 = arith.constant 96 : index
    %get3A_2070 = arith.constant 0 : index
    %get3A_2071 = vector.load %arg1[%get3A_2067, %get3A_2068, %get3A_2069, %get3A_2070] : memref<1x7x256x256xf32, #tpu.memory_space<vmem>>, vector<1x1x8x256xf32>
    %get3A_2072 = vector.shape_cast %get3A_2071 : vector<1x1x8x256xf32> to vector<8x256xf32>
    %gt3A_2073 = arith.cmpf ogt, %get3A_2072, %select_n3A_2008 : vector<8x256xf32>
    %select_n3A_2074 = arith.select %gt3A_2073, %get3A_2072, %select_n3A_2008 : vector<8x256xi1>, vector<8x256xf32>
    %jit3A_2075 = arith.constant 12 : i32
    %broadcast_in_dim3A_2076 = vector.broadcast %jit3A_2075 : i32 to vector<8x256xi32>
    %select_n3A_2077 = arith.select %gt3A_2073, %broadcast_in_dim3A_2076, %select_n3A_2011 : vector<8x256xi1>, vector<8x256xi32>
    %get3A_2078 = arith.constant 0 : index
    %get3A_2079 = arith.constant 4 : index
    %get3A_2080 = arith.constant 104 : index
    %get3A_2081 = arith.constant 0 : index
    %get3A_2082 = vector.load %arg1[%get3A_2078, %get3A_2079, %get3A_2080, %get3A_2081] : memref<1x7x256x256xf32, #tpu.memory_space<vmem>>, vector<1x1x8x256xf32>
    %get3A_2083 = vector.shape_cast %get3A_2082 : vector<1x1x8x256xf32> to vector<8x256xf32>
    %gt3A_2084 = arith.cmpf ogt, %get3A_2083, %select_n3A_2019 : vector<8x256xf32>
    %select_n3A_2085 = arith.select %gt3A_2084, %get3A_2083, %select_n3A_2019 : vector<8x256xi1>, vector<8x256xf32>
    %jit3A_2086 = arith.constant 13 : i32
    %broadcast_in_dim3A_2087 = vector.broadcast %jit3A_2086 : i32 to vector<8x256xi32>
    %select_n3A_2088 = arith.select %gt3A_2084, %broadcast_in_dim3A_2087, %select_n3A_2022 : vector<8x256xi1>, vector<8x256xi32>
    %get3A_2089 = arith.constant 0 : index
    %get3A_2090 = arith.constant 5 : index
    %get3A_2091 = arith.constant 104 : index
    %get3A_2092 = arith.constant 0 : index
    %get3A_2093 = vector.load %arg1[%get3A_2089, %get3A_2090, %get3A_2091, %get3A_2092] : memref<1x7x256x256xf32, #tpu.memory_space<vmem>>, vector<1x1x8x256xf32>
    %get3A_2094 = vector.shape_cast %get3A_2093 : vector<1x1x8x256xf32> to vector<8x256xf32>
    %gt3A_2095 = arith.cmpf ogt, %get3A_2094, %select_n3A_2030 : vector<8x256xf32>
    %select_n3A_2096 = arith.select %gt3A_2095, %get3A_2094, %select_n3A_2030 : vector<8x256xi1>, vector<8x256xf32>
    %jit3A_2097 = arith.constant 13 : i32
    %broadcast_in_dim3A_2098 = vector.broadcast %jit3A_2097 : i32 to vector<8x256xi32>
    %select_n3A_2099 = arith.select %gt3A_2095, %broadcast_in_dim3A_2098, %select_n3A_2033 : vector<8x256xi1>, vector<8x256xi32>
    %get3A_2100 = arith.constant 0 : index
    %get3A_2101 = arith.constant 6 : index
    %get3A_2102 = arith.constant 104 : index
    %get3A_2103 = arith.constant 0 : index
    %get3A_2104 = vector.load %arg1[%get3A_2100, %get3A_2101, %get3A_2102, %get3A_2103] : memref<1x7x256x256xf32, #tpu.memory_space<vmem>>, vector<1x1x8x256xf32>
    %get3A_2105 = vector.shape_cast %get3A_2104 : vector<1x1x8x256xf32> to vector<8x256xf32>
    %gt3A_2106 = arith.cmpf ogt, %get3A_2105, %select_n3A_2041 : vector<8x256xf32>
    %select_n3A_2107 = arith.select %gt3A_2106, %get3A_2105, %select_n3A_2041 : vector<8x256xi1>, vector<8x256xf32>
    %jit3A_2108 = arith.constant 13 : i32
    %broadcast_in_dim3A_2109 = vector.broadcast %jit3A_2108 : i32 to vector<8x256xi32>
    %select_n3A_2110 = arith.select %gt3A_2106, %broadcast_in_dim3A_2109, %select_n3A_2044 : vector<8x256xi1>, vector<8x256xi32>
    %get3A_2111 = arith.constant 0 : index
    %get3A_2112 = arith.constant 4 : index
    %get3A_2113 = arith.constant 112 : index
    %get3A_2114 = arith.constant 0 : index
    %get3A_2115 = vector.load %arg1[%get3A_2111, %get3A_2112, %get3A_2113, %get3A_2114] : memref<1x7x256x256xf32, #tpu.memory_space<vmem>>, vector<1x1x8x256xf32>
    %get3A_2116 = vector.shape_cast %get3A_2115 : vector<1x1x8x256xf32> to vector<8x256xf32>
    %gt3A_2117 = arith.cmpf ogt, %get3A_2116, %select_n3A_2052 : vector<8x256xf32>
    %select_n3A_2118 = arith.select %gt3A_2117, %get3A_2116, %select_n3A_2052 : vector<8x256xi1>, vector<8x256xf32>
    %jit3A_2119 = arith.constant 14 : i32
    %broadcast_in_dim3A_2120 = vector.broadcast %jit3A_2119 : i32 to vector<8x256xi32>
    %select_n3A_2121 = arith.select %gt3A_2117, %broadcast_in_dim3A_2120, %select_n3A_2055 : vector<8x256xi1>, vector<8x256xi32>
    %get3A_2122 = arith.constant 0 : index
    %get3A_2123 = arith.constant 5 : index
    %get3A_2124 = arith.constant 112 : index
    %get3A_2125 = arith.constant 0 : index
    %get3A_2126 = vector.load %arg1[%get3A_2122, %get3A_2123, %get3A_2124, %get3A_2125] : memref<1x7x256x256xf32, #tpu.memory_space<vmem>>, vector<1x1x8x256xf32>
    %get3A_2127 = vector.shape_cast %get3A_2126 : vector<1x1x8x256xf32> to vector<8x256xf32>
    %gt3A_2128 = arith.cmpf ogt, %get3A_2127, %select_n3A_2063 : vector<8x256xf32>
    %select_n3A_2129 = arith.select %gt3A_2128, %get3A_2127, %select_n3A_2063 : vector<8x256xi1>, vector<8x256xf32>
    %jit3A_2130 = arith.constant 14 : i32
    %broadcast_in_dim3A_2131 = vector.broadcast %jit3A_2130 : i32 to vector<8x256xi32>
    %select_n3A_2132 = arith.select %gt3A_2128, %broadcast_in_dim3A_2131, %select_n3A_2066 : vector<8x256xi1>, vector<8x256xi32>
    %get3A_2133 = arith.constant 0 : index
    %get3A_2134 = arith.constant 6 : index
    %get3A_2135 = arith.constant 112 : index
    %get3A_2136 = arith.constant 0 : index
    %get3A_2137 = vector.load %arg1[%get3A_2133, %get3A_2134, %get3A_2135, %get3A_2136] : memref<1x7x256x256xf32, #tpu.memory_space<vmem>>, vector<1x1x8x256xf32>
    %get3A_2138 = vector.shape_cast %get3A_2137 : vector<1x1x8x256xf32> to vector<8x256xf32>
    %gt3A_2139 = arith.cmpf ogt, %get3A_2138, %select_n3A_2074 : vector<8x256xf32>
    %select_n3A_2140 = arith.select %gt3A_2139, %get3A_2138, %select_n3A_2074 : vector<8x256xi1>, vector<8x256xf32>
    %jit3A_2141 = arith.constant 14 : i32
    %broadcast_in_dim3A_2142 = vector.broadcast %jit3A_2141 : i32 to vector<8x256xi32>
    %select_n3A_2143 = arith.select %gt3A_2139, %broadcast_in_dim3A_2142, %select_n3A_2077 : vector<8x256xi1>, vector<8x256xi32>
    %get3A_2144 = arith.constant 0 : index
    %get3A_2145 = arith.constant 4 : index
    %get3A_2146 = arith.constant 120 : index
    %get3A_2147 = arith.constant 0 : index
    %get3A_2148 = vector.load %arg1[%get3A_2144, %get3A_2145, %get3A_2146, %get3A_2147] : memref<1x7x256x256xf32, #tpu.memory_space<vmem>>, vector<1x1x8x256xf32>
    %get3A_2149 = vector.shape_cast %get3A_2148 : vector<1x1x8x256xf32> to vector<8x256xf32>
    %gt3A_2150 = arith.cmpf ogt, %get3A_2149, %select_n3A_2085 : vector<8x256xf32>
    %select_n3A_2151 = arith.select %gt3A_2150, %get3A_2149, %select_n3A_2085 : vector<8x256xi1>, vector<8x256xf32>
    %jit3A_2152 = arith.constant 15 : i32
    %broadcast_in_dim3A_2153 = vector.broadcast %jit3A_2152 : i32 to vector<8x256xi32>
    %select_n3A_2154 = arith.select %gt3A_2150, %broadcast_in_dim3A_2153, %select_n3A_2088 : vector<8x256xi1>, vector<8x256xi32>
    %get3A_2155 = arith.constant 0 : index
    %get3A_2156 = arith.constant 5 : index
    %get3A_2157 = arith.constant 120 : index
    %get3A_2158 = arith.constant 0 : index
    %get3A_2159 = vector.load %arg1[%get3A_2155, %get3A_2156, %get3A_2157, %get3A_2158] : memref<1x7x256x256xf32, #tpu.memory_space<vmem>>, vector<1x1x8x256xf32>
    %get3A_2160 = vector.shape_cast %get3A_2159 : vector<1x1x8x256xf32> to vector<8x256xf32>
    %gt3A_2161 = arith.cmpf ogt, %get3A_2160, %select_n3A_2096 : vector<8x256xf32>
    %select_n3A_2162 = arith.select %gt3A_2161, %get3A_2160, %select_n3A_2096 : vector<8x256xi1>, vector<8x256xf32>
    %jit3A_2163 = arith.constant 15 : i32
    %broadcast_in_dim3A_2164 = vector.broadcast %jit3A_2163 : i32 to vector<8x256xi32>
    %select_n3A_2165 = arith.select %gt3A_2161, %broadcast_in_dim3A_2164, %select_n3A_2099 : vector<8x256xi1>, vector<8x256xi32>
    %get3A_2166 = arith.constant 0 : index
    %get3A_2167 = arith.constant 6 : index
    %get3A_2168 = arith.constant 120 : index
    %get3A_2169 = arith.constant 0 : index
    %get3A_2170 = vector.load %arg1[%get3A_2166, %get3A_2167, %get3A_2168, %get3A_2169] : memref<1x7x256x256xf32, #tpu.memory_space<vmem>>, vector<1x1x8x256xf32>
    %get3A_2171 = vector.shape_cast %get3A_2170 : vector<1x1x8x256xf32> to vector<8x256xf32>
    %gt3A_2172 = arith.cmpf ogt, %get3A_2171, %select_n3A_2107 : vector<8x256xf32>
    %select_n3A_2173 = arith.select %gt3A_2172, %get3A_2171, %select_n3A_2107 : vector<8x256xi1>, vector<8x256xf32>
    %jit3A_2174 = arith.constant 15 : i32
    %broadcast_in_dim3A_2175 = vector.broadcast %jit3A_2174 : i32 to vector<8x256xi32>
    %select_n3A_2176 = arith.select %gt3A_2172, %broadcast_in_dim3A_2175, %select_n3A_2110 : vector<8x256xi1>, vector<8x256xi32>
    %get3A_2177 = arith.constant 0 : index
    %get3A_2178 = arith.constant 4 : index
    %get3A_2179 = arith.constant 128 : index
    %get3A_2180 = arith.constant 0 : index
    %get3A_2181 = vector.load %arg1[%get3A_2177, %get3A_2178, %get3A_2179, %get3A_2180] : memref<1x7x256x256xf32, #tpu.memory_space<vmem>>, vector<1x1x8x256xf32>
    %get3A_2182 = vector.shape_cast %get3A_2181 : vector<1x1x8x256xf32> to vector<8x256xf32>
    %gt3A_2183 = arith.cmpf ogt, %get3A_2182, %select_n3A_2118 : vector<8x256xf32>
    %select_n3A_2184 = arith.select %gt3A_2183, %get3A_2182, %select_n3A_2118 : vector<8x256xi1>, vector<8x256xf32>
    %jit3A_2185 = arith.constant 16 : i32
    %broadcast_in_dim3A_2186 = vector.broadcast %jit3A_2185 : i32 to vector<8x256xi32>
    %select_n3A_2187 = arith.select %gt3A_2183, %broadcast_in_dim3A_2186, %select_n3A_2121 : vector<8x256xi1>, vector<8x256xi32>
    %get3A_2188 = arith.constant 0 : index
    %get3A_2189 = arith.constant 5 : index
    %get3A_2190 = arith.constant 128 : index
    %get3A_2191 = arith.constant 0 : index
    %get3A_2192 = vector.load %arg1[%get3A_2188, %get3A_2189, %get3A_2190, %get3A_2191] : memref<1x7x256x256xf32, #tpu.memory_space<vmem>>, vector<1x1x8x256xf32>
    %get3A_2193 = vector.shape_cast %get3A_2192 : vector<1x1x8x256xf32> to vector<8x256xf32>
    %gt3A_2194 = arith.cmpf ogt, %get3A_2193, %select_n3A_2129 : vector<8x256xf32>
    %select_n3A_2195 = arith.select %gt3A_2194, %get3A_2193, %select_n3A_2129 : vector<8x256xi1>, vector<8x256xf32>
    %jit3A_2196 = arith.constant 16 : i32
    %broadcast_in_dim3A_2197 = vector.broadcast %jit3A_2196 : i32 to vector<8x256xi32>
    %select_n3A_2198 = arith.select %gt3A_2194, %broadcast_in_dim3A_2197, %select_n3A_2132 : vector<8x256xi1>, vector<8x256xi32>
    %get3A_2199 = arith.constant 0 : index
    %get3A_2200 = arith.constant 6 : index
    %get3A_2201 = arith.constant 128 : index
    %get3A_2202 = arith.constant 0 : index
    %get3A_2203 = vector.load %arg1[%get3A_2199, %get3A_2200, %get3A_2201, %get3A_2202] : memref<1x7x256x256xf32, #tpu.memory_space<vmem>>, vector<1x1x8x256xf32>
    %get3A_2204 = vector.shape_cast %get3A_2203 : vector<1x1x8x256xf32> to vector<8x256xf32>
    %gt3A_2205 = arith.cmpf ogt, %get3A_2204, %select_n3A_2140 : vector<8x256xf32>
    %select_n3A_2206 = arith.select %gt3A_2205, %get3A_2204, %select_n3A_2140 : vector<8x256xi1>, vector<8x256xf32>
    %jit3A_2207 = arith.constant 16 : i32
    %broadcast_in_dim3A_2208 = vector.broadcast %jit3A_2207 : i32 to vector<8x256xi32>
    %select_n3A_2209 = arith.select %gt3A_2205, %broadcast_in_dim3A_2208, %select_n3A_2143 : vector<8x256xi1>, vector<8x256xi32>
    %get3A_2210 = arith.constant 0 : index
    %get3A_2211 = arith.constant 4 : index
    %get3A_2212 = arith.constant 136 : index
    %get3A_2213 = arith.constant 0 : index
    %get3A_2214 = vector.load %arg1[%get3A_2210, %get3A_2211, %get3A_2212, %get3A_2213] : memref<1x7x256x256xf32, #tpu.memory_space<vmem>>, vector<1x1x8x256xf32>
    %get3A_2215 = vector.shape_cast %get3A_2214 : vector<1x1x8x256xf32> to vector<8x256xf32>
    %gt3A_2216 = arith.cmpf ogt, %get3A_2215, %select_n3A_2151 : vector<8x256xf32>
    %select_n3A_2217 = arith.select %gt3A_2216, %get3A_2215, %select_n3A_2151 : vector<8x256xi1>, vector<8x256xf32>
    %jit3A_2218 = arith.constant 17 : i32
    %broadcast_in_dim3A_2219 = vector.broadcast %jit3A_2218 : i32 to vector<8x256xi32>
    %select_n3A_2220 = arith.select %gt3A_2216, %broadcast_in_dim3A_2219, %select_n3A_2154 : vector<8x256xi1>, vector<8x256xi32>
    %get3A_2221 = arith.constant 0 : index
    %get3A_2222 = arith.constant 5 : index
    %get3A_2223 = arith.constant 136 : index
    %get3A_2224 = arith.constant 0 : index
    %get3A_2225 = vector.load %arg1[%get3A_2221, %get3A_2222, %get3A_2223, %get3A_2224] : memref<1x7x256x256xf32, #tpu.memory_space<vmem>>, vector<1x1x8x256xf32>
    %get3A_2226 = vector.shape_cast %get3A_2225 : vector<1x1x8x256xf32> to vector<8x256xf32>
    %gt3A_2227 = arith.cmpf ogt, %get3A_2226, %select_n3A_2162 : vector<8x256xf32>
    %select_n3A_2228 = arith.select %gt3A_2227, %get3A_2226, %select_n3A_2162 : vector<8x256xi1>, vector<8x256xf32>
    %jit3A_2229 = arith.constant 17 : i32
    %broadcast_in_dim3A_2230 = vector.broadcast %jit3A_2229 : i32 to vector<8x256xi32>
    %select_n3A_2231 = arith.select %gt3A_2227, %broadcast_in_dim3A_2230, %select_n3A_2165 : vector<8x256xi1>, vector<8x256xi32>
    %get3A_2232 = arith.constant 0 : index
    %get3A_2233 = arith.constant 6 : index
    %get3A_2234 = arith.constant 136 : index
    %get3A_2235 = arith.constant 0 : index
    %get3A_2236 = vector.load %arg1[%get3A_2232, %get3A_2233, %get3A_2234, %get3A_2235] : memref<1x7x256x256xf32, #tpu.memory_space<vmem>>, vector<1x1x8x256xf32>
    %get3A_2237 = vector.shape_cast %get3A_2236 : vector<1x1x8x256xf32> to vector<8x256xf32>
    %gt3A_2238 = arith.cmpf ogt, %get3A_2237, %select_n3A_2173 : vector<8x256xf32>
    %select_n3A_2239 = arith.select %gt3A_2238, %get3A_2237, %select_n3A_2173 : vector<8x256xi1>, vector<8x256xf32>
    %jit3A_2240 = arith.constant 17 : i32
    %broadcast_in_dim3A_2241 = vector.broadcast %jit3A_2240 : i32 to vector<8x256xi32>
    %select_n3A_2242 = arith.select %gt3A_2238, %broadcast_in_dim3A_2241, %select_n3A_2176 : vector<8x256xi1>, vector<8x256xi32>
    %get3A_2243 = arith.constant 0 : index
    %get3A_2244 = arith.constant 4 : index
    %get3A_2245 = arith.constant 144 : index
    %get3A_2246 = arith.constant 0 : index
    %get3A_2247 = vector.load %arg1[%get3A_2243, %get3A_2244, %get3A_2245, %get3A_2246] : memref<1x7x256x256xf32, #tpu.memory_space<vmem>>, vector<1x1x8x256xf32>
    %get3A_2248 = vector.shape_cast %get3A_2247 : vector<1x1x8x256xf32> to vector<8x256xf32>
    %gt3A_2249 = arith.cmpf ogt, %get3A_2248, %select_n3A_2184 : vector<8x256xf32>
    %select_n3A_2250 = arith.select %gt3A_2249, %get3A_2248, %select_n3A_2184 : vector<8x256xi1>, vector<8x256xf32>
    %jit3A_2251 = arith.constant 18 : i32
    %broadcast_in_dim3A_2252 = vector.broadcast %jit3A_2251 : i32 to vector<8x256xi32>
    %select_n3A_2253 = arith.select %gt3A_2249, %broadcast_in_dim3A_2252, %select_n3A_2187 : vector<8x256xi1>, vector<8x256xi32>
    %get3A_2254 = arith.constant 0 : index
    %get3A_2255 = arith.constant 5 : index
    %get3A_2256 = arith.constant 144 : index
    %get3A_2257 = arith.constant 0 : index
    %get3A_2258 = vector.load %arg1[%get3A_2254, %get3A_2255, %get3A_2256, %get3A_2257] : memref<1x7x256x256xf32, #tpu.memory_space<vmem>>, vector<1x1x8x256xf32>
    %get3A_2259 = vector.shape_cast %get3A_2258 : vector<1x1x8x256xf32> to vector<8x256xf32>
    %gt3A_2260 = arith.cmpf ogt, %get3A_2259, %select_n3A_2195 : vector<8x256xf32>
    %select_n3A_2261 = arith.select %gt3A_2260, %get3A_2259, %select_n3A_2195 : vector<8x256xi1>, vector<8x256xf32>
    %jit3A_2262 = arith.constant 18 : i32
    %broadcast_in_dim3A_2263 = vector.broadcast %jit3A_2262 : i32 to vector<8x256xi32>
    %select_n3A_2264 = arith.select %gt3A_2260, %broadcast_in_dim3A_2263, %select_n3A_2198 : vector<8x256xi1>, vector<8x256xi32>
    %get3A_2265 = arith.constant 0 : index
    %get3A_2266 = arith.constant 6 : index
    %get3A_2267 = arith.constant 144 : index
    %get3A_2268 = arith.constant 0 : index
    %get3A_2269 = vector.load %arg1[%get3A_2265, %get3A_2266, %get3A_2267, %get3A_2268] : memref<1x7x256x256xf32, #tpu.memory_space<vmem>>, vector<1x1x8x256xf32>
    %get3A_2270 = vector.shape_cast %get3A_2269 : vector<1x1x8x256xf32> to vector<8x256xf32>
    %gt3A_2271 = arith.cmpf ogt, %get3A_2270, %select_n3A_2206 : vector<8x256xf32>
    %select_n3A_2272 = arith.select %gt3A_2271, %get3A_2270, %select_n3A_2206 : vector<8x256xi1>, vector<8x256xf32>
    %jit3A_2273 = arith.constant 18 : i32
    %broadcast_in_dim3A_2274 = vector.broadcast %jit3A_2273 : i32 to vector<8x256xi32>
    %select_n3A_2275 = arith.select %gt3A_2271, %broadcast_in_dim3A_2274, %select_n3A_2209 : vector<8x256xi1>, vector<8x256xi32>
    %get3A_2276 = arith.constant 0 : index
    %get3A_2277 = arith.constant 4 : index
    %get3A_2278 = arith.constant 152 : index
    %get3A_2279 = arith.constant 0 : index
    %get3A_2280 = vector.load %arg1[%get3A_2276, %get3A_2277, %get3A_2278, %get3A_2279] : memref<1x7x256x256xf32, #tpu.memory_space<vmem>>, vector<1x1x8x256xf32>
    %get3A_2281 = vector.shape_cast %get3A_2280 : vector<1x1x8x256xf32> to vector<8x256xf32>
    %gt3A_2282 = arith.cmpf ogt, %get3A_2281, %select_n3A_2217 : vector<8x256xf32>
    %select_n3A_2283 = arith.select %gt3A_2282, %get3A_2281, %select_n3A_2217 : vector<8x256xi1>, vector<8x256xf32>
    %jit3A_2284 = arith.constant 19 : i32
    %broadcast_in_dim3A_2285 = vector.broadcast %jit3A_2284 : i32 to vector<8x256xi32>
    %select_n3A_2286 = arith.select %gt3A_2282, %broadcast_in_dim3A_2285, %select_n3A_2220 : vector<8x256xi1>, vector<8x256xi32>
    %get3A_2287 = arith.constant 0 : index
    %get3A_2288 = arith.constant 5 : index
    %get3A_2289 = arith.constant 152 : index
    %get3A_2290 = arith.constant 0 : index
    %get3A_2291 = vector.load %arg1[%get3A_2287, %get3A_2288, %get3A_2289, %get3A_2290] : memref<1x7x256x256xf32, #tpu.memory_space<vmem>>, vector<1x1x8x256xf32>
    %get3A_2292 = vector.shape_cast %get3A_2291 : vector<1x1x8x256xf32> to vector<8x256xf32>
    %gt3A_2293 = arith.cmpf ogt, %get3A_2292, %select_n3A_2228 : vector<8x256xf32>
    %select_n3A_2294 = arith.select %gt3A_2293, %get3A_2292, %select_n3A_2228 : vector<8x256xi1>, vector<8x256xf32>
    %jit3A_2295 = arith.constant 19 : i32
    %broadcast_in_dim3A_2296 = vector.broadcast %jit3A_2295 : i32 to vector<8x256xi32>
    %select_n3A_2297 = arith.select %gt3A_2293, %broadcast_in_dim3A_2296, %select_n3A_2231 : vector<8x256xi1>, vector<8x256xi32>
    %get3A_2298 = arith.constant 0 : index
    %get3A_2299 = arith.constant 6 : index
    %get3A_2300 = arith.constant 152 : index
    %get3A_2301 = arith.constant 0 : index
    %get3A_2302 = vector.load %arg1[%get3A_2298, %get3A_2299, %get3A_2300, %get3A_2301] : memref<1x7x256x256xf32, #tpu.memory_space<vmem>>, vector<1x1x8x256xf32>
    %get3A_2303 = vector.shape_cast %get3A_2302 : vector<1x1x8x256xf32> to vector<8x256xf32>
    %gt3A_2304 = arith.cmpf ogt, %get3A_2303, %select_n3A_2239 : vector<8x256xf32>
    %select_n3A_2305 = arith.select %gt3A_2304, %get3A_2303, %select_n3A_2239 : vector<8x256xi1>, vector<8x256xf32>
    %jit3A_2306 = arith.constant 19 : i32
    %broadcast_in_dim3A_2307 = vector.broadcast %jit3A_2306 : i32 to vector<8x256xi32>
    %select_n3A_2308 = arith.select %gt3A_2304, %broadcast_in_dim3A_2307, %select_n3A_2242 : vector<8x256xi1>, vector<8x256xi32>
    %get3A_2309 = arith.constant 0 : index
    %get3A_2310 = arith.constant 4 : index
    %get3A_2311 = arith.constant 160 : index
    %get3A_2312 = arith.constant 0 : index
    %get3A_2313 = vector.load %arg1[%get3A_2309, %get3A_2310, %get3A_2311, %get3A_2312] : memref<1x7x256x256xf32, #tpu.memory_space<vmem>>, vector<1x1x8x256xf32>
    %get3A_2314 = vector.shape_cast %get3A_2313 : vector<1x1x8x256xf32> to vector<8x256xf32>
    %gt3A_2315 = arith.cmpf ogt, %get3A_2314, %select_n3A_2250 : vector<8x256xf32>
    %select_n3A_2316 = arith.select %gt3A_2315, %get3A_2314, %select_n3A_2250 : vector<8x256xi1>, vector<8x256xf32>
    %jit3A_2317 = arith.constant 20 : i32
    %broadcast_in_dim3A_2318 = vector.broadcast %jit3A_2317 : i32 to vector<8x256xi32>
    %select_n3A_2319 = arith.select %gt3A_2315, %broadcast_in_dim3A_2318, %select_n3A_2253 : vector<8x256xi1>, vector<8x256xi32>
    %get3A_2320 = arith.constant 0 : index
    %get3A_2321 = arith.constant 5 : index
    %get3A_2322 = arith.constant 160 : index
    %get3A_2323 = arith.constant 0 : index
    %get3A_2324 = vector.load %arg1[%get3A_2320, %get3A_2321, %get3A_2322, %get3A_2323] : memref<1x7x256x256xf32, #tpu.memory_space<vmem>>, vector<1x1x8x256xf32>
    %get3A_2325 = vector.shape_cast %get3A_2324 : vector<1x1x8x256xf32> to vector<8x256xf32>
    %gt3A_2326 = arith.cmpf ogt, %get3A_2325, %select_n3A_2261 : vector<8x256xf32>
    %select_n3A_2327 = arith.select %gt3A_2326, %get3A_2325, %select_n3A_2261 : vector<8x256xi1>, vector<8x256xf32>
    %jit3A_2328 = arith.constant 20 : i32
    %broadcast_in_dim3A_2329 = vector.broadcast %jit3A_2328 : i32 to vector<8x256xi32>
    %select_n3A_2330 = arith.select %gt3A_2326, %broadcast_in_dim3A_2329, %select_n3A_2264 : vector<8x256xi1>, vector<8x256xi32>
    %get3A_2331 = arith.constant 0 : index
    %get3A_2332 = arith.constant 6 : index
    %get3A_2333 = arith.constant 160 : index
    %get3A_2334 = arith.constant 0 : index
    %get3A_2335 = vector.load %arg1[%get3A_2331, %get3A_2332, %get3A_2333, %get3A_2334] : memref<1x7x256x256xf32, #tpu.memory_space<vmem>>, vector<1x1x8x256xf32>
    %get3A_2336 = vector.shape_cast %get3A_2335 : vector<1x1x8x256xf32> to vector<8x256xf32>
    %gt3A_2337 = arith.cmpf ogt, %get3A_2336, %select_n3A_2272 : vector<8x256xf32>
    %select_n3A_2338 = arith.select %gt3A_2337, %get3A_2336, %select_n3A_2272 : vector<8x256xi1>, vector<8x256xf32>
    %jit3A_2339 = arith.constant 20 : i32
    %broadcast_in_dim3A_2340 = vector.broadcast %jit3A_2339 : i32 to vector<8x256xi32>
    %select_n3A_2341 = arith.select %gt3A_2337, %broadcast_in_dim3A_2340, %select_n3A_2275 : vector<8x256xi1>, vector<8x256xi32>
    %get3A_2342 = arith.constant 0 : index
    %get3A_2343 = arith.constant 4 : index
    %get3A_2344 = arith.constant 168 : index
    %get3A_2345 = arith.constant 0 : index
    %get3A_2346 = vector.load %arg1[%get3A_2342, %get3A_2343, %get3A_2344, %get3A_2345] : memref<1x7x256x256xf32, #tpu.memory_space<vmem>>, vector<1x1x8x256xf32>
    %get3A_2347 = vector.shape_cast %get3A_2346 : vector<1x1x8x256xf32> to vector<8x256xf32>
    %gt3A_2348 = arith.cmpf ogt, %get3A_2347, %select_n3A_2283 : vector<8x256xf32>
    %select_n3A_2349 = arith.select %gt3A_2348, %get3A_2347, %select_n3A_2283 : vector<8x256xi1>, vector<8x256xf32>
    %jit3A_2350 = arith.constant 21 : i32
    %broadcast_in_dim3A_2351 = vector.broadcast %jit3A_2350 : i32 to vector<8x256xi32>
    %select_n3A_2352 = arith.select %gt3A_2348, %broadcast_in_dim3A_2351, %select_n3A_2286 : vector<8x256xi1>, vector<8x256xi32>
    %get3A_2353 = arith.constant 0 : index
    %get3A_2354 = arith.constant 5 : index
    %get3A_2355 = arith.constant 168 : index
    %get3A_2356 = arith.constant 0 : index
    %get3A_2357 = vector.load %arg1[%get3A_2353, %get3A_2354, %get3A_2355, %get3A_2356] : memref<1x7x256x256xf32, #tpu.memory_space<vmem>>, vector<1x1x8x256xf32>
    %get3A_2358 = vector.shape_cast %get3A_2357 : vector<1x1x8x256xf32> to vector<8x256xf32>
    %gt3A_2359 = arith.cmpf ogt, %get3A_2358, %select_n3A_2294 : vector<8x256xf32>
    %select_n3A_2360 = arith.select %gt3A_2359, %get3A_2358, %select_n3A_2294 : vector<8x256xi1>, vector<8x256xf32>
    %jit3A_2361 = arith.constant 21 : i32
    %broadcast_in_dim3A_2362 = vector.broadcast %jit3A_2361 : i32 to vector<8x256xi32>
    %select_n3A_2363 = arith.select %gt3A_2359, %broadcast_in_dim3A_2362, %select_n3A_2297 : vector<8x256xi1>, vector<8x256xi32>
    %get3A_2364 = arith.constant 0 : index
    %get3A_2365 = arith.constant 6 : index
    %get3A_2366 = arith.constant 168 : index
    %get3A_2367 = arith.constant 0 : index
    %get3A_2368 = vector.load %arg1[%get3A_2364, %get3A_2365, %get3A_2366, %get3A_2367] : memref<1x7x256x256xf32, #tpu.memory_space<vmem>>, vector<1x1x8x256xf32>
    %get3A_2369 = vector.shape_cast %get3A_2368 : vector<1x1x8x256xf32> to vector<8x256xf32>
    %gt3A_2370 = arith.cmpf ogt, %get3A_2369, %select_n3A_2305 : vector<8x256xf32>
    %select_n3A_2371 = arith.select %gt3A_2370, %get3A_2369, %select_n3A_2305 : vector<8x256xi1>, vector<8x256xf32>
    %jit3A_2372 = arith.constant 21 : i32
    %broadcast_in_dim3A_2373 = vector.broadcast %jit3A_2372 : i32 to vector<8x256xi32>
    %select_n3A_2374 = arith.select %gt3A_2370, %broadcast_in_dim3A_2373, %select_n3A_2308 : vector<8x256xi1>, vector<8x256xi32>
    %get3A_2375 = arith.constant 0 : index
    %get3A_2376 = arith.constant 4 : index
    %get3A_2377 = arith.constant 176 : index
    %get3A_2378 = arith.constant 0 : index
    %get3A_2379 = vector.load %arg1[%get3A_2375, %get3A_2376, %get3A_2377, %get3A_2378] : memref<1x7x256x256xf32, #tpu.memory_space<vmem>>, vector<1x1x8x256xf32>
    %get3A_2380 = vector.shape_cast %get3A_2379 : vector<1x1x8x256xf32> to vector<8x256xf32>
    %gt3A_2381 = arith.cmpf ogt, %get3A_2380, %select_n3A_2316 : vector<8x256xf32>
    %select_n3A_2382 = arith.select %gt3A_2381, %get3A_2380, %select_n3A_2316 : vector<8x256xi1>, vector<8x256xf32>
    %jit3A_2383 = arith.constant 22 : i32
    %broadcast_in_dim3A_2384 = vector.broadcast %jit3A_2383 : i32 to vector<8x256xi32>
    %select_n3A_2385 = arith.select %gt3A_2381, %broadcast_in_dim3A_2384, %select_n3A_2319 : vector<8x256xi1>, vector<8x256xi32>
    %get3A_2386 = arith.constant 0 : index
    %get3A_2387 = arith.constant 5 : index
    %get3A_2388 = arith.constant 176 : index
    %get3A_2389 = arith.constant 0 : index
    %get3A_2390 = vector.load %arg1[%get3A_2386, %get3A_2387, %get3A_2388, %get3A_2389] : memref<1x7x256x256xf32, #tpu.memory_space<vmem>>, vector<1x1x8x256xf32>
    %get3A_2391 = vector.shape_cast %get3A_2390 : vector<1x1x8x256xf32> to vector<8x256xf32>
    %gt3A_2392 = arith.cmpf ogt, %get3A_2391, %select_n3A_2327 : vector<8x256xf32>
    %select_n3A_2393 = arith.select %gt3A_2392, %get3A_2391, %select_n3A_2327 : vector<8x256xi1>, vector<8x256xf32>
    %jit3A_2394 = arith.constant 22 : i32
    %broadcast_in_dim3A_2395 = vector.broadcast %jit3A_2394 : i32 to vector<8x256xi32>
    %select_n3A_2396 = arith.select %gt3A_2392, %broadcast_in_dim3A_2395, %select_n3A_2330 : vector<8x256xi1>, vector<8x256xi32>
    %get3A_2397 = arith.constant 0 : index
    %get3A_2398 = arith.constant 6 : index
    %get3A_2399 = arith.constant 176 : index
    %get3A_2400 = arith.constant 0 : index
    %get3A_2401 = vector.load %arg1[%get3A_2397, %get3A_2398, %get3A_2399, %get3A_2400] : memref<1x7x256x256xf32, #tpu.memory_space<vmem>>, vector<1x1x8x256xf32>
    %get3A_2402 = vector.shape_cast %get3A_2401 : vector<1x1x8x256xf32> to vector<8x256xf32>
    %gt3A_2403 = arith.cmpf ogt, %get3A_2402, %select_n3A_2338 : vector<8x256xf32>
    %select_n3A_2404 = arith.select %gt3A_2403, %get3A_2402, %select_n3A_2338 : vector<8x256xi1>, vector<8x256xf32>
    %jit3A_2405 = arith.constant 22 : i32
    %broadcast_in_dim3A_2406 = vector.broadcast %jit3A_2405 : i32 to vector<8x256xi32>
    %select_n3A_2407 = arith.select %gt3A_2403, %broadcast_in_dim3A_2406, %select_n3A_2341 : vector<8x256xi1>, vector<8x256xi32>
    %get3A_2408 = arith.constant 0 : index
    %get3A_2409 = arith.constant 4 : index
    %get3A_2410 = arith.constant 184 : index
    %get3A_2411 = arith.constant 0 : index
    %get3A_2412 = vector.load %arg1[%get3A_2408, %get3A_2409, %get3A_2410, %get3A_2411] : memref<1x7x256x256xf32, #tpu.memory_space<vmem>>, vector<1x1x8x256xf32>
    %get3A_2413 = vector.shape_cast %get3A_2412 : vector<1x1x8x256xf32> to vector<8x256xf32>
    %gt3A_2414 = arith.cmpf ogt, %get3A_2413, %select_n3A_2349 : vector<8x256xf32>
    %select_n3A_2415 = arith.select %gt3A_2414, %get3A_2413, %select_n3A_2349 : vector<8x256xi1>, vector<8x256xf32>
    %jit3A_2416 = arith.constant 23 : i32
    %broadcast_in_dim3A_2417 = vector.broadcast %jit3A_2416 : i32 to vector<8x256xi32>
    %select_n3A_2418 = arith.select %gt3A_2414, %broadcast_in_dim3A_2417, %select_n3A_2352 : vector<8x256xi1>, vector<8x256xi32>
    %get3A_2419 = arith.constant 0 : index
    %get3A_2420 = arith.constant 5 : index
    %get3A_2421 = arith.constant 184 : index
    %get3A_2422 = arith.constant 0 : index
    %get3A_2423 = vector.load %arg1[%get3A_2419, %get3A_2420, %get3A_2421, %get3A_2422] : memref<1x7x256x256xf32, #tpu.memory_space<vmem>>, vector<1x1x8x256xf32>
    %get3A_2424 = vector.shape_cast %get3A_2423 : vector<1x1x8x256xf32> to vector<8x256xf32>
    %gt3A_2425 = arith.cmpf ogt, %get3A_2424, %select_n3A_2360 : vector<8x256xf32>
    %select_n3A_2426 = arith.select %gt3A_2425, %get3A_2424, %select_n3A_2360 : vector<8x256xi1>, vector<8x256xf32>
    %jit3A_2427 = arith.constant 23 : i32
    %broadcast_in_dim3A_2428 = vector.broadcast %jit3A_2427 : i32 to vector<8x256xi32>
    %select_n3A_2429 = arith.select %gt3A_2425, %broadcast_in_dim3A_2428, %select_n3A_2363 : vector<8x256xi1>, vector<8x256xi32>
    %get3A_2430 = arith.constant 0 : index
    %get3A_2431 = arith.constant 6 : index
    %get3A_2432 = arith.constant 184 : index
    %get3A_2433 = arith.constant 0 : index
    %get3A_2434 = vector.load %arg1[%get3A_2430, %get3A_2431, %get3A_2432, %get3A_2433] : memref<1x7x256x256xf32, #tpu.memory_space<vmem>>, vector<1x1x8x256xf32>
    %get3A_2435 = vector.shape_cast %get3A_2434 : vector<1x1x8x256xf32> to vector<8x256xf32>
    %gt3A_2436 = arith.cmpf ogt, %get3A_2435, %select_n3A_2371 : vector<8x256xf32>
    %select_n3A_2437 = arith.select %gt3A_2436, %get3A_2435, %select_n3A_2371 : vector<8x256xi1>, vector<8x256xf32>
    %jit3A_2438 = arith.constant 23 : i32
    %broadcast_in_dim3A_2439 = vector.broadcast %jit3A_2438 : i32 to vector<8x256xi32>
    %select_n3A_2440 = arith.select %gt3A_2436, %broadcast_in_dim3A_2439, %select_n3A_2374 : vector<8x256xi1>, vector<8x256xi32>
    %get3A_2441 = arith.constant 0 : index
    %get3A_2442 = arith.constant 4 : index
    %get3A_2443 = arith.constant 192 : index
    %get3A_2444 = arith.constant 0 : index
    %get3A_2445 = vector.load %arg1[%get3A_2441, %get3A_2442, %get3A_2443, %get3A_2444] : memref<1x7x256x256xf32, #tpu.memory_space<vmem>>, vector<1x1x8x256xf32>
    %get3A_2446 = vector.shape_cast %get3A_2445 : vector<1x1x8x256xf32> to vector<8x256xf32>
    %gt3A_2447 = arith.cmpf ogt, %get3A_2446, %select_n3A_2382 : vector<8x256xf32>
    %select_n3A_2448 = arith.select %gt3A_2447, %get3A_2446, %select_n3A_2382 : vector<8x256xi1>, vector<8x256xf32>
    %jit3A_2449 = arith.constant 24 : i32
    %broadcast_in_dim3A_2450 = vector.broadcast %jit3A_2449 : i32 to vector<8x256xi32>
    %select_n3A_2451 = arith.select %gt3A_2447, %broadcast_in_dim3A_2450, %select_n3A_2385 : vector<8x256xi1>, vector<8x256xi32>
    %get3A_2452 = arith.constant 0 : index
    %get3A_2453 = arith.constant 5 : index
    %get3A_2454 = arith.constant 192 : index
    %get3A_2455 = arith.constant 0 : index
    %get3A_2456 = vector.load %arg1[%get3A_2452, %get3A_2453, %get3A_2454, %get3A_2455] : memref<1x7x256x256xf32, #tpu.memory_space<vmem>>, vector<1x1x8x256xf32>
    %get3A_2457 = vector.shape_cast %get3A_2456 : vector<1x1x8x256xf32> to vector<8x256xf32>
    %gt3A_2458 = arith.cmpf ogt, %get3A_2457, %select_n3A_2393 : vector<8x256xf32>
    %select_n3A_2459 = arith.select %gt3A_2458, %get3A_2457, %select_n3A_2393 : vector<8x256xi1>, vector<8x256xf32>
    %jit3A_2460 = arith.constant 24 : i32
    %broadcast_in_dim3A_2461 = vector.broadcast %jit3A_2460 : i32 to vector<8x256xi32>
    %select_n3A_2462 = arith.select %gt3A_2458, %broadcast_in_dim3A_2461, %select_n3A_2396 : vector<8x256xi1>, vector<8x256xi32>
    %get3A_2463 = arith.constant 0 : index
    %get3A_2464 = arith.constant 6 : index
    %get3A_2465 = arith.constant 192 : index
    %get3A_2466 = arith.constant 0 : index
    %get3A_2467 = vector.load %arg1[%get3A_2463, %get3A_2464, %get3A_2465, %get3A_2466] : memref<1x7x256x256xf32, #tpu.memory_space<vmem>>, vector<1x1x8x256xf32>
    %get3A_2468 = vector.shape_cast %get3A_2467 : vector<1x1x8x256xf32> to vector<8x256xf32>
    %gt3A_2469 = arith.cmpf ogt, %get3A_2468, %select_n3A_2404 : vector<8x256xf32>
    %select_n3A_2470 = arith.select %gt3A_2469, %get3A_2468, %select_n3A_2404 : vector<8x256xi1>, vector<8x256xf32>
    %jit3A_2471 = arith.constant 24 : i32
    %broadcast_in_dim3A_2472 = vector.broadcast %jit3A_2471 : i32 to vector<8x256xi32>
    %select_n3A_2473 = arith.select %gt3A_2469, %broadcast_in_dim3A_2472, %select_n3A_2407 : vector<8x256xi1>, vector<8x256xi32>
    %get3A_2474 = arith.constant 0 : index
    %get3A_2475 = arith.constant 4 : index
    %get3A_2476 = arith.constant 200 : index
    %get3A_2477 = arith.constant 0 : index
    %get3A_2478 = vector.load %arg1[%get3A_2474, %get3A_2475, %get3A_2476, %get3A_2477] : memref<1x7x256x256xf32, #tpu.memory_space<vmem>>, vector<1x1x8x256xf32>
    %get3A_2479 = vector.shape_cast %get3A_2478 : vector<1x1x8x256xf32> to vector<8x256xf32>
    %gt3A_2480 = arith.cmpf ogt, %get3A_2479, %select_n3A_2415 : vector<8x256xf32>
    %select_n3A_2481 = arith.select %gt3A_2480, %get3A_2479, %select_n3A_2415 : vector<8x256xi1>, vector<8x256xf32>
    %jit3A_2482 = arith.constant 25 : i32
    %broadcast_in_dim3A_2483 = vector.broadcast %jit3A_2482 : i32 to vector<8x256xi32>
    %select_n3A_2484 = arith.select %gt3A_2480, %broadcast_in_dim3A_2483, %select_n3A_2418 : vector<8x256xi1>, vector<8x256xi32>
    %get3A_2485 = arith.constant 0 : index
    %get3A_2486 = arith.constant 5 : index
    %get3A_2487 = arith.constant 200 : index
    %get3A_2488 = arith.constant 0 : index
    %get3A_2489 = vector.load %arg1[%get3A_2485, %get3A_2486, %get3A_2487, %get3A_2488] : memref<1x7x256x256xf32, #tpu.memory_space<vmem>>, vector<1x1x8x256xf32>
    %get3A_2490 = vector.shape_cast %get3A_2489 : vector<1x1x8x256xf32> to vector<8x256xf32>
    %gt3A_2491 = arith.cmpf ogt, %get3A_2490, %select_n3A_2426 : vector<8x256xf32>
    %select_n3A_2492 = arith.select %gt3A_2491, %get3A_2490, %select_n3A_2426 : vector<8x256xi1>, vector<8x256xf32>
    %jit3A_2493 = arith.constant 25 : i32
    %broadcast_in_dim3A_2494 = vector.broadcast %jit3A_2493 : i32 to vector<8x256xi32>
    %select_n3A_2495 = arith.select %gt3A_2491, %broadcast_in_dim3A_2494, %select_n3A_2429 : vector<8x256xi1>, vector<8x256xi32>
    %get3A_2496 = arith.constant 0 : index
    %get3A_2497 = arith.constant 6 : index
    %get3A_2498 = arith.constant 200 : index
    %get3A_2499 = arith.constant 0 : index
    %get3A_2500 = vector.load %arg1[%get3A_2496, %get3A_2497, %get3A_2498, %get3A_2499] : memref<1x7x256x256xf32, #tpu.memory_space<vmem>>, vector<1x1x8x256xf32>
    %get3A_2501 = vector.shape_cast %get3A_2500 : vector<1x1x8x256xf32> to vector<8x256xf32>
    %gt3A_2502 = arith.cmpf ogt, %get3A_2501, %select_n3A_2437 : vector<8x256xf32>
    %select_n3A_2503 = arith.select %gt3A_2502, %get3A_2501, %select_n3A_2437 : vector<8x256xi1>, vector<8x256xf32>
    %jit3A_2504 = arith.constant 25 : i32
    %broadcast_in_dim3A_2505 = vector.broadcast %jit3A_2504 : i32 to vector<8x256xi32>
    %select_n3A_2506 = arith.select %gt3A_2502, %broadcast_in_dim3A_2505, %select_n3A_2440 : vector<8x256xi1>, vector<8x256xi32>
    %get3A_2507 = arith.constant 0 : index
    %get3A_2508 = arith.constant 4 : index
    %get3A_2509 = arith.constant 208 : index
    %get3A_2510 = arith.constant 0 : index
    %get3A_2511 = vector.load %arg1[%get3A_2507, %get3A_2508, %get3A_2509, %get3A_2510] : memref<1x7x256x256xf32, #tpu.memory_space<vmem>>, vector<1x1x8x256xf32>
    %get3A_2512 = vector.shape_cast %get3A_2511 : vector<1x1x8x256xf32> to vector<8x256xf32>
    %gt3A_2513 = arith.cmpf ogt, %get3A_2512, %select_n3A_2448 : vector<8x256xf32>
    %select_n3A_2514 = arith.select %gt3A_2513, %get3A_2512, %select_n3A_2448 : vector<8x256xi1>, vector<8x256xf32>
    %jit3A_2515 = arith.constant 26 : i32
    %broadcast_in_dim3A_2516 = vector.broadcast %jit3A_2515 : i32 to vector<8x256xi32>
    %select_n3A_2517 = arith.select %gt3A_2513, %broadcast_in_dim3A_2516, %select_n3A_2451 : vector<8x256xi1>, vector<8x256xi32>
    %get3A_2518 = arith.constant 0 : index
    %get3A_2519 = arith.constant 5 : index
    %get3A_2520 = arith.constant 208 : index
    %get3A_2521 = arith.constant 0 : index
    %get3A_2522 = vector.load %arg1[%get3A_2518, %get3A_2519, %get3A_2520, %get3A_2521] : memref<1x7x256x256xf32, #tpu.memory_space<vmem>>, vector<1x1x8x256xf32>
    %get3A_2523 = vector.shape_cast %get3A_2522 : vector<1x1x8x256xf32> to vector<8x256xf32>
    %gt3A_2524 = arith.cmpf ogt, %get3A_2523, %select_n3A_2459 : vector<8x256xf32>
    %select_n3A_2525 = arith.select %gt3A_2524, %get3A_2523, %select_n3A_2459 : vector<8x256xi1>, vector<8x256xf32>
    %jit3A_2526 = arith.constant 26 : i32
    %broadcast_in_dim3A_2527 = vector.broadcast %jit3A_2526 : i32 to vector<8x256xi32>
    %select_n3A_2528 = arith.select %gt3A_2524, %broadcast_in_dim3A_2527, %select_n3A_2462 : vector<8x256xi1>, vector<8x256xi32>
    %get3A_2529 = arith.constant 0 : index
    %get3A_2530 = arith.constant 6 : index
    %get3A_2531 = arith.constant 208 : index
    %get3A_2532 = arith.constant 0 : index
    %get3A_2533 = vector.load %arg1[%get3A_2529, %get3A_2530, %get3A_2531, %get3A_2532] : memref<1x7x256x256xf32, #tpu.memory_space<vmem>>, vector<1x1x8x256xf32>
    %get3A_2534 = vector.shape_cast %get3A_2533 : vector<1x1x8x256xf32> to vector<8x256xf32>
    %gt3A_2535 = arith.cmpf ogt, %get3A_2534, %select_n3A_2470 : vector<8x256xf32>
    %select_n3A_2536 = arith.select %gt3A_2535, %get3A_2534, %select_n3A_2470 : vector<8x256xi1>, vector<8x256xf32>
    %jit3A_2537 = arith.constant 26 : i32
    %broadcast_in_dim3A_2538 = vector.broadcast %jit3A_2537 : i32 to vector<8x256xi32>
    %select_n3A_2539 = arith.select %gt3A_2535, %broadcast_in_dim3A_2538, %select_n3A_2473 : vector<8x256xi1>, vector<8x256xi32>
    %get3A_2540 = arith.constant 0 : index
    %get3A_2541 = arith.constant 4 : index
    %get3A_2542 = arith.constant 216 : index
    %get3A_2543 = arith.constant 0 : index
    %get3A_2544 = vector.load %arg1[%get3A_2540, %get3A_2541, %get3A_2542, %get3A_2543] : memref<1x7x256x256xf32, #tpu.memory_space<vmem>>, vector<1x1x8x256xf32>
    %get3A_2545 = vector.shape_cast %get3A_2544 : vector<1x1x8x256xf32> to vector<8x256xf32>
    %gt3A_2546 = arith.cmpf ogt, %get3A_2545, %select_n3A_2481 : vector<8x256xf32>
    %select_n3A_2547 = arith.select %gt3A_2546, %get3A_2545, %select_n3A_2481 : vector<8x256xi1>, vector<8x256xf32>
    %jit3A_2548 = arith.constant 27 : i32
    %broadcast_in_dim3A_2549 = vector.broadcast %jit3A_2548 : i32 to vector<8x256xi32>
    %select_n3A_2550 = arith.select %gt3A_2546, %broadcast_in_dim3A_2549, %select_n3A_2484 : vector<8x256xi1>, vector<8x256xi32>
    %get3A_2551 = arith.constant 0 : index
    %get3A_2552 = arith.constant 5 : index
    %get3A_2553 = arith.constant 216 : index
    %get3A_2554 = arith.constant 0 : index
    %get3A_2555 = vector.load %arg1[%get3A_2551, %get3A_2552, %get3A_2553, %get3A_2554] : memref<1x7x256x256xf32, #tpu.memory_space<vmem>>, vector<1x1x8x256xf32>
    %get3A_2556 = vector.shape_cast %get3A_2555 : vector<1x1x8x256xf32> to vector<8x256xf32>
    %gt3A_2557 = arith.cmpf ogt, %get3A_2556, %select_n3A_2492 : vector<8x256xf32>
    %select_n3A_2558 = arith.select %gt3A_2557, %get3A_2556, %select_n3A_2492 : vector<8x256xi1>, vector<8x256xf32>
    %jit3A_2559 = arith.constant 27 : i32
    %broadcast_in_dim3A_2560 = vector.broadcast %jit3A_2559 : i32 to vector<8x256xi32>
    %select_n3A_2561 = arith.select %gt3A_2557, %broadcast_in_dim3A_2560, %select_n3A_2495 : vector<8x256xi1>, vector<8x256xi32>
    %get3A_2562 = arith.constant 0 : index
    %get3A_2563 = arith.constant 6 : index
    %get3A_2564 = arith.constant 216 : index
    %get3A_2565 = arith.constant 0 : index
    %get3A_2566 = vector.load %arg1[%get3A_2562, %get3A_2563, %get3A_2564, %get3A_2565] : memref<1x7x256x256xf32, #tpu.memory_space<vmem>>, vector<1x1x8x256xf32>
    %get3A_2567 = vector.shape_cast %get3A_2566 : vector<1x1x8x256xf32> to vector<8x256xf32>
    %gt3A_2568 = arith.cmpf ogt, %get3A_2567, %select_n3A_2503 : vector<8x256xf32>
    %select_n3A_2569 = arith.select %gt3A_2568, %get3A_2567, %select_n3A_2503 : vector<8x256xi1>, vector<8x256xf32>
    %jit3A_2570 = arith.constant 27 : i32
    %broadcast_in_dim3A_2571 = vector.broadcast %jit3A_2570 : i32 to vector<8x256xi32>
    %select_n3A_2572 = arith.select %gt3A_2568, %broadcast_in_dim3A_2571, %select_n3A_2506 : vector<8x256xi1>, vector<8x256xi32>
    %get3A_2573 = arith.constant 0 : index
    %get3A_2574 = arith.constant 4 : index
    %get3A_2575 = arith.constant 224 : index
    %get3A_2576 = arith.constant 0 : index
    %get3A_2577 = vector.load %arg1[%get3A_2573, %get3A_2574, %get3A_2575, %get3A_2576] : memref<1x7x256x256xf32, #tpu.memory_space<vmem>>, vector<1x1x8x256xf32>
    %get3A_2578 = vector.shape_cast %get3A_2577 : vector<1x1x8x256xf32> to vector<8x256xf32>
    %gt3A_2579 = arith.cmpf ogt, %get3A_2578, %select_n3A_2514 : vector<8x256xf32>
    %select_n3A_2580 = arith.select %gt3A_2579, %get3A_2578, %select_n3A_2514 : vector<8x256xi1>, vector<8x256xf32>
    %jit3A_2581 = arith.constant 28 : i32
    %broadcast_in_dim3A_2582 = vector.broadcast %jit3A_2581 : i32 to vector<8x256xi32>
    %select_n3A_2583 = arith.select %gt3A_2579, %broadcast_in_dim3A_2582, %select_n3A_2517 : vector<8x256xi1>, vector<8x256xi32>
    %get3A_2584 = arith.constant 0 : index
    %get3A_2585 = arith.constant 5 : index
    %get3A_2586 = arith.constant 224 : index
    %get3A_2587 = arith.constant 0 : index
    %get3A_2588 = vector.load %arg1[%get3A_2584, %get3A_2585, %get3A_2586, %get3A_2587] : memref<1x7x256x256xf32, #tpu.memory_space<vmem>>, vector<1x1x8x256xf32>
    %get3A_2589 = vector.shape_cast %get3A_2588 : vector<1x1x8x256xf32> to vector<8x256xf32>
    %gt3A_2590 = arith.cmpf ogt, %get3A_2589, %select_n3A_2525 : vector<8x256xf32>
    %select_n3A_2591 = arith.select %gt3A_2590, %get3A_2589, %select_n3A_2525 : vector<8x256xi1>, vector<8x256xf32>
    %jit3A_2592 = arith.constant 28 : i32
    %broadcast_in_dim3A_2593 = vector.broadcast %jit3A_2592 : i32 to vector<8x256xi32>
    %select_n3A_2594 = arith.select %gt3A_2590, %broadcast_in_dim3A_2593, %select_n3A_2528 : vector<8x256xi1>, vector<8x256xi32>
    %get3A_2595 = arith.constant 0 : index
    %get3A_2596 = arith.constant 6 : index
    %get3A_2597 = arith.constant 224 : index
    %get3A_2598 = arith.constant 0 : index
    %get3A_2599 = vector.load %arg1[%get3A_2595, %get3A_2596, %get3A_2597, %get3A_2598] : memref<1x7x256x256xf32, #tpu.memory_space<vmem>>, vector<1x1x8x256xf32>
    %get3A_2600 = vector.shape_cast %get3A_2599 : vector<1x1x8x256xf32> to vector<8x256xf32>
    %gt3A_2601 = arith.cmpf ogt, %get3A_2600, %select_n3A_2536 : vector<8x256xf32>
    %select_n3A_2602 = arith.select %gt3A_2601, %get3A_2600, %select_n3A_2536 : vector<8x256xi1>, vector<8x256xf32>
    %jit3A_2603 = arith.constant 28 : i32
    %broadcast_in_dim3A_2604 = vector.broadcast %jit3A_2603 : i32 to vector<8x256xi32>
    %select_n3A_2605 = arith.select %gt3A_2601, %broadcast_in_dim3A_2604, %select_n3A_2539 : vector<8x256xi1>, vector<8x256xi32>
    %get3A_2606 = arith.constant 0 : index
    %get3A_2607 = arith.constant 4 : index
    %get3A_2608 = arith.constant 232 : index
    %get3A_2609 = arith.constant 0 : index
    %get3A_2610 = vector.load %arg1[%get3A_2606, %get3A_2607, %get3A_2608, %get3A_2609] : memref<1x7x256x256xf32, #tpu.memory_space<vmem>>, vector<1x1x8x256xf32>
    %get3A_2611 = vector.shape_cast %get3A_2610 : vector<1x1x8x256xf32> to vector<8x256xf32>
    %gt3A_2612 = arith.cmpf ogt, %get3A_2611, %select_n3A_2547 : vector<8x256xf32>
    %select_n3A_2613 = arith.select %gt3A_2612, %get3A_2611, %select_n3A_2547 : vector<8x256xi1>, vector<8x256xf32>
    %jit3A_2614 = arith.constant 29 : i32
    %broadcast_in_dim3A_2615 = vector.broadcast %jit3A_2614 : i32 to vector<8x256xi32>
    %select_n3A_2616 = arith.select %gt3A_2612, %broadcast_in_dim3A_2615, %select_n3A_2550 : vector<8x256xi1>, vector<8x256xi32>
    %get3A_2617 = arith.constant 0 : index
    %get3A_2618 = arith.constant 5 : index
    %get3A_2619 = arith.constant 232 : index
    %get3A_2620 = arith.constant 0 : index
    %get3A_2621 = vector.load %arg1[%get3A_2617, %get3A_2618, %get3A_2619, %get3A_2620] : memref<1x7x256x256xf32, #tpu.memory_space<vmem>>, vector<1x1x8x256xf32>
    %get3A_2622 = vector.shape_cast %get3A_2621 : vector<1x1x8x256xf32> to vector<8x256xf32>
    %gt3A_2623 = arith.cmpf ogt, %get3A_2622, %select_n3A_2558 : vector<8x256xf32>
    %select_n3A_2624 = arith.select %gt3A_2623, %get3A_2622, %select_n3A_2558 : vector<8x256xi1>, vector<8x256xf32>
    %jit3A_2625 = arith.constant 29 : i32
    %broadcast_in_dim3A_2626 = vector.broadcast %jit3A_2625 : i32 to vector<8x256xi32>
    %select_n3A_2627 = arith.select %gt3A_2623, %broadcast_in_dim3A_2626, %select_n3A_2561 : vector<8x256xi1>, vector<8x256xi32>
    %get3A_2628 = arith.constant 0 : index
    %get3A_2629 = arith.constant 6 : index
    %get3A_2630 = arith.constant 232 : index
    %get3A_2631 = arith.constant 0 : index
    %get3A_2632 = vector.load %arg1[%get3A_2628, %get3A_2629, %get3A_2630, %get3A_2631] : memref<1x7x256x256xf32, #tpu.memory_space<vmem>>, vector<1x1x8x256xf32>
    %get3A_2633 = vector.shape_cast %get3A_2632 : vector<1x1x8x256xf32> to vector<8x256xf32>
    %gt3A_2634 = arith.cmpf ogt, %get3A_2633, %select_n3A_2569 : vector<8x256xf32>
    %select_n3A_2635 = arith.select %gt3A_2634, %get3A_2633, %select_n3A_2569 : vector<8x256xi1>, vector<8x256xf32>
    %jit3A_2636 = arith.constant 29 : i32
    %broadcast_in_dim3A_2637 = vector.broadcast %jit3A_2636 : i32 to vector<8x256xi32>
    %select_n3A_2638 = arith.select %gt3A_2634, %broadcast_in_dim3A_2637, %select_n3A_2572 : vector<8x256xi1>, vector<8x256xi32>
    %get3A_2639 = arith.constant 0 : index
    %get3A_2640 = arith.constant 4 : index
    %get3A_2641 = arith.constant 240 : index
    %get3A_2642 = arith.constant 0 : index
    %get3A_2643 = vector.load %arg1[%get3A_2639, %get3A_2640, %get3A_2641, %get3A_2642] : memref<1x7x256x256xf32, #tpu.memory_space<vmem>>, vector<1x1x8x256xf32>
    %get3A_2644 = vector.shape_cast %get3A_2643 : vector<1x1x8x256xf32> to vector<8x256xf32>
    %gt3A_2645 = arith.cmpf ogt, %get3A_2644, %select_n3A_2580 : vector<8x256xf32>
    %select_n3A_2646 = arith.select %gt3A_2645, %get3A_2644, %select_n3A_2580 : vector<8x256xi1>, vector<8x256xf32>
    %jit3A_2647 = arith.constant 30 : i32
    %broadcast_in_dim3A_2648 = vector.broadcast %jit3A_2647 : i32 to vector<8x256xi32>
    %select_n3A_2649 = arith.select %gt3A_2645, %broadcast_in_dim3A_2648, %select_n3A_2583 : vector<8x256xi1>, vector<8x256xi32>
    %get3A_2650 = arith.constant 0 : index
    %get3A_2651 = arith.constant 5 : index
    %get3A_2652 = arith.constant 240 : index
    %get3A_2653 = arith.constant 0 : index
    %get3A_2654 = vector.load %arg1[%get3A_2650, %get3A_2651, %get3A_2652, %get3A_2653] : memref<1x7x256x256xf32, #tpu.memory_space<vmem>>, vector<1x1x8x256xf32>
    %get3A_2655 = vector.shape_cast %get3A_2654 : vector<1x1x8x256xf32> to vector<8x256xf32>
    %gt3A_2656 = arith.cmpf ogt, %get3A_2655, %select_n3A_2591 : vector<8x256xf32>
    %select_n3A_2657 = arith.select %gt3A_2656, %get3A_2655, %select_n3A_2591 : vector<8x256xi1>, vector<8x256xf32>
    %jit3A_2658 = arith.constant 30 : i32
    %broadcast_in_dim3A_2659 = vector.broadcast %jit3A_2658 : i32 to vector<8x256xi32>
    %select_n3A_2660 = arith.select %gt3A_2656, %broadcast_in_dim3A_2659, %select_n3A_2594 : vector<8x256xi1>, vector<8x256xi32>
    %get3A_2661 = arith.constant 0 : index
    %get3A_2662 = arith.constant 6 : index
    %get3A_2663 = arith.constant 240 : index
    %get3A_2664 = arith.constant 0 : index
    %get3A_2665 = vector.load %arg1[%get3A_2661, %get3A_2662, %get3A_2663, %get3A_2664] : memref<1x7x256x256xf32, #tpu.memory_space<vmem>>, vector<1x1x8x256xf32>
    %get3A_2666 = vector.shape_cast %get3A_2665 : vector<1x1x8x256xf32> to vector<8x256xf32>
    %gt3A_2667 = arith.cmpf ogt, %get3A_2666, %select_n3A_2602 : vector<8x256xf32>
    %select_n3A_2668 = arith.select %gt3A_2667, %get3A_2666, %select_n3A_2602 : vector<8x256xi1>, vector<8x256xf32>
    %jit3A_2669 = arith.constant 30 : i32
    %broadcast_in_dim3A_2670 = vector.broadcast %jit3A_2669 : i32 to vector<8x256xi32>
    %select_n3A_2671 = arith.select %gt3A_2667, %broadcast_in_dim3A_2670, %select_n3A_2605 : vector<8x256xi1>, vector<8x256xi32>
    %get3A_2672 = arith.constant 0 : index
    %get3A_2673 = arith.constant 4 : index
    %get3A_2674 = arith.constant 248 : index
    %get3A_2675 = arith.constant 0 : index
    %get3A_2676 = vector.load %arg1[%get3A_2672, %get3A_2673, %get3A_2674, %get3A_2675] : memref<1x7x256x256xf32, #tpu.memory_space<vmem>>, vector<1x1x8x256xf32>
    %get3A_2677 = vector.shape_cast %get3A_2676 : vector<1x1x8x256xf32> to vector<8x256xf32>
    %gt3A_2678 = arith.cmpf ogt, %get3A_2677, %select_n3A_2613 : vector<8x256xf32>
    %select_n3A_2679 = arith.select %gt3A_2678, %get3A_2677, %select_n3A_2613 : vector<8x256xi1>, vector<8x256xf32>
    %jit3A_2680 = arith.constant 31 : i32
    %broadcast_in_dim3A_2681 = vector.broadcast %jit3A_2680 : i32 to vector<8x256xi32>
    %select_n3A_2682 = arith.select %gt3A_2678, %broadcast_in_dim3A_2681, %select_n3A_2616 : vector<8x256xi1>, vector<8x256xi32>
    %get3A_2683 = arith.constant 0 : index
    %get3A_2684 = arith.constant 5 : index
    %get3A_2685 = arith.constant 248 : index
    %get3A_2686 = arith.constant 0 : index
    %get3A_2687 = vector.load %arg1[%get3A_2683, %get3A_2684, %get3A_2685, %get3A_2686] : memref<1x7x256x256xf32, #tpu.memory_space<vmem>>, vector<1x1x8x256xf32>
    %get3A_2688 = vector.shape_cast %get3A_2687 : vector<1x1x8x256xf32> to vector<8x256xf32>
    %gt3A_2689 = arith.cmpf ogt, %get3A_2688, %select_n3A_2624 : vector<8x256xf32>
    %select_n3A_2690 = arith.select %gt3A_2689, %get3A_2688, %select_n3A_2624 : vector<8x256xi1>, vector<8x256xf32>
    %jit3A_2691 = arith.constant 31 : i32
    %broadcast_in_dim3A_2692 = vector.broadcast %jit3A_2691 : i32 to vector<8x256xi32>
    %select_n3A_2693 = arith.select %gt3A_2689, %broadcast_in_dim3A_2692, %select_n3A_2627 : vector<8x256xi1>, vector<8x256xi32>
    %get3A_2694 = arith.constant 0 : index
    %get3A_2695 = arith.constant 6 : index
    %get3A_2696 = arith.constant 248 : index
    %get3A_2697 = arith.constant 0 : index
    %get3A_2698 = vector.load %arg1[%get3A_2694, %get3A_2695, %get3A_2696, %get3A_2697] : memref<1x7x256x256xf32, #tpu.memory_space<vmem>>, vector<1x1x8x256xf32>
    %get3A_2699 = vector.shape_cast %get3A_2698 : vector<1x1x8x256xf32> to vector<8x256xf32>
    %gt3A_2700 = arith.cmpf ogt, %get3A_2699, %select_n3A_2635 : vector<8x256xf32>
    %select_n3A_2701 = arith.select %gt3A_2700, %get3A_2699, %select_n3A_2635 : vector<8x256xi1>, vector<8x256xf32>
    %jit3A_2702 = arith.constant 31 : i32
    %broadcast_in_dim3A_2703 = vector.broadcast %jit3A_2702 : i32 to vector<8x256xi32>
    %select_n3A_2704 = arith.select %gt3A_2700, %broadcast_in_dim3A_2703, %select_n3A_2638 : vector<8x256xi1>, vector<8x256xi32>
    %gt3A_2705 = arith.cmpf ogt, %select_n3A_2679, %select_n3A_2646 : vector<8x256xf32>
    %eq3A_2706 = arith.cmpf oeq, %select_n3A_2679, %select_n3A_2646 : vector<8x256xf32>
    %lt3A_2707 = arith.cmpi slt, %select_n3A_2682, %select_n3A_2649 : vector<8x256xi32>
    %and3A_2708 = arith.andi %eq3A_2706, %lt3A_2707 : vector<8x256xi1>
    %or3A_2709 = arith.ori %gt3A_2705, %and3A_2708 : vector<8x256xi1>
    %select_n3A_2710 = arith.select %or3A_2709, %select_n3A_2679, %select_n3A_2646 : vector<8x256xi1>, vector<8x256xf32>
    %select_n3A_2711 = arith.select %or3A_2709, %select_n3A_2682, %select_n3A_2649 : vector<8x256xi1>, vector<8x256xi32>
    %reduce_max3A_2712 = vector.shape_cast %select_n3A_2710 : vector<8x256xf32> to vector<1x8x256xf32>
    %reduce_max3A_2713 = arith.constant dense<0xFF800000> : vector<1xf32>
    %reduce_max3A_2714 = vector.multi_reduction <maximumf>, %reduce_max3A_2712, %reduce_max3A_2713 [1, 2] : vector<1x8x256xf32> to vector<1xf32>
    %reduce_max3A_2715 = vector.shape_cast %reduce_max3A_2714 : vector<1xf32> to vector<1x1x1xf32>
    %reduce_max3A_2716 = vector.extract %reduce_max3A_2715[0, 0, 0] : f32 from vector<1x1x1xf32>
    %mul3A_2717 = arith.constant 2048 : i32
    %mul3A_2718 = vector.broadcast %mul3A_2717 : i32 to vector<8x256xi32>
    %mul3A_2719 = arith.muli %select_n3A_2711, %mul3A_2718 : vector<8x256xi32>
    %add3A_2720 = arith.addi %mul3A_2719, %add3A : vector<8x256xi32>
    %eq3A_2721 = vector.broadcast %reduce_max3A_2716 : f32 to vector<8x256xf32>
    %eq3A_2722 = arith.cmpf oeq, %select_n3A_2710, %eq3A_2721 : vector<8x256xf32>
    %select_n3A_2723 = arith.select %eq3A_2722, %add3A_2720, %broadcast_in_dim3A_3 : vector<8x256xi1>, vector<8x256xi32>
    %reduce_min3A_2724 = vector.shape_cast %select_n3A_2723 : vector<8x256xi32> to vector<1x8x256xi32>
    %reduce_min3A_2725 = arith.constant dense<2147483647> : vector<1xi32>
    %reduce_min3A_2726 = vector.multi_reduction <minsi>, %reduce_min3A_2724, %reduce_min3A_2725 [1, 2] : vector<1x8x256xi32> to vector<1xi32>
    %reduce_min3A_2727 = vector.shape_cast %reduce_min3A_2726 : vector<1xi32> to vector<1x1x1xi32>
    %reduce_min3A_2728 = vector.extract %reduce_min3A_2727[0, 0, 0] : i32 from vector<1x1x1xi32>
    %jit3A_2729 = arith.constant 256 : i32
    %eq3A_2730 = arith.constant 0 : i32
    %eq3A_2731 = arith.cmpi eq, %jit3A_2729, %eq3A_2730 : i32
    %jit3A_2732 = arith.constant 1 : i32
    %select_n3A_2733 = arith.select %eq3A_2731, %jit3A_2732, %jit3A_2729 : i32
    %rem3A_2734 = arith.remsi %reduce_min3A_2728, %select_n3A_2733 : i32
    %ne3A_2735 = arith.constant 0 : i32
    %ne3A_2736 = arith.cmpi ne, %rem3A_2734, %ne3A_2735 : i32
    %lt3A_2737 = arith.constant 0 : i32
    %lt3A_2738 = arith.cmpi slt, %rem3A_2734, %lt3A_2737 : i32
    %lt3A_2739 = arith.constant 0 : i32
    %lt3A_2740 = arith.cmpi slt, %select_n3A_2733, %lt3A_2739 : i32
    %ne3A_2741 = arith.xori %lt3A_2738, %lt3A_2740 : i1
    %and3A_2742 = arith.andi %ne3A_2741, %ne3A_2736 : i1
    %add3A_2743 = arith.addi %rem3A_2734, %select_n3A_2733 : i32
    %select_n3A_2744 = arith.select %and3A_2742, %add3A_2743, %rem3A_2734 : i32
    %jit3A_2745 = arith.constant 256 : i32
    %div3A_2746 = arith.divsi %reduce_min3A_2728, %jit3A_2745 : i32
    %sign3A_2747 = arith.constant 0 : i32
    %sign3A_2748 = arith.cmpi sgt, %reduce_min3A_2728, %sign3A_2747 : i32
    %sign3A_2749 = arith.extui %sign3A_2748 : i1 to i32
    %sign3A_2750 = arith.constant 0 : i32
    %sign3A_2751 = arith.cmpi slt, %reduce_min3A_2728, %sign3A_2750 : i32
    %sign3A_2752 = arith.extui %sign3A_2751 : i1 to i32
    %sign3A_2753 = arith.subi %sign3A_2749, %sign3A_2752 : i32
    %sign3A_2754 = arith.constant 0 : i32
    %sign3A_2755 = arith.cmpi sgt, %jit3A_2745, %sign3A_2754 : i32
    %sign3A_2756 = arith.extui %sign3A_2755 : i1 to i32
    %sign3A_2757 = arith.constant 0 : i32
    %sign3A_2758 = arith.cmpi slt, %jit3A_2745, %sign3A_2757 : i32
    %sign3A_2759 = arith.extui %sign3A_2758 : i1 to i32
    %sign3A_2760 = arith.subi %sign3A_2756, %sign3A_2759 : i32
    %ne3A_2761 = arith.cmpi ne, %sign3A_2753, %sign3A_2760 : i32
    %rem3A_2762 = arith.remsi %reduce_min3A_2728, %jit3A_2745 : i32
    %ne3A_2763 = arith.constant 0 : i32
    %ne3A_2764 = arith.cmpi ne, %rem3A_2762, %ne3A_2763 : i32
    %and3A_2765 = arith.andi %ne3A_2761, %ne3A_2764 : i1
    %sub3A_2766 = arith.constant 1 : i32
    %sub3A_2767 = arith.subi %div3A_2746, %sub3A_2766 : i32
    %select_n3A_2768 = arith.select %and3A_2765, %sub3A_2767, %div3A_2746 : i32
    %stack3A_2769 = vector.broadcast %select_n3A_2744 : i32 to vector<1xi32>
    %stack3A_2770 = vector.broadcast %select_n3A_2768 : i32 to vector<1xi32>
    %stack3A_2771 = tpu.concatenate %stack3A_2769, %stack3A_2770 in 0 : vector<1xi32>, vector<1xi32> -> vector<2xi32>
    %swap3A_2772 = arith.constant 0 : index
    %swap3A_2773 = arith.constant 4 : index
    %swap3A_2774 = arith.constant 0 : index
    %swap3A_2775 = arith.constant 0 : index
    %swap3A_2776 = vector.load %arg2[%swap3A_2772, %swap3A_2773, %swap3A_2774, %swap3A_2775] : memref<1x7x1x2xi32, #tpu.memory_space<vmem>>, vector<1x1x1x2xi32>
    %swap3A_2777 = vector.shape_cast %swap3A_2776 : vector<1x1x1x2xi32> to vector<2xi32>
    %swap3A_2778 = vector.shape_cast %stack3A_2771 : vector<2xi32> to vector<1x1x1x2xi32>
    tpu.vector_store %arg2[%swap3A_2772, %swap3A_2773, %swap3A_2774, %swap3A_2775], %swap3A_2778 {strides = array<i32>} : memref<1x7x1x2xi32, #tpu.memory_space<vmem>>, vector<1x1x1x2xi32>,
    %gt3A_2779 = arith.cmpf ogt, %select_n3A_2690, %select_n3A_2657 : vector<8x256xf32>
    %eq3A_2780 = arith.cmpf oeq, %select_n3A_2690, %select_n3A_2657 : vector<8x256xf32>
    %lt3A_2781 = arith.cmpi slt, %select_n3A_2693, %select_n3A_2660 : vector<8x256xi32>
    %and3A_2782 = arith.andi %eq3A_2780, %lt3A_2781 : vector<8x256xi1>
    %or3A_2783 = arith.ori %gt3A_2779, %and3A_2782 : vector<8x256xi1>
    %select_n3A_2784 = arith.select %or3A_2783, %select_n3A_2690, %select_n3A_2657 : vector<8x256xi1>, vector<8x256xf32>
    %select_n3A_2785 = arith.select %or3A_2783, %select_n3A_2693, %select_n3A_2660 : vector<8x256xi1>, vector<8x256xi32>
    %reduce_max3A_2786 = vector.shape_cast %select_n3A_2784 : vector<8x256xf32> to vector<1x8x256xf32>
    %reduce_max3A_2787 = arith.constant dense<0xFF800000> : vector<1xf32>
    %reduce_max3A_2788 = vector.multi_reduction <maximumf>, %reduce_max3A_2786, %reduce_max3A_2787 [1, 2] : vector<1x8x256xf32> to vector<1xf32>
    %reduce_max3A_2789 = vector.shape_cast %reduce_max3A_2788 : vector<1xf32> to vector<1x1x1xf32>
    %reduce_max3A_2790 = vector.extract %reduce_max3A_2789[0, 0, 0] : f32 from vector<1x1x1xf32>
    %mul3A_2791 = arith.constant 2048 : i32
    %mul3A_2792 = vector.broadcast %mul3A_2791 : i32 to vector<8x256xi32>
    %mul3A_2793 = arith.muli %select_n3A_2785, %mul3A_2792 : vector<8x256xi32>
    %add3A_2794 = arith.addi %mul3A_2793, %add3A : vector<8x256xi32>
    %eq3A_2795 = vector.broadcast %reduce_max3A_2790 : f32 to vector<8x256xf32>
    %eq3A_2796 = arith.cmpf oeq, %select_n3A_2784, %eq3A_2795 : vector<8x256xf32>
    %select_n3A_2797 = arith.select %eq3A_2796, %add3A_2794, %broadcast_in_dim3A_3 : vector<8x256xi1>, vector<8x256xi32>
    %reduce_min3A_2798 = vector.shape_cast %select_n3A_2797 : vector<8x256xi32> to vector<1x8x256xi32>
    %reduce_min3A_2799 = arith.constant dense<2147483647> : vector<1xi32>
    %reduce_min3A_2800 = vector.multi_reduction <minsi>, %reduce_min3A_2798, %reduce_min3A_2799 [1, 2] : vector<1x8x256xi32> to vector<1xi32>
    %reduce_min3A_2801 = vector.shape_cast %reduce_min3A_2800 : vector<1xi32> to vector<1x1x1xi32>
    %reduce_min3A_2802 = vector.extract %reduce_min3A_2801[0, 0, 0] : i32 from vector<1x1x1xi32>
    %jit3A_2803 = arith.constant 256 : i32
    %eq3A_2804 = arith.constant 0 : i32
    %eq3A_2805 = arith.cmpi eq, %jit3A_2803, %eq3A_2804 : i32
    %jit3A_2806 = arith.constant 1 : i32
    %select_n3A_2807 = arith.select %eq3A_2805, %jit3A_2806, %jit3A_2803 : i32
    %rem3A_2808 = arith.remsi %reduce_min3A_2802, %select_n3A_2807 : i32
    %ne3A_2809 = arith.constant 0 : i32
    %ne3A_2810 = arith.cmpi ne, %rem3A_2808, %ne3A_2809 : i32
    %lt3A_2811 = arith.constant 0 : i32
    %lt3A_2812 = arith.cmpi slt, %rem3A_2808, %lt3A_2811 : i32
    %lt3A_2813 = arith.constant 0 : i32
    %lt3A_2814 = arith.cmpi slt, %select_n3A_2807, %lt3A_2813 : i32
    %ne3A_2815 = arith.xori %lt3A_2812, %lt3A_2814 : i1
    %and3A_2816 = arith.andi %ne3A_2815, %ne3A_2810 : i1
    %add3A_2817 = arith.addi %rem3A_2808, %select_n3A_2807 : i32
    %select_n3A_2818 = arith.select %and3A_2816, %add3A_2817, %rem3A_2808 : i32
    %jit3A_2819 = arith.constant 256 : i32
    %div3A_2820 = arith.divsi %reduce_min3A_2802, %jit3A_2819 : i32
    %sign3A_2821 = arith.constant 0 : i32
    %sign3A_2822 = arith.cmpi sgt, %reduce_min3A_2802, %sign3A_2821 : i32
    %sign3A_2823 = arith.extui %sign3A_2822 : i1 to i32
    %sign3A_2824 = arith.constant 0 : i32
    %sign3A_2825 = arith.cmpi slt, %reduce_min3A_2802, %sign3A_2824 : i32
    %sign3A_2826 = arith.extui %sign3A_2825 : i1 to i32
    %sign3A_2827 = arith.subi %sign3A_2823, %sign3A_2826 : i32
    %sign3A_2828 = arith.constant 0 : i32
    %sign3A_2829 = arith.cmpi sgt, %jit3A_2819, %sign3A_2828 : i32
    %sign3A_2830 = arith.extui %sign3A_2829 : i1 to i32
    %sign3A_2831 = arith.constant 0 : i32
    %sign3A_2832 = arith.cmpi slt, %jit3A_2819, %sign3A_2831 : i32
    %sign3A_2833 = arith.extui %sign3A_2832 : i1 to i32
    %sign3A_2834 = arith.subi %sign3A_2830, %sign3A_2833 : i32
    %ne3A_2835 = arith.cmpi ne, %sign3A_2827, %sign3A_2834 : i32
    %rem3A_2836 = arith.remsi %reduce_min3A_2802, %jit3A_2819 : i32
    %ne3A_2837 = arith.constant 0 : i32
    %ne3A_2838 = arith.cmpi ne, %rem3A_2836, %ne3A_2837 : i32
    %and3A_2839 = arith.andi %ne3A_2835, %ne3A_2838 : i1
    %sub3A_2840 = arith.constant 1 : i32
    %sub3A_2841 = arith.subi %div3A_2820, %sub3A_2840 : i32
    %select_n3A_2842 = arith.select %and3A_2839, %sub3A_2841, %div3A_2820 : i32
    %stack3A_2843 = vector.broadcast %select_n3A_2818 : i32 to vector<1xi32>
    %stack3A_2844 = vector.broadcast %select_n3A_2842 : i32 to vector<1xi32>
    %stack3A_2845 = tpu.concatenate %stack3A_2843, %stack3A_2844 in 0 : vector<1xi32>, vector<1xi32> -> vector<2xi32>
    %swap3A_2846 = arith.constant 0 : index
    %swap3A_2847 = arith.constant 5 : index
    %swap3A_2848 = arith.constant 0 : index
    %swap3A_2849 = arith.constant 0 : index
    %swap3A_2850 = vector.load %arg2[%swap3A_2846, %swap3A_2847, %swap3A_2848, %swap3A_2849] : memref<1x7x1x2xi32, #tpu.memory_space<vmem>>, vector<1x1x1x2xi32>
    %swap3A_2851 = vector.shape_cast %swap3A_2850 : vector<1x1x1x2xi32> to vector<2xi32>
    %swap3A_2852 = vector.shape_cast %stack3A_2845 : vector<2xi32> to vector<1x1x1x2xi32>
    tpu.vector_store %arg2[%swap3A_2846, %swap3A_2847, %swap3A_2848, %swap3A_2849], %swap3A_2852 {strides = array<i32>} : memref<1x7x1x2xi32, #tpu.memory_space<vmem>>, vector<1x1x1x2xi32>,
    %gt3A_2853 = arith.cmpf ogt, %select_n3A_2701, %select_n3A_2668 : vector<8x256xf32>
    %eq3A_2854 = arith.cmpf oeq, %select_n3A_2701, %select_n3A_2668 : vector<8x256xf32>
    %lt3A_2855 = arith.cmpi slt, %select_n3A_2704, %select_n3A_2671 : vector<8x256xi32>
    %and3A_2856 = arith.andi %eq3A_2854, %lt3A_2855 : vector<8x256xi1>
    %or3A_2857 = arith.ori %gt3A_2853, %and3A_2856 : vector<8x256xi1>
    %select_n3A_2858 = arith.select %or3A_2857, %select_n3A_2701, %select_n3A_2668 : vector<8x256xi1>, vector<8x256xf32>
    %select_n3A_2859 = arith.select %or3A_2857, %select_n3A_2704, %select_n3A_2671 : vector<8x256xi1>, vector<8x256xi32>
    %reduce_max3A_2860 = vector.shape_cast %select_n3A_2858 : vector<8x256xf32> to vector<1x8x256xf32>
    %reduce_max3A_2861 = arith.constant dense<0xFF800000> : vector<1xf32>
    %reduce_max3A_2862 = vector.multi_reduction <maximumf>, %reduce_max3A_2860, %reduce_max3A_2861 [1, 2] : vector<1x8x256xf32> to vector<1xf32>
    %reduce_max3A_2863 = vector.shape_cast %reduce_max3A_2862 : vector<1xf32> to vector<1x1x1xf32>
    %reduce_max3A_2864 = vector.extract %reduce_max3A_2863[0, 0, 0] : f32 from vector<1x1x1xf32>
    %mul3A_2865 = arith.constant 2048 : i32
    %mul3A_2866 = vector.broadcast %mul3A_2865 : i32 to vector<8x256xi32>
    %mul3A_2867 = arith.muli %select_n3A_2859, %mul3A_2866 : vector<8x256xi32>
    %add3A_2868 = arith.addi %mul3A_2867, %add3A : vector<8x256xi32>
    %eq3A_2869 = vector.broadcast %reduce_max3A_2864 : f32 to vector<8x256xf32>
    %eq3A_2870 = arith.cmpf oeq, %select_n3A_2858, %eq3A_2869 : vector<8x256xf32>
    %select_n3A_2871 = arith.select %eq3A_2870, %add3A_2868, %broadcast_in_dim3A_3 : vector<8x256xi1>, vector<8x256xi32>
    %reduce_min3A_2872 = vector.shape_cast %select_n3A_2871 : vector<8x256xi32> to vector<1x8x256xi32>
    %reduce_min3A_2873 = arith.constant dense<2147483647> : vector<1xi32>
    %reduce_min3A_2874 = vector.multi_reduction <minsi>, %reduce_min3A_2872, %reduce_min3A_2873 [1, 2] : vector<1x8x256xi32> to vector<1xi32>
    %reduce_min3A_2875 = vector.shape_cast %reduce_min3A_2874 : vector<1xi32> to vector<1x1x1xi32>
    %reduce_min3A_2876 = vector.extract %reduce_min3A_2875[0, 0, 0] : i32 from vector<1x1x1xi32>
    %jit3A_2877 = arith.constant 256 : i32
    %eq3A_2878 = arith.constant 0 : i32
    %eq3A_2879 = arith.cmpi eq, %jit3A_2877, %eq3A_2878 : i32
    %jit3A_2880 = arith.constant 1 : i32
    %select_n3A_2881 = arith.select %eq3A_2879, %jit3A_2880, %jit3A_2877 : i32
    %rem3A_2882 = arith.remsi %reduce_min3A_2876, %select_n3A_2881 : i32
    %ne3A_2883 = arith.constant 0 : i32
    %ne3A_2884 = arith.cmpi ne, %rem3A_2882, %ne3A_2883 : i32
    %lt3A_2885 = arith.constant 0 : i32
    %lt3A_2886 = arith.cmpi slt, %rem3A_2882, %lt3A_2885 : i32
    %lt3A_2887 = arith.constant 0 : i32
    %lt3A_2888 = arith.cmpi slt, %select_n3A_2881, %lt3A_2887 : i32
    %ne3A_2889 = arith.xori %lt3A_2886, %lt3A_2888 : i1
    %and3A_2890 = arith.andi %ne3A_2889, %ne3A_2884 : i1
    %add3A_2891 = arith.addi %rem3A_2882, %select_n3A_2881 : i32
    %select_n3A_2892 = arith.select %and3A_2890, %add3A_2891, %rem3A_2882 : i32
    %jit3A_2893 = arith.constant 256 : i32
    %div3A_2894 = arith.divsi %reduce_min3A_2876, %jit3A_2893 : i32
    %sign3A_2895 = arith.constant 0 : i32
    %sign3A_2896 = arith.cmpi sgt, %reduce_min3A_2876, %sign3A_2895 : i32
    %sign3A_2897 = arith.extui %sign3A_2896 : i1 to i32
    %sign3A_2898 = arith.constant 0 : i32
    %sign3A_2899 = arith.cmpi slt, %reduce_min3A_2876, %sign3A_2898 : i32
    %sign3A_2900 = arith.extui %sign3A_2899 : i1 to i32
    %sign3A_2901 = arith.subi %sign3A_2897, %sign3A_2900 : i32
    %sign3A_2902 = arith.constant 0 : i32
    %sign3A_2903 = arith.cmpi sgt, %jit3A_2893, %sign3A_2902 : i32
    %sign3A_2904 = arith.extui %sign3A_2903 : i1 to i32
    %sign3A_2905 = arith.constant 0 : i32
    %sign3A_2906 = arith.cmpi slt, %jit3A_2893, %sign3A_2905 : i32
    %sign3A_2907 = arith.extui %sign3A_2906 : i1 to i32
    %sign3A_2908 = arith.subi %sign3A_2904, %sign3A_2907 : i32
    %ne3A_2909 = arith.cmpi ne, %sign3A_2901, %sign3A_2908 : i32
    %rem3A_2910 = arith.remsi %reduce_min3A_2876, %jit3A_2893 : i32
    %ne3A_2911 = arith.constant 0 : i32
    %ne3A_2912 = arith.cmpi ne, %rem3A_2910, %ne3A_2911 : i32
    %and3A_2913 = arith.andi %ne3A_2909, %ne3A_2912 : i1
    %sub3A_2914 = arith.constant 1 : i32
    %sub3A_2915 = arith.subi %div3A_2894, %sub3A_2914 : i32
    %select_n3A_2916 = arith.select %and3A_2913, %sub3A_2915, %div3A_2894 : i32
    %stack3A_2917 = vector.broadcast %select_n3A_2892 : i32 to vector<1xi32>
    %stack3A_2918 = vector.broadcast %select_n3A_2916 : i32 to vector<1xi32>
    %stack3A_2919 = tpu.concatenate %stack3A_2917, %stack3A_2918 in 0 : vector<1xi32>, vector<1xi32> -> vector<2xi32>
    %swap3A_2920 = arith.constant 0 : index
    %swap3A_2921 = arith.constant 6 : index
    %swap3A_2922 = arith.constant 0 : index
    %swap3A_2923 = arith.constant 0 : index
    %swap3A_2924 = vector.load %arg2[%swap3A_2920, %swap3A_2921, %swap3A_2922, %swap3A_2923] : memref<1x7x1x2xi32, #tpu.memory_space<vmem>>, vector<1x1x1x2xi32>
    %swap3A_2925 = vector.shape_cast %swap3A_2924 : vector<1x1x1x2xi32> to vector<2xi32>
    %swap3A_2926 = vector.shape_cast %stack3A_2919 : vector<2xi32> to vector<1x1x1x2xi32>
    tpu.vector_store %arg2[%swap3A_2920, %swap3A_2921, %swap3A_2922, %swap3A_2923], %swap3A_2926 {strides = array<i32>} : memref<1x7x1x2xi32, #tpu.memory_space<vmem>>, vector<1x1x1x2xi32>,
    return
  }
  func.func @transform_0(%arg0: i32) -> (i32, i32, i32, i32) {
    %c0_i32 = arith.constant 0 : i32
    %c0_i32_0 = arith.constant 0 : i32
    %c0_i32_1 = arith.constant 0 : i32
    %c0_i32_2 = arith.constant 0 : i32
    return %arg0, %c0_i32, %c0_i32_0, %c0_i32_1 : i32, i32, i32, i32
  }
  func.func @transform_1(%arg0: i32) -> (i32, i32, i32, i32) {
    %c0_i32 = arith.constant 0 : i32
    %c0_i32_0 = arith.constant 0 : i32
    %c0_i32_1 = arith.constant 0 : i32
    %c0_i32_2 = arith.constant 0 : i32
    return %arg0, %c0_i32, %c0_i32_0, %c0_i32_1 : i32, i32, i32, i32
  }
}

</mosaic_0001>

<sc_bundles>
// kernel: kernel.4.cloned.1.call-start
scs
__scs_entry_jumppad:
0x0: {  	(pc) =	sbr.rel $0x88, $3  }
0x1: {  	(tag) =	ssettag $0x0;
	lr =	simm.s32 $0x1  }
0x2: {  	[smem:$0x3FA0] =	sst lr;
	_ =	strace $0xD0000000  }
0x3: {  	_ = 	snop  }
0x4: {  	_ = 	snop  }
0x5: {  	_ = 	snop  }
0x6: {  	_ = 	snop  }
0x7: {  	_ = 	snop  }
__scs_overlays_trampoline_lowered:
0x8: {  	[smem:$0x3FAF] =	sst s0  }
0x9: {  	[smem:$0x3FB0] =	sst s1  }
0xa: {  	[smem:$0x3FB1] =	sst s2  }
0xb: {  	[smem:$0x3FB2] =	sst s3  }
0xc: {  	[smem:$0x3FB3] =	sst s4  }
0xd: {  	[smem:$0x3FB4] =	sst s5  }
0xe: {  	[smem:$0x3FB5] =	sst s6  }
0xf: {  	[smem:$0x3FB6] =	sst s7  }
0x10: {  	[smem:$0x3FB7] =	sst s8  }
0x11: {  	[smem:$0x3FB8] =	sst s9;
	s0 =	simm.s32 @!p0 $0x0  }
0x12: {  	s1 =	sld [smem:$0x3F9E];
	s0 =	simm.s32 @p0 $0x1  }
0x13: {  	[smem:$0x3FB9] =	sst s0;
	s0 =	simm.s32 @!p1 $0x0  }
0x14: {  	s2 =	sld [smem:$0x3F9D];
	s0 =	simm.s32 @p1 $0x1  }
0x15: {  	[smem:$0x3FBA] =	sst s0;
	s0 =	simm.s32 @!p2 $0x0  }
0x16: {  	s3 =	sld [smem:$0x3FDB];
	s0 =	simm.s32 @p2 $0x1  }
0x17: {  	s4 =	simm.s32 $0x1BF5;
	[smem:$0x3FBC] =	sst s0  }
0x18: {  	s0 =	sld [smem:$0x3F9F];
	_ =	swait.ge [sflag:s4], $0x0  }
0x19: {  	s7 =	sld [smem:$0x3FA0]  }
0x1a: {  	s8 =	sadd.s32 $0xFFFFE003, lr  }
0x1b: {  	s9 =	sadd.s32 $0xFFFFFEF7, lr;
	s5 =	simm.s32 $0xFFFFFFFF;
	p2 =	slt.u32 s8, $0xFFFFF086  }
0x1c: {  	p1 =	slt.u32 s9, $0xF7A;
	s5 =	simm.s32 @!p2 $0x0  }
0x1d: {  	s5 =	simm.s32 @p1 $0x1;
	p0 =	seq.s32 s7, s2  }
0x1e: {  	s7 =	smul.u32 @!p0 $0xF7A, s2;
	p2 =	seq.s32 @!p0 s5, $0x0  }
0x1f: {  	s9 =	smul.u32 $0xF7A, s1;
	s8 =	simm.s32 @!p0 $0x1BF5;
	p2 =	por !p2, p0  }
0x20: {  	[sflag:s8] =	ssyncset.s32 @!p0 $0xFFFFF086;
	s6 =	sadd.s32 @!p0 s3, s7;
	s7 =	simm.s32 @!p0 $0x108  }
0x21: {  	s3 =	sadd.s32 s3, s9;
	s6 =	sadd.s32 @!p0 $0x88, s6;
	s7 =	simm.s32 @p2 $0x1082  }
0x22: {  	[simem:s7], [sflag:s8] =	dma.local @!p0 [hbm:s6], $0xF7A  }
0x23: {  	s9 =	sor.u32 $0xD0000000, s2;
	s6 =	simm.s32 $0x108;
	_ =	swait.ge @!p0 [sflag:s8], $0x0  }
0x24: {  	s3 =	sadd.s32 $0x88, s3;
	s6 =	simm.s32 @!p1 $0x1082;
	[sflag:s4] =	ssyncset.s32 $0xFFFFF086  }
0x25: {  	[simem:s6], [sflag:s4] =	dma.local [hbm:s3], $0xF7A  }
0x26: {  	[smem:$0x3FA0] =	sst s1;
	(tag) =	ssettag s2;
	_ =	strace s9  }
0x27: {  	s1 =	sld [smem:$0x3FB0]  }
0x28: {  	s2 =	sld [smem:$0x3FB1]  }
0x29: {  	s4 =	sld [smem:$0x3FB3]  }
0x2a: {  	p0 =	seq.s32 s5, $0x0;
	s5 =	sld [smem:$0x3FB4]  }
0x2b: {  	s6 =	sld [smem:$0x3FB5]  }
0x2c: {  	s7 =	sld [smem:$0x3FB6]  }
0x2d: {  	s3 =	simm.s32 $0x108;
	s8 =	sld [smem:$0x3FB7]  }
0x2e: {  	s3 =	simm.s32 @!p0 $0x1082;
	s9 =	sld [smem:$0x3FB8]  }
0x2f: {  	lr =	sadd.s32 s0, s3;
	s0 =	sld [smem:$0x3FAF]  }
0x30: {  	s3 =	sld [smem:$0x3FB2]  }
0x31: {  	[smem:$0x3FBB] =	sst s10  }
0x32: {  	s10 =	sld [smem:$0x3FB9];
	_ =	sdelay $0x3  }
0x33: {  	p0 =	seq.s32 s10, $0x1;
	s10 =	sld [smem:$0x3FBB];
	_ =	sdelay $0x3  }
0x34: {  	[smem:$0x3FBB] =	sst s10  }
0x35: {  	s10 =	sld [smem:$0x3FBA];
	_ =	sdelay $0x3  }
0x36: {  	p1 =	seq.s32 s10, $0x1;
	s10 =	sld [smem:$0x3FBB];
	_ =	sdelay $0x3  }
0x37: {  	[smem:$0x3FBB] =	sst s10  }
0x38: {  	s10 =	sld [smem:$0x3FBC]  }
0x39: {  	_ = 	snop;
	(pc) =	sbr.ind lr, $3  }
0x3a: {  	_ = 	snop  }
0x3b: {  	_ = 	snop  }
0x3c: {  	p2 =	seq.s32 s10, $0x1;
	s10 =	sld [smem:$0x3FBB]  }
0x3d: {  	_ =	shalt  }
0x3e: {  	_ =	shalt  }
0x3f: {  	_ =	shalt  }
0x40: {  	_ =	shalt  }
0x41: {  	_ =	shalt  }
0x42: {  	_ =	shalt  }
0x43: {  	_ =	shalt  }
0x44: {  	_ =	shalt  }
0x45: {  	_ =	shalt  }
0x46: {  	_ =	shalt  }
0x47: {  	_ =	shalt  }
0x48: {  	_ =	shalt  }
0x49: {  	_ =	shalt  }
0x4a: {  	_ =	shalt  }
0x4b: {  	_ =	shalt  }
0x4c: {  	_ =	shalt  }
0x4d: {  	_ =	shalt  }
0x4e: {  	_ =	shalt  }
0x4f: {  	_ =	shalt  }
0x50: {  	_ =	shalt  }
0x51: {  	_ =	shalt  }
0x52: {  	_ =	shalt  }
0x53: {  	_ =	shalt  }
0x54: {  	_ =	shalt  }
0x55: {  	_ =	shalt  }
0x56: {  	_ =	shalt  }
0x57: {  	_ =	shalt  }
0x58: {  	_ =	shalt  }
0x59: {  	_ =	shalt  }
0x5a: {  	_ =	shalt  }
0x5b: {  	_ =	shalt  }
0x5c: {  	_ =	shalt  }
0x5d: {  	_ =	shalt  }
0x5e: {  	_ =	shalt  }
0x5f: {  	_ =	shalt  }
0x60: {  	_ =	shalt  }
0x61: {  	_ =	shalt  }
0x62: {  	_ =	shalt  }
0x63: {  	_ =	shalt  }
0x64: {  	_ =	shalt  }
0x65: {  	_ =	shalt  }
0x66: {  	_ =	shalt  }
0x67: {  	_ =	shalt  }
0x68: {  	_ =	shalt  }
0x69: {  	_ =	shalt  }
0x6a: {  	_ =	shalt  }
0x6b: {  	_ =	shalt  }
0x6c: {  	_ =	shalt  }
0x6d: {  	_ =	shalt  }
0x6e: {  	_ =	shalt  }
0x6f: {  	_ =	shalt  }
0x70: {  	_ =	shalt  }
0x71: {  	_ =	shalt  }
0x72: {  	_ =	shalt  }
0x73: {  	_ =	shalt  }
0x74: {  	_ =	shalt  }
0x75: {  	_ =	shalt  }
0x76: {  	_ =	shalt  }
0x77: {  	_ =	shalt  }
0x78: {  	_ =	shalt  }
0x79: {  	_ =	shalt  }
0x7a: {  	_ =	shalt  }
0x7b: {  	_ =	shalt  }
0x7c: {  	_ =	shalt  }
0x7d: {  	_ =	shalt  }
0x7e: {  	_ =	shalt  }
0x7f: {  	_ =	shalt  }
0x80: {  	_ =	shalt  }
0x81: {  	_ =	shalt  }
0x82: {  	_ =	shalt  }
0x83: {  	_ =	shalt  }
0x84: {  	_ =	shalt  }
0x85: {  	_ =	shalt  }
0x86: {  	_ =	shalt  }
0x87: {  	_ =	shalt  }
.Lfunc_end0:
.L_simem_size_0:
called_computation_lowered:
.L_overlay_start_0:
0x88: {  	s2 =	sld [smem:$0x3FD9]  }
0x89: {  	s3 =	sld [smem:$0x3FFE];
	_ =	sdelay $0x1  }
0x8a: {  	s1 =	srdreg.scid  }
0x8b: {  	s0 =	sand.u32 $0x1, s1  }
0x8c: {  	s17 =	sshll.u32 s0, $0xA;
	s2 =	sadd.s32 s3, s2  }
0x8d: {  	s2 =	sadd.s32 s2, s17  }
0x8e: {  	[smem:$0x3FC7] =	sst s2  }
0x8f: {  	_ = 	snop  }
0x90: {  	s2 =	sld [smem:$0x3FC9];
	(tm) =	ssettm $0x1  }
0x91: {  	s18 =	sld [smem:$0x3FFB];
	_ =	sdelay $0x3  }
0x92: {  	_ =	strace s18  }
0x93: {  	s3 =	sld [smem:$0x3FFC];
	_ =	sdelay $0x3  }
0x94: {  	_ =	strace s3  }
0x95: {  	s3 =	sld [smem:$0x3FFD];
	_ =	sdelay $0x3  }
0x96: {  	_ =	strace s3  }
0x97: {  	_ =	strace $0x8FFFFFFF  }
0x98: {  	s19 =	sld [smem:$0x3FDB];
	_ =	sdelay $0x1  }
0x99: {  	s4 =	simm.s32 $_scs_section_size  }
0x9a: {  	s5 =	simm.s32 $_size__tile_overlayer_lowered;
	s6 =	simm.s32 $_tile_overlayer_lowered  }
0x9b: {  	s22 =	simm.s32 $0x1BFF;
	s21 =	sshll.u32 s6, $0x1;
	s3 =	sadd.s32 s4, s19  }
0x9c: {  	s7 =	simm.s32 $0x0;
	s20 =	sshll.u32 s5, $0x1;
	s5 =	sadd.s32 s21, s3  }
0x9d: {  	[timem:s7], [sflag:s22] =	dma.local [hbm:s5], s20  }
0x9e: {  	_ =	swait.ge [sflag:s22], s20  }
0x9f: {  	s4 =	ssub.s32 $0x0, s20;
	[sflag:s22] =	ssyncset.done $0x0  }
0xa0: {  	[sflag:s22] =	ssyncadd.s32 s4;
	_ =	sdelay $0x1  }
0xa1: {  	s23 =	simm.s32 $0x1B8B  }
0xa2: {  	_ =	swait.ge [sflag:s23], $0x1  }
0xa3: {  	[sflag:s23] =	ssyncset.done $0x0  }
0xa4: {  	s25 =	simm.s32 $0x1B8E;
	s24 =	sld [smem:$0x3FFE];
	[sflag:s23] =	ssyncadd.s32 $0xFFFFFFFF  }
0xa5: {  	s26 =	simm.s32 $execute0_lowered;
	[smem:$0x3FD2] =	sst s25  }
0xa6: {  	s5 =	sshll.u32 s26, $0x1;
	_ =	strace $0x80000046;
	[dreg:$0x1] =	wrdreg $0xFFFFFFFF  }
0xa7: {  	s28 =	simm.s32 $_size_execute0_lowered;
	s3 =	sadd.s32 s3, s5;
	[dreg:$0x0] =	wrdreg $0x0  }
0xa8: {  	s5 =	sshll.u32 s28, $0x1;
	[dreg:$0x2] =	wrdreg s3  }
0xa9: {  	[dreg:$0x3] =	wrdreg s5  }
0xaa: {  	[dreg:$0x4] =	wrdreg $0xC0  }
0xab: {  	_ =	task [dreg:s7], $0x5FFFF  }
0xac: {  	[dreg:$0x1] =	wrdreg $0xFFFFFFFF  }
0xad: {  	[dreg:$0x0] =	wrdreg $0x60  }
0xae: {  	[dreg:$0x2] =	wrdreg s2  }
0xaf: {  	[dreg:$0x3] =	wrdreg s24  }
0xb0: {  	[dreg:$0x4] =	wrdreg $0x9  }
0xb1: {  	_ =	task.clear_ibuf [dreg:s7], $0x5FFFF;
	_ =	strace $0x90000046  }
0xb2: {  	s29 =	simm.s32 $0x9;
	_ =	strace $0x80000048  }
0xb3: {  	_ =	swait.ge [sflag:s29], $0x1  }
0xb4: {  	[sflag:s29] =	ssyncadd.s32 $0xFFFFFFFF  }
0xb5: {  	_ =	strace $0x90000048  }
0xb6: {  	_ =	sfence  }
0xb7: {  	s30 =	sld [smem:$0x0];
	_ =	sdelay $0x2  }
0xb8: {  	s31 =	sshll.u32 s1, $0xD;
	s1 =	sshrl.u32 s1, $0x2  }
0xb9: {  	s3 =	sand.u32 $0x4000, s31;
	s1 =	sadd.s32 s1, s30  }
0xba: {  	s0 =	sor.u32 s3, s0;
	s1 =	sshll.u32 s1, $0x11  }
0xbb: {  	s0 =	sor.u32 s1, s0  }
0xbc: {  	s0 =	sadd.s32 $0x8F2B, s0  }
0xbd: {  	[sflag:s0] =	ssyncadd.remote.s32 $0x1  }
0xbe: {  	_ =	sfence.sel $0xFFFF  }
0xbf: {  	[dreg:$0x0] =	wrdreg $0xFFFFFFFF;
	(pc) =	sbr.abs _section_cstart, $3  }
0xc0: {  	[dreg:$0x1] =	wrdreg $0xFFFFFFFF  }
0xc1: {  	_ =	task.clear_ibuf [dreg:s7], $0x2FFFF;
	_ =	strace $0x9FFFFFFF  }
0xc2: {  	(tm) =	ssettm $0x7FFFFFFF  }
0xc3: {  	_ =	shalt  }
tec
execute0_lowered:
.L_overlay_start_1:
0x0: {  	(tag) =	ssettag $0x1  }
0x1: {  	s2 =	rddreg [dreg:$0x0];
	s1 =	srdreg.scid  }
0x2: {  	s0 =	stileid.u32;
	s5 =	rddreg [dreg:$0x1]  }
0x3: {  	s11 =	simm.s32 $0x1;
	s12 =	simm.s32 $0x2;
	s14 =	simm.s32 $0x3  }
0x4: {  	s4 =	sand.u32 $0x1, s1;
	s6 =	sshll.u32 s0, $0x1;
	s0 =	simm.s32 $0x0  }
0x5: {  	s15 =	simm.s32 $0x0;
	s6 =	sor.u32 s4, s6;
	[smem:$0x7FF] =	sst s0  }
0x6: {  	s8 =	ssub.s32 $0x2, s4;
	s7 =	smul.u32 $0x150000, s6;
	s6 =	sshll.u32 s6, $0x8  }
0x7: {  	_ =	strace $0x80000047;
	s30 =	sshrl.u32 s8, $0x1;
	s9 =	sadd.s32 s6, s5  }
0x8: {  	s10 =	ssub.s32 s8, s30;
	s6 =	sadd.s32 $0x1000, s2;
	s4 =	sadd.s32 $0x70000, s7  }
0x9: {  	s7 =	sadd.s32 $0x80000, s7;
	s8 =	sadd.s32 $0x400, s9;
	s31 =	sshrl.u32 s4, $0x3  }
0xa: {  	vm0 =	vcmask $0x300;
	vm1 =	vcmask $0x704;
	s9 =	smax.u32 s10, $0x1;
	s10 =	simm.s32 $0x8000;
	s5 =	sadd.s32 s2, s31  }
.LBB2_1:
0xb: {  	[tilespmem:s0], [sflag:$0x1] =	stream.linear.gather [hbm4b:s5+s0], $0x8000, $0x38;
	[tilespmem:$0x10800] =	vst v63  }
0xc: {  	s16 =	simm.s32 $0x0  }
.LBB2_2:
0xd: {  	s17 =	sshll.u32 s16, $0x10  }
0xe: {  	s18 =	sadd.s32 s17, s4  }
0xf: {  	s18 =	sshrl.u32 s18, $0x3  }
0x10: {  	s19 =	simm.s32 $0x0;
	s18 =	sadd.s32 s18, s6  }
0x11: {  	[tilespmem:s10], [sflag:$0x2] =	stream.linear.gather [hbm4b:s18+s19], $0x8000, $0x38;
	[tilespmem:$0x10800] =	vst v63  }
0x12: {  	_ =	swait.ge [sflag:s11], $0x8000  }
0x13: {  	s21 =	sand.u32 $0x7800, s19;
	s19 =	sand.u32 $0x380, s19;
	[sflag:s11] =	ssyncset.done $0x0  }
0x14: {  	s24 =	sor.u32 s19, s21;
	[sflag:s11] =	ssyncadd.s32 $0xFFFF8000  }
0x15: {  	v0 =	vld [tilespmem:s24+$0x0]  }
0x16: {  	v1 =	vld [tilespmem:s24+$0x10]  }
0x17: {  	v2 =	vld [tilespmem:s24+$0x20]  }
0x18: {  	v3 =	vld [tilespmem:s24+$0x30]  }
0x19: {  	v4 =	vld [tilespmem:s24+$0x40]  }
0x1a: {  	v5 =	vimm.f32 $-Inf;
	v6 =	vld [tilespmem:s24+$0x50]  }
0x1b: {  	v7 =	vimm.s32 $0x0;
	s22 =	simm.s32 $0x1;
	v8 =	vld [tilespmem:s24+$0x60];
	vm2 =	vgt.f32 v0, v5;
	vm3 =	vgt.f32 v1, v5  }
0x1c: {  	s23 =	simm.s32 $0x0;
	v9 =	vld [tilespmem:s24+$0x70];
	v0 =	vsel vm2, v0, v5;
	v1 =	vsel vm3, v1, v5;
	v5 =	vsel vm3, s22, v7  }
0x1d: {  	s25 =	simm.s32 $0x3;
	v10 =	vld [tilespmem:s24+$0x400];
	v7 =	vsel vm2, s23, v7;
	vm2 =	vgt.f32 v2, v0;
	vm3 =	vgt.f32 v3, v1  }
0x1e: {  	s26 =	simm.s32 $0x2;
	v2 =	vsel vm2, v2, v0;
	v1 =	vsel vm3, v3, v1;
	v3 =	vsel vm3, s25, v5;
	v5 =	vld [tilespmem:s24+$0x410]  }
0x1f: {  	s28 =	simm.s32 $0x5;
	v7 =	vsel vm2, s26, v7;
	v0 =	vld [tilespmem:s24+$0x420];
	vm2 =	vgt.f32 v4, v2;
	vm3 =	vgt.f32 v6, v1  }
0x20: {  	s29 =	simm.s32 $0x4;
	v4 =	vsel vm2, v4, v2;
	v6 =	vsel vm3, v6, v1;
	v3 =	vsel vm3, s28, v3;
	v2 =	vld [tilespmem:s24+$0x430]  }
0x21: {  	s20 =	simm.s32 $0xF;
	s30 =	simm.s32 $0x7;
	s18 =	simm.s32 $0x1F;
	v7 =	vsel vm2, s29, v7;
	v1 =	vld [tilespmem:s24+$0x440];
	vm2 =	vgt.f32 v8, v4;
	vm3 =	vgt.f32 v9, v6  }
0x22: {  	s21 =	simm.s32 $0x80;
	s23 =	simm.s32 $0x6;
	s22 =	simm.s32 $0x100;
	v8 =	vsel vm2, v8, v4;
	v11 =	vsel vm3, v9, v6;
	v12 =	vsel vm3, s30, v3;
	v3 =	vld [tilespmem:s24+$0x450]  }
0x23: {  	s31 =	sand.u32 $0x7800, s22;
	s25 =	sand.u32 $0x380, s21;
	s26 =	simm.s32 $0x9;
	v6 =	vsel vm2, s23, v7;
	v4 =	vld [tilespmem:s24+$0x460];
	vm2 =	vgt.f32 v10, v8;
	vm3 =	vgt.f32 v5, v11  }
0x24: {  	s19 =	sor.u32 s25, s31;
	s25 =	simm.s32 $0x8;
	s23 =	simm.s32 $0x2F;
	v9 =	vsel vm2, v10, v8;
	v7 =	vsel vm3, v5, v11;
	v8 =	vsel vm3, s26, v12;
	v5 =	vld [tilespmem:s24+$0x470]  }
.LBB2_3:
0x25: {  	p0 =	sne.s32 s23, $0x7FF;
	v10 =	vld [tilespmem:s19+$0x0];
	v6 =	vsel vm2, s25, v6;
	vm2 =	vgt.f32 v0, v9;
	vm3 =	vgt.f32 v2, v7;
	s24 =	sadd.s32 $0xFFFFFFFC, s20  }
0x26: {  	s25 =	sadd.s32 $0xFFFFFFFB, s20;
	v11 =	vld [tilespmem:s19+$0x10];
	v0 =	vsel vm2, v0, v9;
	v2 =	vsel vm3, v2, v7;
	v7 =	vsel vm3, s24, v8  }
0x27: {  	v6 =	vsel vm2, s25, v6;
	s24 =	sadd.s32 $0xFFFFFFFE, s20;
	v8 =	vld [tilespmem:s19+$0x20];
	vm2 =	vgt.f32 v1, v0;
	vm3 =	vgt.f32 v3, v2  }
0x28: {  	s25 =	sadd.s32 $0xFFFFFFFD, s20;
	v9 =	vld [tilespmem:s19+$0x30];
	v0 =	vsel vm2, v1, v0;
	v1 =	vsel vm3, v3, v2;
	v2 =	vsel vm3, s24, v7  }
0x29: {  	v6 =	vsel vm2, s25, v6;
	v3 =	vld [tilespmem:s19+$0x40];
	vm2 =	vgt.f32 v4, v0;
	vm3 =	vgt.f32 v5, v1  }
0x2a: {  	s24 =	sadd.s32 $0xFFFFFFFF, s20;
	v7 =	vld [tilespmem:s19+$0x50];
	v0 =	vsel vm2, v4, v0;
	v1 =	vsel vm3, v5, v1;
	v2 =	vsel vm3, s20, v2;
	s20 =	smov.u32 s18;
	s18 =	smov.u32 s23  }
0x2b: {  	v5 =	vsel vm2, s24, v6;
	vm3 =	vgt.f32 v10, v0;
	vm4 =	vgt.f32 v11, v1;
	s25 =	sadd.s32 $0xFFFFFFF2, s20;
	v4 =	vld [tilespmem:s19+$0x60]  }
0x2c: {  	s24 =	sadd.s32 $0xFFFFFFF1, s20;
	v0 =	vsel vm3, v10, v0;
	v1 =	vsel vm4, v11, v1;
	v2 =	vsel vm4, s25, v2;
	v6 =	vld [tilespmem:s19+$0x70]  }
0x2d: {  	v5 =	vsel vm3, s24, v5;
	s24 =	sadd.s32 $0xFFFFFFF4, s20;
	vm2 =	vgt.f32 v8, v0;
	vm3 =	vgt.f32 v9, v1;
	v10 =	vld [tilespmem:s19+$0x400]  }
0x2e: {  	s25 =	sadd.s32 $0xFFFFFFF3, s20;
	v8 =	vsel vm2, v8, v0;
	v1 =	vsel vm3, v9, v1;
	v2 =	vsel vm3, s24, v2;
	v11 =	vld [tilespmem:s19+$0x410]  }
0x2f: {  	v5 =	vsel vm2, s25, v5;
	s24 =	sadd.s32 $0xFFFFFFF6, s20;
	vm2 =	vgt.f32 v3, v8;
	vm3 =	vgt.f32 v7, v1;
	v0 =	vld [tilespmem:s19+$0x420]  }
.Ltmp0:
0x30: {  	s25 =	sadd.s32 $0xFFFFFFF5, s20;
	v3 =	vsel vm2, v3, v8;
	v7 =	vsel vm3, v7, v1;
	v8 =	vsel vm3, s24, v2;
	v2 =	vld [tilespmem:s19+$0x430];
	(pc) =	sbr.rel @p0 .LBB2_3-.Ltmp0, $4  }
0x31: {  	v5 =	vsel vm2, s25, v5;
	s24 =	sadd.s32 $0xFFFFFFF8, s20;
	vm2 =	vgt.f32 v4, v3;
	vm3 =	vgt.f32 v6, v7;
	v1 =	vld [tilespmem:s19+$0x440]  }
0x32: {  	s21 =	sadd.s32 $0x80, s21;
	s22 =	sadd.s32 $0x100, s22;
	s25 =	sadd.s32 $0xFFFFFFF7, s20;
	v9 =	vsel vm2, v4, v3;
	v7 =	vsel vm3, v6, v7;
	v8 =	vsel vm3, s24, v8;
	v3 =	vld [tilespmem:s19+$0x450]  }
0x33: {  	s26 =	sand.u32 $0x380, s21;
	s28 =	sadd.s32 $0xFFFFFFFA, s20;
	s24 =	sand.u32 $0x7800, s22;
	v6 =	vsel vm2, s25, v5;
	vm2 =	vgt.f32 v10, v9;
	vm3 =	vgt.f32 v11, v7;
	v4 =	vld [tilespmem:s19+$0x460]  }
0x34: {  	s23 =	sadd.s32 $0x10, s23;
	s25 =	sadd.s32 $0xFFFFFFF9, s20;
	v9 =	vsel vm2, v10, v9;
	v7 =	vsel vm3, v11, v7;
	v8 =	vsel vm3, s28, v8;
	v5 =	vld [tilespmem:s19+$0x470];
	s19 =	sor.u32 s26, s24  }
0x35: {  	vm3 =	vgt.f32 v0, v9  }
0x36: {  	v10 =	vld [tilespmem:s19+$0x0];
	v6 =	vsel vm2, s25, v6;
	vm2 =	vgt.f32 v2, v7;
	s21 =	sadd.s32 $0xFFFFFFFC, s20;
	v0 =	vsel vm3, v0, v9  }
0x37: {  	s22 =	sadd.s32 $0xFFFFFFFB, s20;
	v9 =	vld [tilespmem:s19+$0x10];
	v2 =	vsel vm2, v2, v7;
	v7 =	vsel vm2, s21, v8;
	vm2 =	vgt.f32 v1, v0  }
0x38: {  	s31 =	sadd.s32 $0xFFFFFFFE, s20;
	v8 =	vld [tilespmem:s19+$0x20];
	v6 =	vsel vm3, s22, v6;
	vm3 =	vgt.f32 v3, v2;
	v0 =	vsel vm2, v1, v0  }
0x39: {  	s0 =	sadd.s32 $0xFFFFFFFD, s20;
	v1 =	vld [tilespmem:s19+$0x30];
	v2 =	vsel vm3, v3, v2;
	v3 =	vsel vm3, s31, v7;
	vm3 =	vgt.f32 v4, v0  }
0x3a: {  	v7 =	vld [tilespmem:s19+$0x40];
	v6 =	vsel vm2, s0, v6;
	vm2 =	vgt.f32 v5, v2;
	v0 =	vsel vm3, v4, v0  }
0x3b: {  	s1 =	sadd.s32 $0xFFFFFFFF, s20;
	v4 =	vld [tilespmem:s19+$0x50];
	v2 =	vsel vm2, v5, v2;
	v3 =	vsel vm2, s20, v3;
	vm2 =	vgt.f32 v10, v0  }
0x3c: {  	s3 =	sadd.s32 $0xFFFFFFF2, s18;
	v5 =	vld [tilespmem:s19+$0x60];
	v6 =	vsel vm3, s1, v6;
	vm4 =	vgt.f32 v9, v2;
	v0 =	vsel vm2, v10, v0  }
0x3d: {  	s13 =	sadd.s32 $0xFFFFFFF1, s18;
	v2 =	vsel vm4, v9, v2;
	v3 =	vsel vm4, s3, v3;
	v9 =	vld [tilespmem:s19+$0x70];
	vm3 =	vgt.f32 v8, v0  }
0x3e: {  	s21 =	sadd.s32 $0xFFFFFFF4, s18;
	v6 =	vsel vm2, s13, v6;
	v10 =	vld [tilespmem:s19+$0x400];
	vm2 =	vgt.f32 v1, v2;
	v0 =	vsel vm3, v8, v0  }
0x3f: {  	s22 =	sadd.s32 $0xFFFFFFF3, s18;
	v1 =	vsel vm2, v1, v2;
	v2 =	vsel vm2, s21, v3;
	v3 =	vld [tilespmem:s19+$0x410];
	vm2 =	vgt.f32 v7, v0  }
0x40: {  	s23 =	sadd.s32 $0xFFFFFFF6, s18;
	v6 =	vsel vm3, s22, v6;
	v8 =	vld [tilespmem:s19+$0x420];
	vm3 =	vgt.f32 v4, v1;
	v0 =	vsel vm2, v7, v0  }
0x41: {  	s24 =	sadd.s32 $0xFFFFFFF5, s18;
	v1 =	vsel vm3, v4, v1;
	v2 =	vsel vm3, s23, v2;
	v4 =	vld [tilespmem:s19+$0x430];
	vm3 =	vgt.f32 v5, v0  }
0x42: {  	s25 =	sadd.s32 $0xFFFFFFF8, s18;
	p0 =	seq.s32 s16, $0xD;
	v6 =	vsel vm2, s24, v6;
	v7 =	vld [tilespmem:s19+$0x440];
	vm2 =	vgt.f32 v9, v1;
	v0 =	vsel vm3, v5, v0  }
0x43: {  	s26 =	sadd.s32 $0xFFFFFFF7, s18;
	s28 =	sadd.s32 $0xFFFFFFFA, s18;
	s17 =	sadd.s32 @!p0 s17, s7;
	v1 =	vsel vm2, v9, v1;
	v2 =	vsel vm2, s25, v2;
	v5 =	vld [tilespmem:s19+$0x450];
	vm2 =	vgt.f32 v10, v0  }
0x44: {  	s29 =	sadd.s32 $0xFFFFFFF9, s18;
	s30 =	sadd.s32 $0xFFFFFFFC, s18;
	s17 =	sshrl.u32 @!p0 s17, $0x3;
	v6 =	vsel vm3, s26, v6;
	v9 =	vld [tilespmem:s19+$0x460];
	vm3 =	vgt.f32 v3, v1;
	v0 =	vsel vm2, v10, v0  }
0x45: {  	s31 =	sadd.s32 $0xFFFFFFFB, s18;
	s17 =	sadd.s32 @!p0 s2, s17;
	s20 =	simm.s32 @!p0 $0x0;
	v1 =	vsel vm3, v3, v1;
	v2 =	vsel vm3, s28, v2;
	v3 =	vld [tilespmem:s19+$0x470];
	vm3 =	vgt.f32 v8, v0  }
0x46: {  	v6 =	vsel vm2, s29, v6;
	[tilespmem:s20], [sflag:$0x1] =	stream.linear.gather @!p0 [hbm4b:s17+s20], $0x8000, $0x38;
	vm2 =	vgt.f32 v4, v1;
	v0 =	vsel vm3, v8, v0;
	[tilespmem:$0x10800] =	vst v63  }
0x47: {  	s0 =	sadd.s32 $0xFFFFFFFE, s18;
	s1 =	simm.s32 $0x0;
	_ =	swait.ge [sflag:s12], $0x8000;
	v1 =	vsel vm2, v4, v1;
	v2 =	vsel vm2, s30, v2;
	vm2 =	vgt.f32 v7, v0  }
0x48: {  	s3 =	sand.u32 $0x7800, s1;
	s20 =	sand.u32 $0x380, s1;
	v4 =	vsel vm3, s31, v6;
	[sflag:s12] =	ssyncset.done $0x0;
	vm3 =	vgt.f32 v5, v1;
	v0 =	vsel vm2, v7, v0  }
0x49: {  	s13 =	sadd.s32 $0xFFFFFFFD, s18;
	s23 =	sor.u32 s20, s3;
	[sflag:s12] =	ssyncadd.s32 $0xFFFF8000;
	v1 =	vsel vm3, v5, v1;
	v2 =	vsel vm3, s0, v2;
	vm3 =	vgt.f32 v9, v0  }
0x4a: {  	s19 =	sadd.s32 $0xFFFFFFFF, s18;
	v4 =	vsel vm2, s13, v4;
	v5 =	vld [tilespmem:s23+$0x8000];
	vm2 =	vgt.f32 v3, v1;
	v0 =	vsel vm3, v9, v0  }
0x4b: {  	v1 =	vsel vm2, v3, v1;
	v2 =	vsel vm2, s18, v2;
	v3 =	vsel vm3, s19, v4;
	v4 =	vld [tilespmem:s23+$0x8010]  }
0x4c: {  	v6 =	vld [tilespmem:s23+$0x8020];
	vm2 =	veq.f32 v1, v0;
	vm3 =	vlt.s32 v2, v3  }
0x4d: {  	v7 =	vld [tilespmem:s23+$0x8030];
	vm15 =	vgt.f32 v1, v0;
	vm2 =	vmand vm2, vm3  }
0x4e: {  	v8 =	vld [tilespmem:s23+$0x8040];
	vm2 =	vmor vm15, vm2  }
0x4f: {  	v1 =	vsel vm2, v1, v0;
	v0 =	vsel vm2, v2, v3;
	v2 =	vimm.f32 $-Inf;
	v3 =	vld [tilespmem:s23+$0x8050]  }
0x50: {  	s20 =	simm.s32 $0x801;
	v10 =	vld [tilespmem:s23+$0x8060];
	v9 =	vimm.s32 $0x0;
	vm2 =	vgt.f32 v5, v2;
	vm3 =	vgt.f32 v4, v2  }
0x51: {  	s21 =	simm.s32 $0x800;
	v11 =	vld [tilespmem:s23+$0x8070];
	v5 =	vsel vm2, v5, v2;
	v2 =	vsel vm3, v4, v2;
	v4 =	vsel vm3, s20, v9  }
0x52: {  	s22 =	simm.s32 $0x803;
	v12 =	vld [tilespmem:s23+$0x8400];
	v9 =	vsel vm2, s21, v9;
	vm2 =	vgt.f32 v6, v5;
	vm3 =	vgt.f32 v7, v2  }
0x53: {  	s24 =	simm.s32 $0x802;
	v5 =	vsel vm2, v6, v5;
	v6 =	vsel vm3, v7, v2;
	v4 =	vsel vm3, s22, v4;
	v7 =	vld [tilespmem:s23+$0x8410]  }
0x54: {  	s25 =	simm.s32 $0x805;
	v9 =	vsel vm2, s24, v9;
	v2 =	vld [tilespmem:s23+$0x8420];
	vm2 =	vgt.f32 v8, v5;
	vm3 =	vgt.f32 v3, v6  }
0x55: {  	s26 =	simm.s32 $0x804;
	v5 =	vsel vm2, v8, v5;
	v6 =	vsel vm3, v3, v6;
	v8 =	vsel vm3, s25, v4;
	v4 =	vld [tilespmem:s23+$0x8430]  }
0x56: {  	s17 =	simm.s32 $0x81F;
	s28 =	simm.s32 $0x807;
	s29 =	simm.s32 $0x806;
	v9 =	vsel vm2, s26, v9;
	v3 =	vld [tilespmem:s23+$0x8440];
	vm2 =	vgt.f32 v10, v5;
	vm3 =	vgt.f32 v11, v6  }
0x57: {  	s31 =	simm.s32 $0x809;
	s20 =	simm.s32 $0x80;
	s21 =	simm.s32 $0x100;
	v10 =	vsel vm2, v10, v5;
	v13 =	vsel vm3, v11, v6;
	v14 =	vsel vm3, s28, v8;
	v5 =	vld [tilespmem:s23+$0x8450]  }
0x58: {  	s19 =	simm.s32 $0x80F;
	s30 =	sand.u32 $0x7800, s21;
	s24 =	sand.u32 $0x380, s20;
	v8 =	vsel vm2, s29, v9;
	v6 =	vld [tilespmem:s23+$0x8460];
	vm2 =	vgt.f32 v12, v10;
	vm3 =	vgt.f32 v7, v13  }
0x59: {  	s22 =	simm.s32 $0x82F;
	s18 =	sor.u32 s24, s30;
	s24 =	simm.s32 $0x808;
	v11 =	vsel vm2, v12, v10;
	v9 =	vsel vm3, v7, v13;
	v10 =	vsel vm3, s31, v14;
	v7 =	vld [tilespmem:s23+$0x8470]  }
.LBB2_5:
0x5a: {  	p0 =	sne.s32 s22, $0xFFF;
	v12 =	vld [tilespmem:s18+$0x8000];
	v8 =	vsel vm2, s24, v8;
	vm2 =	vgt.f32 v2, v11;
	vm3 =	vgt.f32 v4, v9;
	s23 =	sadd.s32 $0xFFFFFFFC, s19  }
0x5b: {  	s24 =	sadd.s32 $0xFFFFFFFB, s19;
	v13 =	vld [tilespmem:s18+$0x8010];
	v2 =	vsel vm2, v2, v11;
	v4 =	vsel vm3, v4, v9;
	v9 =	vsel vm3, s23, v10  }
0x5c: {  	v8 =	vsel vm2, s24, v8;
	s23 =	sadd.s32 $0xFFFFFFFE, s19;
	v10 =	vld [tilespmem:s18+$0x8020];
	vm2 =	vgt.f32 v3, v2;
	vm3 =	vgt.f32 v5, v4  }
0x5d: {  	s24 =	sadd.s32 $0xFFFFFFFD, s19;
	v11 =	vld [tilespmem:s18+$0x8030];
	v2 =	vsel vm2, v3, v2;
	v3 =	vsel vm3, v5, v4;
	v4 =	vsel vm3, s23, v9  }
0x5e: {  	v8 =	vsel vm2, s24, v8;
	v5 =	vld [tilespmem:s18+$0x8040];
	vm2 =	vgt.f32 v6, v2;
	vm3 =	vgt.f32 v7, v3  }
0x5f: {  	s23 =	sadd.s32 $0xFFFFFFFF, s19;
	v9 =	vld [tilespmem:s18+$0x8050];
	v2 =	vsel vm2, v6, v2;
	v3 =	vsel vm3, v7, v3;
	v4 =	vsel vm3, s19, v4;
	s19 =	smov.u32 s17;
	s17 =	smov.u32 s22  }
0x60: {  	v7 =	vsel vm2, s23, v8;
	vm3 =	vgt.f32 v12, v2;
	vm4 =	vgt.f32 v13, v3;
	s24 =	sadd.s32 $0xFFFFFFF2, s19;
	v6 =	vld [tilespmem:s18+$0x8060]  }
0x61: {  	s23 =	sadd.s32 $0xFFFFFFF1, s19;
	v2 =	vsel vm3, v12, v2;
	v3 =	vsel vm4, v13, v3;
	v4 =	vsel vm4, s24, v4;
	v8 =	vld [tilespmem:s18+$0x8070]  }
0x62: {  	v7 =	vsel vm3, s23, v7;
	s23 =	sadd.s32 $0xFFFFFFF4, s19;
	vm2 =	vgt.f32 v10, v2;
	vm3 =	vgt.f32 v11, v3;
	v12 =	vld [tilespmem:s18+$0x8400]  }
0x63: {  	s24 =	sadd.s32 $0xFFFFFFF3, s19;
	v10 =	vsel vm2, v10, v2;
	v3 =	vsel vm3, v11, v3;
	v4 =	vsel vm3, s23, v4;
	v13 =	vld [tilespmem:s18+$0x8410]  }
0x64: {  	v7 =	vsel vm2, s24, v7;
	s23 =	sadd.s32 $0xFFFFFFF6, s19;
	vm2 =	vgt.f32 v5, v10;
	vm3 =	vgt.f32 v9, v3;
	v2 =	vld [tilespmem:s18+$0x8420]  }
.Ltmp1:
0x65: {  	s24 =	sadd.s32 $0xFFFFFFF5, s19;
	v5 =	vsel vm2, v5, v10;
	v9 =	vsel vm3, v9, v3;
	v10 =	vsel vm3, s23, v4;
	v4 =	vld [tilespmem:s18+$0x8430];
	(pc) =	sbr.rel @p0 .LBB2_5-.Ltmp1, $4  }
0x66: {  	v7 =	vsel vm2, s24, v7;
	s23 =	sadd.s32 $0xFFFFFFF8, s19;
	vm2 =	vgt.f32 v6, v5;
	vm3 =	vgt.f32 v8, v9;
	v3 =	vld [tilespmem:s18+$0x8440]  }
0x67: {  	s20 =	sadd.s32 $0x80, s20;
	s21 =	sadd.s32 $0x100, s21;
	s24 =	sadd.s32 $0xFFFFFFF7, s19;
	v11 =	vsel vm2, v6, v5;
	v9 =	vsel vm3, v8, v9;
	v10 =	vsel vm3, s23, v10;
	v5 =	vld [tilespmem:s18+$0x8450]  }
0x68: {  	s25 =	sand.u32 $0x380, s20;
	s26 =	sadd.s32 $0xFFFFFFFA, s19;
	s23 =	sand.u32 $0x7800, s21;
	v8 =	vsel vm2, s24, v7;
	vm2 =	vgt.f32 v12, v11;
	vm3 =	vgt.f32 v13, v9;
	v6 =	vld [tilespmem:s18+$0x8460]  }
0x69: {  	s22 =	sadd.s32 $0x10, s22;
	s24 =	sadd.s32 $0xFFFFFFF9, s19;
	v11 =	vsel vm2, v12, v11;
	v9 =	vsel vm3, v13, v9;
	v10 =	vsel vm3, s26, v10;
	v7 =	vld [tilespmem:s18+$0x8470];
	s18 =	sor.u32 s25, s23  }
0x6a: {  	vm3 =	vgt.f32 v2, v11  }
0x6b: {  	v12 =	vld [tilespmem:s18+$0x8000];
	v8 =	vsel vm2, s24, v8;
	vm2 =	vgt.f32 v4, v9;
	s20 =	sadd.s32 $0xFFFFFFFC, s19;
	v2 =	vsel vm3, v2, v11  }
0x6c: {  	v42 =	vld [tilespmem:s18+$0x8010];
	s21 =	sadd.s32 $0xFFFFFFFB, s19;
	v4 =	vsel vm2, v4, v9;
	v43 =	vsel vm2, s20, v10;
	vm2 =	vgt.f32 v3, v2  }
0x6d: {  	v44 =	vld [tilespmem:s18+$0x8020];
	s26 =	sadd.s32 $0xFFFFFFFE, s19;
	v8 =	vsel vm3, s21, v8;
	vm3 =	vgt.f32 v5, v4;
	v2 =	vsel vm2, v3, v2  }
0x6e: {  	v45 =	vld [tilespmem:s18+$0x8030];
	s28 =	sadd.s32 $0xFFFFFFFD, s19;
	v4 =	vsel vm3, v5, v4;
	v46 =	vsel vm3, s26, v43;
	vm3 =	vgt.f32 v6, v2  }
0x6f: {  	v47 =	vld [tilespmem:s18+$0x8040];
	v8 =	vsel vm2, s28, v8;
	vm2 =	vgt.f32 v7, v4;
	v2 =	vsel vm3, v6, v2  }
0x70: {  	v48 =	vld [tilespmem:s18+$0x8050];
	s29 =	sadd.s32 $0xFFFFFFFF, s19;
	v4 =	vsel vm2, v7, v4;
	v5 =	vsel vm2, s19, v46;
	vm2 =	vgt.f32 v12, v2  }
0x71: {  	s30 =	sadd.s32 $0xFFFFFFF2, s17;
	v49 =	vld [tilespmem:s18+$0x8060];
	v8 =	vsel vm3, s29, v8;
	vm4 =	vgt.f32 v42, v4;
	v2 =	vsel vm2, v12, v2  }
0x72: {  	s31 =	sadd.s32 $0xFFFFFFF1, s17;
	v50 =	vld [tilespmem:s18+$0x8070];
	v4 =	vsel vm4, v42, v4;
	v5 =	vsel vm4, s30, v5;
	vm3 =	vgt.f32 v44, v2  }
0x73: {  	s0 =	sadd.s32 $0xFFFFFFF4, s17;
	v51 =	vld [tilespmem:s18+$0x8400];
	v8 =	vsel vm2, s31, v8;
	vm2 =	vgt.f32 v45, v4;
	v2 =	vsel vm3, v44, v2  }
0x74: {  	s1 =	sadd.s32 $0xFFFFFFF3, s17;
	v53 =	vld [tilespmem:s18+$0x8410];
	v3 =	vsel vm2, v45, v4;
	v52 =	vsel vm2, s0, v5;
	vm2 =	vgt.f32 v47, v2  }
0x75: {  	s3 =	sadd.s32 $0xFFFFFFF6, s17;
	v54 =	vld [tilespmem:s18+$0x8420];
	v8 =	vsel vm3, s1, v8;
	vm3 =	vgt.f32 v48, v3;
	v2 =	vsel vm2, v47, v2  }
0x76: {  	s13 =	sadd.s32 $0xFFFFFFF5, s17;
	v55 =	vld [tilespmem:s18+$0x8430];
	v3 =	vsel vm3, v48, v3;
	v4 =	vsel vm3, s3, v52;
	vm3 =	vgt.f32 v49, v2  }
0x77: {  	v56 =	vld [tilespmem:s18+$0x8440];
	s20 =	sadd.s32 $0xFFFFFFF8, s17;
	v8 =	vsel vm2, s13, v8;
	vm2 =	vgt.f32 v50, v3;
	v2 =	vsel vm3, v49, v2  }
0x78: {  	v57 =	vld [tilespmem:s18+$0x8450];
	s21 =	sadd.s32 $0xFFFFFFF7, s17;
	v3 =	vsel vm2, v50, v3;
	v4 =	vsel vm2, s20, v4;
	vm2 =	vgt.f32 v51, v2  }
0x79: {  	s22 =	sadd.s32 $0xFFFFFFFA, s17;
	v58 =	vld [tilespmem:s18+$0x8460];
	v8 =	vsel vm3, s21, v8;
	vm3 =	vgt.f32 v53, v3;
	v2 =	vsel vm2, v51, v2  }
0x7a: {  	s23 =	sadd.s32 $0xFFFFFFF9, s17;
	v59 =	vld [tilespmem:s18+$0x8470];
	v3 =	vsel vm3, v53, v3;
	v4 =	vsel vm3, s22, v4;
	vm3 =	vgt.f32 v54, v2  }
0x7b: {  	s24 =	sadd.s32 $0xFFFFFFFC, s17;
	v8 =	vsel vm2, s23, v8;
	vm2 =	vgt.f32 v55, v3;
	v2 =	vsel vm3, v54, v2  }
0x7c: {  	s25 =	sadd.s32 $0xFFFFFFFB, s17;
	v3 =	vsel vm2, v55, v3;
	v4 =	vsel vm2, s24, v4;
	vm2 =	vgt.f32 v56, v2  }
0x7d: {  	s26 =	sadd.s32 $0xFFFFFFFE, s17;
	v60 =	vsel vm3, s25, v8;
	vm3 =	vgt.f32 v57, v3;
	v2 =	vsel vm2, v56, v2  }
0x7e: {  	s28 =	sadd.s32 $0xFFFFFFFD, s17;
	v3 =	vsel vm3, v57, v3;
	v4 =	vsel vm3, s26, v4;
	vm3 =	vgt.f32 v58, v2  }
0x7f: {  	s29 =	sadd.s32 $0xFFFFFFFF, s17;
	v6 =	vsel vm2, s28, v60;
	vm2 =	vgt.f32 v59, v3;
	v2 =	vsel vm3, v58, v2  }
0x80: {  	v3 =	vsel vm2, v59, v3;
	v4 =	vsel vm2, s17, v4;
	v61 =	vsel vm3, s29, v6  }
0x81: {  	vm2 =	veq.f32 v3, v2;
	vm3 =	vlt.s32 v4, v61  }
0x82: {  	vm15 =	vgt.f32 v3, v2;
	vm2 =	vmand vm2, vm3  }
0x83: {  	vm2 =	vmor vm15, vm2  }
0x84: {  	v2 =	vsel vm2, v3, v2  }
0x85: {  	vm3 =	vgt.f32 v2, v1  }
0x86: {  	v1 =	vsel vm3, v2, v1  }
0x87: {  	(v2sf) =	vpush v1, $0x0  }
0x88: {  	(v2sf) =	vpush v1, $0x1  }
0x89: {  	(v2sf) =	vpush v1, $0x2  }
0x8a: {  	(v2sf) =	vpush v1, $0x3  }
0x8b: {  	(v2sf) =	vpush v1, $0x4  }
0x8c: {  	(v2sf) =	vpush v1, $0x5  }
0x8d: {  	(v2sf) =	vpush v1, $0x6  }
0x8e: {  	(v2sf) =	vpush v1, $0x7  }
0x8f: {  	(v2sf) =	vpush v1, $0x8  }
0x90: {  	(v2sf) =	vpush v1, $0x9  }
0x91: {  	(v2sf) =	vpush v1, $0xA  }
0x92: {  	(v2sf) =	vpush v1, $0xB  }
0x93: {  	(v2sf) =	vpush v1, $0xC  }
0x94: {  	v62 =	vsel vm2, v4, v61;
	(v2sf) =	vpush v1, $0xD  }
0x95: {  	v0 =	vsel vm3, v62, v0;
	(v2sf) =	vpush v1, $0xE  }
0x96: {  	v0 =	vshll.u32 v0, $0x4;
	s31 =	spop (v2sf);
	(v2sf) =	vpush v1, $0xF  }
0x97: {  	s1 =	spop (v2sf);
	(v2sf) =	vpush v0, $0x0  }
0x98: {  	s0 =	spop (v2sf);
	s30 =	smax.f32 s31, s1  }
0x99: {  	(v2sf) =	vpush v0, $0x1;
	s17 =	smax.f32 s30, s0;
	s13 =	spop (v2sf)  }
0x9a: {  	s3 =	spop (v2sf);
	s17 =	smax.f32 s17, s13  }
0x9b: {  	s30 =	spop (v2sf);
	s17 =	smax.f32 s17, s3  }
0x9c: {  	(v2sf) =	vpush v0, $0x2;
	s17 =	smax.f32 s17, s30;
	s29 =	spop (v2sf)  }
0x9d: {  	s28 =	spop (v2sf);
	s17 =	smax.f32 s17, s29  }
0x9e: {  	s26 =	spop (v2sf);
	s17 =	smax.f32 s17, s28  }
0x9f: {  	(v2sf) =	vpush v0, $0x3;
	s17 =	smax.f32 s17, s26;
	s25 =	spop (v2sf)  }
0xa0: {  	s24 =	spop (v2sf);
	s17 =	smax.f32 s17, s25  }
0xa1: {  	s23 =	spop (v2sf);
	s17 =	smax.f32 s17, s24  }
0xa2: {  	(v2sf) =	vpush v0, $0x4;
	s17 =	smax.f32 s17, s23;
	s22 =	spop (v2sf)  }
0xa3: {  	s21 =	spop (v2sf);
	s17 =	smax.f32 s17, s22  }
0xa4: {  	s19 =	spop (v2sf);
	s17 =	smax.f32 s17, s21  }
0xa5: {  	s20 =	smax.f32 s17, s19;
	s18 =	spop (v2sf);
	(v2sf) =	vpush v0, $0x5  }
0xa6: {  	s17 =	spop (v2sf);
	s20 =	smax.f32 s20, s18  }
0xa7: {  	p0 =	seq.f32 s31, s20;
	p1 =	slt.s32 s17, $0x40000000  }
0xa8: {  	(v2sf) =	vpush v0, $0x6;
	s31 =	spop (v2sf);
	s17 =	simm.s32 @!p1 $0x40000000  }
0xa9: {  	s31 =	sor.u32 $0x1, s31;
	s17 =	simm.s32 @!p0 $0x40000000  }
0xaa: {  	p0 =	seq.f32 s1, s20;
	p1 =	slt.s32 s17, s31  }
0xab: {  	(v2sf) =	vpush v0, $0x7;
	s1 =	spop (v2sf);
	s31 =	smov.u32 @p1 s17  }
0xac: {  	s1 =	sor.u32 $0x2, s1;
	s17 =	smov.u32 @p0 s31  }
0xad: {  	p0 =	seq.f32 s0, s20;
	p1 =	slt.s32 s17, s1  }
0xae: {  	(v2sf) =	vpush v0, $0x8;
	s31 =	spop (v2sf);
	s1 =	smov.u32 @p1 s17  }
0xaf: {  	s0 =	sor.u32 $0x3, s31;
	s17 =	smov.u32 @p0 s1  }
0xb0: {  	p0 =	seq.f32 s13, s20;
	p1 =	slt.s32 s17, s0  }
0xb1: {  	(v2sf) =	vpush v0, $0x9;
	s31 =	spop (v2sf);
	s0 =	smov.u32 @p1 s17  }
0xb2: {  	s17 =	smov.u32 @p0 s0;
	s0 =	sor.u32 $0x4, s31  }
0xb3: {  	p0 =	seq.f32 s3, s20;
	p1 =	slt.s32 s17, s0  }
0xb4: {  	s0 =	smov.u32 @p1 s17;
	s3 =	spop (v2sf);
	(v2sf) =	vpush v0, $0xA  }
0xb5: {  	s17 =	smov.u32 @p0 s0;
	s0 =	sor.u32 $0x5, s3  }
0xb6: {  	p0 =	seq.f32 s30, s20;
	p1 =	slt.s32 s17, s0  }
0xb7: {  	s13 =	spop (v2sf);
	(v2sf) =	vpush v0, $0xB;
	s0 =	smov.u32 @p1 s17  }
0xb8: {  	s17 =	smov.u32 @p0 s0;
	s0 =	sor.u32 $0x6, s13  }
0xb9: {  	p0 =	seq.f32 s29, s20;
	p1 =	slt.s32 s17, s0  }
0xba: {  	s29 =	spop (v2sf);
	(v2sf) =	vpush v0, $0xC;
	s0 =	smov.u32 @p1 s17  }
0xbb: {  	s17 =	smov.u32 @p0 s0;
	s0 =	sor.u32 $0x7, s29  }
0xbc: {  	p0 =	seq.f32 s28, s20;
	p1 =	slt.s32 s17, s0  }
0xbd: {  	s30 =	spop (v2sf);
	(v2sf) =	vpush v0, $0xD;
	s0 =	smov.u32 @p1 s17  }
0xbe: {  	s17 =	smov.u32 @p0 s0;
	s0 =	sor.u32 $0x8, s30  }
0xbf: {  	p0 =	seq.f32 s26, s20;
	p1 =	slt.s32 s17, s0  }
0xc0: {  	s31 =	spop (v2sf);
	(v2sf) =	vpush v0, $0xE;
	s0 =	smov.u32 @p1 s17  }
0xc1: {  	s17 =	smov.u32 @p0 s0;
	s0 =	sor.u32 $0x9, s31  }
0xc2: {  	p0 =	seq.f32 s25, s20;
	p1 =	slt.s32 s17, s0  }
0xc3: {  	s0 =	smov.u32 @p1 s17;
	s3 =	spop (v2sf);
	(v2sf) =	vpush v0, $0xF  }
0xc4: {  	s17 =	smov.u32 @p0 s0;
	s0 =	sor.u32 $0xA, s3  }
0xc5: {  	p0 =	seq.f32 s24, s20;
	p1 =	slt.s32 s17, s0  }
0xc6: {  	s13 =	spop (v2sf);
	s0 =	smov.u32 @p1 s17  }
0xc7: {  	s17 =	smov.u32 @p0 s0;
	s0 =	sor.u32 $0xB, s13  }
0xc8: {  	p0 =	seq.f32 s23, s20;
	p1 =	slt.s32 s17, s0  }
0xc9: {  	s23 =	spop (v2sf);
	s0 =	smov.u32 @p1 s17  }
0xca: {  	s17 =	smov.u32 @p0 s0;
	s0 =	sor.u32 $0xC, s23  }
0xcb: {  	p0 =	seq.f32 s22, s20;
	p1 =	slt.s32 s17, s0  }
0xcc: {  	s24 =	spop (v2sf);
	s0 =	smov.u32 @p1 s17  }
0xcd: {  	s17 =	smov.u32 @p0 s0;
	s0 =	sor.u32 $0xD, s24  }
0xce: {  	p0 =	seq.f32 s21, s20;
	p1 =	slt.s32 s17, s0  }
0xcf: {  	s25 =	spop (v2sf);
	s0 =	smov.u32 @p1 s17  }
0xd0: {  	s17 =	smov.u32 @p0 s0;
	s0 =	sor.u32 $0xE, s25  }
0xd1: {  	p0 =	seq.f32 s19, s20;
	p1 =	slt.s32 s17, s0  }
0xd2: {  	s0 =	smov.u32 @p1 s17;
	s26 =	spop (v2sf)  }
0xd3: {  	s17 =	smov.u32 @p0 s0;
	s0 =	sor.u32 $0xF, s26  }
0xd4: {  	p0 =	seq.f32 s18, s20;
	p1 =	slt.s32 s17, s0  }
0xd5: {  	s0 =	smov.u32 @p1 s17  }
0xd6: {  	s17 =	smov.u32 @p0 s0  }
0xd7: {  	s0 =	sshra.s32 s17, $0x1F  }
0xd8: {  	s0 =	sshrl.u32 s0, $0x18  }
0xd9: {  	s0 =	sadd.s32 s0, s17  }
0xda: {  	s28 =	sand.u32 $0xFFFFFF00, s0  }
0xdb: {  	p6 =	slt.s32 s17, $0x1;
	p0 =	sne.s32 s17, s28  }
0xdc: {  	s30 =	sshll.u32 s16, $0x7;
	p0 =	por !p6, !p0  }
0xdd: {  	s16 =	sadd.s32 $0x1, s16;
	s3 =	simm.s32 $0x1;
	p0 =	por !p0, !p0  }
0xde: {  	s3 =	simm.s32 @!p0 $0x0;
	p0 =	sne.s32 s16, $0xE  }
.Ltmp2:
0xdf: {  	s29 =	sand.u32 $0xFF, s17;
	(pc) =	sbr.rel @p0 .LBB2_2-.Ltmp2, $4  }
0xe0: {  	v63 =	vmov s29;
	s0 =	sshra.s32 s0, $0x8  }
0xe1: {  	v0 =	vnsel vm0, $0x0, v63;
	s0 =	ssub.s32 s0, s3  }
0xe2: {  	s31 =	sand.u32 $0x3FFFFF80, s30;
	v0 =	vsel vm1, s0, v0  }
0xe3: {  	[tilespmem:s31+$0x10000] =	vst v0  }
0xe4: {  	s15 =	sadd.s32 $0x1, s15  }
0xe5: {  	p0 =	sne.s32 s15, s9  }
.Ltmp3:
0xe6: {  	s0 =	simm.s32 $0x0;
	s1 =	simm.s32 $0x10000;
	(pc) =	sbr.rel @p0 .LBB2_1-.Ltmp3, $4  }
0xe7: {  	[hbm4b:s8+s0] =	stream.linear.scatter [tilespmem:s1], [sflag:$0x3], $0x700, $0x38;
	[tilespmem:$0x10800] =	vst v63  }
0xe8: {  	_ =	swait.ge [sflag:s14], $0x700  }
0xe9: {  	[sflag:s14] =	ssyncset.done $0x0  }
0xea: {  	[sflag:s14] =	ssyncadd.s32 $0xFFFFF900  }
0xeb: {  	_ =	sfence.sel $0x180000  }
0xec: {  	[bflag:$0x0] =	sbarrier.arrive $0xFFFF  }
0xed: {  	_ =	strace $0x90000047  }
0xee: {  	s0 =	stileid.u32;
	[bflag:$0x2] =	sbarrier.arrive $0xFFFF  }
0xef: {  	p0 =	sne.s32 s0, $0x0;
	s0 =	rddreg [dreg:$0x2]  }
0xf0: {  	s0 =	sadd.s32 @!p0 $0x100000, s0  }
0xf1: {  	[sflag:s0] =	ssyncadd.tile.s32 @!p0 $0x1;
	_ =	shalt  }
.Lfunc_end2:
_tile_overlayer_lowered:
.L_overlay_start_2:
0xf2: {  	(tag) =	ssettag $0x2  }
0xf3: {  	s0 =	rddreg [dreg:$0x0];
	s2 =	stileid.u32  }
0xf4: {  	s1 =	rddreg [dreg:$0x1];
	p0 =	sne.s32 s2, $0x0  }
0xf5: {  	s3 =	rddreg [dreg:$0x2];
	[bflag:$0x3] =	sbarrier.arrive $0xFFFF;
	s2 =	simm.s32 @!p0 $0x1C03  }
0xf6: {  	[timem:s3], [sflag:s2] =	dma.local @!p0 [hbm:s0], s1  }
0xf7: {  	s0 =	simm.s32 @!p0 $0x3  }
0xf8: {  	_ =	swait.ge @!p0 [sflag:s0], s1  }
0xf9: {  	s1 =	ssub.s32 @!p0 $0x0, s1;
	[sflag:s0] =	ssyncset.done @!p0 $0x0  }
0xfa: {  	[sflag:s0] =	ssyncadd.s32 @!p0 s1  }
0xfb: {  	[bflag:$0x3] =	sbarrier.arrive $0xFFFF  }
0xfc: {  	_ =	shalt  }

</sc_bundles>
